<compile_context>
chip_gen: v7x
topology: tpu7x:2x2x1
jax: 0.10.2.dev20260603
libtpu: 0.0.44.dev20260713+nightly
codegen_flags: <defaults>
</compile_context>

<pallas_src>
import functools

import jax
import jax.numpy as jnp
from jax import lax
from jax.experimental import pallas as pl
from jax.experimental.pallas import tpu as pltpu
from jax.experimental.pallas import tpu_sc as plsc

S_ = 2048
ROWS_ = 12 * 2048
NW_ = 32
RPW_ = ROWS_ // NW_
RCH_ = 16
NCH_ = RPW_ // RCH_


def _sc_body(x_hbm, cv_hbm, out_hbm, buf, cvv, sem_in, sem_out):
    wid = lax.axis_index("s") * 2 + lax.axis_index("c")
    pltpu.sync_copy(cv_hbm, cvv)
    cv = cvv[...][0]
    shift = (cv * 2048.0 - 1023.0) * 0.03125 + 1.0

    row0 = wid * RPW_
    ci = lax.iota(jnp.int32, 16)

    def in_slice(ch):
        return x_hbm.at[pl.ds(row0 + ch * RCH_, RCH_), :]

    def out_slice(ch):
        return out_hbm.at[pl.ds(row0 + ch * RCH_, RCH_), :]

    def buf_slice(slot):
        return buf.at[pl.ds(slot * RCH_, RCH_), :]

    pltpu.async_copy(in_slice(0), buf_slice(0), sem_in)

    def chunk(ch, carry):
        slot = lax.rem(ch, 2)
        pltpu.make_async_copy(in_slice(ch), buf_slice(slot), sem_in).wait()

        @pl.when(ch + 1 < NCH_)
        def _():
            @pl.when(ch >= 1)
            def _():
                pltpu.make_async_copy(
                    buf_slice(1 - slot), out_slice(ch - 1), sem_out).wait()
            pltpu.async_copy(in_slice(ch + 1), buf_slice(1 - slot), sem_in)

        base = row0 + ch * RCH_
        for r in range(RCH_):
            rm = (base + r) & (S_ - 1)
            i = jnp.minimum(rm, S_ - 1 - rm)
            left = i + jnp.where(rm < S_ // 2, 0, 1)
            right = S_ - 1 - i
            odm = jnp.clip(i.astype(jnp.float32) * 0.03125 + shift, 0.0, 1.0)
            odm_v = jnp.full((16,), odm, dtype=jnp.float32)
            one_v = jnp.full((16,), 1.0, dtype=jnp.float32)
            left_v = jnp.full((16,), left, dtype=jnp.int32)
            right_v = jnp.full((16,), right, dtype=jnp.int32)
            roff = slot * RCH_ + r

            def vec(j, c2, roff=roff, left_v=left_v, right_v=right_v,
                    odm_v=odm_v, one_v=one_v):
                c = ci + j * 16
                cond = (c >= left_v) & (c <= right_v)
                m = jnp.where(cond, odm_v, one_v)
                buf[roff, pl.ds(j * 16, 16)] = buf[roff, pl.ds(j * 16, 16)] * m
                return c2

            lax.fori_loop(0, S_ // 16, vec, 0, unroll=8)

        pltpu.async_copy(buf_slice(slot), out_slice(ch), sem_out)
        return carry

    lax.fori_loop(0, NCH_, chunk, 0)
    last = NCH_ - 1
    pltpu.make_async_copy(
        buf_slice(lax.rem(last - 1, 2)), out_slice(last - 1), sem_out).wait()
    pltpu.make_async_copy(
        buf_slice(lax.rem(last, 2)), out_slice(last), sem_out).wait()


@jax.jit
def kernel(x, current_val):
    b, h, s, _ = x.shape
    x2 = x.reshape(ROWS_, S_)
    cv16 = jnp.broadcast_to(current_val, (16,))
    mesh = plsc.VectorSubcoreMesh(core_axis_name="c", subcore_axis_name="s")
    run = functools.partial(
        pl.kernel,
        mesh=mesh,
        out_type=jax.ShapeDtypeStruct((ROWS_, S_), jnp.float32),
        scratch_types=[
            pltpu.VMEM((2 * RCH_, S_), jnp.float32),
            pltpu.VMEM((16,), jnp.float32),
            pltpu.SemaphoreType.DMA,
            pltpu.SemaphoreType.DMA,
        ],
    )(_sc_body)
    out = run(x2, cv16)
    return out.reshape(b, h, s, s)

# --- scband reference (transcript-rebuilt; emitter-appended) ---
"""Pipeline reference for scband-adaptive-mask-32487132627485 (READ-ONLY COPY).

The authoritative reference and input builder live on the scoring server;
editing this copy changes nothing except your own understanding.
"""

import jax, jax.numpy as jnp
import numpy as np

MAX_SIZE = 2048
RAMP_SIZE = 32


def _build_mask(current_val, S):
    # one_d_mask exactly as in the torch module
    template = jnp.linspace(1.0 - MAX_SIZE, 0.0, MAX_SIZE)
    odm = template + current_val * MAX_SIZE  # (1,) broadcasts over (MAX_SIZE,)
    odm = odm / RAMP_SIZE + 1.0
    odm = jnp.clip(odm, 0.0, 1.0)
    odm = odm[-(S // 2):]
    # Vectorized equivalent of the python frame-filling loop.
    # At iteration i (left=i, right=S-1-i) only rows i and S-1-i are written:
    #   row i      gets odm[i] at cols [i, S-1-i]
    #   row S-1-i  gets odm[i] at cols [i+1, S-1-i]
    # Rows touched at distinct iterations are disjoint (S even), so no overwrites.
    r = jnp.arange(S)[:, None]
    c = jnp.arange(S)[None, :]
    i = jnp.minimum(r, S - 1 - r)  # frame index per row
    top_half = r < (S // 2)
    left_ok = jnp.where(top_half, c >= i, c >= i + 1)
    cond = left_ok & (c <= S - 1 - i)
    vals = odm[i]  # [S, 1]
    mask = jnp.where(cond, vals, 1.0)
    return mask


def setup_inputs(seed: int = 0) -> dict:
    key = jax.random.key(seed)
    k1, k2 = jax.random.split(key)
    x = jax.random.normal(k1, (1, 12, 2048, 2048), dtype=jnp.float32)
    current_val = jax.random.uniform(k2, (1,), dtype=jnp.float32)  # learned size param, clamped to [0,1]
    return {"x": x, "current_val": current_val}


def reference(x, current_val):
    S = x.shape[-1]
    mask = _build_mask(current_val, S)
    return x * mask

if __name__ == "__main__":
    import jax
    _d = setup_inputs()
    print(jax.jit(kernel)(*tuple(_d.values())))

</pallas_src>

<mosaic_0001>
#map = affine_map<(d0, d1) -> (0, 0)>
#map1 = affine_map<(d0, d1) -> (0)>
module attributes {stable_mosaic.version = 14 : i64} {
  func.func @_sc_body(%arg0: i32, %arg1: i32, %arg2: memref<24576x2048xf32, #tpu.memory_space<hbm>>, %arg3: memref<16xf32, #tpu.memory_space<hbm>>, %arg4: memref<24576x2048xf32, #tpu.memory_space<hbm>>, %arg5: memref<32x2048xf32, #tpu.memory_space<vmem>>, %arg6: memref<16xf32, #tpu.memory_space<vmem>>, %arg7: memref<!tpu.dma_semaphore, #tpu.memory_space<semaphore_mem>>, %arg8: memref<!tpu.dma_semaphore, #tpu.memory_space<semaphore_mem>>) attributes {dimension_semantics = [#tpu.dimension_semantics<core_parallel>, #tpu.dimension_semantics<subcore_parallel>], iteration_bounds = array<i64: 2, 16>, scalar_prefetch = 0 : i64, scratch_operands = 4 : i64, tpu.core_type = #tpu.core_type<sc_vector_subcore>, window_params = [{transform_indices = #map}, {transform_indices = #map1}, {transform_indices = #map}]} {
    %mul3A = arith.constant 2 : i32
    %mul3A_0 = arith.muli %arg1, %mul3A : i32
    %add3A = arith.addi %mul3A_0, %arg0 : i32
    "tpu.region"() ({
      %run_scoped3A = tpu.sem_alloc : memref<!tpu.dma_semaphore, #tpu.memory_space<semaphore_mem>>
      tpu.enqueue_dma source(%arg3 : memref<16xf32, #tpu.memory_space<hbm>>) target(%arg6 : memref<16xf32, #tpu.memory_space<vmem>>) target_semaphore(%run_scoped3A : memref<!tpu.dma_semaphore, #tpu.memory_space<semaphore_mem>>)
      tpu.wait_dma2 semaphore(%run_scoped3A : memref<!tpu.dma_semaphore, #tpu.memory_space<semaphore_mem>>) src(%arg3 : memref<16xf32, #tpu.memory_space<hbm>>) dst(%arg6 : memref<16xf32, #tpu.memory_space<vmem>>)
      tpu.yield
    }) : () -> ()
    %get3A = arith.constant 0 : index
    %get3A_1 = tpu.vector_load %arg6[%get3A] {strides = array<i32>} : memref<16xf32, #tpu.memory_space<vmem>>, vector<16xf32>,
    %get3A_2 = vector.shape_cast %get3A_1 : vector<16xf32> to vector<16xf32>
    %slice3A = vector.extract_strided_slice %get3A_2 {offsets = [0], sizes = [1], strides = [1]} : vector<16xf32> to vector<1xf32>
    %squeeze3A = vector.extract %slice3A[0] : f32 from vector<1xf32>
    %mul3A_3 = arith.constant 2.048000e+03 : f32
    %mul3A_4 = arith.mulf %squeeze3A, %mul3A_3 : f32
    %sub3A = arith.constant 1.023000e+03 : f32
    %sub3A_5 = arith.subf %mul3A_4, %sub3A : f32
    %mul3A_6 = arith.constant 3.125000e-02 : f32
    %mul3A_7 = arith.mulf %sub3A_5, %mul3A_6 : f32
    %add3A_8 = arith.constant 1.000000e+00 : f32
    %add3A_9 = arith.addf %mul3A_7, %add3A_8 : f32
    %mul3A_10 = arith.constant 768 : i32
    %mul3A_11 = arith.muli %add3A, %mul3A_10 : i32
    %iota3A = tpu.iota {dimensions = array<i32: 0>} : vector<16xi32>
    %add3A_12 = arith.constant 0 : i32
    %add3A_13 = arith.addi %mul3A_11, %add3A_12 : i32
    %dma_start3A = arith.constant 0 : i32
    %dma_start3A_14 = arith.constant 0 : i32
    %dma_start3A_15 = tpu.memref_slice %arg5[%dma_start3A, %dma_start3A_14] : memref<32x2048xf32, #tpu.memory_space<vmem>> -> memref<16x2048xf32, #tpu.memory_space<vmem>>
    %dma_start3A_16 = arith.constant 0 : i32
    %dma_start3A_17 = tpu.memref_slice %arg2[%add3A_13, %dma_start3A_16] : memref<24576x2048xf32, #tpu.memory_space<hbm>> -> memref<16x2048xf32, #tpu.memory_space<hbm>>
    %dma_start3A_18 = arith.constant 0 : i32
    %dma_start3A_19 = arith.constant 0 : i32
    %dma_start3A_20 = tpu.memref_slice %arg5[%dma_start3A_18, %dma_start3A_19] : memref<32x2048xf32, #tpu.memory_space<vmem>> -> memref<16x2048xf32, #tpu.memory_space<vmem>>
    %dma_start3A_21 = arith.constant 0 : i32
    %dma_start3A_22 = tpu.memref_slice %arg2[%add3A_13, %dma_start3A_21] : memref<24576x2048xf32, #tpu.memory_space<hbm>> -> memref<16x2048xf32, #tpu.memory_space<hbm>>
    tpu.enqueue_dma source(%dma_start3A_22 : memref<16x2048xf32, #tpu.memory_space<hbm>>) target(%dma_start3A_20 : memref<16x2048xf32, #tpu.memory_space<vmem>>) target_semaphore(%arg7 : memref<!tpu.dma_semaphore, #tpu.memory_space<semaphore_mem>>)
    %scan3A = arith.constant 0 : i32
    %scan3A_23 = arith.constant 0 : i32
    %scan3A_24 = arith.constant 48 : i32
    %scan3A_25 = arith.addi %scan3A_23, %scan3A_24 : i32
    %scan3A_26 = arith.constant 1 : i32
    scf.for %scan3A_56 = %scan3A_23 to %scan3A_25 step %scan3A_26  : i32 {
      %rem3A_57 = arith.constant 2 : i32
      %rem3A_58 = arith.remsi %scan3A_56, %rem3A_57 : i32
      %mul3A_59 = arith.constant 16 : i32
      %mul3A_60 = arith.muli %scan3A_56, %mul3A_59 : i32
      %add3A_61 = arith.addi %mul3A_11, %mul3A_60 : i32
      %mul3A_62 = arith.constant 16 : i32
      %mul3A_63 = arith.muli %rem3A_58, %mul3A_62 : i32
      %dma_wait3A_64 = arith.constant 0 : i32
      %dma_wait3A_65 = tpu.memref_slice %arg5[%mul3A_63, %dma_wait3A_64] : memref<32x2048xf32, #tpu.memory_space<vmem>> -> memref<16x2048xf32, #tpu.memory_space<vmem>>
      %dma_wait3A_66 = arith.constant 0 : i32
      %dma_wait3A_67 = tpu.memref_slice %arg2[%add3A_61, %dma_wait3A_66] : memref<24576x2048xf32, #tpu.memory_space<hbm>> -> memref<16x2048xf32, #tpu.memory_space<hbm>>
      %dma_wait3A_68 = arith.constant 0 : i32
      %dma_wait3A_69 = tpu.memref_slice %arg5[%mul3A_63, %dma_wait3A_68] : memref<32x2048xf32, #tpu.memory_space<vmem>> -> memref<16x2048xf32, #tpu.memory_space<vmem>>
      %dma_wait3A_70 = arith.constant 0 : i32
      %dma_wait3A_71 = tpu.memref_slice %arg2[%add3A_61, %dma_wait3A_70] : memref<24576x2048xf32, #tpu.memory_space<hbm>> -> memref<16x2048xf32, #tpu.memory_space<hbm>>
      tpu.wait_dma2 semaphore(%arg7 : memref<!tpu.dma_semaphore, #tpu.memory_space<semaphore_mem>>) src(%dma_wait3A_71 : memref<16x2048xf32, #tpu.memory_space<hbm>>) dst(%dma_wait3A_69 : memref<16x2048xf32, #tpu.memory_space<vmem>>)
      %add3A_72 = arith.constant 1 : i32
      %add3A_73 = arith.addi %scan3A_56, %add3A_72 : i32
      %lt3A = arith.constant 48 : i32
      %lt3A_74 = arith.cmpi slt, %add3A_73, %lt3A : i32
      %convert_element_type3A = arith.extui %lt3A_74 : i1 to i32
      %cond3A = arith.constant 0 : i32
      %cond3A_75 = arith.cmpi ne, %convert_element_type3A, %cond3A : i32
      scf.if %cond3A_75 {
        %ge3A = arith.constant 1 : i32
        %ge3A_694 = arith.cmpi sge, %scan3A_56, %ge3A : i32
        %convert_element_type3A_695 = arith.extui %ge3A_694 : i1 to i32
        %cond3A_696 = arith.constant 0 : i32
        %cond3A_697 = arith.cmpi ne, %convert_element_type3A_695, %cond3A_696 : i32
        scf.if %cond3A_697 {
          %sub3A_715 = arith.constant 1 : i32
          %sub3A_716 = arith.subi %sub3A_715, %rem3A_58 : i32
          %mul3A_717 = arith.constant 16 : i32
          %mul3A_718 = arith.muli %sub3A_716, %mul3A_717 : i32
          %sub3A_719 = arith.constant 1 : i32
          %sub3A_720 = arith.subi %scan3A_56, %sub3A_719 : i32
          %mul3A_721 = arith.constant 16 : i32
          %mul3A_722 = arith.muli %sub3A_720, %mul3A_721 : i32
          %add3A_723 = arith.addi %mul3A_11, %mul3A_722 : i32
          %dma_wait3A_724 = arith.constant 0 : i32
          %dma_wait3A_725 = tpu.memref_slice %arg5[%mul3A_718, %dma_wait3A_724] : memref<32x2048xf32, #tpu.memory_space<vmem>> -> memref<16x2048xf32, #tpu.memory_space<vmem>>
          %dma_wait3A_726 = arith.constant 0 : i32
          %dma_wait3A_727 = tpu.memref_slice %arg4[%add3A_723, %dma_wait3A_726] : memref<24576x2048xf32, #tpu.memory_space<hbm>> -> memref<16x2048xf32, #tpu.memory_space<hbm>>
          %dma_wait3A_728 = arith.constant 0 : i32
          %dma_wait3A_729 = tpu.memref_slice %arg4[%add3A_723, %dma_wait3A_728] : memref<24576x2048xf32, #tpu.memory_space<hbm>> -> memref<16x2048xf32, #tpu.memory_space<hbm>>
          %dma_wait3A_730 = arith.constant 0 : i32
          %dma_wait3A_731 = tpu.memref_slice %arg5[%mul3A_718, %dma_wait3A_730] : memref<32x2048xf32, #tpu.memory_space<vmem>> -> memref<16x2048xf32, #tpu.memory_space<vmem>>
          tpu.wait_dma2 semaphore(%arg8 : memref<!tpu.dma_semaphore, #tpu.memory_space<semaphore_mem>>) src(%dma_wait3A_731 : memref<16x2048xf32, #tpu.memory_space<vmem>>) dst(%dma_wait3A_729 : memref<16x2048xf32, #tpu.memory_space<hbm>>)
        } else {
        }
        %add3A_698 = arith.constant 1 : i32
        %add3A_699 = arith.addi %scan3A_56, %add3A_698 : i32
        %mul3A_700 = arith.constant 16 : i32
        %mul3A_701 = arith.muli %add3A_699, %mul3A_700 : i32
        %add3A_702 = arith.addi %mul3A_11, %mul3A_701 : i32
        %sub3A_703 = arith.constant 1 : i32
        %sub3A_704 = arith.subi %sub3A_703, %rem3A_58 : i32
        %mul3A_705 = arith.constant 16 : i32
        %mul3A_706 = arith.muli %sub3A_704, %mul3A_705 : i32
        %dma_start3A_707 = arith.constant 0 : i32
        %dma_start3A_708 = tpu.memref_slice %arg5[%mul3A_706, %dma_start3A_707] : memref<32x2048xf32, #tpu.memory_space<vmem>> -> memref<16x2048xf32, #tpu.memory_space<vmem>>
        %dma_start3A_709 = arith.constant 0 : i32
        %dma_start3A_710 = tpu.memref_slice %arg2[%add3A_702, %dma_start3A_709] : memref<24576x2048xf32, #tpu.memory_space<hbm>> -> memref<16x2048xf32, #tpu.memory_space<hbm>>
        %dma_start3A_711 = arith.constant 0 : i32
        %dma_start3A_712 = tpu.memref_slice %arg5[%mul3A_706, %dma_start3A_711] : memref<32x2048xf32, #tpu.memory_space<vmem>> -> memref<16x2048xf32, #tpu.memory_space<vmem>>
        %dma_start3A_713 = arith.constant 0 : i32
        %dma_start3A_714 = tpu.memref_slice %arg2[%add3A_702, %dma_start3A_713] : memref<24576x2048xf32, #tpu.memory_space<hbm>> -> memref<16x2048xf32, #tpu.memory_space<hbm>>
        tpu.enqueue_dma source(%dma_start3A_714 : memref<16x2048xf32, #tpu.memory_space<hbm>>) target(%dma_start3A_712 : memref<16x2048xf32, #tpu.memory_space<vmem>>) target_semaphore(%arg7 : memref<!tpu.dma_semaphore, #tpu.memory_space<semaphore_mem>>)
      } else {
      }
      %mul3A_76 = arith.constant 16 : i32
      %mul3A_77 = arith.muli %scan3A_56, %mul3A_76 : i32
      %add3A_78 = arith.addi %mul3A_11, %mul3A_77 : i32
      %add3A_79 = arith.constant 0 : i32
      %add3A_80 = arith.addi %add3A_78, %add3A_79 : i32
      %and3A = arith.constant 2047 : i32
      %and3A_81 = arith.andi %add3A_80, %and3A : i32
      %sub3A_82 = arith.constant 2047 : i32
      %sub3A_83 = arith.subi %sub3A_82, %and3A_81 : i32
      %min3A = arith.minsi %and3A_81, %sub3A_83 : i32
      %lt3A_84 = arith.constant 1024 : i32
      %lt3A_85 = arith.cmpi slt, %and3A_81, %lt3A_84 : i32
      %jit3A = arith.constant 0 : i32
      %jit3A_86 = arith.constant 1 : i32
      %select_n3A = arith.select %lt3A_85, %jit3A, %jit3A_86 : i32
      %add3A_87 = arith.addi %min3A, %select_n3A : i32
      %sub3A_88 = arith.constant 2047 : i32
      %sub3A_89 = arith.subi %sub3A_88, %min3A : i32
      %convert_element_type3A_90 = arith.sitofp %min3A : i32 to f32
      %mul3A_91 = arith.constant 3.125000e-02 : f32
      %mul3A_92 = arith.mulf %convert_element_type3A_90, %mul3A_91 : f32
      %add3A_93 = arith.addf %mul3A_92, %add3A_9 : f32
      %jit3A_94 = arith.constant 0.000000e+00 : f32
      %jit3A_95 = arith.constant 1.000000e+00 : f32
      %max3A = arith.maximumf %jit3A_94, %add3A_93 : f32
      %min3A_96 = arith.minimumf %jit3A_95, %max3A : f32
      %broadcast_in_dim3A = vector.broadcast %min3A_96 : f32 to vector<16xf32>
      %broadcast_in_dim3A_97 = arith.constant 1.000000e+00 : f32
      %broadcast_in_dim3A_98 = vector.broadcast %broadcast_in_dim3A_97 : f32 to vector<16xf32>
      %broadcast_in_dim3A_99 = vector.broadcast %add3A_87 : i32 to vector<16xi32>
      %broadcast_in_dim3A_100 = vector.broadcast %sub3A_89 : i32 to vector<16xi32>
      %mul3A_101 = arith.constant 16 : i32
      %mul3A_102 = arith.muli %rem3A_58, %mul3A_101 : i32
      %add3A_103 = arith.constant 0 : i32
      %add3A_104 = arith.addi %mul3A_102, %add3A_103 : i32
      %scan3A_105 = arith.constant 0 : i32
      %scan3A_106 = arith.constant 0 : i32
      %scan3A_107 = arith.constant 128 : i32
      %scan3A_108 = arith.addi %scan3A_106, %scan3A_107 : i32
      %scan3A_109 = arith.constant 8 : i32
      scf.for %scan3A_694 = %scan3A_106 to %scan3A_108 step %scan3A_109  : i32 {
        %mul3A_695 = arith.constant 16 : i32
        %mul3A_696 = arith.muli %scan3A_694, %mul3A_695 : i32
        %add3A_697 = vector.broadcast %mul3A_696 : i32 to vector<16xi32>
        %add3A_698 = arith.addi %iota3A, %add3A_697 : vector<16xi32>
        %ge3A = arith.cmpi sge, %add3A_698, %broadcast_in_dim3A_99 : vector<16xi32>
        %le3A = arith.cmpi sle, %add3A_698, %broadcast_in_dim3A_100 : vector<16xi32>
        %and3A_699 = arith.andi %ge3A, %le3A : vector<16xi1>
        %select_n3A_700 = arith.select %and3A_699, %broadcast_in_dim3A, %broadcast_in_dim3A_98 : vector<16xi1>, vector<16xf32>
        %mul3A_701 = arith.constant 16 : i32
        %mul3A_702 = arith.muli %scan3A_694, %mul3A_701 : i32
        %get3A_703 = arith.index_cast %add3A_104 : i32 to index
        %get3A_704 = arith.index_cast %mul3A_702 : i32 to index
        %get3A_705 = tpu.vector_load %arg5[%get3A_703, %get3A_704] {strides = array<i32>} : memref<32x2048xf32, #tpu.memory_space<vmem>>, vector<1x16xf32>,
        %get3A_706 = vector.shape_cast %get3A_705 : vector<1x16xf32> to vector<16xf32>
        %mul3A_707 = arith.mulf %get3A_706, %select_n3A_700 : vector<16xf32>
        %mul3A_708 = arith.constant 16 : i32
        %mul3A_709 = arith.muli %scan3A_694, %mul3A_708 : i32
        %swap3A = arith.index_cast %add3A_104 : i32 to index
        %swap3A_710 = arith.index_cast %mul3A_709 : i32 to index
        %swap3A_711 = tpu.vector_load %arg5[%swap3A, %swap3A_710] {strides = array<i32>} : memref<32x2048xf32, #tpu.memory_space<vmem>>, vector<1x16xf32>,
        %swap3A_712 = vector.shape_cast %swap3A_711 : vector<1x16xf32> to vector<16xf32>
        %swap3A_713 = vector.shape_cast %mul3A_707 : vector<16xf32> to vector<1x16xf32>
        tpu.vector_store %arg5[%swap3A, %swap3A_710], %swap3A_713 {strides = array<i32>} : memref<32x2048xf32, #tpu.memory_space<vmem>>, vector<1x16xf32>,
        %scan3A_714 = arith.constant 1 : i32
        %scan3A_715 = arith.addi %scan3A_694, %scan3A_714 : i32
        %mul3A_716 = arith.constant 16 : i32
        %mul3A_717 = arith.muli %scan3A_715, %mul3A_716 : i32
        %add3A_718 = vector.broadcast %mul3A_717 : i32 to vector<16xi32>
        %add3A_719 = arith.addi %iota3A, %add3A_718 : vector<16xi32>
        %ge3A_720 = arith.cmpi sge, %add3A_719, %broadcast_in_dim3A_99 : vector<16xi32>
        %le3A_721 = arith.cmpi sle, %add3A_719, %broadcast_in_dim3A_100 : vector<16xi32>
        %and3A_722 = arith.andi %ge3A_720, %le3A_721 : vector<16xi1>
        %select_n3A_723 = arith.select %and3A_722, %broadcast_in_dim3A, %broadcast_in_dim3A_98 : vector<16xi1>, vector<16xf32>
        %mul3A_724 = arith.constant 16 : i32
        %mul3A_725 = arith.muli %scan3A_715, %mul3A_724 : i32
        %get3A_726 = arith.index_cast %add3A_104 : i32 to index
        %get3A_727 = arith.index_cast %mul3A_725 : i32 to index
        %get3A_728 = tpu.vector_load %arg5[%get3A_726, %get3A_727] {strides = array<i32>} : memref<32x2048xf32, #tpu.memory_space<vmem>>, vector<1x16xf32>,
        %get3A_729 = vector.shape_cast %get3A_728 : vector<1x16xf32> to vector<16xf32>
        %mul3A_730 = arith.mulf %get3A_729, %select_n3A_723 : vector<16xf32>
        %mul3A_731 = arith.constant 16 : i32
        %mul3A_732 = arith.muli %scan3A_715, %mul3A_731 : i32
        %swap3A_733 = arith.index_cast %add3A_104 : i32 to index
        %swap3A_734 = arith.index_cast %mul3A_732 : i32 to index
        %swap3A_735 = tpu.vector_load %arg5[%swap3A_733, %swap3A_734] {strides = array<i32>} : memref<32x2048xf32, #tpu.memory_space<vmem>>, vector<1x16xf32>,
        %swap3A_736 = vector.shape_cast %swap3A_735 : vector<1x16xf32> to vector<16xf32>
        %swap3A_737 = vector.shape_cast %mul3A_730 : vector<16xf32> to vector<1x16xf32>
        tpu.vector_store %arg5[%swap3A_733, %swap3A_734], %swap3A_737 {strides = array<i32>} : memref<32x2048xf32, #tpu.memory_space<vmem>>, vector<1x16xf32>,
        %scan3A_738 = arith.constant 2 : i32
        %scan3A_739 = arith.addi %scan3A_694, %scan3A_738 : i32
        %mul3A_740 = arith.constant 16 : i32
        %mul3A_741 = arith.muli %scan3A_739, %mul3A_740 : i32
        %add3A_742 = vector.broadcast %mul3A_741 : i32 to vector<16xi32>
        %add3A_743 = arith.addi %iota3A, %add3A_742 : vector<16xi32>
        %ge3A_744 = arith.cmpi sge, %add3A_743, %broadcast_in_dim3A_99 : vector<16xi32>
        %le3A_745 = arith.cmpi sle, %add3A_743, %broadcast_in_dim3A_100 : vector<16xi32>
        %and3A_746 = arith.andi %ge3A_744, %le3A_745 : vector<16xi1>
        %select_n3A_747 = arith.select %and3A_746, %broadcast_in_dim3A, %broadcast_in_dim3A_98 : vector<16xi1>, vector<16xf32>
        %mul3A_748 = arith.constant 16 : i32
        %mul3A_749 = arith.muli %scan3A_739, %mul3A_748 : i32
        %get3A_750 = arith.index_cast %add3A_104 : i32 to index
        %get3A_751 = arith.index_cast %mul3A_749 : i32 to index
        %get3A_752 = tpu.vector_load %arg5[%get3A_750, %get3A_751] {strides = array<i32>} : memref<32x2048xf32, #tpu.memory_space<vmem>>, vector<1x16xf32>,
        %get3A_753 = vector.shape_cast %get3A_752 : vector<1x16xf32> to vector<16xf32>
        %mul3A_754 = arith.mulf %get3A_753, %select_n3A_747 : vector<16xf32>
        %mul3A_755 = arith.constant 16 : i32
        %mul3A_756 = arith.muli %scan3A_739, %mul3A_755 : i32
        %swap3A_757 = arith.index_cast %add3A_104 : i32 to index
        %swap3A_758 = arith.index_cast %mul3A_756 : i32 to index
        %swap3A_759 = tpu.vector_load %arg5[%swap3A_757, %swap3A_758] {strides = array<i32>} : memref<32x2048xf32, #tpu.memory_space<vmem>>, vector<1x16xf32>,
        %swap3A_760 = vector.shape_cast %swap3A_759 : vector<1x16xf32> to vector<16xf32>
        %swap3A_761 = vector.shape_cast %mul3A_754 : vector<16xf32> to vector<1x16xf32>
        tpu.vector_store %arg5[%swap3A_757, %swap3A_758], %swap3A_761 {strides = array<i32>} : memref<32x2048xf32, #tpu.memory_space<vmem>>, vector<1x16xf32>,
        %scan3A_762 = arith.constant 3 : i32
        %scan3A_763 = arith.addi %scan3A_694, %scan3A_762 : i32
        %mul3A_764 = arith.constant 16 : i32
        %mul3A_765 = arith.muli %scan3A_763, %mul3A_764 : i32
        %add3A_766 = vector.broadcast %mul3A_765 : i32 to vector<16xi32>
        %add3A_767 = arith.addi %iota3A, %add3A_766 : vector<16xi32>
        %ge3A_768 = arith.cmpi sge, %add3A_767, %broadcast_in_dim3A_99 : vector<16xi32>
        %le3A_769 = arith.cmpi sle, %add3A_767, %broadcast_in_dim3A_100 : vector<16xi32>
        %and3A_770 = arith.andi %ge3A_768, %le3A_769 : vector<16xi1>
        %select_n3A_771 = arith.select %and3A_770, %broadcast_in_dim3A, %broadcast_in_dim3A_98 : vector<16xi1>, vector<16xf32>
        %mul3A_772 = arith.constant 16 : i32
        %mul3A_773 = arith.muli %scan3A_763, %mul3A_772 : i32
        %get3A_774 = arith.index_cast %add3A_104 : i32 to index
        %get3A_775 = arith.index_cast %mul3A_773 : i32 to index
        %get3A_776 = tpu.vector_load %arg5[%get3A_774, %get3A_775] {strides = array<i32>} : memref<32x2048xf32, #tpu.memory_space<vmem>>, vector<1x16xf32>,
        %get3A_777 = vector.shape_cast %get3A_776 : vector<1x16xf32> to vector<16xf32>
        %mul3A_778 = arith.mulf %get3A_777, %select_n3A_771 : vector<16xf32>
        %mul3A_779 = arith.constant 16 : i32
        %mul3A_780 = arith.muli %scan3A_763, %mul3A_779 : i32
        %swap3A_781 = arith.index_cast %add3A_104 : i32 to index
        %swap3A_782 = arith.index_cast %mul3A_780 : i32 to index
        %swap3A_783 = tpu.vector_load %arg5[%swap3A_781, %swap3A_782] {strides = array<i32>} : memref<32x2048xf32, #tpu.memory_space<vmem>>, vector<1x16xf32>,
        %swap3A_784 = vector.shape_cast %swap3A_783 : vector<1x16xf32> to vector<16xf32>
        %swap3A_785 = vector.shape_cast %mul3A_778 : vector<16xf32> to vector<1x16xf32>
        tpu.vector_store %arg5[%swap3A_781, %swap3A_782], %swap3A_785 {strides = array<i32>} : memref<32x2048xf32, #tpu.memory_space<vmem>>, vector<1x16xf32>,
        %scan3A_786 = arith.constant 4 : i32
        %scan3A_787 = arith.addi %scan3A_694, %scan3A_786 : i32
        %mul3A_788 = arith.constant 16 : i32
        %mul3A_789 = arith.muli %scan3A_787, %mul3A_788 : i32
        %add3A_790 = vector.broadcast %mul3A_789 : i32 to vector<16xi32>
        %add3A_791 = arith.addi %iota3A, %add3A_790 : vector<16xi32>
        %ge3A_792 = arith.cmpi sge, %add3A_791, %broadcast_in_dim3A_99 : vector<16xi32>
        %le3A_793 = arith.cmpi sle, %add3A_791, %broadcast_in_dim3A_100 : vector<16xi32>
        %and3A_794 = arith.andi %ge3A_792, %le3A_793 : vector<16xi1>
        %select_n3A_795 = arith.select %and3A_794, %broadcast_in_dim3A, %broadcast_in_dim3A_98 : vector<16xi1>, vector<16xf32>
        %mul3A_796 = arith.constant 16 : i32
        %mul3A_797 = arith.muli %scan3A_787, %mul3A_796 : i32
        %get3A_798 = arith.index_cast %add3A_104 : i32 to index
        %get3A_799 = arith.index_cast %mul3A_797 : i32 to index
        %get3A_800 = tpu.vector_load %arg5[%get3A_798, %get3A_799] {strides = array<i32>} : memref<32x2048xf32, #tpu.memory_space<vmem>>, vector<1x16xf32>,
        %get3A_801 = vector.shape_cast %get3A_800 : vector<1x16xf32> to vector<16xf32>
        %mul3A_802 = arith.mulf %get3A_801, %select_n3A_795 : vector<16xf32>
        %mul3A_803 = arith.constant 16 : i32
        %mul3A_804 = arith.muli %scan3A_787, %mul3A_803 : i32
        %swap3A_805 = arith.index_cast %add3A_104 : i32 to index
        %swap3A_806 = arith.index_cast %mul3A_804 : i32 to index
        %swap3A_807 = tpu.vector_load %arg5[%swap3A_805, %swap3A_806] {strides = array<i32>} : memref<32x2048xf32, #tpu.memory_space<vmem>>, vector<1x16xf32>,
        %swap3A_808 = vector.shape_cast %swap3A_807 : vector<1x16xf32> to vector<16xf32>
        %swap3A_809 = vector.shape_cast %mul3A_802 : vector<16xf32> to vector<1x16xf32>
        tpu.vector_store %arg5[%swap3A_805, %swap3A_806], %swap3A_809 {strides = array<i32>} : memref<32x2048xf32, #tpu.memory_space<vmem>>, vector<1x16xf32>,
        %scan3A_810 = arith.constant 5 : i32
        %scan3A_811 = arith.addi %scan3A_694, %scan3A_810 : i32
        %mul3A_812 = arith.constant 16 : i32
        %mul3A_813 = arith.muli %scan3A_811, %mul3A_812 : i32
        %add3A_814 = vector.broadcast %mul3A_813 : i32 to vector<16xi32>
        %add3A_815 = arith.addi %iota3A, %add3A_814 : vector<16xi32>
        %ge3A_816 = arith.cmpi sge, %add3A_815, %broadcast_in_dim3A_99 : vector<16xi32>
        %le3A_817 = arith.cmpi sle, %add3A_815, %broadcast_in_dim3A_100 : vector<16xi32>
        %and3A_818 = arith.andi %ge3A_816, %le3A_817 : vector<16xi1>
        %select_n3A_819 = arith.select %and3A_818, %broadcast_in_dim3A, %broadcast_in_dim3A_98 : vector<16xi1>, vector<16xf32>
        %mul3A_820 = arith.constant 16 : i32
        %mul3A_821 = arith.muli %scan3A_811, %mul3A_820 : i32
        %get3A_822 = arith.index_cast %add3A_104 : i32 to index
        %get3A_823 = arith.index_cast %mul3A_821 : i32 to index
        %get3A_824 = tpu.vector_load %arg5[%get3A_822, %get3A_823] {strides = array<i32>} : memref<32x2048xf32, #tpu.memory_space<vmem>>, vector<1x16xf32>,
        %get3A_825 = vector.shape_cast %get3A_824 : vector<1x16xf32> to vector<16xf32>
        %mul3A_826 = arith.mulf %get3A_825, %select_n3A_819 : vector<16xf32>
        %mul3A_827 = arith.constant 16 : i32
        %mul3A_828 = arith.muli %scan3A_811, %mul3A_827 : i32
        %swap3A_829 = arith.index_cast %add3A_104 : i32 to index
        %swap3A_830 = arith.index_cast %mul3A_828 : i32 to index
        %swap3A_831 = tpu.vector_load %arg5[%swap3A_829, %swap3A_830] {strides = array<i32>} : memref<32x2048xf32, #tpu.memory_space<vmem>>, vector<1x16xf32>,
        %swap3A_832 = vector.shape_cast %swap3A_831 : vector<1x16xf32> to vector<16xf32>
        %swap3A_833 = vector.shape_cast %mul3A_826 : vector<16xf32> to vector<1x16xf32>
        tpu.vector_store %arg5[%swap3A_829, %swap3A_830], %swap3A_833 {strides = array<i32>} : memref<32x2048xf32, #tpu.memory_space<vmem>>, vector<1x16xf32>,
        %scan3A_834 = arith.constant 6 : i32
        %scan3A_835 = arith.addi %scan3A_694, %scan3A_834 : i32
        %mul3A_836 = arith.constant 16 : i32
        %mul3A_837 = arith.muli %scan3A_835, %mul3A_836 : i32
        %add3A_838 = vector.broadcast %mul3A_837 : i32 to vector<16xi32>
        %add3A_839 = arith.addi %iota3A, %add3A_838 : vector<16xi32>
        %ge3A_840 = arith.cmpi sge, %add3A_839, %broadcast_in_dim3A_99 : vector<16xi32>
        %le3A_841 = arith.cmpi sle, %add3A_839, %broadcast_in_dim3A_100 : vector<16xi32>
        %and3A_842 = arith.andi %ge3A_840, %le3A_841 : vector<16xi1>
        %select_n3A_843 = arith.select %and3A_842, %broadcast_in_dim3A, %broadcast_in_dim3A_98 : vector<16xi1>, vector<16xf32>
        %mul3A_844 = arith.constant 16 : i32
        %mul3A_845 = arith.muli %scan3A_835, %mul3A_844 : i32
        %get3A_846 = arith.index_cast %add3A_104 : i32 to index
        %get3A_847 = arith.index_cast %mul3A_845 : i32 to index
        %get3A_848 = tpu.vector_load %arg5[%get3A_846, %get3A_847] {strides = array<i32>} : memref<32x2048xf32, #tpu.memory_space<vmem>>, vector<1x16xf32>,
        %get3A_849 = vector.shape_cast %get3A_848 : vector<1x16xf32> to vector<16xf32>
        %mul3A_850 = arith.mulf %get3A_849, %select_n3A_843 : vector<16xf32>
        %mul3A_851 = arith.constant 16 : i32
        %mul3A_852 = arith.muli %scan3A_835, %mul3A_851 : i32
        %swap3A_853 = arith.index_cast %add3A_104 : i32 to index
        %swap3A_854 = arith.index_cast %mul3A_852 : i32 to index
        %swap3A_855 = tpu.vector_load %arg5[%swap3A_853, %swap3A_854] {strides = array<i32>} : memref<32x2048xf32, #tpu.memory_space<vmem>>, vector<1x16xf32>,
        %swap3A_856 = vector.shape_cast %swap3A_855 : vector<1x16xf32> to vector<16xf32>
        %swap3A_857 = vector.shape_cast %mul3A_850 : vector<16xf32> to vector<1x16xf32>
        tpu.vector_store %arg5[%swap3A_853, %swap3A_854], %swap3A_857 {strides = array<i32>} : memref<32x2048xf32, #tpu.memory_space<vmem>>, vector<1x16xf32>,
        %scan3A_858 = arith.constant 7 : i32
        %scan3A_859 = arith.addi %scan3A_694, %scan3A_858 : i32
        %mul3A_860 = arith.constant 16 : i32
        %mul3A_861 = arith.muli %scan3A_859, %mul3A_860 : i32
        %add3A_862 = vector.broadcast %mul3A_861 : i32 to vector<16xi32>
        %add3A_863 = arith.addi %iota3A, %add3A_862 : vector<16xi32>
        %ge3A_864 = arith.cmpi sge, %add3A_863, %broadcast_in_dim3A_99 : vector<16xi32>
        %le3A_865 = arith.cmpi sle, %add3A_863, %broadcast_in_dim3A_100 : vector<16xi32>
        %and3A_866 = arith.andi %ge3A_864, %le3A_865 : vector<16xi1>
        %select_n3A_867 = arith.select %and3A_866, %broadcast_in_dim3A, %broadcast_in_dim3A_98 : vector<16xi1>, vector<16xf32>
        %mul3A_868 = arith.constant 16 : i32
        %mul3A_869 = arith.muli %scan3A_859, %mul3A_868 : i32
        %get3A_870 = arith.index_cast %add3A_104 : i32 to index
        %get3A_871 = arith.index_cast %mul3A_869 : i32 to index
        %get3A_872 = tpu.vector_load %arg5[%get3A_870, %get3A_871] {strides = array<i32>} : memref<32x2048xf32, #tpu.memory_space<vmem>>, vector<1x16xf32>,
        %get3A_873 = vector.shape_cast %get3A_872 : vector<1x16xf32> to vector<16xf32>
        %mul3A_874 = arith.mulf %get3A_873, %select_n3A_867 : vector<16xf32>
        %mul3A_875 = arith.constant 16 : i32
        %mul3A_876 = arith.muli %scan3A_859, %mul3A_875 : i32
        %swap3A_877 = arith.index_cast %add3A_104 : i32 to index
        %swap3A_878 = arith.index_cast %mul3A_876 : i32 to index
        %swap3A_879 = tpu.vector_load %arg5[%swap3A_877, %swap3A_878] {strides = array<i32>} : memref<32x2048xf32, #tpu.memory_space<vmem>>, vector<1x16xf32>,
        %swap3A_880 = vector.shape_cast %swap3A_879 : vector<1x16xf32> to vector<16xf32>
        %swap3A_881 = vector.shape_cast %mul3A_874 : vector<16xf32> to vector<1x16xf32>
        tpu.vector_store %arg5[%swap3A_877, %swap3A_878], %swap3A_881 {strides = array<i32>} : memref<32x2048xf32, #tpu.memory_space<vmem>>, vector<1x16xf32>,
      }
      %scan3A_110 = arith.constant 128 : i32
      %add3A_111 = arith.constant 1 : i32
      %add3A_112 = arith.addi %add3A_78, %add3A_111 : i32
      %and3A_113 = arith.constant 2047 : i32
      %and3A_114 = arith.andi %add3A_112, %and3A_113 : i32
      %sub3A_115 = arith.constant 2047 : i32
      %sub3A_116 = arith.subi %sub3A_115, %and3A_114 : i32
      %min3A_117 = arith.minsi %and3A_114, %sub3A_116 : i32
      %lt3A_118 = arith.constant 1024 : i32
      %lt3A_119 = arith.cmpi slt, %and3A_114, %lt3A_118 : i32
      %jit3A_120 = arith.constant 0 : i32
      %jit3A_121 = arith.constant 1 : i32
      %select_n3A_122 = arith.select %lt3A_119, %jit3A_120, %jit3A_121 : i32
      %add3A_123 = arith.addi %min3A_117, %select_n3A_122 : i32
      %sub3A_124 = arith.constant 2047 : i32
      %sub3A_125 = arith.subi %sub3A_124, %min3A_117 : i32
      %convert_element_type3A_126 = arith.sitofp %min3A_117 : i32 to f32
      %mul3A_127 = arith.constant 3.125000e-02 : f32
      %mul3A_128 = arith.mulf %convert_element_type3A_126, %mul3A_127 : f32
      %add3A_129 = arith.addf %mul3A_128, %add3A_9 : f32
      %jit3A_130 = arith.constant 0.000000e+00 : f32
      %jit3A_131 = arith.constant 1.000000e+00 : f32
      %max3A_132 = arith.maximumf %jit3A_130, %add3A_129 : f32
      %min3A_133 = arith.minimumf %jit3A_131, %max3A_132 : f32
      %broadcast_in_dim3A_134 = vector.broadcast %min3A_133 : f32 to vector<16xf32>
      %broadcast_in_dim3A_135 = arith.constant 1.000000e+00 : f32
      %broadcast_in_dim3A_136 = vector.broadcast %broadcast_in_dim3A_135 : f32 to vector<16xf32>
      %broadcast_in_dim3A_137 = vector.broadcast %add3A_123 : i32 to vector<16xi32>
      %broadcast_in_dim3A_138 = vector.broadcast %sub3A_125 : i32 to vector<16xi32>
      %mul3A_139 = arith.constant 16 : i32
      %mul3A_140 = arith.muli %rem3A_58, %mul3A_139 : i32
      %add3A_141 = arith.constant 1 : i32
      %add3A_142 = arith.addi %mul3A_140, %add3A_141 : i32
      %scan3A_143 = arith.constant 0 : i32
      %scan3A_144 = arith.constant 0 : i32
      %scan3A_145 = arith.constant 128 : i32
      %scan3A_146 = arith.addi %scan3A_144, %scan3A_145 : i32
      %scan3A_147 = arith.constant 8 : i32
      scf.for %scan3A_694 = %scan3A_144 to %scan3A_146 step %scan3A_147  : i32 {
        %mul3A_695 = arith.constant 16 : i32
        %mul3A_696 = arith.muli %scan3A_694, %mul3A_695 : i32
        %add3A_697 = vector.broadcast %mul3A_696 : i32 to vector<16xi32>
        %add3A_698 = arith.addi %iota3A, %add3A_697 : vector<16xi32>
        %ge3A = arith.cmpi sge, %add3A_698, %broadcast_in_dim3A_137 : vector<16xi32>
        %le3A = arith.cmpi sle, %add3A_698, %broadcast_in_dim3A_138 : vector<16xi32>
        %and3A_699 = arith.andi %ge3A, %le3A : vector<16xi1>
        %select_n3A_700 = arith.select %and3A_699, %broadcast_in_dim3A_134, %broadcast_in_dim3A_136 : vector<16xi1>, vector<16xf32>
        %mul3A_701 = arith.constant 16 : i32
        %mul3A_702 = arith.muli %scan3A_694, %mul3A_701 : i32
        %get3A_703 = arith.index_cast %add3A_142 : i32 to index
        %get3A_704 = arith.index_cast %mul3A_702 : i32 to index
        %get3A_705 = tpu.vector_load %arg5[%get3A_703, %get3A_704] {strides = array<i32>} : memref<32x2048xf32, #tpu.memory_space<vmem>>, vector<1x16xf32>,
        %get3A_706 = vector.shape_cast %get3A_705 : vector<1x16xf32> to vector<16xf32>
        %mul3A_707 = arith.mulf %get3A_706, %select_n3A_700 : vector<16xf32>
        %mul3A_708 = arith.constant 16 : i32
        %mul3A_709 = arith.muli %scan3A_694, %mul3A_708 : i32
        %swap3A = arith.index_cast %add3A_142 : i32 to index
        %swap3A_710 = arith.index_cast %mul3A_709 : i32 to index
        %swap3A_711 = tpu.vector_load %arg5[%swap3A, %swap3A_710] {strides = array<i32>} : memref<32x2048xf32, #tpu.memory_space<vmem>>, vector<1x16xf32>,
        %swap3A_712 = vector.shape_cast %swap3A_711 : vector<1x16xf32> to vector<16xf32>
        %swap3A_713 = vector.shape_cast %mul3A_707 : vector<16xf32> to vector<1x16xf32>
        tpu.vector_store %arg5[%swap3A, %swap3A_710], %swap3A_713 {strides = array<i32>} : memref<32x2048xf32, #tpu.memory_space<vmem>>, vector<1x16xf32>,
        %scan3A_714 = arith.constant 1 : i32
        %scan3A_715 = arith.addi %scan3A_694, %scan3A_714 : i32
        %mul3A_716 = arith.constant 16 : i32
        %mul3A_717 = arith.muli %scan3A_715, %mul3A_716 : i32
        %add3A_718 = vector.broadcast %mul3A_717 : i32 to vector<16xi32>
        %add3A_719 = arith.addi %iota3A, %add3A_718 : vector<16xi32>
        %ge3A_720 = arith.cmpi sge, %add3A_719, %broadcast_in_dim3A_137 : vector<16xi32>
        %le3A_721 = arith.cmpi sle, %add3A_719, %broadcast_in_dim3A_138 : vector<16xi32>
        %and3A_722 = arith.andi %ge3A_720, %le3A_721 : vector<16xi1>
        %select_n3A_723 = arith.select %and3A_722, %broadcast_in_dim3A_134, %broadcast_in_dim3A_136 : vector<16xi1>, vector<16xf32>
        %mul3A_724 = arith.constant 16 : i32
        %mul3A_725 = arith.muli %scan3A_715, %mul3A_724 : i32
        %get3A_726 = arith.index_cast %add3A_142 : i32 to index
        %get3A_727 = arith.index_cast %mul3A_725 : i32 to index
        %get3A_728 = tpu.vector_load %arg5[%get3A_726, %get3A_727] {strides = array<i32>} : memref<32x2048xf32, #tpu.memory_space<vmem>>, vector<1x16xf32>,
        %get3A_729 = vector.shape_cast %get3A_728 : vector<1x16xf32> to vector<16xf32>
        %mul3A_730 = arith.mulf %get3A_729, %select_n3A_723 : vector<16xf32>
        %mul3A_731 = arith.constant 16 : i32
        %mul3A_732 = arith.muli %scan3A_715, %mul3A_731 : i32
        %swap3A_733 = arith.index_cast %add3A_142 : i32 to index
        %swap3A_734 = arith.index_cast %mul3A_732 : i32 to index
        %swap3A_735 = tpu.vector_load %arg5[%swap3A_733, %swap3A_734] {strides = array<i32>} : memref<32x2048xf32, #tpu.memory_space<vmem>>, vector<1x16xf32>,
        %swap3A_736 = vector.shape_cast %swap3A_735 : vector<1x16xf32> to vector<16xf32>
        %swap3A_737 = vector.shape_cast %mul3A_730 : vector<16xf32> to vector<1x16xf32>
        tpu.vector_store %arg5[%swap3A_733, %swap3A_734], %swap3A_737 {strides = array<i32>} : memref<32x2048xf32, #tpu.memory_space<vmem>>, vector<1x16xf32>,
        %scan3A_738 = arith.constant 2 : i32
        %scan3A_739 = arith.addi %scan3A_694, %scan3A_738 : i32
        %mul3A_740 = arith.constant 16 : i32
        %mul3A_741 = arith.muli %scan3A_739, %mul3A_740 : i32
        %add3A_742 = vector.broadcast %mul3A_741 : i32 to vector<16xi32>
        %add3A_743 = arith.addi %iota3A, %add3A_742 : vector<16xi32>
        %ge3A_744 = arith.cmpi sge, %add3A_743, %broadcast_in_dim3A_137 : vector<16xi32>
        %le3A_745 = arith.cmpi sle, %add3A_743, %broadcast_in_dim3A_138 : vector<16xi32>
        %and3A_746 = arith.andi %ge3A_744, %le3A_745 : vector<16xi1>
        %select_n3A_747 = arith.select %and3A_746, %broadcast_in_dim3A_134, %broadcast_in_dim3A_136 : vector<16xi1>, vector<16xf32>
        %mul3A_748 = arith.constant 16 : i32
        %mul3A_749 = arith.muli %scan3A_739, %mul3A_748 : i32
        %get3A_750 = arith.index_cast %add3A_142 : i32 to index
        %get3A_751 = arith.index_cast %mul3A_749 : i32 to index
        %get3A_752 = tpu.vector_load %arg5[%get3A_750, %get3A_751] {strides = array<i32>} : memref<32x2048xf32, #tpu.memory_space<vmem>>, vector<1x16xf32>,
        %get3A_753 = vector.shape_cast %get3A_752 : vector<1x16xf32> to vector<16xf32>
        %mul3A_754 = arith.mulf %get3A_753, %select_n3A_747 : vector<16xf32>
        %mul3A_755 = arith.constant 16 : i32
        %mul3A_756 = arith.muli %scan3A_739, %mul3A_755 : i32
        %swap3A_757 = arith.index_cast %add3A_142 : i32 to index
        %swap3A_758 = arith.index_cast %mul3A_756 : i32 to index
        %swap3A_759 = tpu.vector_load %arg5[%swap3A_757, %swap3A_758] {strides = array<i32>} : memref<32x2048xf32, #tpu.memory_space<vmem>>, vector<1x16xf32>,
        %swap3A_760 = vector.shape_cast %swap3A_759 : vector<1x16xf32> to vector<16xf32>
        %swap3A_761 = vector.shape_cast %mul3A_754 : vector<16xf32> to vector<1x16xf32>
        tpu.vector_store %arg5[%swap3A_757, %swap3A_758], %swap3A_761 {strides = array<i32>} : memref<32x2048xf32, #tpu.memory_space<vmem>>, vector<1x16xf32>,
        %scan3A_762 = arith.constant 3 : i32
        %scan3A_763 = arith.addi %scan3A_694, %scan3A_762 : i32
        %mul3A_764 = arith.constant 16 : i32
        %mul3A_765 = arith.muli %scan3A_763, %mul3A_764 : i32
        %add3A_766 = vector.broadcast %mul3A_765 : i32 to vector<16xi32>
        %add3A_767 = arith.addi %iota3A, %add3A_766 : vector<16xi32>
        %ge3A_768 = arith.cmpi sge, %add3A_767, %broadcast_in_dim3A_137 : vector<16xi32>
        %le3A_769 = arith.cmpi sle, %add3A_767, %broadcast_in_dim3A_138 : vector<16xi32>
        %and3A_770 = arith.andi %ge3A_768, %le3A_769 : vector<16xi1>
        %select_n3A_771 = arith.select %and3A_770, %broadcast_in_dim3A_134, %broadcast_in_dim3A_136 : vector<16xi1>, vector<16xf32>
        %mul3A_772 = arith.constant 16 : i32
        %mul3A_773 = arith.muli %scan3A_763, %mul3A_772 : i32
        %get3A_774 = arith.index_cast %add3A_142 : i32 to index
        %get3A_775 = arith.index_cast %mul3A_773 : i32 to index
        %get3A_776 = tpu.vector_load %arg5[%get3A_774, %get3A_775] {strides = array<i32>} : memref<32x2048xf32, #tpu.memory_space<vmem>>, vector<1x16xf32>,
        %get3A_777 = vector.shape_cast %get3A_776 : vector<1x16xf32> to vector<16xf32>
        %mul3A_778 = arith.mulf %get3A_777, %select_n3A_771 : vector<16xf32>
        %mul3A_779 = arith.constant 16 : i32
        %mul3A_780 = arith.muli %scan3A_763, %mul3A_779 : i32
        %swap3A_781 = arith.index_cast %add3A_142 : i32 to index
        %swap3A_782 = arith.index_cast %mul3A_780 : i32 to index
        %swap3A_783 = tpu.vector_load %arg5[%swap3A_781, %swap3A_782] {strides = array<i32>} : memref<32x2048xf32, #tpu.memory_space<vmem>>, vector<1x16xf32>,
        %swap3A_784 = vector.shape_cast %swap3A_783 : vector<1x16xf32> to vector<16xf32>
        %swap3A_785 = vector.shape_cast %mul3A_778 : vector<16xf32> to vector<1x16xf32>
        tpu.vector_store %arg5[%swap3A_781, %swap3A_782], %swap3A_785 {strides = array<i32>} : memref<32x2048xf32, #tpu.memory_space<vmem>>, vector<1x16xf32>,
        %scan3A_786 = arith.constant 4 : i32
        %scan3A_787 = arith.addi %scan3A_694, %scan3A_786 : i32
        %mul3A_788 = arith.constant 16 : i32
        %mul3A_789 = arith.muli %scan3A_787, %mul3A_788 : i32
        %add3A_790 = vector.broadcast %mul3A_789 : i32 to vector<16xi32>
        %add3A_791 = arith.addi %iota3A, %add3A_790 : vector<16xi32>
        %ge3A_792 = arith.cmpi sge, %add3A_791, %broadcast_in_dim3A_137 : vector<16xi32>
        %le3A_793 = arith.cmpi sle, %add3A_791, %broadcast_in_dim3A_138 : vector<16xi32>
        %and3A_794 = arith.andi %ge3A_792, %le3A_793 : vector<16xi1>
        %select_n3A_795 = arith.select %and3A_794, %broadcast_in_dim3A_134, %broadcast_in_dim3A_136 : vector<16xi1>, vector<16xf32>
        %mul3A_796 = arith.constant 16 : i32
        %mul3A_797 = arith.muli %scan3A_787, %mul3A_796 : i32
        %get3A_798 = arith.index_cast %add3A_142 : i32 to index
        %get3A_799 = arith.index_cast %mul3A_797 : i32 to index
        %get3A_800 = tpu.vector_load %arg5[%get3A_798, %get3A_799] {strides = array<i32>} : memref<32x2048xf32, #tpu.memory_space<vmem>>, vector<1x16xf32>,
        %get3A_801 = vector.shape_cast %get3A_800 : vector<1x16xf32> to vector<16xf32>
        %mul3A_802 = arith.mulf %get3A_801, %select_n3A_795 : vector<16xf32>
        %mul3A_803 = arith.constant 16 : i32
        %mul3A_804 = arith.muli %scan3A_787, %mul3A_803 : i32
        %swap3A_805 = arith.index_cast %add3A_142 : i32 to index
        %swap3A_806 = arith.index_cast %mul3A_804 : i32 to index
        %swap3A_807 = tpu.vector_load %arg5[%swap3A_805, %swap3A_806] {strides = array<i32>} : memref<32x2048xf32, #tpu.memory_space<vmem>>, vector<1x16xf32>,
        %swap3A_808 = vector.shape_cast %swap3A_807 : vector<1x16xf32> to vector<16xf32>
        %swap3A_809 = vector.shape_cast %mul3A_802 : vector<16xf32> to vector<1x16xf32>
        tpu.vector_store %arg5[%swap3A_805, %swap3A_806], %swap3A_809 {strides = array<i32>} : memref<32x2048xf32, #tpu.memory_space<vmem>>, vector<1x16xf32>,
        %scan3A_810 = arith.constant 5 : i32
        %scan3A_811 = arith.addi %scan3A_694, %scan3A_810 : i32
        %mul3A_812 = arith.constant 16 : i32
        %mul3A_813 = arith.muli %scan3A_811, %mul3A_812 : i32
        %add3A_814 = vector.broadcast %mul3A_813 : i32 to vector<16xi32>
        %add3A_815 = arith.addi %iota3A, %add3A_814 : vector<16xi32>
        %ge3A_816 = arith.cmpi sge, %add3A_815, %broadcast_in_dim3A_137 : vector<16xi32>
        %le3A_817 = arith.cmpi sle, %add3A_815, %broadcast_in_dim3A_138 : vector<16xi32>
        %and3A_818 = arith.andi %ge3A_816, %le3A_817 : vector<16xi1>
        %select_n3A_819 = arith.select %and3A_818, %broadcast_in_dim3A_134, %broadcast_in_dim3A_136 : vector<16xi1>, vector<16xf32>
        %mul3A_820 = arith.constant 16 : i32
        %mul3A_821 = arith.muli %scan3A_811, %mul3A_820 : i32
        %get3A_822 = arith.index_cast %add3A_142 : i32 to index
        %get3A_823 = arith.index_cast %mul3A_821 : i32 to index
        %get3A_824 = tpu.vector_load %arg5[%get3A_822, %get3A_823] {strides = array<i32>} : memref<32x2048xf32, #tpu.memory_space<vmem>>, vector<1x16xf32>,
        %get3A_825 = vector.shape_cast %get3A_824 : vector<1x16xf32> to vector<16xf32>
        %mul3A_826 = arith.mulf %get3A_825, %select_n3A_819 : vector<16xf32>
        %mul3A_827 = arith.constant 16 : i32
        %mul3A_828 = arith.muli %scan3A_811, %mul3A_827 : i32
        %swap3A_829 = arith.index_cast %add3A_142 : i32 to index
        %swap3A_830 = arith.index_cast %mul3A_828 : i32 to index
        %swap3A_831 = tpu.vector_load %arg5[%swap3A_829, %swap3A_830] {strides = array<i32>} : memref<32x2048xf32, #tpu.memory_space<vmem>>, vector<1x16xf32>,
        %swap3A_832 = vector.shape_cast %swap3A_831 : vector<1x16xf32> to vector<16xf32>
        %swap3A_833 = vector.shape_cast %mul3A_826 : vector<16xf32> to vector<1x16xf32>
        tpu.vector_store %arg5[%swap3A_829, %swap3A_830], %swap3A_833 {strides = array<i32>} : memref<32x2048xf32, #tpu.memory_space<vmem>>, vector<1x16xf32>,
        %scan3A_834 = arith.constant 6 : i32
        %scan3A_835 = arith.addi %scan3A_694, %scan3A_834 : i32
        %mul3A_836 = arith.constant 16 : i32
        %mul3A_837 = arith.muli %scan3A_835, %mul3A_836 : i32
        %add3A_838 = vector.broadcast %mul3A_837 : i32 to vector<16xi32>
        %add3A_839 = arith.addi %iota3A, %add3A_838 : vector<16xi32>
        %ge3A_840 = arith.cmpi sge, %add3A_839, %broadcast_in_dim3A_137 : vector<16xi32>
        %le3A_841 = arith.cmpi sle, %add3A_839, %broadcast_in_dim3A_138 : vector<16xi32>
        %and3A_842 = arith.andi %ge3A_840, %le3A_841 : vector<16xi1>
        %select_n3A_843 = arith.select %and3A_842, %broadcast_in_dim3A_134, %broadcast_in_dim3A_136 : vector<16xi1>, vector<16xf32>
        %mul3A_844 = arith.constant 16 : i32
        %mul3A_845 = arith.muli %scan3A_835, %mul3A_844 : i32
        %get3A_846 = arith.index_cast %add3A_142 : i32 to index
        %get3A_847 = arith.index_cast %mul3A_845 : i32 to index
        %get3A_848 = tpu.vector_load %arg5[%get3A_846, %get3A_847] {strides = array<i32>} : memref<32x2048xf32, #tpu.memory_space<vmem>>, vector<1x16xf32>,
        %get3A_849 = vector.shape_cast %get3A_848 : vector<1x16xf32> to vector<16xf32>
        %mul3A_850 = arith.mulf %get3A_849, %select_n3A_843 : vector<16xf32>
        %mul3A_851 = arith.constant 16 : i32
        %mul3A_852 = arith.muli %scan3A_835, %mul3A_851 : i32
        %swap3A_853 = arith.index_cast %add3A_142 : i32 to index
        %swap3A_854 = arith.index_cast %mul3A_852 : i32 to index
        %swap3A_855 = tpu.vector_load %arg5[%swap3A_853, %swap3A_854] {strides = array<i32>} : memref<32x2048xf32, #tpu.memory_space<vmem>>, vector<1x16xf32>,
        %swap3A_856 = vector.shape_cast %swap3A_855 : vector<1x16xf32> to vector<16xf32>
        %swap3A_857 = vector.shape_cast %mul3A_850 : vector<16xf32> to vector<1x16xf32>
        tpu.vector_store %arg5[%swap3A_853, %swap3A_854], %swap3A_857 {strides = array<i32>} : memref<32x2048xf32, #tpu.memory_space<vmem>>, vector<1x16xf32>,
        %scan3A_858 = arith.constant 7 : i32
        %scan3A_859 = arith.addi %scan3A_694, %scan3A_858 : i32
        %mul3A_860 = arith.constant 16 : i32
        %mul3A_861 = arith.muli %scan3A_859, %mul3A_860 : i32
        %add3A_862 = vector.broadcast %mul3A_861 : i32 to vector<16xi32>
        %add3A_863 = arith.addi %iota3A, %add3A_862 : vector<16xi32>
        %ge3A_864 = arith.cmpi sge, %add3A_863, %broadcast_in_dim3A_137 : vector<16xi32>
        %le3A_865 = arith.cmpi sle, %add3A_863, %broadcast_in_dim3A_138 : vector<16xi32>
        %and3A_866 = arith.andi %ge3A_864, %le3A_865 : vector<16xi1>
        %select_n3A_867 = arith.select %and3A_866, %broadcast_in_dim3A_134, %broadcast_in_dim3A_136 : vector<16xi1>, vector<16xf32>
        %mul3A_868 = arith.constant 16 : i32
        %mul3A_869 = arith.muli %scan3A_859, %mul3A_868 : i32
        %get3A_870 = arith.index_cast %add3A_142 : i32 to index
        %get3A_871 = arith.index_cast %mul3A_869 : i32 to index
        %get3A_872 = tpu.vector_load %arg5[%get3A_870, %get3A_871] {strides = array<i32>} : memref<32x2048xf32, #tpu.memory_space<vmem>>, vector<1x16xf32>,
        %get3A_873 = vector.shape_cast %get3A_872 : vector<1x16xf32> to vector<16xf32>
        %mul3A_874 = arith.mulf %get3A_873, %select_n3A_867 : vector<16xf32>
        %mul3A_875 = arith.constant 16 : i32
        %mul3A_876 = arith.muli %scan3A_859, %mul3A_875 : i32
        %swap3A_877 = arith.index_cast %add3A_142 : i32 to index
        %swap3A_878 = arith.index_cast %mul3A_876 : i32 to index
        %swap3A_879 = tpu.vector_load %arg5[%swap3A_877, %swap3A_878] {strides = array<i32>} : memref<32x2048xf32, #tpu.memory_space<vmem>>, vector<1x16xf32>,
        %swap3A_880 = vector.shape_cast %swap3A_879 : vector<1x16xf32> to vector<16xf32>
        %swap3A_881 = vector.shape_cast %mul3A_874 : vector<16xf32> to vector<1x16xf32>
        tpu.vector_store %arg5[%swap3A_877, %swap3A_878], %swap3A_881 {strides = array<i32>} : memref<32x2048xf32, #tpu.memory_space<vmem>>, vector<1x16xf32>,
      }
      %scan3A_148 = arith.constant 128 : i32
      %add3A_149 = arith.constant 2 : i32
      %add3A_150 = arith.addi %add3A_78, %add3A_149 : i32
      %and3A_151 = arith.constant 2047 : i32
      %and3A_152 = arith.andi %add3A_150, %and3A_151 : i32
      %sub3A_153 = arith.constant 2047 : i32
      %sub3A_154 = arith.subi %sub3A_153, %and3A_152 : i32
      %min3A_155 = arith.minsi %and3A_152, %sub3A_154 : i32
      %lt3A_156 = arith.constant 1024 : i32
      %lt3A_157 = arith.cmpi slt, %and3A_152, %lt3A_156 : i32
      %jit3A_158 = arith.constant 0 : i32
      %jit3A_159 = arith.constant 1 : i32
      %select_n3A_160 = arith.select %lt3A_157, %jit3A_158, %jit3A_159 : i32
      %add3A_161 = arith.addi %min3A_155, %select_n3A_160 : i32
      %sub3A_162 = arith.constant 2047 : i32
      %sub3A_163 = arith.subi %sub3A_162, %min3A_155 : i32
      %convert_element_type3A_164 = arith.sitofp %min3A_155 : i32 to f32
      %mul3A_165 = arith.constant 3.125000e-02 : f32
      %mul3A_166 = arith.mulf %convert_element_type3A_164, %mul3A_165 : f32
      %add3A_167 = arith.addf %mul3A_166, %add3A_9 : f32
      %jit3A_168 = arith.constant 0.000000e+00 : f32
      %jit3A_169 = arith.constant 1.000000e+00 : f32
      %max3A_170 = arith.maximumf %jit3A_168, %add3A_167 : f32
      %min3A_171 = arith.minimumf %jit3A_169, %max3A_170 : f32
      %broadcast_in_dim3A_172 = vector.broadcast %min3A_171 : f32 to vector<16xf32>
      %broadcast_in_dim3A_173 = arith.constant 1.000000e+00 : f32
      %broadcast_in_dim3A_174 = vector.broadcast %broadcast_in_dim3A_173 : f32 to vector<16xf32>
      %broadcast_in_dim3A_175 = vector.broadcast %add3A_161 : i32 to vector<16xi32>
      %broadcast_in_dim3A_176 = vector.broadcast %sub3A_163 : i32 to vector<16xi32>
      %mul3A_177 = arith.constant 16 : i32
      %mul3A_178 = arith.muli %rem3A_58, %mul3A_177 : i32
      %add3A_179 = arith.constant 2 : i32
      %add3A_180 = arith.addi %mul3A_178, %add3A_179 : i32
      %scan3A_181 = arith.constant 0 : i32
      %scan3A_182 = arith.constant 0 : i32
      %scan3A_183 = arith.constant 128 : i32
      %scan3A_184 = arith.addi %scan3A_182, %scan3A_183 : i32
      %scan3A_185 = arith.constant 8 : i32
      scf.for %scan3A_694 = %scan3A_182 to %scan3A_184 step %scan3A_185  : i32 {
        %mul3A_695 = arith.constant 16 : i32
        %mul3A_696 = arith.muli %scan3A_694, %mul3A_695 : i32
        %add3A_697 = vector.broadcast %mul3A_696 : i32 to vector<16xi32>
        %add3A_698 = arith.addi %iota3A, %add3A_697 : vector<16xi32>
        %ge3A = arith.cmpi sge, %add3A_698, %broadcast_in_dim3A_175 : vector<16xi32>
        %le3A = arith.cmpi sle, %add3A_698, %broadcast_in_dim3A_176 : vector<16xi32>
        %and3A_699 = arith.andi %ge3A, %le3A : vector<16xi1>
        %select_n3A_700 = arith.select %and3A_699, %broadcast_in_dim3A_172, %broadcast_in_dim3A_174 : vector<16xi1>, vector<16xf32>
        %mul3A_701 = arith.constant 16 : i32
        %mul3A_702 = arith.muli %scan3A_694, %mul3A_701 : i32
        %get3A_703 = arith.index_cast %add3A_180 : i32 to index
        %get3A_704 = arith.index_cast %mul3A_702 : i32 to index
        %get3A_705 = tpu.vector_load %arg5[%get3A_703, %get3A_704] {strides = array<i32>} : memref<32x2048xf32, #tpu.memory_space<vmem>>, vector<1x16xf32>,
        %get3A_706 = vector.shape_cast %get3A_705 : vector<1x16xf32> to vector<16xf32>
        %mul3A_707 = arith.mulf %get3A_706, %select_n3A_700 : vector<16xf32>
        %mul3A_708 = arith.constant 16 : i32
        %mul3A_709 = arith.muli %scan3A_694, %mul3A_708 : i32
        %swap3A = arith.index_cast %add3A_180 : i32 to index
        %swap3A_710 = arith.index_cast %mul3A_709 : i32 to index
        %swap3A_711 = tpu.vector_load %arg5[%swap3A, %swap3A_710] {strides = array<i32>} : memref<32x2048xf32, #tpu.memory_space<vmem>>, vector<1x16xf32>,
        %swap3A_712 = vector.shape_cast %swap3A_711 : vector<1x16xf32> to vector<16xf32>
        %swap3A_713 = vector.shape_cast %mul3A_707 : vector<16xf32> to vector<1x16xf32>
        tpu.vector_store %arg5[%swap3A, %swap3A_710], %swap3A_713 {strides = array<i32>} : memref<32x2048xf32, #tpu.memory_space<vmem>>, vector<1x16xf32>,
        %scan3A_714 = arith.constant 1 : i32
        %scan3A_715 = arith.addi %scan3A_694, %scan3A_714 : i32
        %mul3A_716 = arith.constant 16 : i32
        %mul3A_717 = arith.muli %scan3A_715, %mul3A_716 : i32
        %add3A_718 = vector.broadcast %mul3A_717 : i32 to vector<16xi32>
        %add3A_719 = arith.addi %iota3A, %add3A_718 : vector<16xi32>
        %ge3A_720 = arith.cmpi sge, %add3A_719, %broadcast_in_dim3A_175 : vector<16xi32>
        %le3A_721 = arith.cmpi sle, %add3A_719, %broadcast_in_dim3A_176 : vector<16xi32>
        %and3A_722 = arith.andi %ge3A_720, %le3A_721 : vector<16xi1>
        %select_n3A_723 = arith.select %and3A_722, %broadcast_in_dim3A_172, %broadcast_in_dim3A_174 : vector<16xi1>, vector<16xf32>
        %mul3A_724 = arith.constant 16 : i32
        %mul3A_725 = arith.muli %scan3A_715, %mul3A_724 : i32
        %get3A_726 = arith.index_cast %add3A_180 : i32 to index
        %get3A_727 = arith.index_cast %mul3A_725 : i32 to index
        %get3A_728 = tpu.vector_load %arg5[%get3A_726, %get3A_727] {strides = array<i32>} : memref<32x2048xf32, #tpu.memory_space<vmem>>, vector<1x16xf32>,
        %get3A_729 = vector.shape_cast %get3A_728 : vector<1x16xf32> to vector<16xf32>
        %mul3A_730 = arith.mulf %get3A_729, %select_n3A_723 : vector<16xf32>
        %mul3A_731 = arith.constant 16 : i32
        %mul3A_732 = arith.muli %scan3A_715, %mul3A_731 : i32
        %swap3A_733 = arith.index_cast %add3A_180 : i32 to index
        %swap3A_734 = arith.index_cast %mul3A_732 : i32 to index
        %swap3A_735 = tpu.vector_load %arg5[%swap3A_733, %swap3A_734] {strides = array<i32>} : memref<32x2048xf32, #tpu.memory_space<vmem>>, vector<1x16xf32>,
        %swap3A_736 = vector.shape_cast %swap3A_735 : vector<1x16xf32> to vector<16xf32>
        %swap3A_737 = vector.shape_cast %mul3A_730 : vector<16xf32> to vector<1x16xf32>
        tpu.vector_store %arg5[%swap3A_733, %swap3A_734], %swap3A_737 {strides = array<i32>} : memref<32x2048xf32, #tpu.memory_space<vmem>>, vector<1x16xf32>,
        %scan3A_738 = arith.constant 2 : i32
        %scan3A_739 = arith.addi %scan3A_694, %scan3A_738 : i32
        %mul3A_740 = arith.constant 16 : i32
        %mul3A_741 = arith.muli %scan3A_739, %mul3A_740 : i32
        %add3A_742 = vector.broadcast %mul3A_741 : i32 to vector<16xi32>
        %add3A_743 = arith.addi %iota3A, %add3A_742 : vector<16xi32>
        %ge3A_744 = arith.cmpi sge, %add3A_743, %broadcast_in_dim3A_175 : vector<16xi32>
        %le3A_745 = arith.cmpi sle, %add3A_743, %broadcast_in_dim3A_176 : vector<16xi32>
        %and3A_746 = arith.andi %ge3A_744, %le3A_745 : vector<16xi1>
        %select_n3A_747 = arith.select %and3A_746, %broadcast_in_dim3A_172, %broadcast_in_dim3A_174 : vector<16xi1>, vector<16xf32>
        %mul3A_748 = arith.constant 16 : i32
        %mul3A_749 = arith.muli %scan3A_739, %mul3A_748 : i32
        %get3A_750 = arith.index_cast %add3A_180 : i32 to index
        %get3A_751 = arith.index_cast %mul3A_749 : i32 to index
        %get3A_752 = tpu.vector_load %arg5[%get3A_750, %get3A_751] {strides = array<i32>} : memref<32x2048xf32, #tpu.memory_space<vmem>>, vector<1x16xf32>,
        %get3A_753 = vector.shape_cast %get3A_752 : vector<1x16xf32> to vector<16xf32>
        %mul3A_754 = arith.mulf %get3A_753, %select_n3A_747 : vector<16xf32>
        %mul3A_755 = arith.constant 16 : i32
        %mul3A_756 = arith.muli %scan3A_739, %mul3A_755 : i32
        %swap3A_757 = arith.index_cast %add3A_180 : i32 to index
        %swap3A_758 = arith.index_cast %mul3A_756 : i32 to index
        %swap3A_759 = tpu.vector_load %arg5[%swap3A_757, %swap3A_758] {strides = array<i32>} : memref<32x2048xf32, #tpu.memory_space<vmem>>, vector<1x16xf32>,
        %swap3A_760 = vector.shape_cast %swap3A_759 : vector<1x16xf32> to vector<16xf32>
        %swap3A_761 = vector.shape_cast %mul3A_754 : vector<16xf32> to vector<1x16xf32>
        tpu.vector_store %arg5[%swap3A_757, %swap3A_758], %swap3A_761 {strides = array<i32>} : memref<32x2048xf32, #tpu.memory_space<vmem>>, vector<1x16xf32>,
        %scan3A_762 = arith.constant 3 : i32
        %scan3A_763 = arith.addi %scan3A_694, %scan3A_762 : i32
        %mul3A_764 = arith.constant 16 : i32
        %mul3A_765 = arith.muli %scan3A_763, %mul3A_764 : i32
        %add3A_766 = vector.broadcast %mul3A_765 : i32 to vector<16xi32>
        %add3A_767 = arith.addi %iota3A, %add3A_766 : vector<16xi32>
        %ge3A_768 = arith.cmpi sge, %add3A_767, %broadcast_in_dim3A_175 : vector<16xi32>
        %le3A_769 = arith.cmpi sle, %add3A_767, %broadcast_in_dim3A_176 : vector<16xi32>
        %and3A_770 = arith.andi %ge3A_768, %le3A_769 : vector<16xi1>
        %select_n3A_771 = arith.select %and3A_770, %broadcast_in_dim3A_172, %broadcast_in_dim3A_174 : vector<16xi1>, vector<16xf32>
        %mul3A_772 = arith.constant 16 : i32
        %mul3A_773 = arith.muli %scan3A_763, %mul3A_772 : i32
        %get3A_774 = arith.index_cast %add3A_180 : i32 to index
        %get3A_775 = arith.index_cast %mul3A_773 : i32 to index
        %get3A_776 = tpu.vector_load %arg5[%get3A_774, %get3A_775] {strides = array<i32>} : memref<32x2048xf32, #tpu.memory_space<vmem>>, vector<1x16xf32>,
        %get3A_777 = vector.shape_cast %get3A_776 : vector<1x16xf32> to vector<16xf32>
        %mul3A_778 = arith.mulf %get3A_777, %select_n3A_771 : vector<16xf32>
        %mul3A_779 = arith.constant 16 : i32
        %mul3A_780 = arith.muli %scan3A_763, %mul3A_779 : i32
        %swap3A_781 = arith.index_cast %add3A_180 : i32 to index
        %swap3A_782 = arith.index_cast %mul3A_780 : i32 to index
        %swap3A_783 = tpu.vector_load %arg5[%swap3A_781, %swap3A_782] {strides = array<i32>} : memref<32x2048xf32, #tpu.memory_space<vmem>>, vector<1x16xf32>,
        %swap3A_784 = vector.shape_cast %swap3A_783 : vector<1x16xf32> to vector<16xf32>
        %swap3A_785 = vector.shape_cast %mul3A_778 : vector<16xf32> to vector<1x16xf32>
        tpu.vector_store %arg5[%swap3A_781, %swap3A_782], %swap3A_785 {strides = array<i32>} : memref<32x2048xf32, #tpu.memory_space<vmem>>, vector<1x16xf32>,
        %scan3A_786 = arith.constant 4 : i32
        %scan3A_787 = arith.addi %scan3A_694, %scan3A_786 : i32
        %mul3A_788 = arith.constant 16 : i32
        %mul3A_789 = arith.muli %scan3A_787, %mul3A_788 : i32
        %add3A_790 = vector.broadcast %mul3A_789 : i32 to vector<16xi32>
        %add3A_791 = arith.addi %iota3A, %add3A_790 : vector<16xi32>
        %ge3A_792 = arith.cmpi sge, %add3A_791, %broadcast_in_dim3A_175 : vector<16xi32>
        %le3A_793 = arith.cmpi sle, %add3A_791, %broadcast_in_dim3A_176 : vector<16xi32>
        %and3A_794 = arith.andi %ge3A_792, %le3A_793 : vector<16xi1>
        %select_n3A_795 = arith.select %and3A_794, %broadcast_in_dim3A_172, %broadcast_in_dim3A_174 : vector<16xi1>, vector<16xf32>
        %mul3A_796 = arith.constant 16 : i32
        %mul3A_797 = arith.muli %scan3A_787, %mul3A_796 : i32
        %get3A_798 = arith.index_cast %add3A_180 : i32 to index
        %get3A_799 = arith.index_cast %mul3A_797 : i32 to index
        %get3A_800 = tpu.vector_load %arg5[%get3A_798, %get3A_799] {strides = array<i32>} : memref<32x2048xf32, #tpu.memory_space<vmem>>, vector<1x16xf32>,
        %get3A_801 = vector.shape_cast %get3A_800 : vector<1x16xf32> to vector<16xf32>
        %mul3A_802 = arith.mulf %get3A_801, %select_n3A_795 : vector<16xf32>
        %mul3A_803 = arith.constant 16 : i32
        %mul3A_804 = arith.muli %scan3A_787, %mul3A_803 : i32
        %swap3A_805 = arith.index_cast %add3A_180 : i32 to index
        %swap3A_806 = arith.index_cast %mul3A_804 : i32 to index
        %swap3A_807 = tpu.vector_load %arg5[%swap3A_805, %swap3A_806] {strides = array<i32>} : memref<32x2048xf32, #tpu.memory_space<vmem>>, vector<1x16xf32>,
        %swap3A_808 = vector.shape_cast %swap3A_807 : vector<1x16xf32> to vector<16xf32>
        %swap3A_809 = vector.shape_cast %mul3A_802 : vector<16xf32> to vector<1x16xf32>
        tpu.vector_store %arg5[%swap3A_805, %swap3A_806], %swap3A_809 {strides = array<i32>} : memref<32x2048xf32, #tpu.memory_space<vmem>>, vector<1x16xf32>,
        %scan3A_810 = arith.constant 5 : i32
        %scan3A_811 = arith.addi %scan3A_694, %scan3A_810 : i32
        %mul3A_812 = arith.constant 16 : i32
        %mul3A_813 = arith.muli %scan3A_811, %mul3A_812 : i32
        %add3A_814 = vector.broadcast %mul3A_813 : i32 to vector<16xi32>
        %add3A_815 = arith.addi %iota3A, %add3A_814 : vector<16xi32>
        %ge3A_816 = arith.cmpi sge, %add3A_815, %broadcast_in_dim3A_175 : vector<16xi32>
        %le3A_817 = arith.cmpi sle, %add3A_815, %broadcast_in_dim3A_176 : vector<16xi32>
        %and3A_818 = arith.andi %ge3A_816, %le3A_817 : vector<16xi1>
        %select_n3A_819 = arith.select %and3A_818, %broadcast_in_dim3A_172, %broadcast_in_dim3A_174 : vector<16xi1>, vector<16xf32>
        %mul3A_820 = arith.constant 16 : i32
        %mul3A_821 = arith.muli %scan3A_811, %mul3A_820 : i32
        %get3A_822 = arith.index_cast %add3A_180 : i32 to index
        %get3A_823 = arith.index_cast %mul3A_821 : i32 to index
        %get3A_824 = tpu.vector_load %arg5[%get3A_822, %get3A_823] {strides = array<i32>} : memref<32x2048xf32, #tpu.memory_space<vmem>>, vector<1x16xf32>,
        %get3A_825 = vector.shape_cast %get3A_824 : vector<1x16xf32> to vector<16xf32>
        %mul3A_826 = arith.mulf %get3A_825, %select_n3A_819 : vector<16xf32>
        %mul3A_827 = arith.constant 16 : i32
        %mul3A_828 = arith.muli %scan3A_811, %mul3A_827 : i32
        %swap3A_829 = arith.index_cast %add3A_180 : i32 to index
        %swap3A_830 = arith.index_cast %mul3A_828 : i32 to index
        %swap3A_831 = tpu.vector_load %arg5[%swap3A_829, %swap3A_830] {strides = array<i32>} : memref<32x2048xf32, #tpu.memory_space<vmem>>, vector<1x16xf32>,
        %swap3A_832 = vector.shape_cast %swap3A_831 : vector<1x16xf32> to vector<16xf32>
        %swap3A_833 = vector.shape_cast %mul3A_826 : vector<16xf32> to vector<1x16xf32>
        tpu.vector_store %arg5[%swap3A_829, %swap3A_830], %swap3A_833 {strides = array<i32>} : memref<32x2048xf32, #tpu.memory_space<vmem>>, vector<1x16xf32>,
        %scan3A_834 = arith.constant 6 : i32
        %scan3A_835 = arith.addi %scan3A_694, %scan3A_834 : i32
        %mul3A_836 = arith.constant 16 : i32
        %mul3A_837 = arith.muli %scan3A_835, %mul3A_836 : i32
        %add3A_838 = vector.broadcast %mul3A_837 : i32 to vector<16xi32>
        %add3A_839 = arith.addi %iota3A, %add3A_838 : vector<16xi32>
        %ge3A_840 = arith.cmpi sge, %add3A_839, %broadcast_in_dim3A_175 : vector<16xi32>
        %le3A_841 = arith.cmpi sle, %add3A_839, %broadcast_in_dim3A_176 : vector<16xi32>
        %and3A_842 = arith.andi %ge3A_840, %le3A_841 : vector<16xi1>
        %select_n3A_843 = arith.select %and3A_842, %broadcast_in_dim3A_172, %broadcast_in_dim3A_174 : vector<16xi1>, vector<16xf32>
        %mul3A_844 = arith.constant 16 : i32
        %mul3A_845 = arith.muli %scan3A_835, %mul3A_844 : i32
        %get3A_846 = arith.index_cast %add3A_180 : i32 to index
        %get3A_847 = arith.index_cast %mul3A_845 : i32 to index
        %get3A_848 = tpu.vector_load %arg5[%get3A_846, %get3A_847] {strides = array<i32>} : memref<32x2048xf32, #tpu.memory_space<vmem>>, vector<1x16xf32>,
        %get3A_849 = vector.shape_cast %get3A_848 : vector<1x16xf32> to vector<16xf32>
        %mul3A_850 = arith.mulf %get3A_849, %select_n3A_843 : vector<16xf32>
        %mul3A_851 = arith.constant 16 : i32
        %mul3A_852 = arith.muli %scan3A_835, %mul3A_851 : i32
        %swap3A_853 = arith.index_cast %add3A_180 : i32 to index
        %swap3A_854 = arith.index_cast %mul3A_852 : i32 to index
        %swap3A_855 = tpu.vector_load %arg5[%swap3A_853, %swap3A_854] {strides = array<i32>} : memref<32x2048xf32, #tpu.memory_space<vmem>>, vector<1x16xf32>,
        %swap3A_856 = vector.shape_cast %swap3A_855 : vector<1x16xf32> to vector<16xf32>
        %swap3A_857 = vector.shape_cast %mul3A_850 : vector<16xf32> to vector<1x16xf32>
        tpu.vector_store %arg5[%swap3A_853, %swap3A_854], %swap3A_857 {strides = array<i32>} : memref<32x2048xf32, #tpu.memory_space<vmem>>, vector<1x16xf32>,
        %scan3A_858 = arith.constant 7 : i32
        %scan3A_859 = arith.addi %scan3A_694, %scan3A_858 : i32
        %mul3A_860 = arith.constant 16 : i32
        %mul3A_861 = arith.muli %scan3A_859, %mul3A_860 : i32
        %add3A_862 = vector.broadcast %mul3A_861 : i32 to vector<16xi32>
        %add3A_863 = arith.addi %iota3A, %add3A_862 : vector<16xi32>
        %ge3A_864 = arith.cmpi sge, %add3A_863, %broadcast_in_dim3A_175 : vector<16xi32>
        %le3A_865 = arith.cmpi sle, %add3A_863, %broadcast_in_dim3A_176 : vector<16xi32>
        %and3A_866 = arith.andi %ge3A_864, %le3A_865 : vector<16xi1>
        %select_n3A_867 = arith.select %and3A_866, %broadcast_in_dim3A_172, %broadcast_in_dim3A_174 : vector<16xi1>, vector<16xf32>
        %mul3A_868 = arith.constant 16 : i32
        %mul3A_869 = arith.muli %scan3A_859, %mul3A_868 : i32
        %get3A_870 = arith.index_cast %add3A_180 : i32 to index
        %get3A_871 = arith.index_cast %mul3A_869 : i32 to index
        %get3A_872 = tpu.vector_load %arg5[%get3A_870, %get3A_871] {strides = array<i32>} : memref<32x2048xf32, #tpu.memory_space<vmem>>, vector<1x16xf32>,
        %get3A_873 = vector.shape_cast %get3A_872 : vector<1x16xf32> to vector<16xf32>
        %mul3A_874 = arith.mulf %get3A_873, %select_n3A_867 : vector<16xf32>
        %mul3A_875 = arith.constant 16 : i32
        %mul3A_876 = arith.muli %scan3A_859, %mul3A_875 : i32
        %swap3A_877 = arith.index_cast %add3A_180 : i32 to index
        %swap3A_878 = arith.index_cast %mul3A_876 : i32 to index
        %swap3A_879 = tpu.vector_load %arg5[%swap3A_877, %swap3A_878] {strides = array<i32>} : memref<32x2048xf32, #tpu.memory_space<vmem>>, vector<1x16xf32>,
        %swap3A_880 = vector.shape_cast %swap3A_879 : vector<1x16xf32> to vector<16xf32>
        %swap3A_881 = vector.shape_cast %mul3A_874 : vector<16xf32> to vector<1x16xf32>
        tpu.vector_store %arg5[%swap3A_877, %swap3A_878], %swap3A_881 {strides = array<i32>} : memref<32x2048xf32, #tpu.memory_space<vmem>>, vector<1x16xf32>,
      }
      %scan3A_186 = arith.constant 128 : i32
      %add3A_187 = arith.constant 3 : i32
      %add3A_188 = arith.addi %add3A_78, %add3A_187 : i32
      %and3A_189 = arith.constant 2047 : i32
      %and3A_190 = arith.andi %add3A_188, %and3A_189 : i32
      %sub3A_191 = arith.constant 2047 : i32
      %sub3A_192 = arith.subi %sub3A_191, %and3A_190 : i32
      %min3A_193 = arith.minsi %and3A_190, %sub3A_192 : i32
      %lt3A_194 = arith.constant 1024 : i32
      %lt3A_195 = arith.cmpi slt, %and3A_190, %lt3A_194 : i32
      %jit3A_196 = arith.constant 0 : i32
      %jit3A_197 = arith.constant 1 : i32
      %select_n3A_198 = arith.select %lt3A_195, %jit3A_196, %jit3A_197 : i32
      %add3A_199 = arith.addi %min3A_193, %select_n3A_198 : i32
      %sub3A_200 = arith.constant 2047 : i32
      %sub3A_201 = arith.subi %sub3A_200, %min3A_193 : i32
      %convert_element_type3A_202 = arith.sitofp %min3A_193 : i32 to f32
      %mul3A_203 = arith.constant 3.125000e-02 : f32
      %mul3A_204 = arith.mulf %convert_element_type3A_202, %mul3A_203 : f32
      %add3A_205 = arith.addf %mul3A_204, %add3A_9 : f32
      %jit3A_206 = arith.constant 0.000000e+00 : f32
      %jit3A_207 = arith.constant 1.000000e+00 : f32
      %max3A_208 = arith.maximumf %jit3A_206, %add3A_205 : f32
      %min3A_209 = arith.minimumf %jit3A_207, %max3A_208 : f32
      %broadcast_in_dim3A_210 = vector.broadcast %min3A_209 : f32 to vector<16xf32>
      %broadcast_in_dim3A_211 = arith.constant 1.000000e+00 : f32
      %broadcast_in_dim3A_212 = vector.broadcast %broadcast_in_dim3A_211 : f32 to vector<16xf32>
      %broadcast_in_dim3A_213 = vector.broadcast %add3A_199 : i32 to vector<16xi32>
      %broadcast_in_dim3A_214 = vector.broadcast %sub3A_201 : i32 to vector<16xi32>
      %mul3A_215 = arith.constant 16 : i32
      %mul3A_216 = arith.muli %rem3A_58, %mul3A_215 : i32
      %add3A_217 = arith.constant 3 : i32
      %add3A_218 = arith.addi %mul3A_216, %add3A_217 : i32
      %scan3A_219 = arith.constant 0 : i32
      %scan3A_220 = arith.constant 0 : i32
      %scan3A_221 = arith.constant 128 : i32
      %scan3A_222 = arith.addi %scan3A_220, %scan3A_221 : i32
      %scan3A_223 = arith.constant 8 : i32
      scf.for %scan3A_694 = %scan3A_220 to %scan3A_222 step %scan3A_223  : i32 {
        %mul3A_695 = arith.constant 16 : i32
        %mul3A_696 = arith.muli %scan3A_694, %mul3A_695 : i32
        %add3A_697 = vector.broadcast %mul3A_696 : i32 to vector<16xi32>
        %add3A_698 = arith.addi %iota3A, %add3A_697 : vector<16xi32>
        %ge3A = arith.cmpi sge, %add3A_698, %broadcast_in_dim3A_213 : vector<16xi32>
        %le3A = arith.cmpi sle, %add3A_698, %broadcast_in_dim3A_214 : vector<16xi32>
        %and3A_699 = arith.andi %ge3A, %le3A : vector<16xi1>
        %select_n3A_700 = arith.select %and3A_699, %broadcast_in_dim3A_210, %broadcast_in_dim3A_212 : vector<16xi1>, vector<16xf32>
        %mul3A_701 = arith.constant 16 : i32
        %mul3A_702 = arith.muli %scan3A_694, %mul3A_701 : i32
        %get3A_703 = arith.index_cast %add3A_218 : i32 to index
        %get3A_704 = arith.index_cast %mul3A_702 : i32 to index
        %get3A_705 = tpu.vector_load %arg5[%get3A_703, %get3A_704] {strides = array<i32>} : memref<32x2048xf32, #tpu.memory_space<vmem>>, vector<1x16xf32>,
        %get3A_706 = vector.shape_cast %get3A_705 : vector<1x16xf32> to vector<16xf32>
        %mul3A_707 = arith.mulf %get3A_706, %select_n3A_700 : vector<16xf32>
        %mul3A_708 = arith.constant 16 : i32
        %mul3A_709 = arith.muli %scan3A_694, %mul3A_708 : i32
        %swap3A = arith.index_cast %add3A_218 : i32 to index
        %swap3A_710 = arith.index_cast %mul3A_709 : i32 to index
        %swap3A_711 = tpu.vector_load %arg5[%swap3A, %swap3A_710] {strides = array<i32>} : memref<32x2048xf32, #tpu.memory_space<vmem>>, vector<1x16xf32>,
        %swap3A_712 = vector.shape_cast %swap3A_711 : vector<1x16xf32> to vector<16xf32>
        %swap3A_713 = vector.shape_cast %mul3A_707 : vector<16xf32> to vector<1x16xf32>
        tpu.vector_store %arg5[%swap3A, %swap3A_710], %swap3A_713 {strides = array<i32>} : memref<32x2048xf32, #tpu.memory_space<vmem>>, vector<1x16xf32>,
        %scan3A_714 = arith.constant 1 : i32
        %scan3A_715 = arith.addi %scan3A_694, %scan3A_714 : i32
        %mul3A_716 = arith.constant 16 : i32
        %mul3A_717 = arith.muli %scan3A_715, %mul3A_716 : i32
        %add3A_718 = vector.broadcast %mul3A_717 : i32 to vector<16xi32>
        %add3A_719 = arith.addi %iota3A, %add3A_718 : vector<16xi32>
        %ge3A_720 = arith.cmpi sge, %add3A_719, %broadcast_in_dim3A_213 : vector<16xi32>
        %le3A_721 = arith.cmpi sle, %add3A_719, %broadcast_in_dim3A_214 : vector<16xi32>
        %and3A_722 = arith.andi %ge3A_720, %le3A_721 : vector<16xi1>
        %select_n3A_723 = arith.select %and3A_722, %broadcast_in_dim3A_210, %broadcast_in_dim3A_212 : vector<16xi1>, vector<16xf32>
        %mul3A_724 = arith.constant 16 : i32
        %mul3A_725 = arith.muli %scan3A_715, %mul3A_724 : i32
        %get3A_726 = arith.index_cast %add3A_218 : i32 to index
        %get3A_727 = arith.index_cast %mul3A_725 : i32 to index
        %get3A_728 = tpu.vector_load %arg5[%get3A_726, %get3A_727] {strides = array<i32>} : memref<32x2048xf32, #tpu.memory_space<vmem>>, vector<1x16xf32>,
        %get3A_729 = vector.shape_cast %get3A_728 : vector<1x16xf32> to vector<16xf32>
        %mul3A_730 = arith.mulf %get3A_729, %select_n3A_723 : vector<16xf32>
        %mul3A_731 = arith.constant 16 : i32
        %mul3A_732 = arith.muli %scan3A_715, %mul3A_731 : i32
        %swap3A_733 = arith.index_cast %add3A_218 : i32 to index
        %swap3A_734 = arith.index_cast %mul3A_732 : i32 to index
        %swap3A_735 = tpu.vector_load %arg5[%swap3A_733, %swap3A_734] {strides = array<i32>} : memref<32x2048xf32, #tpu.memory_space<vmem>>, vector<1x16xf32>,
        %swap3A_736 = vector.shape_cast %swap3A_735 : vector<1x16xf32> to vector<16xf32>
        %swap3A_737 = vector.shape_cast %mul3A_730 : vector<16xf32> to vector<1x16xf32>
        tpu.vector_store %arg5[%swap3A_733, %swap3A_734], %swap3A_737 {strides = array<i32>} : memref<32x2048xf32, #tpu.memory_space<vmem>>, vector<1x16xf32>,
        %scan3A_738 = arith.constant 2 : i32
        %scan3A_739 = arith.addi %scan3A_694, %scan3A_738 : i32
        %mul3A_740 = arith.constant 16 : i32
        %mul3A_741 = arith.muli %scan3A_739, %mul3A_740 : i32
        %add3A_742 = vector.broadcast %mul3A_741 : i32 to vector<16xi32>
        %add3A_743 = arith.addi %iota3A, %add3A_742 : vector<16xi32>
        %ge3A_744 = arith.cmpi sge, %add3A_743, %broadcast_in_dim3A_213 : vector<16xi32>
        %le3A_745 = arith.cmpi sle, %add3A_743, %broadcast_in_dim3A_214 : vector<16xi32>
        %and3A_746 = arith.andi %ge3A_744, %le3A_745 : vector<16xi1>
        %select_n3A_747 = arith.select %and3A_746, %broadcast_in_dim3A_210, %broadcast_in_dim3A_212 : vector<16xi1>, vector<16xf32>
        %mul3A_748 = arith.constant 16 : i32
        %mul3A_749 = arith.muli %scan3A_739, %mul3A_748 : i32
        %get3A_750 = arith.index_cast %add3A_218 : i32 to index
        %get3A_751 = arith.index_cast %mul3A_749 : i32 to index
        %get3A_752 = tpu.vector_load %arg5[%get3A_750, %get3A_751] {strides = array<i32>} : memref<32x2048xf32, #tpu.memory_space<vmem>>, vector<1x16xf32>,
        %get3A_753 = vector.shape_cast %get3A_752 : vector<1x16xf32> to vector<16xf32>
        %mul3A_754 = arith.mulf %get3A_753, %select_n3A_747 : vector<16xf32>
        %mul3A_755 = arith.constant 16 : i32
        %mul3A_756 = arith.muli %scan3A_739, %mul3A_755 : i32
        %swap3A_757 = arith.index_cast %add3A_218 : i32 to index
        %swap3A_758 = arith.index_cast %mul3A_756 : i32 to index
        %swap3A_759 = tpu.vector_load %arg5[%swap3A_757, %swap3A_758] {strides = array<i32>} : memref<32x2048xf32, #tpu.memory_space<vmem>>, vector<1x16xf32>,
        %swap3A_760 = vector.shape_cast %swap3A_759 : vector<1x16xf32> to vector<16xf32>
        %swap3A_761 = vector.shape_cast %mul3A_754 : vector<16xf32> to vector<1x16xf32>
        tpu.vector_store %arg5[%swap3A_757, %swap3A_758], %swap3A_761 {strides = array<i32>} : memref<32x2048xf32, #tpu.memory_space<vmem>>, vector<1x16xf32>,
        %scan3A_762 = arith.constant 3 : i32
        %scan3A_763 = arith.addi %scan3A_694, %scan3A_762 : i32
        %mul3A_764 = arith.constant 16 : i32
        %mul3A_765 = arith.muli %scan3A_763, %mul3A_764 : i32
        %add3A_766 = vector.broadcast %mul3A_765 : i32 to vector<16xi32>
        %add3A_767 = arith.addi %iota3A, %add3A_766 : vector<16xi32>
        %ge3A_768 = arith.cmpi sge, %add3A_767, %broadcast_in_dim3A_213 : vector<16xi32>
        %le3A_769 = arith.cmpi sle, %add3A_767, %broadcast_in_dim3A_214 : vector<16xi32>
        %and3A_770 = arith.andi %ge3A_768, %le3A_769 : vector<16xi1>
        %select_n3A_771 = arith.select %and3A_770, %broadcast_in_dim3A_210, %broadcast_in_dim3A_212 : vector<16xi1>, vector<16xf32>
        %mul3A_772 = arith.constant 16 : i32
        %mul3A_773 = arith.muli %scan3A_763, %mul3A_772 : i32
        %get3A_774 = arith.index_cast %add3A_218 : i32 to index
        %get3A_775 = arith.index_cast %mul3A_773 : i32 to index
        %get3A_776 = tpu.vector_load %arg5[%get3A_774, %get3A_775] {strides = array<i32>} : memref<32x2048xf32, #tpu.memory_space<vmem>>, vector<1x16xf32>,
        %get3A_777 = vector.shape_cast %get3A_776 : vector<1x16xf32> to vector<16xf32>
        %mul3A_778 = arith.mulf %get3A_777, %select_n3A_771 : vector<16xf32>
        %mul3A_779 = arith.constant 16 : i32
        %mul3A_780 = arith.muli %scan3A_763, %mul3A_779 : i32
        %swap3A_781 = arith.index_cast %add3A_218 : i32 to index
        %swap3A_782 = arith.index_cast %mul3A_780 : i32 to index
        %swap3A_783 = tpu.vector_load %arg5[%swap3A_781, %swap3A_782] {strides = array<i32>} : memref<32x2048xf32, #tpu.memory_space<vmem>>, vector<1x16xf32>,
        %swap3A_784 = vector.shape_cast %swap3A_783 : vector<1x16xf32> to vector<16xf32>
        %swap3A_785 = vector.shape_cast %mul3A_778 : vector<16xf32> to vector<1x16xf32>
        tpu.vector_store %arg5[%swap3A_781, %swap3A_782], %swap3A_785 {strides = array<i32>} : memref<32x2048xf32, #tpu.memory_space<vmem>>, vector<1x16xf32>,
        %scan3A_786 = arith.constant 4 : i32
        %scan3A_787 = arith.addi %scan3A_694, %scan3A_786 : i32
        %mul3A_788 = arith.constant 16 : i32
        %mul3A_789 = arith.muli %scan3A_787, %mul3A_788 : i32
        %add3A_790 = vector.broadcast %mul3A_789 : i32 to vector<16xi32>
        %add3A_791 = arith.addi %iota3A, %add3A_790 : vector<16xi32>
        %ge3A_792 = arith.cmpi sge, %add3A_791, %broadcast_in_dim3A_213 : vector<16xi32>
        %le3A_793 = arith.cmpi sle, %add3A_791, %broadcast_in_dim3A_214 : vector<16xi32>
        %and3A_794 = arith.andi %ge3A_792, %le3A_793 : vector<16xi1>
        %select_n3A_795 = arith.select %and3A_794, %broadcast_in_dim3A_210, %broadcast_in_dim3A_212 : vector<16xi1>, vector<16xf32>
        %mul3A_796 = arith.constant 16 : i32
        %mul3A_797 = arith.muli %scan3A_787, %mul3A_796 : i32
        %get3A_798 = arith.index_cast %add3A_218 : i32 to index
        %get3A_799 = arith.index_cast %mul3A_797 : i32 to index
        %get3A_800 = tpu.vector_load %arg5[%get3A_798, %get3A_799] {strides = array<i32>} : memref<32x2048xf32, #tpu.memory_space<vmem>>, vector<1x16xf32>,
        %get3A_801 = vector.shape_cast %get3A_800 : vector<1x16xf32> to vector<16xf32>
        %mul3A_802 = arith.mulf %get3A_801, %select_n3A_795 : vector<16xf32>
        %mul3A_803 = arith.constant 16 : i32
        %mul3A_804 = arith.muli %scan3A_787, %mul3A_803 : i32
        %swap3A_805 = arith.index_cast %add3A_218 : i32 to index
        %swap3A_806 = arith.index_cast %mul3A_804 : i32 to index
        %swap3A_807 = tpu.vector_load %arg5[%swap3A_805, %swap3A_806] {strides = array<i32>} : memref<32x2048xf32, #tpu.memory_space<vmem>>, vector<1x16xf32>,
        %swap3A_808 = vector.shape_cast %swap3A_807 : vector<1x16xf32> to vector<16xf32>
        %swap3A_809 = vector.shape_cast %mul3A_802 : vector<16xf32> to vector<1x16xf32>
        tpu.vector_store %arg5[%swap3A_805, %swap3A_806], %swap3A_809 {strides = array<i32>} : memref<32x2048xf32, #tpu.memory_space<vmem>>, vector<1x16xf32>,
        %scan3A_810 = arith.constant 5 : i32
        %scan3A_811 = arith.addi %scan3A_694, %scan3A_810 : i32
        %mul3A_812 = arith.constant 16 : i32
        %mul3A_813 = arith.muli %scan3A_811, %mul3A_812 : i32
        %add3A_814 = vector.broadcast %mul3A_813 : i32 to vector<16xi32>
        %add3A_815 = arith.addi %iota3A, %add3A_814 : vector<16xi32>
        %ge3A_816 = arith.cmpi sge, %add3A_815, %broadcast_in_dim3A_213 : vector<16xi32>
        %le3A_817 = arith.cmpi sle, %add3A_815, %broadcast_in_dim3A_214 : vector<16xi32>
        %and3A_818 = arith.andi %ge3A_816, %le3A_817 : vector<16xi1>
        %select_n3A_819 = arith.select %and3A_818, %broadcast_in_dim3A_210, %broadcast_in_dim3A_212 : vector<16xi1>, vector<16xf32>
        %mul3A_820 = arith.constant 16 : i32
        %mul3A_821 = arith.muli %scan3A_811, %mul3A_820 : i32
        %get3A_822 = arith.index_cast %add3A_218 : i32 to index
        %get3A_823 = arith.index_cast %mul3A_821 : i32 to index
        %get3A_824 = tpu.vector_load %arg5[%get3A_822, %get3A_823] {strides = array<i32>} : memref<32x2048xf32, #tpu.memory_space<vmem>>, vector<1x16xf32>,
        %get3A_825 = vector.shape_cast %get3A_824 : vector<1x16xf32> to vector<16xf32>
        %mul3A_826 = arith.mulf %get3A_825, %select_n3A_819 : vector<16xf32>
        %mul3A_827 = arith.constant 16 : i32
        %mul3A_828 = arith.muli %scan3A_811, %mul3A_827 : i32
        %swap3A_829 = arith.index_cast %add3A_218 : i32 to index
        %swap3A_830 = arith.index_cast %mul3A_828 : i32 to index
        %swap3A_831 = tpu.vector_load %arg5[%swap3A_829, %swap3A_830] {strides = array<i32>} : memref<32x2048xf32, #tpu.memory_space<vmem>>, vector<1x16xf32>,
        %swap3A_832 = vector.shape_cast %swap3A_831 : vector<1x16xf32> to vector<16xf32>
        %swap3A_833 = vector.shape_cast %mul3A_826 : vector<16xf32> to vector<1x16xf32>
        tpu.vector_store %arg5[%swap3A_829, %swap3A_830], %swap3A_833 {strides = array<i32>} : memref<32x2048xf32, #tpu.memory_space<vmem>>, vector<1x16xf32>,
        %scan3A_834 = arith.constant 6 : i32
        %scan3A_835 = arith.addi %scan3A_694, %scan3A_834 : i32
        %mul3A_836 = arith.constant 16 : i32
        %mul3A_837 = arith.muli %scan3A_835, %mul3A_836 : i32
        %add3A_838 = vector.broadcast %mul3A_837 : i32 to vector<16xi32>
        %add3A_839 = arith.addi %iota3A, %add3A_838 : vector<16xi32>
        %ge3A_840 = arith.cmpi sge, %add3A_839, %broadcast_in_dim3A_213 : vector<16xi32>
        %le3A_841 = arith.cmpi sle, %add3A_839, %broadcast_in_dim3A_214 : vector<16xi32>
        %and3A_842 = arith.andi %ge3A_840, %le3A_841 : vector<16xi1>
        %select_n3A_843 = arith.select %and3A_842, %broadcast_in_dim3A_210, %broadcast_in_dim3A_212 : vector<16xi1>, vector<16xf32>
        %mul3A_844 = arith.constant 16 : i32
        %mul3A_845 = arith.muli %scan3A_835, %mul3A_844 : i32
        %get3A_846 = arith.index_cast %add3A_218 : i32 to index
        %get3A_847 = arith.index_cast %mul3A_845 : i32 to index
        %get3A_848 = tpu.vector_load %arg5[%get3A_846, %get3A_847] {strides = array<i32>} : memref<32x2048xf32, #tpu.memory_space<vmem>>, vector<1x16xf32>,
        %get3A_849 = vector.shape_cast %get3A_848 : vector<1x16xf32> to vector<16xf32>
        %mul3A_850 = arith.mulf %get3A_849, %select_n3A_843 : vector<16xf32>
        %mul3A_851 = arith.constant 16 : i32
        %mul3A_852 = arith.muli %scan3A_835, %mul3A_851 : i32
        %swap3A_853 = arith.index_cast %add3A_218 : i32 to index
        %swap3A_854 = arith.index_cast %mul3A_852 : i32 to index
        %swap3A_855 = tpu.vector_load %arg5[%swap3A_853, %swap3A_854] {strides = array<i32>} : memref<32x2048xf32, #tpu.memory_space<vmem>>, vector<1x16xf32>,
        %swap3A_856 = vector.shape_cast %swap3A_855 : vector<1x16xf32> to vector<16xf32>
        %swap3A_857 = vector.shape_cast %mul3A_850 : vector<16xf32> to vector<1x16xf32>
        tpu.vector_store %arg5[%swap3A_853, %swap3A_854], %swap3A_857 {strides = array<i32>} : memref<32x2048xf32, #tpu.memory_space<vmem>>, vector<1x16xf32>,
        %scan3A_858 = arith.constant 7 : i32
        %scan3A_859 = arith.addi %scan3A_694, %scan3A_858 : i32
        %mul3A_860 = arith.constant 16 : i32
        %mul3A_861 = arith.muli %scan3A_859, %mul3A_860 : i32
        %add3A_862 = vector.broadcast %mul3A_861 : i32 to vector<16xi32>
        %add3A_863 = arith.addi %iota3A, %add3A_862 : vector<16xi32>
        %ge3A_864 = arith.cmpi sge, %add3A_863, %broadcast_in_dim3A_213 : vector<16xi32>
        %le3A_865 = arith.cmpi sle, %add3A_863, %broadcast_in_dim3A_214 : vector<16xi32>
        %and3A_866 = arith.andi %ge3A_864, %le3A_865 : vector<16xi1>
        %select_n3A_867 = arith.select %and3A_866, %broadcast_in_dim3A_210, %broadcast_in_dim3A_212 : vector<16xi1>, vector<16xf32>
        %mul3A_868 = arith.constant 16 : i32
        %mul3A_869 = arith.muli %scan3A_859, %mul3A_868 : i32
        %get3A_870 = arith.index_cast %add3A_218 : i32 to index
        %get3A_871 = arith.index_cast %mul3A_869 : i32 to index
        %get3A_872 = tpu.vector_load %arg5[%get3A_870, %get3A_871] {strides = array<i32>} : memref<32x2048xf32, #tpu.memory_space<vmem>>, vector<1x16xf32>,
        %get3A_873 = vector.shape_cast %get3A_872 : vector<1x16xf32> to vector<16xf32>
        %mul3A_874 = arith.mulf %get3A_873, %select_n3A_867 : vector<16xf32>
        %mul3A_875 = arith.constant 16 : i32
        %mul3A_876 = arith.muli %scan3A_859, %mul3A_875 : i32
        %swap3A_877 = arith.index_cast %add3A_218 : i32 to index
        %swap3A_878 = arith.index_cast %mul3A_876 : i32 to index
        %swap3A_879 = tpu.vector_load %arg5[%swap3A_877, %swap3A_878] {strides = array<i32>} : memref<32x2048xf32, #tpu.memory_space<vmem>>, vector<1x16xf32>,
        %swap3A_880 = vector.shape_cast %swap3A_879 : vector<1x16xf32> to vector<16xf32>
        %swap3A_881 = vector.shape_cast %mul3A_874 : vector<16xf32> to vector<1x16xf32>
        tpu.vector_store %arg5[%swap3A_877, %swap3A_878], %swap3A_881 {strides = array<i32>} : memref<32x2048xf32, #tpu.memory_space<vmem>>, vector<1x16xf32>,
      }
      %scan3A_224 = arith.constant 128 : i32
      %add3A_225 = arith.constant 4 : i32
      %add3A_226 = arith.addi %add3A_78, %add3A_225 : i32
      %and3A_227 = arith.constant 2047 : i32
      %and3A_228 = arith.andi %add3A_226, %and3A_227 : i32
      %sub3A_229 = arith.constant 2047 : i32
      %sub3A_230 = arith.subi %sub3A_229, %and3A_228 : i32
      %min3A_231 = arith.minsi %and3A_228, %sub3A_230 : i32
      %lt3A_232 = arith.constant 1024 : i32
      %lt3A_233 = arith.cmpi slt, %and3A_228, %lt3A_232 : i32
      %jit3A_234 = arith.constant 0 : i32
      %jit3A_235 = arith.constant 1 : i32
      %select_n3A_236 = arith.select %lt3A_233, %jit3A_234, %jit3A_235 : i32
      %add3A_237 = arith.addi %min3A_231, %select_n3A_236 : i32
      %sub3A_238 = arith.constant 2047 : i32
      %sub3A_239 = arith.subi %sub3A_238, %min3A_231 : i32
      %convert_element_type3A_240 = arith.sitofp %min3A_231 : i32 to f32
      %mul3A_241 = arith.constant 3.125000e-02 : f32
      %mul3A_242 = arith.mulf %convert_element_type3A_240, %mul3A_241 : f32
      %add3A_243 = arith.addf %mul3A_242, %add3A_9 : f32
      %jit3A_244 = arith.constant 0.000000e+00 : f32
      %jit3A_245 = arith.constant 1.000000e+00 : f32
      %max3A_246 = arith.maximumf %jit3A_244, %add3A_243 : f32
      %min3A_247 = arith.minimumf %jit3A_245, %max3A_246 : f32
      %broadcast_in_dim3A_248 = vector.broadcast %min3A_247 : f32 to vector<16xf32>
      %broadcast_in_dim3A_249 = arith.constant 1.000000e+00 : f32
      %broadcast_in_dim3A_250 = vector.broadcast %broadcast_in_dim3A_249 : f32 to vector<16xf32>
      %broadcast_in_dim3A_251 = vector.broadcast %add3A_237 : i32 to vector<16xi32>
      %broadcast_in_dim3A_252 = vector.broadcast %sub3A_239 : i32 to vector<16xi32>
      %mul3A_253 = arith.constant 16 : i32
      %mul3A_254 = arith.muli %rem3A_58, %mul3A_253 : i32
      %add3A_255 = arith.constant 4 : i32
      %add3A_256 = arith.addi %mul3A_254, %add3A_255 : i32
      %scan3A_257 = arith.constant 0 : i32
      %scan3A_258 = arith.constant 0 : i32
      %scan3A_259 = arith.constant 128 : i32
      %scan3A_260 = arith.addi %scan3A_258, %scan3A_259 : i32
      %scan3A_261 = arith.constant 8 : i32
      scf.for %scan3A_694 = %scan3A_258 to %scan3A_260 step %scan3A_261  : i32 {
        %mul3A_695 = arith.constant 16 : i32
        %mul3A_696 = arith.muli %scan3A_694, %mul3A_695 : i32
        %add3A_697 = vector.broadcast %mul3A_696 : i32 to vector<16xi32>
        %add3A_698 = arith.addi %iota3A, %add3A_697 : vector<16xi32>
        %ge3A = arith.cmpi sge, %add3A_698, %broadcast_in_dim3A_251 : vector<16xi32>
        %le3A = arith.cmpi sle, %add3A_698, %broadcast_in_dim3A_252 : vector<16xi32>
        %and3A_699 = arith.andi %ge3A, %le3A : vector<16xi1>
        %select_n3A_700 = arith.select %and3A_699, %broadcast_in_dim3A_248, %broadcast_in_dim3A_250 : vector<16xi1>, vector<16xf32>
        %mul3A_701 = arith.constant 16 : i32
        %mul3A_702 = arith.muli %scan3A_694, %mul3A_701 : i32
        %get3A_703 = arith.index_cast %add3A_256 : i32 to index
        %get3A_704 = arith.index_cast %mul3A_702 : i32 to index
        %get3A_705 = tpu.vector_load %arg5[%get3A_703, %get3A_704] {strides = array<i32>} : memref<32x2048xf32, #tpu.memory_space<vmem>>, vector<1x16xf32>,
        %get3A_706 = vector.shape_cast %get3A_705 : vector<1x16xf32> to vector<16xf32>
        %mul3A_707 = arith.mulf %get3A_706, %select_n3A_700 : vector<16xf32>
        %mul3A_708 = arith.constant 16 : i32
        %mul3A_709 = arith.muli %scan3A_694, %mul3A_708 : i32
        %swap3A = arith.index_cast %add3A_256 : i32 to index
        %swap3A_710 = arith.index_cast %mul3A_709 : i32 to index
        %swap3A_711 = tpu.vector_load %arg5[%swap3A, %swap3A_710] {strides = array<i32>} : memref<32x2048xf32, #tpu.memory_space<vmem>>, vector<1x16xf32>,
        %swap3A_712 = vector.shape_cast %swap3A_711 : vector<1x16xf32> to vector<16xf32>
        %swap3A_713 = vector.shape_cast %mul3A_707 : vector<16xf32> to vector<1x16xf32>
        tpu.vector_store %arg5[%swap3A, %swap3A_710], %swap3A_713 {strides = array<i32>} : memref<32x2048xf32, #tpu.memory_space<vmem>>, vector<1x16xf32>,
        %scan3A_714 = arith.constant 1 : i32
        %scan3A_715 = arith.addi %scan3A_694, %scan3A_714 : i32
        %mul3A_716 = arith.constant 16 : i32
        %mul3A_717 = arith.muli %scan3A_715, %mul3A_716 : i32
        %add3A_718 = vector.broadcast %mul3A_717 : i32 to vector<16xi32>
        %add3A_719 = arith.addi %iota3A, %add3A_718 : vector<16xi32>
        %ge3A_720 = arith.cmpi sge, %add3A_719, %broadcast_in_dim3A_251 : vector<16xi32>
        %le3A_721 = arith.cmpi sle, %add3A_719, %broadcast_in_dim3A_252 : vector<16xi32>
        %and3A_722 = arith.andi %ge3A_720, %le3A_721 : vector<16xi1>
        %select_n3A_723 = arith.select %and3A_722, %broadcast_in_dim3A_248, %broadcast_in_dim3A_250 : vector<16xi1>, vector<16xf32>
        %mul3A_724 = arith.constant 16 : i32
        %mul3A_725 = arith.muli %scan3A_715, %mul3A_724 : i32
        %get3A_726 = arith.index_cast %add3A_256 : i32 to index
        %get3A_727 = arith.index_cast %mul3A_725 : i32 to index
        %get3A_728 = tpu.vector_load %arg5[%get3A_726, %get3A_727] {strides = array<i32>} : memref<32x2048xf32, #tpu.memory_space<vmem>>, vector<1x16xf32>,
        %get3A_729 = vector.shape_cast %get3A_728 : vector<1x16xf32> to vector<16xf32>
        %mul3A_730 = arith.mulf %get3A_729, %select_n3A_723 : vector<16xf32>
        %mul3A_731 = arith.constant 16 : i32
        %mul3A_732 = arith.muli %scan3A_715, %mul3A_731 : i32
        %swap3A_733 = arith.index_cast %add3A_256 : i32 to index
        %swap3A_734 = arith.index_cast %mul3A_732 : i32 to index
        %swap3A_735 = tpu.vector_load %arg5[%swap3A_733, %swap3A_734] {strides = array<i32>} : memref<32x2048xf32, #tpu.memory_space<vmem>>, vector<1x16xf32>,
        %swap3A_736 = vector.shape_cast %swap3A_735 : vector<1x16xf32> to vector<16xf32>
        %swap3A_737 = vector.shape_cast %mul3A_730 : vector<16xf32> to vector<1x16xf32>
        tpu.vector_store %arg5[%swap3A_733, %swap3A_734], %swap3A_737 {strides = array<i32>} : memref<32x2048xf32, #tpu.memory_space<vmem>>, vector<1x16xf32>,
        %scan3A_738 = arith.constant 2 : i32
        %scan3A_739 = arith.addi %scan3A_694, %scan3A_738 : i32
        %mul3A_740 = arith.constant 16 : i32
        %mul3A_741 = arith.muli %scan3A_739, %mul3A_740 : i32
        %add3A_742 = vector.broadcast %mul3A_741 : i32 to vector<16xi32>
        %add3A_743 = arith.addi %iota3A, %add3A_742 : vector<16xi32>
        %ge3A_744 = arith.cmpi sge, %add3A_743, %broadcast_in_dim3A_251 : vector<16xi32>
        %le3A_745 = arith.cmpi sle, %add3A_743, %broadcast_in_dim3A_252 : vector<16xi32>
        %and3A_746 = arith.andi %ge3A_744, %le3A_745 : vector<16xi1>
        %select_n3A_747 = arith.select %and3A_746, %broadcast_in_dim3A_248, %broadcast_in_dim3A_250 : vector<16xi1>, vector<16xf32>
        %mul3A_748 = arith.constant 16 : i32
        %mul3A_749 = arith.muli %scan3A_739, %mul3A_748 : i32
        %get3A_750 = arith.index_cast %add3A_256 : i32 to index
        %get3A_751 = arith.index_cast %mul3A_749 : i32 to index
        %get3A_752 = tpu.vector_load %arg5[%get3A_750, %get3A_751] {strides = array<i32>} : memref<32x2048xf32, #tpu.memory_space<vmem>>, vector<1x16xf32>,
        %get3A_753 = vector.shape_cast %get3A_752 : vector<1x16xf32> to vector<16xf32>
        %mul3A_754 = arith.mulf %get3A_753, %select_n3A_747 : vector<16xf32>
        %mul3A_755 = arith.constant 16 : i32
        %mul3A_756 = arith.muli %scan3A_739, %mul3A_755 : i32
        %swap3A_757 = arith.index_cast %add3A_256 : i32 to index
        %swap3A_758 = arith.index_cast %mul3A_756 : i32 to index
        %swap3A_759 = tpu.vector_load %arg5[%swap3A_757, %swap3A_758] {strides = array<i32>} : memref<32x2048xf32, #tpu.memory_space<vmem>>, vector<1x16xf32>,
        %swap3A_760 = vector.shape_cast %swap3A_759 : vector<1x16xf32> to vector<16xf32>
        %swap3A_761 = vector.shape_cast %mul3A_754 : vector<16xf32> to vector<1x16xf32>
        tpu.vector_store %arg5[%swap3A_757, %swap3A_758], %swap3A_761 {strides = array<i32>} : memref<32x2048xf32, #tpu.memory_space<vmem>>, vector<1x16xf32>,
        %scan3A_762 = arith.constant 3 : i32
        %scan3A_763 = arith.addi %scan3A_694, %scan3A_762 : i32
        %mul3A_764 = arith.constant 16 : i32
        %mul3A_765 = arith.muli %scan3A_763, %mul3A_764 : i32
        %add3A_766 = vector.broadcast %mul3A_765 : i32 to vector<16xi32>
        %add3A_767 = arith.addi %iota3A, %add3A_766 : vector<16xi32>
        %ge3A_768 = arith.cmpi sge, %add3A_767, %broadcast_in_dim3A_251 : vector<16xi32>
        %le3A_769 = arith.cmpi sle, %add3A_767, %broadcast_in_dim3A_252 : vector<16xi32>
        %and3A_770 = arith.andi %ge3A_768, %le3A_769 : vector<16xi1>
        %select_n3A_771 = arith.select %and3A_770, %broadcast_in_dim3A_248, %broadcast_in_dim3A_250 : vector<16xi1>, vector<16xf32>
        %mul3A_772 = arith.constant 16 : i32
        %mul3A_773 = arith.muli %scan3A_763, %mul3A_772 : i32
        %get3A_774 = arith.index_cast %add3A_256 : i32 to index
        %get3A_775 = arith.index_cast %mul3A_773 : i32 to index
        %get3A_776 = tpu.vector_load %arg5[%get3A_774, %get3A_775] {strides = array<i32>} : memref<32x2048xf32, #tpu.memory_space<vmem>>, vector<1x16xf32>,
        %get3A_777 = vector.shape_cast %get3A_776 : vector<1x16xf32> to vector<16xf32>
        %mul3A_778 = arith.mulf %get3A_777, %select_n3A_771 : vector<16xf32>
        %mul3A_779 = arith.constant 16 : i32
        %mul3A_780 = arith.muli %scan3A_763, %mul3A_779 : i32
        %swap3A_781 = arith.index_cast %add3A_256 : i32 to index
        %swap3A_782 = arith.index_cast %mul3A_780 : i32 to index
        %swap3A_783 = tpu.vector_load %arg5[%swap3A_781, %swap3A_782] {strides = array<i32>} : memref<32x2048xf32, #tpu.memory_space<vmem>>, vector<1x16xf32>,
        %swap3A_784 = vector.shape_cast %swap3A_783 : vector<1x16xf32> to vector<16xf32>
        %swap3A_785 = vector.shape_cast %mul3A_778 : vector<16xf32> to vector<1x16xf32>
        tpu.vector_store %arg5[%swap3A_781, %swap3A_782], %swap3A_785 {strides = array<i32>} : memref<32x2048xf32, #tpu.memory_space<vmem>>, vector<1x16xf32>,
        %scan3A_786 = arith.constant 4 : i32
        %scan3A_787 = arith.addi %scan3A_694, %scan3A_786 : i32
        %mul3A_788 = arith.constant 16 : i32
        %mul3A_789 = arith.muli %scan3A_787, %mul3A_788 : i32
        %add3A_790 = vector.broadcast %mul3A_789 : i32 to vector<16xi32>
        %add3A_791 = arith.addi %iota3A, %add3A_790 : vector<16xi32>
        %ge3A_792 = arith.cmpi sge, %add3A_791, %broadcast_in_dim3A_251 : vector<16xi32>
        %le3A_793 = arith.cmpi sle, %add3A_791, %broadcast_in_dim3A_252 : vector<16xi32>
        %and3A_794 = arith.andi %ge3A_792, %le3A_793 : vector<16xi1>
        %select_n3A_795 = arith.select %and3A_794, %broadcast_in_dim3A_248, %broadcast_in_dim3A_250 : vector<16xi1>, vector<16xf32>
        %mul3A_796 = arith.constant 16 : i32
        %mul3A_797 = arith.muli %scan3A_787, %mul3A_796 : i32
        %get3A_798 = arith.index_cast %add3A_256 : i32 to index
        %get3A_799 = arith.index_cast %mul3A_797 : i32 to index
        %get3A_800 = tpu.vector_load %arg5[%get3A_798, %get3A_799] {strides = array<i32>} : memref<32x2048xf32, #tpu.memory_space<vmem>>, vector<1x16xf32>,
        %get3A_801 = vector.shape_cast %get3A_800 : vector<1x16xf32> to vector<16xf32>
        %mul3A_802 = arith.mulf %get3A_801, %select_n3A_795 : vector<16xf32>
        %mul3A_803 = arith.constant 16 : i32
        %mul3A_804 = arith.muli %scan3A_787, %mul3A_803 : i32
        %swap3A_805 = arith.index_cast %add3A_256 : i32 to index
        %swap3A_806 = arith.index_cast %mul3A_804 : i32 to index
        %swap3A_807 = tpu.vector_load %arg5[%swap3A_805, %swap3A_806] {strides = array<i32>} : memref<32x2048xf32, #tpu.memory_space<vmem>>, vector<1x16xf32>,
        %swap3A_808 = vector.shape_cast %swap3A_807 : vector<1x16xf32> to vector<16xf32>
        %swap3A_809 = vector.shape_cast %mul3A_802 : vector<16xf32> to vector<1x16xf32>
        tpu.vector_store %arg5[%swap3A_805, %swap3A_806], %swap3A_809 {strides = array<i32>} : memref<32x2048xf32, #tpu.memory_space<vmem>>, vector<1x16xf32>,
        %scan3A_810 = arith.constant 5 : i32
        %scan3A_811 = arith.addi %scan3A_694, %scan3A_810 : i32
        %mul3A_812 = arith.constant 16 : i32
        %mul3A_813 = arith.muli %scan3A_811, %mul3A_812 : i32
        %add3A_814 = vector.broadcast %mul3A_813 : i32 to vector<16xi32>
        %add3A_815 = arith.addi %iota3A, %add3A_814 : vector<16xi32>
        %ge3A_816 = arith.cmpi sge, %add3A_815, %broadcast_in_dim3A_251 : vector<16xi32>
        %le3A_817 = arith.cmpi sle, %add3A_815, %broadcast_in_dim3A_252 : vector<16xi32>
        %and3A_818 = arith.andi %ge3A_816, %le3A_817 : vector<16xi1>
        %select_n3A_819 = arith.select %and3A_818, %broadcast_in_dim3A_248, %broadcast_in_dim3A_250 : vector<16xi1>, vector<16xf32>
        %mul3A_820 = arith.constant 16 : i32
        %mul3A_821 = arith.muli %scan3A_811, %mul3A_820 : i32
        %get3A_822 = arith.index_cast %add3A_256 : i32 to index
        %get3A_823 = arith.index_cast %mul3A_821 : i32 to index
        %get3A_824 = tpu.vector_load %arg5[%get3A_822, %get3A_823] {strides = array<i32>} : memref<32x2048xf32, #tpu.memory_space<vmem>>, vector<1x16xf32>,
        %get3A_825 = vector.shape_cast %get3A_824 : vector<1x16xf32> to vector<16xf32>
        %mul3A_826 = arith.mulf %get3A_825, %select_n3A_819 : vector<16xf32>
        %mul3A_827 = arith.constant 16 : i32
        %mul3A_828 = arith.muli %scan3A_811, %mul3A_827 : i32
        %swap3A_829 = arith.index_cast %add3A_256 : i32 to index
        %swap3A_830 = arith.index_cast %mul3A_828 : i32 to index
        %swap3A_831 = tpu.vector_load %arg5[%swap3A_829, %swap3A_830] {strides = array<i32>} : memref<32x2048xf32, #tpu.memory_space<vmem>>, vector<1x16xf32>,
        %swap3A_832 = vector.shape_cast %swap3A_831 : vector<1x16xf32> to vector<16xf32>
        %swap3A_833 = vector.shape_cast %mul3A_826 : vector<16xf32> to vector<1x16xf32>
        tpu.vector_store %arg5[%swap3A_829, %swap3A_830], %swap3A_833 {strides = array<i32>} : memref<32x2048xf32, #tpu.memory_space<vmem>>, vector<1x16xf32>,
        %scan3A_834 = arith.constant 6 : i32
        %scan3A_835 = arith.addi %scan3A_694, %scan3A_834 : i32
        %mul3A_836 = arith.constant 16 : i32
        %mul3A_837 = arith.muli %scan3A_835, %mul3A_836 : i32
        %add3A_838 = vector.broadcast %mul3A_837 : i32 to vector<16xi32>
        %add3A_839 = arith.addi %iota3A, %add3A_838 : vector<16xi32>
        %ge3A_840 = arith.cmpi sge, %add3A_839, %broadcast_in_dim3A_251 : vector<16xi32>
        %le3A_841 = arith.cmpi sle, %add3A_839, %broadcast_in_dim3A_252 : vector<16xi32>
        %and3A_842 = arith.andi %ge3A_840, %le3A_841 : vector<16xi1>
        %select_n3A_843 = arith.select %and3A_842, %broadcast_in_dim3A_248, %broadcast_in_dim3A_250 : vector<16xi1>, vector<16xf32>
        %mul3A_844 = arith.constant 16 : i32
        %mul3A_845 = arith.muli %scan3A_835, %mul3A_844 : i32
        %get3A_846 = arith.index_cast %add3A_256 : i32 to index
        %get3A_847 = arith.index_cast %mul3A_845 : i32 to index
        %get3A_848 = tpu.vector_load %arg5[%get3A_846, %get3A_847] {strides = array<i32>} : memref<32x2048xf32, #tpu.memory_space<vmem>>, vector<1x16xf32>,
        %get3A_849 = vector.shape_cast %get3A_848 : vector<1x16xf32> to vector<16xf32>
        %mul3A_850 = arith.mulf %get3A_849, %select_n3A_843 : vector<16xf32>
        %mul3A_851 = arith.constant 16 : i32
        %mul3A_852 = arith.muli %scan3A_835, %mul3A_851 : i32
        %swap3A_853 = arith.index_cast %add3A_256 : i32 to index
        %swap3A_854 = arith.index_cast %mul3A_852 : i32 to index
        %swap3A_855 = tpu.vector_load %arg5[%swap3A_853, %swap3A_854] {strides = array<i32>} : memref<32x2048xf32, #tpu.memory_space<vmem>>, vector<1x16xf32>,
        %swap3A_856 = vector.shape_cast %swap3A_855 : vector<1x16xf32> to vector<16xf32>
        %swap3A_857 = vector.shape_cast %mul3A_850 : vector<16xf32> to vector<1x16xf32>
        tpu.vector_store %arg5[%swap3A_853, %swap3A_854], %swap3A_857 {strides = array<i32>} : memref<32x2048xf32, #tpu.memory_space<vmem>>, vector<1x16xf32>,
        %scan3A_858 = arith.constant 7 : i32
        %scan3A_859 = arith.addi %scan3A_694, %scan3A_858 : i32
        %mul3A_860 = arith.constant 16 : i32
        %mul3A_861 = arith.muli %scan3A_859, %mul3A_860 : i32
        %add3A_862 = vector.broadcast %mul3A_861 : i32 to vector<16xi32>
        %add3A_863 = arith.addi %iota3A, %add3A_862 : vector<16xi32>
        %ge3A_864 = arith.cmpi sge, %add3A_863, %broadcast_in_dim3A_251 : vector<16xi32>
        %le3A_865 = arith.cmpi sle, %add3A_863, %broadcast_in_dim3A_252 : vector<16xi32>
        %and3A_866 = arith.andi %ge3A_864, %le3A_865 : vector<16xi1>
        %select_n3A_867 = arith.select %and3A_866, %broadcast_in_dim3A_248, %broadcast_in_dim3A_250 : vector<16xi1>, vector<16xf32>
        %mul3A_868 = arith.constant 16 : i32
        %mul3A_869 = arith.muli %scan3A_859, %mul3A_868 : i32
        %get3A_870 = arith.index_cast %add3A_256 : i32 to index
        %get3A_871 = arith.index_cast %mul3A_869 : i32 to index
        %get3A_872 = tpu.vector_load %arg5[%get3A_870, %get3A_871] {strides = array<i32>} : memref<32x2048xf32, #tpu.memory_space<vmem>>, vector<1x16xf32>,
        %get3A_873 = vector.shape_cast %get3A_872 : vector<1x16xf32> to vector<16xf32>
        %mul3A_874 = arith.mulf %get3A_873, %select_n3A_867 : vector<16xf32>
        %mul3A_875 = arith.constant 16 : i32
        %mul3A_876 = arith.muli %scan3A_859, %mul3A_875 : i32
        %swap3A_877 = arith.index_cast %add3A_256 : i32 to index
        %swap3A_878 = arith.index_cast %mul3A_876 : i32 to index
        %swap3A_879 = tpu.vector_load %arg5[%swap3A_877, %swap3A_878] {strides = array<i32>} : memref<32x2048xf32, #tpu.memory_space<vmem>>, vector<1x16xf32>,
        %swap3A_880 = vector.shape_cast %swap3A_879 : vector<1x16xf32> to vector<16xf32>
        %swap3A_881 = vector.shape_cast %mul3A_874 : vector<16xf32> to vector<1x16xf32>
        tpu.vector_store %arg5[%swap3A_877, %swap3A_878], %swap3A_881 {strides = array<i32>} : memref<32x2048xf32, #tpu.memory_space<vmem>>, vector<1x16xf32>,
      }
      %scan3A_262 = arith.constant 128 : i32
      %add3A_263 = arith.constant 5 : i32
      %add3A_264 = arith.addi %add3A_78, %add3A_263 : i32
      %and3A_265 = arith.constant 2047 : i32
      %and3A_266 = arith.andi %add3A_264, %and3A_265 : i32
      %sub3A_267 = arith.constant 2047 : i32
      %sub3A_268 = arith.subi %sub3A_267, %and3A_266 : i32
      %min3A_269 = arith.minsi %and3A_266, %sub3A_268 : i32
      %lt3A_270 = arith.constant 1024 : i32
      %lt3A_271 = arith.cmpi slt, %and3A_266, %lt3A_270 : i32
      %jit3A_272 = arith.constant 0 : i32
      %jit3A_273 = arith.constant 1 : i32
      %select_n3A_274 = arith.select %lt3A_271, %jit3A_272, %jit3A_273 : i32
      %add3A_275 = arith.addi %min3A_269, %select_n3A_274 : i32
      %sub3A_276 = arith.constant 2047 : i32
      %sub3A_277 = arith.subi %sub3A_276, %min3A_269 : i32
      %convert_element_type3A_278 = arith.sitofp %min3A_269 : i32 to f32
      %mul3A_279 = arith.constant 3.125000e-02 : f32
      %mul3A_280 = arith.mulf %convert_element_type3A_278, %mul3A_279 : f32
      %add3A_281 = arith.addf %mul3A_280, %add3A_9 : f32
      %jit3A_282 = arith.constant 0.000000e+00 : f32
      %jit3A_283 = arith.constant 1.000000e+00 : f32
      %max3A_284 = arith.maximumf %jit3A_282, %add3A_281 : f32
      %min3A_285 = arith.minimumf %jit3A_283, %max3A_284 : f32
      %broadcast_in_dim3A_286 = vector.broadcast %min3A_285 : f32 to vector<16xf32>
      %broadcast_in_dim3A_287 = arith.constant 1.000000e+00 : f32
      %broadcast_in_dim3A_288 = vector.broadcast %broadcast_in_dim3A_287 : f32 to vector<16xf32>
      %broadcast_in_dim3A_289 = vector.broadcast %add3A_275 : i32 to vector<16xi32>
      %broadcast_in_dim3A_290 = vector.broadcast %sub3A_277 : i32 to vector<16xi32>
      %mul3A_291 = arith.constant 16 : i32
      %mul3A_292 = arith.muli %rem3A_58, %mul3A_291 : i32
      %add3A_293 = arith.constant 5 : i32
      %add3A_294 = arith.addi %mul3A_292, %add3A_293 : i32
      %scan3A_295 = arith.constant 0 : i32
      %scan3A_296 = arith.constant 0 : i32
      %scan3A_297 = arith.constant 128 : i32
      %scan3A_298 = arith.addi %scan3A_296, %scan3A_297 : i32
      %scan3A_299 = arith.constant 8 : i32
      scf.for %scan3A_694 = %scan3A_296 to %scan3A_298 step %scan3A_299  : i32 {
        %mul3A_695 = arith.constant 16 : i32
        %mul3A_696 = arith.muli %scan3A_694, %mul3A_695 : i32
        %add3A_697 = vector.broadcast %mul3A_696 : i32 to vector<16xi32>
        %add3A_698 = arith.addi %iota3A, %add3A_697 : vector<16xi32>
        %ge3A = arith.cmpi sge, %add3A_698, %broadcast_in_dim3A_289 : vector<16xi32>
        %le3A = arith.cmpi sle, %add3A_698, %broadcast_in_dim3A_290 : vector<16xi32>
        %and3A_699 = arith.andi %ge3A, %le3A : vector<16xi1>
        %select_n3A_700 = arith.select %and3A_699, %broadcast_in_dim3A_286, %broadcast_in_dim3A_288 : vector<16xi1>, vector<16xf32>
        %mul3A_701 = arith.constant 16 : i32
        %mul3A_702 = arith.muli %scan3A_694, %mul3A_701 : i32
        %get3A_703 = arith.index_cast %add3A_294 : i32 to index
        %get3A_704 = arith.index_cast %mul3A_702 : i32 to index
        %get3A_705 = tpu.vector_load %arg5[%get3A_703, %get3A_704] {strides = array<i32>} : memref<32x2048xf32, #tpu.memory_space<vmem>>, vector<1x16xf32>,
        %get3A_706 = vector.shape_cast %get3A_705 : vector<1x16xf32> to vector<16xf32>
        %mul3A_707 = arith.mulf %get3A_706, %select_n3A_700 : vector<16xf32>
        %mul3A_708 = arith.constant 16 : i32
        %mul3A_709 = arith.muli %scan3A_694, %mul3A_708 : i32
        %swap3A = arith.index_cast %add3A_294 : i32 to index
        %swap3A_710 = arith.index_cast %mul3A_709 : i32 to index
        %swap3A_711 = tpu.vector_load %arg5[%swap3A, %swap3A_710] {strides = array<i32>} : memref<32x2048xf32, #tpu.memory_space<vmem>>, vector<1x16xf32>,
        %swap3A_712 = vector.shape_cast %swap3A_711 : vector<1x16xf32> to vector<16xf32>
        %swap3A_713 = vector.shape_cast %mul3A_707 : vector<16xf32> to vector<1x16xf32>
        tpu.vector_store %arg5[%swap3A, %swap3A_710], %swap3A_713 {strides = array<i32>} : memref<32x2048xf32, #tpu.memory_space<vmem>>, vector<1x16xf32>,
        %scan3A_714 = arith.constant 1 : i32
        %scan3A_715 = arith.addi %scan3A_694, %scan3A_714 : i32
        %mul3A_716 = arith.constant 16 : i32
        %mul3A_717 = arith.muli %scan3A_715, %mul3A_716 : i32
        %add3A_718 = vector.broadcast %mul3A_717 : i32 to vector<16xi32>
        %add3A_719 = arith.addi %iota3A, %add3A_718 : vector<16xi32>
        %ge3A_720 = arith.cmpi sge, %add3A_719, %broadcast_in_dim3A_289 : vector<16xi32>
        %le3A_721 = arith.cmpi sle, %add3A_719, %broadcast_in_dim3A_290 : vector<16xi32>
        %and3A_722 = arith.andi %ge3A_720, %le3A_721 : vector<16xi1>
        %select_n3A_723 = arith.select %and3A_722, %broadcast_in_dim3A_286, %broadcast_in_dim3A_288 : vector<16xi1>, vector<16xf32>
        %mul3A_724 = arith.constant 16 : i32
        %mul3A_725 = arith.muli %scan3A_715, %mul3A_724 : i32
        %get3A_726 = arith.index_cast %add3A_294 : i32 to index
        %get3A_727 = arith.index_cast %mul3A_725 : i32 to index
        %get3A_728 = tpu.vector_load %arg5[%get3A_726, %get3A_727] {strides = array<i32>} : memref<32x2048xf32, #tpu.memory_space<vmem>>, vector<1x16xf32>,
        %get3A_729 = vector.shape_cast %get3A_728 : vector<1x16xf32> to vector<16xf32>
        %mul3A_730 = arith.mulf %get3A_729, %select_n3A_723 : vector<16xf32>
        %mul3A_731 = arith.constant 16 : i32
        %mul3A_732 = arith.muli %scan3A_715, %mul3A_731 : i32
        %swap3A_733 = arith.index_cast %add3A_294 : i32 to index
        %swap3A_734 = arith.index_cast %mul3A_732 : i32 to index
        %swap3A_735 = tpu.vector_load %arg5[%swap3A_733, %swap3A_734] {strides = array<i32>} : memref<32x2048xf32, #tpu.memory_space<vmem>>, vector<1x16xf32>,
        %swap3A_736 = vector.shape_cast %swap3A_735 : vector<1x16xf32> to vector<16xf32>
        %swap3A_737 = vector.shape_cast %mul3A_730 : vector<16xf32> to vector<1x16xf32>
        tpu.vector_store %arg5[%swap3A_733, %swap3A_734], %swap3A_737 {strides = array<i32>} : memref<32x2048xf32, #tpu.memory_space<vmem>>, vector<1x16xf32>,
        %scan3A_738 = arith.constant 2 : i32
        %scan3A_739 = arith.addi %scan3A_694, %scan3A_738 : i32
        %mul3A_740 = arith.constant 16 : i32
        %mul3A_741 = arith.muli %scan3A_739, %mul3A_740 : i32
        %add3A_742 = vector.broadcast %mul3A_741 : i32 to vector<16xi32>
        %add3A_743 = arith.addi %iota3A, %add3A_742 : vector<16xi32>
        %ge3A_744 = arith.cmpi sge, %add3A_743, %broadcast_in_dim3A_289 : vector<16xi32>
        %le3A_745 = arith.cmpi sle, %add3A_743, %broadcast_in_dim3A_290 : vector<16xi32>
        %and3A_746 = arith.andi %ge3A_744, %le3A_745 : vector<16xi1>
        %select_n3A_747 = arith.select %and3A_746, %broadcast_in_dim3A_286, %broadcast_in_dim3A_288 : vector<16xi1>, vector<16xf32>
        %mul3A_748 = arith.constant 16 : i32
        %mul3A_749 = arith.muli %scan3A_739, %mul3A_748 : i32
        %get3A_750 = arith.index_cast %add3A_294 : i32 to index
        %get3A_751 = arith.index_cast %mul3A_749 : i32 to index
        %get3A_752 = tpu.vector_load %arg5[%get3A_750, %get3A_751] {strides = array<i32>} : memref<32x2048xf32, #tpu.memory_space<vmem>>, vector<1x16xf32>,
        %get3A_753 = vector.shape_cast %get3A_752 : vector<1x16xf32> to vector<16xf32>
        %mul3A_754 = arith.mulf %get3A_753, %select_n3A_747 : vector<16xf32>
        %mul3A_755 = arith.constant 16 : i32
        %mul3A_756 = arith.muli %scan3A_739, %mul3A_755 : i32
        %swap3A_757 = arith.index_cast %add3A_294 : i32 to index
        %swap3A_758 = arith.index_cast %mul3A_756 : i32 to index
        %swap3A_759 = tpu.vector_load %arg5[%swap3A_757, %swap3A_758] {strides = array<i32>} : memref<32x2048xf32, #tpu.memory_space<vmem>>, vector<1x16xf32>,
        %swap3A_760 = vector.shape_cast %swap3A_759 : vector<1x16xf32> to vector<16xf32>
        %swap3A_761 = vector.shape_cast %mul3A_754 : vector<16xf32> to vector<1x16xf32>
        tpu.vector_store %arg5[%swap3A_757, %swap3A_758], %swap3A_761 {strides = array<i32>} : memref<32x2048xf32, #tpu.memory_space<vmem>>, vector<1x16xf32>,
        %scan3A_762 = arith.constant 3 : i32
        %scan3A_763 = arith.addi %scan3A_694, %scan3A_762 : i32
        %mul3A_764 = arith.constant 16 : i32
        %mul3A_765 = arith.muli %scan3A_763, %mul3A_764 : i32
        %add3A_766 = vector.broadcast %mul3A_765 : i32 to vector<16xi32>
        %add3A_767 = arith.addi %iota3A, %add3A_766 : vector<16xi32>
        %ge3A_768 = arith.cmpi sge, %add3A_767, %broadcast_in_dim3A_289 : vector<16xi32>
        %le3A_769 = arith.cmpi sle, %add3A_767, %broadcast_in_dim3A_290 : vector<16xi32>
        %and3A_770 = arith.andi %ge3A_768, %le3A_769 : vector<16xi1>
        %select_n3A_771 = arith.select %and3A_770, %broadcast_in_dim3A_286, %broadcast_in_dim3A_288 : vector<16xi1>, vector<16xf32>
        %mul3A_772 = arith.constant 16 : i32
        %mul3A_773 = arith.muli %scan3A_763, %mul3A_772 : i32
        %get3A_774 = arith.index_cast %add3A_294 : i32 to index
        %get3A_775 = arith.index_cast %mul3A_773 : i32 to index
        %get3A_776 = tpu.vector_load %arg5[%get3A_774, %get3A_775] {strides = array<i32>} : memref<32x2048xf32, #tpu.memory_space<vmem>>, vector<1x16xf32>,
        %get3A_777 = vector.shape_cast %get3A_776 : vector<1x16xf32> to vector<16xf32>
        %mul3A_778 = arith.mulf %get3A_777, %select_n3A_771 : vector<16xf32>
        %mul3A_779 = arith.constant 16 : i32
        %mul3A_780 = arith.muli %scan3A_763, %mul3A_779 : i32
        %swap3A_781 = arith.index_cast %add3A_294 : i32 to index
        %swap3A_782 = arith.index_cast %mul3A_780 : i32 to index
        %swap3A_783 = tpu.vector_load %arg5[%swap3A_781, %swap3A_782] {strides = array<i32>} : memref<32x2048xf32, #tpu.memory_space<vmem>>, vector<1x16xf32>,
        %swap3A_784 = vector.shape_cast %swap3A_783 : vector<1x16xf32> to vector<16xf32>
        %swap3A_785 = vector.shape_cast %mul3A_778 : vector<16xf32> to vector<1x16xf32>
        tpu.vector_store %arg5[%swap3A_781, %swap3A_782], %swap3A_785 {strides = array<i32>} : memref<32x2048xf32, #tpu.memory_space<vmem>>, vector<1x16xf32>,
        %scan3A_786 = arith.constant 4 : i32
        %scan3A_787 = arith.addi %scan3A_694, %scan3A_786 : i32
        %mul3A_788 = arith.constant 16 : i32
        %mul3A_789 = arith.muli %scan3A_787, %mul3A_788 : i32
        %add3A_790 = vector.broadcast %mul3A_789 : i32 to vector<16xi32>
        %add3A_791 = arith.addi %iota3A, %add3A_790 : vector<16xi32>
        %ge3A_792 = arith.cmpi sge, %add3A_791, %broadcast_in_dim3A_289 : vector<16xi32>
        %le3A_793 = arith.cmpi sle, %add3A_791, %broadcast_in_dim3A_290 : vector<16xi32>
        %and3A_794 = arith.andi %ge3A_792, %le3A_793 : vector<16xi1>
        %select_n3A_795 = arith.select %and3A_794, %broadcast_in_dim3A_286, %broadcast_in_dim3A_288 : vector<16xi1>, vector<16xf32>
        %mul3A_796 = arith.constant 16 : i32
        %mul3A_797 = arith.muli %scan3A_787, %mul3A_796 : i32
        %get3A_798 = arith.index_cast %add3A_294 : i32 to index
        %get3A_799 = arith.index_cast %mul3A_797 : i32 to index
        %get3A_800 = tpu.vector_load %arg5[%get3A_798, %get3A_799] {strides = array<i32>} : memref<32x2048xf32, #tpu.memory_space<vmem>>, vector<1x16xf32>,
        %get3A_801 = vector.shape_cast %get3A_800 : vector<1x16xf32> to vector<16xf32>
        %mul3A_802 = arith.mulf %get3A_801, %select_n3A_795 : vector<16xf32>
        %mul3A_803 = arith.constant 16 : i32
        %mul3A_804 = arith.muli %scan3A_787, %mul3A_803 : i32
        %swap3A_805 = arith.index_cast %add3A_294 : i32 to index
        %swap3A_806 = arith.index_cast %mul3A_804 : i32 to index
        %swap3A_807 = tpu.vector_load %arg5[%swap3A_805, %swap3A_806] {strides = array<i32>} : memref<32x2048xf32, #tpu.memory_space<vmem>>, vector<1x16xf32>,
        %swap3A_808 = vector.shape_cast %swap3A_807 : vector<1x16xf32> to vector<16xf32>
        %swap3A_809 = vector.shape_cast %mul3A_802 : vector<16xf32> to vector<1x16xf32>
        tpu.vector_store %arg5[%swap3A_805, %swap3A_806], %swap3A_809 {strides = array<i32>} : memref<32x2048xf32, #tpu.memory_space<vmem>>, vector<1x16xf32>,
        %scan3A_810 = arith.constant 5 : i32
        %scan3A_811 = arith.addi %scan3A_694, %scan3A_810 : i32
        %mul3A_812 = arith.constant 16 : i32
        %mul3A_813 = arith.muli %scan3A_811, %mul3A_812 : i32
        %add3A_814 = vector.broadcast %mul3A_813 : i32 to vector<16xi32>
        %add3A_815 = arith.addi %iota3A, %add3A_814 : vector<16xi32>
        %ge3A_816 = arith.cmpi sge, %add3A_815, %broadcast_in_dim3A_289 : vector<16xi32>
        %le3A_817 = arith.cmpi sle, %add3A_815, %broadcast_in_dim3A_290 : vector<16xi32>
        %and3A_818 = arith.andi %ge3A_816, %le3A_817 : vector<16xi1>
        %select_n3A_819 = arith.select %and3A_818, %broadcast_in_dim3A_286, %broadcast_in_dim3A_288 : vector<16xi1>, vector<16xf32>
        %mul3A_820 = arith.constant 16 : i32
        %mul3A_821 = arith.muli %scan3A_811, %mul3A_820 : i32
        %get3A_822 = arith.index_cast %add3A_294 : i32 to index
        %get3A_823 = arith.index_cast %mul3A_821 : i32 to index
        %get3A_824 = tpu.vector_load %arg5[%get3A_822, %get3A_823] {strides = array<i32>} : memref<32x2048xf32, #tpu.memory_space<vmem>>, vector<1x16xf32>,
        %get3A_825 = vector.shape_cast %get3A_824 : vector<1x16xf32> to vector<16xf32>
        %mul3A_826 = arith.mulf %get3A_825, %select_n3A_819 : vector<16xf32>
        %mul3A_827 = arith.constant 16 : i32
        %mul3A_828 = arith.muli %scan3A_811, %mul3A_827 : i32
        %swap3A_829 = arith.index_cast %add3A_294 : i32 to index
        %swap3A_830 = arith.index_cast %mul3A_828 : i32 to index
        %swap3A_831 = tpu.vector_load %arg5[%swap3A_829, %swap3A_830] {strides = array<i32>} : memref<32x2048xf32, #tpu.memory_space<vmem>>, vector<1x16xf32>,
        %swap3A_832 = vector.shape_cast %swap3A_831 : vector<1x16xf32> to vector<16xf32>
        %swap3A_833 = vector.shape_cast %mul3A_826 : vector<16xf32> to vector<1x16xf32>
        tpu.vector_store %arg5[%swap3A_829, %swap3A_830], %swap3A_833 {strides = array<i32>} : memref<32x2048xf32, #tpu.memory_space<vmem>>, vector<1x16xf32>,
        %scan3A_834 = arith.constant 6 : i32
        %scan3A_835 = arith.addi %scan3A_694, %scan3A_834 : i32
        %mul3A_836 = arith.constant 16 : i32
        %mul3A_837 = arith.muli %scan3A_835, %mul3A_836 : i32
        %add3A_838 = vector.broadcast %mul3A_837 : i32 to vector<16xi32>
        %add3A_839 = arith.addi %iota3A, %add3A_838 : vector<16xi32>
        %ge3A_840 = arith.cmpi sge, %add3A_839, %broadcast_in_dim3A_289 : vector<16xi32>
        %le3A_841 = arith.cmpi sle, %add3A_839, %broadcast_in_dim3A_290 : vector<16xi32>
        %and3A_842 = arith.andi %ge3A_840, %le3A_841 : vector<16xi1>
        %select_n3A_843 = arith.select %and3A_842, %broadcast_in_dim3A_286, %broadcast_in_dim3A_288 : vector<16xi1>, vector<16xf32>
        %mul3A_844 = arith.constant 16 : i32
        %mul3A_845 = arith.muli %scan3A_835, %mul3A_844 : i32
        %get3A_846 = arith.index_cast %add3A_294 : i32 to index
        %get3A_847 = arith.index_cast %mul3A_845 : i32 to index
        %get3A_848 = tpu.vector_load %arg5[%get3A_846, %get3A_847] {strides = array<i32>} : memref<32x2048xf32, #tpu.memory_space<vmem>>, vector<1x16xf32>,
        %get3A_849 = vector.shape_cast %get3A_848 : vector<1x16xf32> to vector<16xf32>
        %mul3A_850 = arith.mulf %get3A_849, %select_n3A_843 : vector<16xf32>
        %mul3A_851 = arith.constant 16 : i32
        %mul3A_852 = arith.muli %scan3A_835, %mul3A_851 : i32
        %swap3A_853 = arith.index_cast %add3A_294 : i32 to index
        %swap3A_854 = arith.index_cast %mul3A_852 : i32 to index
        %swap3A_855 = tpu.vector_load %arg5[%swap3A_853, %swap3A_854] {strides = array<i32>} : memref<32x2048xf32, #tpu.memory_space<vmem>>, vector<1x16xf32>,
        %swap3A_856 = vector.shape_cast %swap3A_855 : vector<1x16xf32> to vector<16xf32>
        %swap3A_857 = vector.shape_cast %mul3A_850 : vector<16xf32> to vector<1x16xf32>
        tpu.vector_store %arg5[%swap3A_853, %swap3A_854], %swap3A_857 {strides = array<i32>} : memref<32x2048xf32, #tpu.memory_space<vmem>>, vector<1x16xf32>,
        %scan3A_858 = arith.constant 7 : i32
        %scan3A_859 = arith.addi %scan3A_694, %scan3A_858 : i32
        %mul3A_860 = arith.constant 16 : i32
        %mul3A_861 = arith.muli %scan3A_859, %mul3A_860 : i32
        %add3A_862 = vector.broadcast %mul3A_861 : i32 to vector<16xi32>
        %add3A_863 = arith.addi %iota3A, %add3A_862 : vector<16xi32>
        %ge3A_864 = arith.cmpi sge, %add3A_863, %broadcast_in_dim3A_289 : vector<16xi32>
        %le3A_865 = arith.cmpi sle, %add3A_863, %broadcast_in_dim3A_290 : vector<16xi32>
        %and3A_866 = arith.andi %ge3A_864, %le3A_865 : vector<16xi1>
        %select_n3A_867 = arith.select %and3A_866, %broadcast_in_dim3A_286, %broadcast_in_dim3A_288 : vector<16xi1>, vector<16xf32>
        %mul3A_868 = arith.constant 16 : i32
        %mul3A_869 = arith.muli %scan3A_859, %mul3A_868 : i32
        %get3A_870 = arith.index_cast %add3A_294 : i32 to index
        %get3A_871 = arith.index_cast %mul3A_869 : i32 to index
        %get3A_872 = tpu.vector_load %arg5[%get3A_870, %get3A_871] {strides = array<i32>} : memref<32x2048xf32, #tpu.memory_space<vmem>>, vector<1x16xf32>,
        %get3A_873 = vector.shape_cast %get3A_872 : vector<1x16xf32> to vector<16xf32>
        %mul3A_874 = arith.mulf %get3A_873, %select_n3A_867 : vector<16xf32>
        %mul3A_875 = arith.constant 16 : i32
        %mul3A_876 = arith.muli %scan3A_859, %mul3A_875 : i32
        %swap3A_877 = arith.index_cast %add3A_294 : i32 to index
        %swap3A_878 = arith.index_cast %mul3A_876 : i32 to index
        %swap3A_879 = tpu.vector_load %arg5[%swap3A_877, %swap3A_878] {strides = array<i32>} : memref<32x2048xf32, #tpu.memory_space<vmem>>, vector<1x16xf32>,
        %swap3A_880 = vector.shape_cast %swap3A_879 : vector<1x16xf32> to vector<16xf32>
        %swap3A_881 = vector.shape_cast %mul3A_874 : vector<16xf32> to vector<1x16xf32>
        tpu.vector_store %arg5[%swap3A_877, %swap3A_878], %swap3A_881 {strides = array<i32>} : memref<32x2048xf32, #tpu.memory_space<vmem>>, vector<1x16xf32>,
      }
      %scan3A_300 = arith.constant 128 : i32
      %add3A_301 = arith.constant 6 : i32
      %add3A_302 = arith.addi %add3A_78, %add3A_301 : i32
      %and3A_303 = arith.constant 2047 : i32
      %and3A_304 = arith.andi %add3A_302, %and3A_303 : i32
      %sub3A_305 = arith.constant 2047 : i32
      %sub3A_306 = arith.subi %sub3A_305, %and3A_304 : i32
      %min3A_307 = arith.minsi %and3A_304, %sub3A_306 : i32
      %lt3A_308 = arith.constant 1024 : i32
      %lt3A_309 = arith.cmpi slt, %and3A_304, %lt3A_308 : i32
      %jit3A_310 = arith.constant 0 : i32
      %jit3A_311 = arith.constant 1 : i32
      %select_n3A_312 = arith.select %lt3A_309, %jit3A_310, %jit3A_311 : i32
      %add3A_313 = arith.addi %min3A_307, %select_n3A_312 : i32
      %sub3A_314 = arith.constant 2047 : i32
      %sub3A_315 = arith.subi %sub3A_314, %min3A_307 : i32
      %convert_element_type3A_316 = arith.sitofp %min3A_307 : i32 to f32
      %mul3A_317 = arith.constant 3.125000e-02 : f32
      %mul3A_318 = arith.mulf %convert_element_type3A_316, %mul3A_317 : f32
      %add3A_319 = arith.addf %mul3A_318, %add3A_9 : f32
      %jit3A_320 = arith.constant 0.000000e+00 : f32
      %jit3A_321 = arith.constant 1.000000e+00 : f32
      %max3A_322 = arith.maximumf %jit3A_320, %add3A_319 : f32
      %min3A_323 = arith.minimumf %jit3A_321, %max3A_322 : f32
      %broadcast_in_dim3A_324 = vector.broadcast %min3A_323 : f32 to vector<16xf32>
      %broadcast_in_dim3A_325 = arith.constant 1.000000e+00 : f32
      %broadcast_in_dim3A_326 = vector.broadcast %broadcast_in_dim3A_325 : f32 to vector<16xf32>
      %broadcast_in_dim3A_327 = vector.broadcast %add3A_313 : i32 to vector<16xi32>
      %broadcast_in_dim3A_328 = vector.broadcast %sub3A_315 : i32 to vector<16xi32>
      %mul3A_329 = arith.constant 16 : i32
      %mul3A_330 = arith.muli %rem3A_58, %mul3A_329 : i32
      %add3A_331 = arith.constant 6 : i32
      %add3A_332 = arith.addi %mul3A_330, %add3A_331 : i32
      %scan3A_333 = arith.constant 0 : i32
      %scan3A_334 = arith.constant 0 : i32
      %scan3A_335 = arith.constant 128 : i32
      %scan3A_336 = arith.addi %scan3A_334, %scan3A_335 : i32
      %scan3A_337 = arith.constant 8 : i32
      scf.for %scan3A_694 = %scan3A_334 to %scan3A_336 step %scan3A_337  : i32 {
        %mul3A_695 = arith.constant 16 : i32
        %mul3A_696 = arith.muli %scan3A_694, %mul3A_695 : i32
        %add3A_697 = vector.broadcast %mul3A_696 : i32 to vector<16xi32>
        %add3A_698 = arith.addi %iota3A, %add3A_697 : vector<16xi32>
        %ge3A = arith.cmpi sge, %add3A_698, %broadcast_in_dim3A_327 : vector<16xi32>
        %le3A = arith.cmpi sle, %add3A_698, %broadcast_in_dim3A_328 : vector<16xi32>
        %and3A_699 = arith.andi %ge3A, %le3A : vector<16xi1>
        %select_n3A_700 = arith.select %and3A_699, %broadcast_in_dim3A_324, %broadcast_in_dim3A_326 : vector<16xi1>, vector<16xf32>
        %mul3A_701 = arith.constant 16 : i32
        %mul3A_702 = arith.muli %scan3A_694, %mul3A_701 : i32
        %get3A_703 = arith.index_cast %add3A_332 : i32 to index
        %get3A_704 = arith.index_cast %mul3A_702 : i32 to index
        %get3A_705 = tpu.vector_load %arg5[%get3A_703, %get3A_704] {strides = array<i32>} : memref<32x2048xf32, #tpu.memory_space<vmem>>, vector<1x16xf32>,
        %get3A_706 = vector.shape_cast %get3A_705 : vector<1x16xf32> to vector<16xf32>
        %mul3A_707 = arith.mulf %get3A_706, %select_n3A_700 : vector<16xf32>
        %mul3A_708 = arith.constant 16 : i32
        %mul3A_709 = arith.muli %scan3A_694, %mul3A_708 : i32
        %swap3A = arith.index_cast %add3A_332 : i32 to index
        %swap3A_710 = arith.index_cast %mul3A_709 : i32 to index
        %swap3A_711 = tpu.vector_load %arg5[%swap3A, %swap3A_710] {strides = array<i32>} : memref<32x2048xf32, #tpu.memory_space<vmem>>, vector<1x16xf32>,
        %swap3A_712 = vector.shape_cast %swap3A_711 : vector<1x16xf32> to vector<16xf32>
        %swap3A_713 = vector.shape_cast %mul3A_707 : vector<16xf32> to vector<1x16xf32>
        tpu.vector_store %arg5[%swap3A, %swap3A_710], %swap3A_713 {strides = array<i32>} : memref<32x2048xf32, #tpu.memory_space<vmem>>, vector<1x16xf32>,
        %scan3A_714 = arith.constant 1 : i32
        %scan3A_715 = arith.addi %scan3A_694, %scan3A_714 : i32
        %mul3A_716 = arith.constant 16 : i32
        %mul3A_717 = arith.muli %scan3A_715, %mul3A_716 : i32
        %add3A_718 = vector.broadcast %mul3A_717 : i32 to vector<16xi32>
        %add3A_719 = arith.addi %iota3A, %add3A_718 : vector<16xi32>
        %ge3A_720 = arith.cmpi sge, %add3A_719, %broadcast_in_dim3A_327 : vector<16xi32>
        %le3A_721 = arith.cmpi sle, %add3A_719, %broadcast_in_dim3A_328 : vector<16xi32>
        %and3A_722 = arith.andi %ge3A_720, %le3A_721 : vector<16xi1>
        %select_n3A_723 = arith.select %and3A_722, %broadcast_in_dim3A_324, %broadcast_in_dim3A_326 : vector<16xi1>, vector<16xf32>
        %mul3A_724 = arith.constant 16 : i32
        %mul3A_725 = arith.muli %scan3A_715, %mul3A_724 : i32
        %get3A_726 = arith.index_cast %add3A_332 : i32 to index
        %get3A_727 = arith.index_cast %mul3A_725 : i32 to index
        %get3A_728 = tpu.vector_load %arg5[%get3A_726, %get3A_727] {strides = array<i32>} : memref<32x2048xf32, #tpu.memory_space<vmem>>, vector<1x16xf32>,
        %get3A_729 = vector.shape_cast %get3A_728 : vector<1x16xf32> to vector<16xf32>
        %mul3A_730 = arith.mulf %get3A_729, %select_n3A_723 : vector<16xf32>
        %mul3A_731 = arith.constant 16 : i32
        %mul3A_732 = arith.muli %scan3A_715, %mul3A_731 : i32
        %swap3A_733 = arith.index_cast %add3A_332 : i32 to index
        %swap3A_734 = arith.index_cast %mul3A_732 : i32 to index
        %swap3A_735 = tpu.vector_load %arg5[%swap3A_733, %swap3A_734] {strides = array<i32>} : memref<32x2048xf32, #tpu.memory_space<vmem>>, vector<1x16xf32>,
        %swap3A_736 = vector.shape_cast %swap3A_735 : vector<1x16xf32> to vector<16xf32>
        %swap3A_737 = vector.shape_cast %mul3A_730 : vector<16xf32> to vector<1x16xf32>
        tpu.vector_store %arg5[%swap3A_733, %swap3A_734], %swap3A_737 {strides = array<i32>} : memref<32x2048xf32, #tpu.memory_space<vmem>>, vector<1x16xf32>,
        %scan3A_738 = arith.constant 2 : i32
        %scan3A_739 = arith.addi %scan3A_694, %scan3A_738 : i32
        %mul3A_740 = arith.constant 16 : i32
        %mul3A_741 = arith.muli %scan3A_739, %mul3A_740 : i32
        %add3A_742 = vector.broadcast %mul3A_741 : i32 to vector<16xi32>
        %add3A_743 = arith.addi %iota3A, %add3A_742 : vector<16xi32>
        %ge3A_744 = arith.cmpi sge, %add3A_743, %broadcast_in_dim3A_327 : vector<16xi32>
        %le3A_745 = arith.cmpi sle, %add3A_743, %broadcast_in_dim3A_328 : vector<16xi32>
        %and3A_746 = arith.andi %ge3A_744, %le3A_745 : vector<16xi1>
        %select_n3A_747 = arith.select %and3A_746, %broadcast_in_dim3A_324, %broadcast_in_dim3A_326 : vector<16xi1>, vector<16xf32>
        %mul3A_748 = arith.constant 16 : i32
        %mul3A_749 = arith.muli %scan3A_739, %mul3A_748 : i32
        %get3A_750 = arith.index_cast %add3A_332 : i32 to index
        %get3A_751 = arith.index_cast %mul3A_749 : i32 to index
        %get3A_752 = tpu.vector_load %arg5[%get3A_750, %get3A_751] {strides = array<i32>} : memref<32x2048xf32, #tpu.memory_space<vmem>>, vector<1x16xf32>,
        %get3A_753 = vector.shape_cast %get3A_752 : vector<1x16xf32> to vector<16xf32>
        %mul3A_754 = arith.mulf %get3A_753, %select_n3A_747 : vector<16xf32>
        %mul3A_755 = arith.constant 16 : i32
        %mul3A_756 = arith.muli %scan3A_739, %mul3A_755 : i32
        %swap3A_757 = arith.index_cast %add3A_332 : i32 to index
        %swap3A_758 = arith.index_cast %mul3A_756 : i32 to index
        %swap3A_759 = tpu.vector_load %arg5[%swap3A_757, %swap3A_758] {strides = array<i32>} : memref<32x2048xf32, #tpu.memory_space<vmem>>, vector<1x16xf32>,
        %swap3A_760 = vector.shape_cast %swap3A_759 : vector<1x16xf32> to vector<16xf32>
        %swap3A_761 = vector.shape_cast %mul3A_754 : vector<16xf32> to vector<1x16xf32>
        tpu.vector_store %arg5[%swap3A_757, %swap3A_758], %swap3A_761 {strides = array<i32>} : memref<32x2048xf32, #tpu.memory_space<vmem>>, vector<1x16xf32>,
        %scan3A_762 = arith.constant 3 : i32
        %scan3A_763 = arith.addi %scan3A_694, %scan3A_762 : i32
        %mul3A_764 = arith.constant 16 : i32
        %mul3A_765 = arith.muli %scan3A_763, %mul3A_764 : i32
        %add3A_766 = vector.broadcast %mul3A_765 : i32 to vector<16xi32>
        %add3A_767 = arith.addi %iota3A, %add3A_766 : vector<16xi32>
        %ge3A_768 = arith.cmpi sge, %add3A_767, %broadcast_in_dim3A_327 : vector<16xi32>
        %le3A_769 = arith.cmpi sle, %add3A_767, %broadcast_in_dim3A_328 : vector<16xi32>
        %and3A_770 = arith.andi %ge3A_768, %le3A_769 : vector<16xi1>
        %select_n3A_771 = arith.select %and3A_770, %broadcast_in_dim3A_324, %broadcast_in_dim3A_326 : vector<16xi1>, vector<16xf32>
        %mul3A_772 = arith.constant 16 : i32
        %mul3A_773 = arith.muli %scan3A_763, %mul3A_772 : i32
        %get3A_774 = arith.index_cast %add3A_332 : i32 to index
        %get3A_775 = arith.index_cast %mul3A_773 : i32 to index
        %get3A_776 = tpu.vector_load %arg5[%get3A_774, %get3A_775] {strides = array<i32>} : memref<32x2048xf32, #tpu.memory_space<vmem>>, vector<1x16xf32>,
        %get3A_777 = vector.shape_cast %get3A_776 : vector<1x16xf32> to vector<16xf32>
        %mul3A_778 = arith.mulf %get3A_777, %select_n3A_771 : vector<16xf32>
        %mul3A_779 = arith.constant 16 : i32
        %mul3A_780 = arith.muli %scan3A_763, %mul3A_779 : i32
        %swap3A_781 = arith.index_cast %add3A_332 : i32 to index
        %swap3A_782 = arith.index_cast %mul3A_780 : i32 to index
        %swap3A_783 = tpu.vector_load %arg5[%swap3A_781, %swap3A_782] {strides = array<i32>} : memref<32x2048xf32, #tpu.memory_space<vmem>>, vector<1x16xf32>,
        %swap3A_784 = vector.shape_cast %swap3A_783 : vector<1x16xf32> to vector<16xf32>
        %swap3A_785 = vector.shape_cast %mul3A_778 : vector<16xf32> to vector<1x16xf32>
        tpu.vector_store %arg5[%swap3A_781, %swap3A_782], %swap3A_785 {strides = array<i32>} : memref<32x2048xf32, #tpu.memory_space<vmem>>, vector<1x16xf32>,
        %scan3A_786 = arith.constant 4 : i32
        %scan3A_787 = arith.addi %scan3A_694, %scan3A_786 : i32
        %mul3A_788 = arith.constant 16 : i32
        %mul3A_789 = arith.muli %scan3A_787, %mul3A_788 : i32
        %add3A_790 = vector.broadcast %mul3A_789 : i32 to vector<16xi32>
        %add3A_791 = arith.addi %iota3A, %add3A_790 : vector<16xi32>
        %ge3A_792 = arith.cmpi sge, %add3A_791, %broadcast_in_dim3A_327 : vector<16xi32>
        %le3A_793 = arith.cmpi sle, %add3A_791, %broadcast_in_dim3A_328 : vector<16xi32>
        %and3A_794 = arith.andi %ge3A_792, %le3A_793 : vector<16xi1>
        %select_n3A_795 = arith.select %and3A_794, %broadcast_in_dim3A_324, %broadcast_in_dim3A_326 : vector<16xi1>, vector<16xf32>
        %mul3A_796 = arith.constant 16 : i32
        %mul3A_797 = arith.muli %scan3A_787, %mul3A_796 : i32
        %get3A_798 = arith.index_cast %add3A_332 : i32 to index
        %get3A_799 = arith.index_cast %mul3A_797 : i32 to index
        %get3A_800 = tpu.vector_load %arg5[%get3A_798, %get3A_799] {strides = array<i32>} : memref<32x2048xf32, #tpu.memory_space<vmem>>, vector<1x16xf32>,
        %get3A_801 = vector.shape_cast %get3A_800 : vector<1x16xf32> to vector<16xf32>
        %mul3A_802 = arith.mulf %get3A_801, %select_n3A_795 : vector<16xf32>
        %mul3A_803 = arith.constant 16 : i32
        %mul3A_804 = arith.muli %scan3A_787, %mul3A_803 : i32
        %swap3A_805 = arith.index_cast %add3A_332 : i32 to index
        %swap3A_806 = arith.index_cast %mul3A_804 : i32 to index
        %swap3A_807 = tpu.vector_load %arg5[%swap3A_805, %swap3A_806] {strides = array<i32>} : memref<32x2048xf32, #tpu.memory_space<vmem>>, vector<1x16xf32>,
        %swap3A_808 = vector.shape_cast %swap3A_807 : vector<1x16xf32> to vector<16xf32>
        %swap3A_809 = vector.shape_cast %mul3A_802 : vector<16xf32> to vector<1x16xf32>
        tpu.vector_store %arg5[%swap3A_805, %swap3A_806], %swap3A_809 {strides = array<i32>} : memref<32x2048xf32, #tpu.memory_space<vmem>>, vector<1x16xf32>,
        %scan3A_810 = arith.constant 5 : i32
        %scan3A_811 = arith.addi %scan3A_694, %scan3A_810 : i32
        %mul3A_812 = arith.constant 16 : i32
        %mul3A_813 = arith.muli %scan3A_811, %mul3A_812 : i32
        %add3A_814 = vector.broadcast %mul3A_813 : i32 to vector<16xi32>
        %add3A_815 = arith.addi %iota3A, %add3A_814 : vector<16xi32>
        %ge3A_816 = arith.cmpi sge, %add3A_815, %broadcast_in_dim3A_327 : vector<16xi32>
        %le3A_817 = arith.cmpi sle, %add3A_815, %broadcast_in_dim3A_328 : vector<16xi32>
        %and3A_818 = arith.andi %ge3A_816, %le3A_817 : vector<16xi1>
        %select_n3A_819 = arith.select %and3A_818, %broadcast_in_dim3A_324, %broadcast_in_dim3A_326 : vector<16xi1>, vector<16xf32>
        %mul3A_820 = arith.constant 16 : i32
        %mul3A_821 = arith.muli %scan3A_811, %mul3A_820 : i32
        %get3A_822 = arith.index_cast %add3A_332 : i32 to index
        %get3A_823 = arith.index_cast %mul3A_821 : i32 to index
        %get3A_824 = tpu.vector_load %arg5[%get3A_822, %get3A_823] {strides = array<i32>} : memref<32x2048xf32, #tpu.memory_space<vmem>>, vector<1x16xf32>,
        %get3A_825 = vector.shape_cast %get3A_824 : vector<1x16xf32> to vector<16xf32>
        %mul3A_826 = arith.mulf %get3A_825, %select_n3A_819 : vector<16xf32>
        %mul3A_827 = arith.constant 16 : i32
        %mul3A_828 = arith.muli %scan3A_811, %mul3A_827 : i32
        %swap3A_829 = arith.index_cast %add3A_332 : i32 to index
        %swap3A_830 = arith.index_cast %mul3A_828 : i32 to index
        %swap3A_831 = tpu.vector_load %arg5[%swap3A_829, %swap3A_830] {strides = array<i32>} : memref<32x2048xf32, #tpu.memory_space<vmem>>, vector<1x16xf32>,
        %swap3A_832 = vector.shape_cast %swap3A_831 : vector<1x16xf32> to vector<16xf32>
        %swap3A_833 = vector.shape_cast %mul3A_826 : vector<16xf32> to vector<1x16xf32>
        tpu.vector_store %arg5[%swap3A_829, %swap3A_830], %swap3A_833 {strides = array<i32>} : memref<32x2048xf32, #tpu.memory_space<vmem>>, vector<1x16xf32>,
        %scan3A_834 = arith.constant 6 : i32
        %scan3A_835 = arith.addi %scan3A_694, %scan3A_834 : i32
        %mul3A_836 = arith.constant 16 : i32
        %mul3A_837 = arith.muli %scan3A_835, %mul3A_836 : i32
        %add3A_838 = vector.broadcast %mul3A_837 : i32 to vector<16xi32>
        %add3A_839 = arith.addi %iota3A, %add3A_838 : vector<16xi32>
        %ge3A_840 = arith.cmpi sge, %add3A_839, %broadcast_in_dim3A_327 : vector<16xi32>
        %le3A_841 = arith.cmpi sle, %add3A_839, %broadcast_in_dim3A_328 : vector<16xi32>
        %and3A_842 = arith.andi %ge3A_840, %le3A_841 : vector<16xi1>
        %select_n3A_843 = arith.select %and3A_842, %broadcast_in_dim3A_324, %broadcast_in_dim3A_326 : vector<16xi1>, vector<16xf32>
        %mul3A_844 = arith.constant 16 : i32
        %mul3A_845 = arith.muli %scan3A_835, %mul3A_844 : i32
        %get3A_846 = arith.index_cast %add3A_332 : i32 to index
        %get3A_847 = arith.index_cast %mul3A_845 : i32 to index
        %get3A_848 = tpu.vector_load %arg5[%get3A_846, %get3A_847] {strides = array<i32>} : memref<32x2048xf32, #tpu.memory_space<vmem>>, vector<1x16xf32>,
        %get3A_849 = vector.shape_cast %get3A_848 : vector<1x16xf32> to vector<16xf32>
        %mul3A_850 = arith.mulf %get3A_849, %select_n3A_843 : vector<16xf32>
        %mul3A_851 = arith.constant 16 : i32
        %mul3A_852 = arith.muli %scan3A_835, %mul3A_851 : i32
        %swap3A_853 = arith.index_cast %add3A_332 : i32 to index
        %swap3A_854 = arith.index_cast %mul3A_852 : i32 to index
        %swap3A_855 = tpu.vector_load %arg5[%swap3A_853, %swap3A_854] {strides = array<i32>} : memref<32x2048xf32, #tpu.memory_space<vmem>>, vector<1x16xf32>,
        %swap3A_856 = vector.shape_cast %swap3A_855 : vector<1x16xf32> to vector<16xf32>
        %swap3A_857 = vector.shape_cast %mul3A_850 : vector<16xf32> to vector<1x16xf32>
        tpu.vector_store %arg5[%swap3A_853, %swap3A_854], %swap3A_857 {strides = array<i32>} : memref<32x2048xf32, #tpu.memory_space<vmem>>, vector<1x16xf32>,
        %scan3A_858 = arith.constant 7 : i32
        %scan3A_859 = arith.addi %scan3A_694, %scan3A_858 : i32
        %mul3A_860 = arith.constant 16 : i32
        %mul3A_861 = arith.muli %scan3A_859, %mul3A_860 : i32
        %add3A_862 = vector.broadcast %mul3A_861 : i32 to vector<16xi32>
        %add3A_863 = arith.addi %iota3A, %add3A_862 : vector<16xi32>
        %ge3A_864 = arith.cmpi sge, %add3A_863, %broadcast_in_dim3A_327 : vector<16xi32>
        %le3A_865 = arith.cmpi sle, %add3A_863, %broadcast_in_dim3A_328 : vector<16xi32>
        %and3A_866 = arith.andi %ge3A_864, %le3A_865 : vector<16xi1>
        %select_n3A_867 = arith.select %and3A_866, %broadcast_in_dim3A_324, %broadcast_in_dim3A_326 : vector<16xi1>, vector<16xf32>
        %mul3A_868 = arith.constant 16 : i32
        %mul3A_869 = arith.muli %scan3A_859, %mul3A_868 : i32
        %get3A_870 = arith.index_cast %add3A_332 : i32 to index
        %get3A_871 = arith.index_cast %mul3A_869 : i32 to index
        %get3A_872 = tpu.vector_load %arg5[%get3A_870, %get3A_871] {strides = array<i32>} : memref<32x2048xf32, #tpu.memory_space<vmem>>, vector<1x16xf32>,
        %get3A_873 = vector.shape_cast %get3A_872 : vector<1x16xf32> to vector<16xf32>
        %mul3A_874 = arith.mulf %get3A_873, %select_n3A_867 : vector<16xf32>
        %mul3A_875 = arith.constant 16 : i32
        %mul3A_876 = arith.muli %scan3A_859, %mul3A_875 : i32
        %swap3A_877 = arith.index_cast %add3A_332 : i32 to index
        %swap3A_878 = arith.index_cast %mul3A_876 : i32 to index
        %swap3A_879 = tpu.vector_load %arg5[%swap3A_877, %swap3A_878] {strides = array<i32>} : memref<32x2048xf32, #tpu.memory_space<vmem>>, vector<1x16xf32>,
        %swap3A_880 = vector.shape_cast %swap3A_879 : vector<1x16xf32> to vector<16xf32>
        %swap3A_881 = vector.shape_cast %mul3A_874 : vector<16xf32> to vector<1x16xf32>
        tpu.vector_store %arg5[%swap3A_877, %swap3A_878], %swap3A_881 {strides = array<i32>} : memref<32x2048xf32, #tpu.memory_space<vmem>>, vector<1x16xf32>,
      }
      %scan3A_338 = arith.constant 128 : i32
      %add3A_339 = arith.constant 7 : i32
      %add3A_340 = arith.addi %add3A_78, %add3A_339 : i32
      %and3A_341 = arith.constant 2047 : i32
      %and3A_342 = arith.andi %add3A_340, %and3A_341 : i32
      %sub3A_343 = arith.constant 2047 : i32
      %sub3A_344 = arith.subi %sub3A_343, %and3A_342 : i32
      %min3A_345 = arith.minsi %and3A_342, %sub3A_344 : i32
      %lt3A_346 = arith.constant 1024 : i32
      %lt3A_347 = arith.cmpi slt, %and3A_342, %lt3A_346 : i32
      %jit3A_348 = arith.constant 0 : i32
      %jit3A_349 = arith.constant 1 : i32
      %select_n3A_350 = arith.select %lt3A_347, %jit3A_348, %jit3A_349 : i32
      %add3A_351 = arith.addi %min3A_345, %select_n3A_350 : i32
      %sub3A_352 = arith.constant 2047 : i32
      %sub3A_353 = arith.subi %sub3A_352, %min3A_345 : i32
      %convert_element_type3A_354 = arith.sitofp %min3A_345 : i32 to f32
      %mul3A_355 = arith.constant 3.125000e-02 : f32
      %mul3A_356 = arith.mulf %convert_element_type3A_354, %mul3A_355 : f32
      %add3A_357 = arith.addf %mul3A_356, %add3A_9 : f32
      %jit3A_358 = arith.constant 0.000000e+00 : f32
      %jit3A_359 = arith.constant 1.000000e+00 : f32
      %max3A_360 = arith.maximumf %jit3A_358, %add3A_357 : f32
      %min3A_361 = arith.minimumf %jit3A_359, %max3A_360 : f32
      %broadcast_in_dim3A_362 = vector.broadcast %min3A_361 : f32 to vector<16xf32>
      %broadcast_in_dim3A_363 = arith.constant 1.000000e+00 : f32
      %broadcast_in_dim3A_364 = vector.broadcast %broadcast_in_dim3A_363 : f32 to vector<16xf32>
      %broadcast_in_dim3A_365 = vector.broadcast %add3A_351 : i32 to vector<16xi32>
      %broadcast_in_dim3A_366 = vector.broadcast %sub3A_353 : i32 to vector<16xi32>
      %mul3A_367 = arith.constant 16 : i32
      %mul3A_368 = arith.muli %rem3A_58, %mul3A_367 : i32
      %add3A_369 = arith.constant 7 : i32
      %add3A_370 = arith.addi %mul3A_368, %add3A_369 : i32
      %scan3A_371 = arith.constant 0 : i32
      %scan3A_372 = arith.constant 0 : i32
      %scan3A_373 = arith.constant 128 : i32
      %scan3A_374 = arith.addi %scan3A_372, %scan3A_373 : i32
      %scan3A_375 = arith.constant 8 : i32
      scf.for %scan3A_694 = %scan3A_372 to %scan3A_374 step %scan3A_375  : i32 {
        %mul3A_695 = arith.constant 16 : i32
        %mul3A_696 = arith.muli %scan3A_694, %mul3A_695 : i32
        %add3A_697 = vector.broadcast %mul3A_696 : i32 to vector<16xi32>
        %add3A_698 = arith.addi %iota3A, %add3A_697 : vector<16xi32>
        %ge3A = arith.cmpi sge, %add3A_698, %broadcast_in_dim3A_365 : vector<16xi32>
        %le3A = arith.cmpi sle, %add3A_698, %broadcast_in_dim3A_366 : vector<16xi32>
        %and3A_699 = arith.andi %ge3A, %le3A : vector<16xi1>
        %select_n3A_700 = arith.select %and3A_699, %broadcast_in_dim3A_362, %broadcast_in_dim3A_364 : vector<16xi1>, vector<16xf32>
        %mul3A_701 = arith.constant 16 : i32
        %mul3A_702 = arith.muli %scan3A_694, %mul3A_701 : i32
        %get3A_703 = arith.index_cast %add3A_370 : i32 to index
        %get3A_704 = arith.index_cast %mul3A_702 : i32 to index
        %get3A_705 = tpu.vector_load %arg5[%get3A_703, %get3A_704] {strides = array<i32>} : memref<32x2048xf32, #tpu.memory_space<vmem>>, vector<1x16xf32>,
        %get3A_706 = vector.shape_cast %get3A_705 : vector<1x16xf32> to vector<16xf32>
        %mul3A_707 = arith.mulf %get3A_706, %select_n3A_700 : vector<16xf32>
        %mul3A_708 = arith.constant 16 : i32
        %mul3A_709 = arith.muli %scan3A_694, %mul3A_708 : i32
        %swap3A = arith.index_cast %add3A_370 : i32 to index
        %swap3A_710 = arith.index_cast %mul3A_709 : i32 to index
        %swap3A_711 = tpu.vector_load %arg5[%swap3A, %swap3A_710] {strides = array<i32>} : memref<32x2048xf32, #tpu.memory_space<vmem>>, vector<1x16xf32>,
        %swap3A_712 = vector.shape_cast %swap3A_711 : vector<1x16xf32> to vector<16xf32>
        %swap3A_713 = vector.shape_cast %mul3A_707 : vector<16xf32> to vector<1x16xf32>
        tpu.vector_store %arg5[%swap3A, %swap3A_710], %swap3A_713 {strides = array<i32>} : memref<32x2048xf32, #tpu.memory_space<vmem>>, vector<1x16xf32>,
        %scan3A_714 = arith.constant 1 : i32
        %scan3A_715 = arith.addi %scan3A_694, %scan3A_714 : i32
        %mul3A_716 = arith.constant 16 : i32
        %mul3A_717 = arith.muli %scan3A_715, %mul3A_716 : i32
        %add3A_718 = vector.broadcast %mul3A_717 : i32 to vector<16xi32>
        %add3A_719 = arith.addi %iota3A, %add3A_718 : vector<16xi32>
        %ge3A_720 = arith.cmpi sge, %add3A_719, %broadcast_in_dim3A_365 : vector<16xi32>
        %le3A_721 = arith.cmpi sle, %add3A_719, %broadcast_in_dim3A_366 : vector<16xi32>
        %and3A_722 = arith.andi %ge3A_720, %le3A_721 : vector<16xi1>
        %select_n3A_723 = arith.select %and3A_722, %broadcast_in_dim3A_362, %broadcast_in_dim3A_364 : vector<16xi1>, vector<16xf32>
        %mul3A_724 = arith.constant 16 : i32
        %mul3A_725 = arith.muli %scan3A_715, %mul3A_724 : i32
        %get3A_726 = arith.index_cast %add3A_370 : i32 to index
        %get3A_727 = arith.index_cast %mul3A_725 : i32 to index
        %get3A_728 = tpu.vector_load %arg5[%get3A_726, %get3A_727] {strides = array<i32>} : memref<32x2048xf32, #tpu.memory_space<vmem>>, vector<1x16xf32>,
        %get3A_729 = vector.shape_cast %get3A_728 : vector<1x16xf32> to vector<16xf32>
        %mul3A_730 = arith.mulf %get3A_729, %select_n3A_723 : vector<16xf32>
        %mul3A_731 = arith.constant 16 : i32
        %mul3A_732 = arith.muli %scan3A_715, %mul3A_731 : i32
        %swap3A_733 = arith.index_cast %add3A_370 : i32 to index
        %swap3A_734 = arith.index_cast %mul3A_732 : i32 to index
        %swap3A_735 = tpu.vector_load %arg5[%swap3A_733, %swap3A_734] {strides = array<i32>} : memref<32x2048xf32, #tpu.memory_space<vmem>>, vector<1x16xf32>,
        %swap3A_736 = vector.shape_cast %swap3A_735 : vector<1x16xf32> to vector<16xf32>
        %swap3A_737 = vector.shape_cast %mul3A_730 : vector<16xf32> to vector<1x16xf32>
        tpu.vector_store %arg5[%swap3A_733, %swap3A_734], %swap3A_737 {strides = array<i32>} : memref<32x2048xf32, #tpu.memory_space<vmem>>, vector<1x16xf32>,
        %scan3A_738 = arith.constant 2 : i32
        %scan3A_739 = arith.addi %scan3A_694, %scan3A_738 : i32
        %mul3A_740 = arith.constant 16 : i32
        %mul3A_741 = arith.muli %scan3A_739, %mul3A_740 : i32
        %add3A_742 = vector.broadcast %mul3A_741 : i32 to vector<16xi32>
        %add3A_743 = arith.addi %iota3A, %add3A_742 : vector<16xi32>
        %ge3A_744 = arith.cmpi sge, %add3A_743, %broadcast_in_dim3A_365 : vector<16xi32>
        %le3A_745 = arith.cmpi sle, %add3A_743, %broadcast_in_dim3A_366 : vector<16xi32>
        %and3A_746 = arith.andi %ge3A_744, %le3A_745 : vector<16xi1>
        %select_n3A_747 = arith.select %and3A_746, %broadcast_in_dim3A_362, %broadcast_in_dim3A_364 : vector<16xi1>, vector<16xf32>
        %mul3A_748 = arith.constant 16 : i32
        %mul3A_749 = arith.muli %scan3A_739, %mul3A_748 : i32
        %get3A_750 = arith.index_cast %add3A_370 : i32 to index
        %get3A_751 = arith.index_cast %mul3A_749 : i32 to index
        %get3A_752 = tpu.vector_load %arg5[%get3A_750, %get3A_751] {strides = array<i32>} : memref<32x2048xf32, #tpu.memory_space<vmem>>, vector<1x16xf32>,
        %get3A_753 = vector.shape_cast %get3A_752 : vector<1x16xf32> to vector<16xf32>
        %mul3A_754 = arith.mulf %get3A_753, %select_n3A_747 : vector<16xf32>
        %mul3A_755 = arith.constant 16 : i32
        %mul3A_756 = arith.muli %scan3A_739, %mul3A_755 : i32
        %swap3A_757 = arith.index_cast %add3A_370 : i32 to index
        %swap3A_758 = arith.index_cast %mul3A_756 : i32 to index
        %swap3A_759 = tpu.vector_load %arg5[%swap3A_757, %swap3A_758] {strides = array<i32>} : memref<32x2048xf32, #tpu.memory_space<vmem>>, vector<1x16xf32>,
        %swap3A_760 = vector.shape_cast %swap3A_759 : vector<1x16xf32> to vector<16xf32>
        %swap3A_761 = vector.shape_cast %mul3A_754 : vector<16xf32> to vector<1x16xf32>
        tpu.vector_store %arg5[%swap3A_757, %swap3A_758], %swap3A_761 {strides = array<i32>} : memref<32x2048xf32, #tpu.memory_space<vmem>>, vector<1x16xf32>,
        %scan3A_762 = arith.constant 3 : i32
        %scan3A_763 = arith.addi %scan3A_694, %scan3A_762 : i32
        %mul3A_764 = arith.constant 16 : i32
        %mul3A_765 = arith.muli %scan3A_763, %mul3A_764 : i32
        %add3A_766 = vector.broadcast %mul3A_765 : i32 to vector<16xi32>
        %add3A_767 = arith.addi %iota3A, %add3A_766 : vector<16xi32>
        %ge3A_768 = arith.cmpi sge, %add3A_767, %broadcast_in_dim3A_365 : vector<16xi32>
        %le3A_769 = arith.cmpi sle, %add3A_767, %broadcast_in_dim3A_366 : vector<16xi32>
        %and3A_770 = arith.andi %ge3A_768, %le3A_769 : vector<16xi1>
        %select_n3A_771 = arith.select %and3A_770, %broadcast_in_dim3A_362, %broadcast_in_dim3A_364 : vector<16xi1>, vector<16xf32>
        %mul3A_772 = arith.constant 16 : i32
        %mul3A_773 = arith.muli %scan3A_763, %mul3A_772 : i32
        %get3A_774 = arith.index_cast %add3A_370 : i32 to index
        %get3A_775 = arith.index_cast %mul3A_773 : i32 to index
        %get3A_776 = tpu.vector_load %arg5[%get3A_774, %get3A_775] {strides = array<i32>} : memref<32x2048xf32, #tpu.memory_space<vmem>>, vector<1x16xf32>,
        %get3A_777 = vector.shape_cast %get3A_776 : vector<1x16xf32> to vector<16xf32>
        %mul3A_778 = arith.mulf %get3A_777, %select_n3A_771 : vector<16xf32>
        %mul3A_779 = arith.constant 16 : i32
        %mul3A_780 = arith.muli %scan3A_763, %mul3A_779 : i32
        %swap3A_781 = arith.index_cast %add3A_370 : i32 to index
        %swap3A_782 = arith.index_cast %mul3A_780 : i32 to index
        %swap3A_783 = tpu.vector_load %arg5[%swap3A_781, %swap3A_782] {strides = array<i32>} : memref<32x2048xf32, #tpu.memory_space<vmem>>, vector<1x16xf32>,
        %swap3A_784 = vector.shape_cast %swap3A_783 : vector<1x16xf32> to vector<16xf32>
        %swap3A_785 = vector.shape_cast %mul3A_778 : vector<16xf32> to vector<1x16xf32>
        tpu.vector_store %arg5[%swap3A_781, %swap3A_782], %swap3A_785 {strides = array<i32>} : memref<32x2048xf32, #tpu.memory_space<vmem>>, vector<1x16xf32>,
        %scan3A_786 = arith.constant 4 : i32
        %scan3A_787 = arith.addi %scan3A_694, %scan3A_786 : i32
        %mul3A_788 = arith.constant 16 : i32
        %mul3A_789 = arith.muli %scan3A_787, %mul3A_788 : i32
        %add3A_790 = vector.broadcast %mul3A_789 : i32 to vector<16xi32>
        %add3A_791 = arith.addi %iota3A, %add3A_790 : vector<16xi32>
        %ge3A_792 = arith.cmpi sge, %add3A_791, %broadcast_in_dim3A_365 : vector<16xi32>
        %le3A_793 = arith.cmpi sle, %add3A_791, %broadcast_in_dim3A_366 : vector<16xi32>
        %and3A_794 = arith.andi %ge3A_792, %le3A_793 : vector<16xi1>
        %select_n3A_795 = arith.select %and3A_794, %broadcast_in_dim3A_362, %broadcast_in_dim3A_364 : vector<16xi1>, vector<16xf32>
        %mul3A_796 = arith.constant 16 : i32
        %mul3A_797 = arith.muli %scan3A_787, %mul3A_796 : i32
        %get3A_798 = arith.index_cast %add3A_370 : i32 to index
        %get3A_799 = arith.index_cast %mul3A_797 : i32 to index
        %get3A_800 = tpu.vector_load %arg5[%get3A_798, %get3A_799] {strides = array<i32>} : memref<32x2048xf32, #tpu.memory_space<vmem>>, vector<1x16xf32>,
        %get3A_801 = vector.shape_cast %get3A_800 : vector<1x16xf32> to vector<16xf32>
        %mul3A_802 = arith.mulf %get3A_801, %select_n3A_795 : vector<16xf32>
        %mul3A_803 = arith.constant 16 : i32
        %mul3A_804 = arith.muli %scan3A_787, %mul3A_803 : i32
        %swap3A_805 = arith.index_cast %add3A_370 : i32 to index
        %swap3A_806 = arith.index_cast %mul3A_804 : i32 to index
        %swap3A_807 = tpu.vector_load %arg5[%swap3A_805, %swap3A_806] {strides = array<i32>} : memref<32x2048xf32, #tpu.memory_space<vmem>>, vector<1x16xf32>,
        %swap3A_808 = vector.shape_cast %swap3A_807 : vector<1x16xf32> to vector<16xf32>
        %swap3A_809 = vector.shape_cast %mul3A_802 : vector<16xf32> to vector<1x16xf32>
        tpu.vector_store %arg5[%swap3A_805, %swap3A_806], %swap3A_809 {strides = array<i32>} : memref<32x2048xf32, #tpu.memory_space<vmem>>, vector<1x16xf32>,
        %scan3A_810 = arith.constant 5 : i32
        %scan3A_811 = arith.addi %scan3A_694, %scan3A_810 : i32
        %mul3A_812 = arith.constant 16 : i32
        %mul3A_813 = arith.muli %scan3A_811, %mul3A_812 : i32
        %add3A_814 = vector.broadcast %mul3A_813 : i32 to vector<16xi32>
        %add3A_815 = arith.addi %iota3A, %add3A_814 : vector<16xi32>
        %ge3A_816 = arith.cmpi sge, %add3A_815, %broadcast_in_dim3A_365 : vector<16xi32>
        %le3A_817 = arith.cmpi sle, %add3A_815, %broadcast_in_dim3A_366 : vector<16xi32>
        %and3A_818 = arith.andi %ge3A_816, %le3A_817 : vector<16xi1>
        %select_n3A_819 = arith.select %and3A_818, %broadcast_in_dim3A_362, %broadcast_in_dim3A_364 : vector<16xi1>, vector<16xf32>
        %mul3A_820 = arith.constant 16 : i32
        %mul3A_821 = arith.muli %scan3A_811, %mul3A_820 : i32
        %get3A_822 = arith.index_cast %add3A_370 : i32 to index
        %get3A_823 = arith.index_cast %mul3A_821 : i32 to index
        %get3A_824 = tpu.vector_load %arg5[%get3A_822, %get3A_823] {strides = array<i32>} : memref<32x2048xf32, #tpu.memory_space<vmem>>, vector<1x16xf32>,
        %get3A_825 = vector.shape_cast %get3A_824 : vector<1x16xf32> to vector<16xf32>
        %mul3A_826 = arith.mulf %get3A_825, %select_n3A_819 : vector<16xf32>
        %mul3A_827 = arith.constant 16 : i32
        %mul3A_828 = arith.muli %scan3A_811, %mul3A_827 : i32
        %swap3A_829 = arith.index_cast %add3A_370 : i32 to index
        %swap3A_830 = arith.index_cast %mul3A_828 : i32 to index
        %swap3A_831 = tpu.vector_load %arg5[%swap3A_829, %swap3A_830] {strides = array<i32>} : memref<32x2048xf32, #tpu.memory_space<vmem>>, vector<1x16xf32>,
        %swap3A_832 = vector.shape_cast %swap3A_831 : vector<1x16xf32> to vector<16xf32>
        %swap3A_833 = vector.shape_cast %mul3A_826 : vector<16xf32> to vector<1x16xf32>
        tpu.vector_store %arg5[%swap3A_829, %swap3A_830], %swap3A_833 {strides = array<i32>} : memref<32x2048xf32, #tpu.memory_space<vmem>>, vector<1x16xf32>,
        %scan3A_834 = arith.constant 6 : i32
        %scan3A_835 = arith.addi %scan3A_694, %scan3A_834 : i32
        %mul3A_836 = arith.constant 16 : i32
        %mul3A_837 = arith.muli %scan3A_835, %mul3A_836 : i32
        %add3A_838 = vector.broadcast %mul3A_837 : i32 to vector<16xi32>
        %add3A_839 = arith.addi %iota3A, %add3A_838 : vector<16xi32>
        %ge3A_840 = arith.cmpi sge, %add3A_839, %broadcast_in_dim3A_365 : vector<16xi32>
        %le3A_841 = arith.cmpi sle, %add3A_839, %broadcast_in_dim3A_366 : vector<16xi32>
        %and3A_842 = arith.andi %ge3A_840, %le3A_841 : vector<16xi1>
        %select_n3A_843 = arith.select %and3A_842, %broadcast_in_dim3A_362, %broadcast_in_dim3A_364 : vector<16xi1>, vector<16xf32>
        %mul3A_844 = arith.constant 16 : i32
        %mul3A_845 = arith.muli %scan3A_835, %mul3A_844 : i32
        %get3A_846 = arith.index_cast %add3A_370 : i32 to index
        %get3A_847 = arith.index_cast %mul3A_845 : i32 to index
        %get3A_848 = tpu.vector_load %arg5[%get3A_846, %get3A_847] {strides = array<i32>} : memref<32x2048xf32, #tpu.memory_space<vmem>>, vector<1x16xf32>,
        %get3A_849 = vector.shape_cast %get3A_848 : vector<1x16xf32> to vector<16xf32>
        %mul3A_850 = arith.mulf %get3A_849, %select_n3A_843 : vector<16xf32>
        %mul3A_851 = arith.constant 16 : i32
        %mul3A_852 = arith.muli %scan3A_835, %mul3A_851 : i32
        %swap3A_853 = arith.index_cast %add3A_370 : i32 to index
        %swap3A_854 = arith.index_cast %mul3A_852 : i32 to index
        %swap3A_855 = tpu.vector_load %arg5[%swap3A_853, %swap3A_854] {strides = array<i32>} : memref<32x2048xf32, #tpu.memory_space<vmem>>, vector<1x16xf32>,
        %swap3A_856 = vector.shape_cast %swap3A_855 : vector<1x16xf32> to vector<16xf32>
        %swap3A_857 = vector.shape_cast %mul3A_850 : vector<16xf32> to vector<1x16xf32>
        tpu.vector_store %arg5[%swap3A_853, %swap3A_854], %swap3A_857 {strides = array<i32>} : memref<32x2048xf32, #tpu.memory_space<vmem>>, vector<1x16xf32>,
        %scan3A_858 = arith.constant 7 : i32
        %scan3A_859 = arith.addi %scan3A_694, %scan3A_858 : i32
        %mul3A_860 = arith.constant 16 : i32
        %mul3A_861 = arith.muli %scan3A_859, %mul3A_860 : i32
        %add3A_862 = vector.broadcast %mul3A_861 : i32 to vector<16xi32>
        %add3A_863 = arith.addi %iota3A, %add3A_862 : vector<16xi32>
        %ge3A_864 = arith.cmpi sge, %add3A_863, %broadcast_in_dim3A_365 : vector<16xi32>
        %le3A_865 = arith.cmpi sle, %add3A_863, %broadcast_in_dim3A_366 : vector<16xi32>
        %and3A_866 = arith.andi %ge3A_864, %le3A_865 : vector<16xi1>
        %select_n3A_867 = arith.select %and3A_866, %broadcast_in_dim3A_362, %broadcast_in_dim3A_364 : vector<16xi1>, vector<16xf32>
        %mul3A_868 = arith.constant 16 : i32
        %mul3A_869 = arith.muli %scan3A_859, %mul3A_868 : i32
        %get3A_870 = arith.index_cast %add3A_370 : i32 to index
        %get3A_871 = arith.index_cast %mul3A_869 : i32 to index
        %get3A_872 = tpu.vector_load %arg5[%get3A_870, %get3A_871] {strides = array<i32>} : memref<32x2048xf32, #tpu.memory_space<vmem>>, vector<1x16xf32>,
        %get3A_873 = vector.shape_cast %get3A_872 : vector<1x16xf32> to vector<16xf32>
        %mul3A_874 = arith.mulf %get3A_873, %select_n3A_867 : vector<16xf32>
        %mul3A_875 = arith.constant 16 : i32
        %mul3A_876 = arith.muli %scan3A_859, %mul3A_875 : i32
        %swap3A_877 = arith.index_cast %add3A_370 : i32 to index
        %swap3A_878 = arith.index_cast %mul3A_876 : i32 to index
        %swap3A_879 = tpu.vector_load %arg5[%swap3A_877, %swap3A_878] {strides = array<i32>} : memref<32x2048xf32, #tpu.memory_space<vmem>>, vector<1x16xf32>,
        %swap3A_880 = vector.shape_cast %swap3A_879 : vector<1x16xf32> to vector<16xf32>
        %swap3A_881 = vector.shape_cast %mul3A_874 : vector<16xf32> to vector<1x16xf32>
        tpu.vector_store %arg5[%swap3A_877, %swap3A_878], %swap3A_881 {strides = array<i32>} : memref<32x2048xf32, #tpu.memory_space<vmem>>, vector<1x16xf32>,
      }
      %scan3A_376 = arith.constant 128 : i32
      %add3A_377 = arith.constant 8 : i32
      %add3A_378 = arith.addi %add3A_78, %add3A_377 : i32
      %and3A_379 = arith.constant 2047 : i32
      %and3A_380 = arith.andi %add3A_378, %and3A_379 : i32
      %sub3A_381 = arith.constant 2047 : i32
      %sub3A_382 = arith.subi %sub3A_381, %and3A_380 : i32
      %min3A_383 = arith.minsi %and3A_380, %sub3A_382 : i32
      %lt3A_384 = arith.constant 1024 : i32
      %lt3A_385 = arith.cmpi slt, %and3A_380, %lt3A_384 : i32
      %jit3A_386 = arith.constant 0 : i32
      %jit3A_387 = arith.constant 1 : i32
      %select_n3A_388 = arith.select %lt3A_385, %jit3A_386, %jit3A_387 : i32
      %add3A_389 = arith.addi %min3A_383, %select_n3A_388 : i32
      %sub3A_390 = arith.constant 2047 : i32
      %sub3A_391 = arith.subi %sub3A_390, %min3A_383 : i32
      %convert_element_type3A_392 = arith.sitofp %min3A_383 : i32 to f32
      %mul3A_393 = arith.constant 3.125000e-02 : f32
      %mul3A_394 = arith.mulf %convert_element_type3A_392, %mul3A_393 : f32
      %add3A_395 = arith.addf %mul3A_394, %add3A_9 : f32
      %jit3A_396 = arith.constant 0.000000e+00 : f32
      %jit3A_397 = arith.constant 1.000000e+00 : f32
      %max3A_398 = arith.maximumf %jit3A_396, %add3A_395 : f32
      %min3A_399 = arith.minimumf %jit3A_397, %max3A_398 : f32
      %broadcast_in_dim3A_400 = vector.broadcast %min3A_399 : f32 to vector<16xf32>
      %broadcast_in_dim3A_401 = arith.constant 1.000000e+00 : f32
      %broadcast_in_dim3A_402 = vector.broadcast %broadcast_in_dim3A_401 : f32 to vector<16xf32>
      %broadcast_in_dim3A_403 = vector.broadcast %add3A_389 : i32 to vector<16xi32>
      %broadcast_in_dim3A_404 = vector.broadcast %sub3A_391 : i32 to vector<16xi32>
      %mul3A_405 = arith.constant 16 : i32
      %mul3A_406 = arith.muli %rem3A_58, %mul3A_405 : i32
      %add3A_407 = arith.constant 8 : i32
      %add3A_408 = arith.addi %mul3A_406, %add3A_407 : i32
      %scan3A_409 = arith.constant 0 : i32
      %scan3A_410 = arith.constant 0 : i32
      %scan3A_411 = arith.constant 128 : i32
      %scan3A_412 = arith.addi %scan3A_410, %scan3A_411 : i32
      %scan3A_413 = arith.constant 8 : i32
      scf.for %scan3A_694 = %scan3A_410 to %scan3A_412 step %scan3A_413  : i32 {
        %mul3A_695 = arith.constant 16 : i32
        %mul3A_696 = arith.muli %scan3A_694, %mul3A_695 : i32
        %add3A_697 = vector.broadcast %mul3A_696 : i32 to vector<16xi32>
        %add3A_698 = arith.addi %iota3A, %add3A_697 : vector<16xi32>
        %ge3A = arith.cmpi sge, %add3A_698, %broadcast_in_dim3A_403 : vector<16xi32>
        %le3A = arith.cmpi sle, %add3A_698, %broadcast_in_dim3A_404 : vector<16xi32>
        %and3A_699 = arith.andi %ge3A, %le3A : vector<16xi1>
        %select_n3A_700 = arith.select %and3A_699, %broadcast_in_dim3A_400, %broadcast_in_dim3A_402 : vector<16xi1>, vector<16xf32>
        %mul3A_701 = arith.constant 16 : i32
        %mul3A_702 = arith.muli %scan3A_694, %mul3A_701 : i32
        %get3A_703 = arith.index_cast %add3A_408 : i32 to index
        %get3A_704 = arith.index_cast %mul3A_702 : i32 to index
        %get3A_705 = tpu.vector_load %arg5[%get3A_703, %get3A_704] {strides = array<i32>} : memref<32x2048xf32, #tpu.memory_space<vmem>>, vector<1x16xf32>,
        %get3A_706 = vector.shape_cast %get3A_705 : vector<1x16xf32> to vector<16xf32>
        %mul3A_707 = arith.mulf %get3A_706, %select_n3A_700 : vector<16xf32>
        %mul3A_708 = arith.constant 16 : i32
        %mul3A_709 = arith.muli %scan3A_694, %mul3A_708 : i32
        %swap3A = arith.index_cast %add3A_408 : i32 to index
        %swap3A_710 = arith.index_cast %mul3A_709 : i32 to index
        %swap3A_711 = tpu.vector_load %arg5[%swap3A, %swap3A_710] {strides = array<i32>} : memref<32x2048xf32, #tpu.memory_space<vmem>>, vector<1x16xf32>,
        %swap3A_712 = vector.shape_cast %swap3A_711 : vector<1x16xf32> to vector<16xf32>
        %swap3A_713 = vector.shape_cast %mul3A_707 : vector<16xf32> to vector<1x16xf32>
        tpu.vector_store %arg5[%swap3A, %swap3A_710], %swap3A_713 {strides = array<i32>} : memref<32x2048xf32, #tpu.memory_space<vmem>>, vector<1x16xf32>,
        %scan3A_714 = arith.constant 1 : i32
        %scan3A_715 = arith.addi %scan3A_694, %scan3A_714 : i32
        %mul3A_716 = arith.constant 16 : i32
        %mul3A_717 = arith.muli %scan3A_715, %mul3A_716 : i32
        %add3A_718 = vector.broadcast %mul3A_717 : i32 to vector<16xi32>
        %add3A_719 = arith.addi %iota3A, %add3A_718 : vector<16xi32>
        %ge3A_720 = arith.cmpi sge, %add3A_719, %broadcast_in_dim3A_403 : vector<16xi32>
        %le3A_721 = arith.cmpi sle, %add3A_719, %broadcast_in_dim3A_404 : vector<16xi32>
        %and3A_722 = arith.andi %ge3A_720, %le3A_721 : vector<16xi1>
        %select_n3A_723 = arith.select %and3A_722, %broadcast_in_dim3A_400, %broadcast_in_dim3A_402 : vector<16xi1>, vector<16xf32>
        %mul3A_724 = arith.constant 16 : i32
        %mul3A_725 = arith.muli %scan3A_715, %mul3A_724 : i32
        %get3A_726 = arith.index_cast %add3A_408 : i32 to index
        %get3A_727 = arith.index_cast %mul3A_725 : i32 to index
        %get3A_728 = tpu.vector_load %arg5[%get3A_726, %get3A_727] {strides = array<i32>} : memref<32x2048xf32, #tpu.memory_space<vmem>>, vector<1x16xf32>,
        %get3A_729 = vector.shape_cast %get3A_728 : vector<1x16xf32> to vector<16xf32>
        %mul3A_730 = arith.mulf %get3A_729, %select_n3A_723 : vector<16xf32>
        %mul3A_731 = arith.constant 16 : i32
        %mul3A_732 = arith.muli %scan3A_715, %mul3A_731 : i32
        %swap3A_733 = arith.index_cast %add3A_408 : i32 to index
        %swap3A_734 = arith.index_cast %mul3A_732 : i32 to index
        %swap3A_735 = tpu.vector_load %arg5[%swap3A_733, %swap3A_734] {strides = array<i32>} : memref<32x2048xf32, #tpu.memory_space<vmem>>, vector<1x16xf32>,
        %swap3A_736 = vector.shape_cast %swap3A_735 : vector<1x16xf32> to vector<16xf32>
        %swap3A_737 = vector.shape_cast %mul3A_730 : vector<16xf32> to vector<1x16xf32>
        tpu.vector_store %arg5[%swap3A_733, %swap3A_734], %swap3A_737 {strides = array<i32>} : memref<32x2048xf32, #tpu.memory_space<vmem>>, vector<1x16xf32>,
        %scan3A_738 = arith.constant 2 : i32
        %scan3A_739 = arith.addi %scan3A_694, %scan3A_738 : i32
        %mul3A_740 = arith.constant 16 : i32
        %mul3A_741 = arith.muli %scan3A_739, %mul3A_740 : i32
        %add3A_742 = vector.broadcast %mul3A_741 : i32 to vector<16xi32>
        %add3A_743 = arith.addi %iota3A, %add3A_742 : vector<16xi32>
        %ge3A_744 = arith.cmpi sge, %add3A_743, %broadcast_in_dim3A_403 : vector<16xi32>
        %le3A_745 = arith.cmpi sle, %add3A_743, %broadcast_in_dim3A_404 : vector<16xi32>
        %and3A_746 = arith.andi %ge3A_744, %le3A_745 : vector<16xi1>
        %select_n3A_747 = arith.select %and3A_746, %broadcast_in_dim3A_400, %broadcast_in_dim3A_402 : vector<16xi1>, vector<16xf32>
        %mul3A_748 = arith.constant 16 : i32
        %mul3A_749 = arith.muli %scan3A_739, %mul3A_748 : i32
        %get3A_750 = arith.index_cast %add3A_408 : i32 to index
        %get3A_751 = arith.index_cast %mul3A_749 : i32 to index
        %get3A_752 = tpu.vector_load %arg5[%get3A_750, %get3A_751] {strides = array<i32>} : memref<32x2048xf32, #tpu.memory_space<vmem>>, vector<1x16xf32>,
        %get3A_753 = vector.shape_cast %get3A_752 : vector<1x16xf32> to vector<16xf32>
        %mul3A_754 = arith.mulf %get3A_753, %select_n3A_747 : vector<16xf32>
        %mul3A_755 = arith.constant 16 : i32
        %mul3A_756 = arith.muli %scan3A_739, %mul3A_755 : i32
        %swap3A_757 = arith.index_cast %add3A_408 : i32 to index
        %swap3A_758 = arith.index_cast %mul3A_756 : i32 to index
        %swap3A_759 = tpu.vector_load %arg5[%swap3A_757, %swap3A_758] {strides = array<i32>} : memref<32x2048xf32, #tpu.memory_space<vmem>>, vector<1x16xf32>,
        %swap3A_760 = vector.shape_cast %swap3A_759 : vector<1x16xf32> to vector<16xf32>
        %swap3A_761 = vector.shape_cast %mul3A_754 : vector<16xf32> to vector<1x16xf32>
        tpu.vector_store %arg5[%swap3A_757, %swap3A_758], %swap3A_761 {strides = array<i32>} : memref<32x2048xf32, #tpu.memory_space<vmem>>, vector<1x16xf32>,
        %scan3A_762 = arith.constant 3 : i32
        %scan3A_763 = arith.addi %scan3A_694, %scan3A_762 : i32
        %mul3A_764 = arith.constant 16 : i32
        %mul3A_765 = arith.muli %scan3A_763, %mul3A_764 : i32
        %add3A_766 = vector.broadcast %mul3A_765 : i32 to vector<16xi32>
        %add3A_767 = arith.addi %iota3A, %add3A_766 : vector<16xi32>
        %ge3A_768 = arith.cmpi sge, %add3A_767, %broadcast_in_dim3A_403 : vector<16xi32>
        %le3A_769 = arith.cmpi sle, %add3A_767, %broadcast_in_dim3A_404 : vector<16xi32>
        %and3A_770 = arith.andi %ge3A_768, %le3A_769 : vector<16xi1>
        %select_n3A_771 = arith.select %and3A_770, %broadcast_in_dim3A_400, %broadcast_in_dim3A_402 : vector<16xi1>, vector<16xf32>
        %mul3A_772 = arith.constant 16 : i32
        %mul3A_773 = arith.muli %scan3A_763, %mul3A_772 : i32
        %get3A_774 = arith.index_cast %add3A_408 : i32 to index
        %get3A_775 = arith.index_cast %mul3A_773 : i32 to index
        %get3A_776 = tpu.vector_load %arg5[%get3A_774, %get3A_775] {strides = array<i32>} : memref<32x2048xf32, #tpu.memory_space<vmem>>, vector<1x16xf32>,
        %get3A_777 = vector.shape_cast %get3A_776 : vector<1x16xf32> to vector<16xf32>
        %mul3A_778 = arith.mulf %get3A_777, %select_n3A_771 : vector<16xf32>
        %mul3A_779 = arith.constant 16 : i32
        %mul3A_780 = arith.muli %scan3A_763, %mul3A_779 : i32
        %swap3A_781 = arith.index_cast %add3A_408 : i32 to index
        %swap3A_782 = arith.index_cast %mul3A_780 : i32 to index
        %swap3A_783 = tpu.vector_load %arg5[%swap3A_781, %swap3A_782] {strides = array<i32>} : memref<32x2048xf32, #tpu.memory_space<vmem>>, vector<1x16xf32>,
        %swap3A_784 = vector.shape_cast %swap3A_783 : vector<1x16xf32> to vector<16xf32>
        %swap3A_785 = vector.shape_cast %mul3A_778 : vector<16xf32> to vector<1x16xf32>
        tpu.vector_store %arg5[%swap3A_781, %swap3A_782], %swap3A_785 {strides = array<i32>} : memref<32x2048xf32, #tpu.memory_space<vmem>>, vector<1x16xf32>,
        %scan3A_786 = arith.constant 4 : i32
        %scan3A_787 = arith.addi %scan3A_694, %scan3A_786 : i32
        %mul3A_788 = arith.constant 16 : i32
        %mul3A_789 = arith.muli %scan3A_787, %mul3A_788 : i32
        %add3A_790 = vector.broadcast %mul3A_789 : i32 to vector<16xi32>
        %add3A_791 = arith.addi %iota3A, %add3A_790 : vector<16xi32>
        %ge3A_792 = arith.cmpi sge, %add3A_791, %broadcast_in_dim3A_403 : vector<16xi32>
        %le3A_793 = arith.cmpi sle, %add3A_791, %broadcast_in_dim3A_404 : vector<16xi32>
        %and3A_794 = arith.andi %ge3A_792, %le3A_793 : vector<16xi1>
        %select_n3A_795 = arith.select %and3A_794, %broadcast_in_dim3A_400, %broadcast_in_dim3A_402 : vector<16xi1>, vector<16xf32>
        %mul3A_796 = arith.constant 16 : i32
        %mul3A_797 = arith.muli %scan3A_787, %mul3A_796 : i32
        %get3A_798 = arith.index_cast %add3A_408 : i32 to index
        %get3A_799 = arith.index_cast %mul3A_797 : i32 to index
        %get3A_800 = tpu.vector_load %arg5[%get3A_798, %get3A_799] {strides = array<i32>} : memref<32x2048xf32, #tpu.memory_space<vmem>>, vector<1x16xf32>,
        %get3A_801 = vector.shape_cast %get3A_800 : vector<1x16xf32> to vector<16xf32>
        %mul3A_802 = arith.mulf %get3A_801, %select_n3A_795 : vector<16xf32>
        %mul3A_803 = arith.constant 16 : i32
        %mul3A_804 = arith.muli %scan3A_787, %mul3A_803 : i32
        %swap3A_805 = arith.index_cast %add3A_408 : i32 to index
        %swap3A_806 = arith.index_cast %mul3A_804 : i32 to index
        %swap3A_807 = tpu.vector_load %arg5[%swap3A_805, %swap3A_806] {strides = array<i32>} : memref<32x2048xf32, #tpu.memory_space<vmem>>, vector<1x16xf32>,
        %swap3A_808 = vector.shape_cast %swap3A_807 : vector<1x16xf32> to vector<16xf32>
        %swap3A_809 = vector.shape_cast %mul3A_802 : vector<16xf32> to vector<1x16xf32>
        tpu.vector_store %arg5[%swap3A_805, %swap3A_806], %swap3A_809 {strides = array<i32>} : memref<32x2048xf32, #tpu.memory_space<vmem>>, vector<1x16xf32>,
        %scan3A_810 = arith.constant 5 : i32
        %scan3A_811 = arith.addi %scan3A_694, %scan3A_810 : i32
        %mul3A_812 = arith.constant 16 : i32
        %mul3A_813 = arith.muli %scan3A_811, %mul3A_812 : i32
        %add3A_814 = vector.broadcast %mul3A_813 : i32 to vector<16xi32>
        %add3A_815 = arith.addi %iota3A, %add3A_814 : vector<16xi32>
        %ge3A_816 = arith.cmpi sge, %add3A_815, %broadcast_in_dim3A_403 : vector<16xi32>
        %le3A_817 = arith.cmpi sle, %add3A_815, %broadcast_in_dim3A_404 : vector<16xi32>
        %and3A_818 = arith.andi %ge3A_816, %le3A_817 : vector<16xi1>
        %select_n3A_819 = arith.select %and3A_818, %broadcast_in_dim3A_400, %broadcast_in_dim3A_402 : vector<16xi1>, vector<16xf32>
        %mul3A_820 = arith.constant 16 : i32
        %mul3A_821 = arith.muli %scan3A_811, %mul3A_820 : i32
        %get3A_822 = arith.index_cast %add3A_408 : i32 to index
        %get3A_823 = arith.index_cast %mul3A_821 : i32 to index
        %get3A_824 = tpu.vector_load %arg5[%get3A_822, %get3A_823] {strides = array<i32>} : memref<32x2048xf32, #tpu.memory_space<vmem>>, vector<1x16xf32>,
        %get3A_825 = vector.shape_cast %get3A_824 : vector<1x16xf32> to vector<16xf32>
        %mul3A_826 = arith.mulf %get3A_825, %select_n3A_819 : vector<16xf32>
        %mul3A_827 = arith.constant 16 : i32
        %mul3A_828 = arith.muli %scan3A_811, %mul3A_827 : i32
        %swap3A_829 = arith.index_cast %add3A_408 : i32 to index
        %swap3A_830 = arith.index_cast %mul3A_828 : i32 to index
        %swap3A_831 = tpu.vector_load %arg5[%swap3A_829, %swap3A_830] {strides = array<i32>} : memref<32x2048xf32, #tpu.memory_space<vmem>>, vector<1x16xf32>,
        %swap3A_832 = vector.shape_cast %swap3A_831 : vector<1x16xf32> to vector<16xf32>
        %swap3A_833 = vector.shape_cast %mul3A_826 : vector<16xf32> to vector<1x16xf32>
        tpu.vector_store %arg5[%swap3A_829, %swap3A_830], %swap3A_833 {strides = array<i32>} : memref<32x2048xf32, #tpu.memory_space<vmem>>, vector<1x16xf32>,
        %scan3A_834 = arith.constant 6 : i32
        %scan3A_835 = arith.addi %scan3A_694, %scan3A_834 : i32
        %mul3A_836 = arith.constant 16 : i32
        %mul3A_837 = arith.muli %scan3A_835, %mul3A_836 : i32
        %add3A_838 = vector.broadcast %mul3A_837 : i32 to vector<16xi32>
        %add3A_839 = arith.addi %iota3A, %add3A_838 : vector<16xi32>
        %ge3A_840 = arith.cmpi sge, %add3A_839, %broadcast_in_dim3A_403 : vector<16xi32>
        %le3A_841 = arith.cmpi sle, %add3A_839, %broadcast_in_dim3A_404 : vector<16xi32>
        %and3A_842 = arith.andi %ge3A_840, %le3A_841 : vector<16xi1>
        %select_n3A_843 = arith.select %and3A_842, %broadcast_in_dim3A_400, %broadcast_in_dim3A_402 : vector<16xi1>, vector<16xf32>
        %mul3A_844 = arith.constant 16 : i32
        %mul3A_845 = arith.muli %scan3A_835, %mul3A_844 : i32
        %get3A_846 = arith.index_cast %add3A_408 : i32 to index
        %get3A_847 = arith.index_cast %mul3A_845 : i32 to index
        %get3A_848 = tpu.vector_load %arg5[%get3A_846, %get3A_847] {strides = array<i32>} : memref<32x2048xf32, #tpu.memory_space<vmem>>, vector<1x16xf32>,
        %get3A_849 = vector.shape_cast %get3A_848 : vector<1x16xf32> to vector<16xf32>
        %mul3A_850 = arith.mulf %get3A_849, %select_n3A_843 : vector<16xf32>
        %mul3A_851 = arith.constant 16 : i32
        %mul3A_852 = arith.muli %scan3A_835, %mul3A_851 : i32
        %swap3A_853 = arith.index_cast %add3A_408 : i32 to index
        %swap3A_854 = arith.index_cast %mul3A_852 : i32 to index
        %swap3A_855 = tpu.vector_load %arg5[%swap3A_853, %swap3A_854] {strides = array<i32>} : memref<32x2048xf32, #tpu.memory_space<vmem>>, vector<1x16xf32>,
        %swap3A_856 = vector.shape_cast %swap3A_855 : vector<1x16xf32> to vector<16xf32>
        %swap3A_857 = vector.shape_cast %mul3A_850 : vector<16xf32> to vector<1x16xf32>
        tpu.vector_store %arg5[%swap3A_853, %swap3A_854], %swap3A_857 {strides = array<i32>} : memref<32x2048xf32, #tpu.memory_space<vmem>>, vector<1x16xf32>,
        %scan3A_858 = arith.constant 7 : i32
        %scan3A_859 = arith.addi %scan3A_694, %scan3A_858 : i32
        %mul3A_860 = arith.constant 16 : i32
        %mul3A_861 = arith.muli %scan3A_859, %mul3A_860 : i32
        %add3A_862 = vector.broadcast %mul3A_861 : i32 to vector<16xi32>
        %add3A_863 = arith.addi %iota3A, %add3A_862 : vector<16xi32>
        %ge3A_864 = arith.cmpi sge, %add3A_863, %broadcast_in_dim3A_403 : vector<16xi32>
        %le3A_865 = arith.cmpi sle, %add3A_863, %broadcast_in_dim3A_404 : vector<16xi32>
        %and3A_866 = arith.andi %ge3A_864, %le3A_865 : vector<16xi1>
        %select_n3A_867 = arith.select %and3A_866, %broadcast_in_dim3A_400, %broadcast_in_dim3A_402 : vector<16xi1>, vector<16xf32>
        %mul3A_868 = arith.constant 16 : i32
        %mul3A_869 = arith.muli %scan3A_859, %mul3A_868 : i32
        %get3A_870 = arith.index_cast %add3A_408 : i32 to index
        %get3A_871 = arith.index_cast %mul3A_869 : i32 to index
        %get3A_872 = tpu.vector_load %arg5[%get3A_870, %get3A_871] {strides = array<i32>} : memref<32x2048xf32, #tpu.memory_space<vmem>>, vector<1x16xf32>,
        %get3A_873 = vector.shape_cast %get3A_872 : vector<1x16xf32> to vector<16xf32>
        %mul3A_874 = arith.mulf %get3A_873, %select_n3A_867 : vector<16xf32>
        %mul3A_875 = arith.constant 16 : i32
        %mul3A_876 = arith.muli %scan3A_859, %mul3A_875 : i32
        %swap3A_877 = arith.index_cast %add3A_408 : i32 to index
        %swap3A_878 = arith.index_cast %mul3A_876 : i32 to index
        %swap3A_879 = tpu.vector_load %arg5[%swap3A_877, %swap3A_878] {strides = array<i32>} : memref<32x2048xf32, #tpu.memory_space<vmem>>, vector<1x16xf32>,
        %swap3A_880 = vector.shape_cast %swap3A_879 : vector<1x16xf32> to vector<16xf32>
        %swap3A_881 = vector.shape_cast %mul3A_874 : vector<16xf32> to vector<1x16xf32>
        tpu.vector_store %arg5[%swap3A_877, %swap3A_878], %swap3A_881 {strides = array<i32>} : memref<32x2048xf32, #tpu.memory_space<vmem>>, vector<1x16xf32>,
      }
      %scan3A_414 = arith.constant 128 : i32
      %add3A_415 = arith.constant 9 : i32
      %add3A_416 = arith.addi %add3A_78, %add3A_415 : i32
      %and3A_417 = arith.constant 2047 : i32
      %and3A_418 = arith.andi %add3A_416, %and3A_417 : i32
      %sub3A_419 = arith.constant 2047 : i32
      %sub3A_420 = arith.subi %sub3A_419, %and3A_418 : i32
      %min3A_421 = arith.minsi %and3A_418, %sub3A_420 : i32
      %lt3A_422 = arith.constant 1024 : i32
      %lt3A_423 = arith.cmpi slt, %and3A_418, %lt3A_422 : i32
      %jit3A_424 = arith.constant 0 : i32
      %jit3A_425 = arith.constant 1 : i32
      %select_n3A_426 = arith.select %lt3A_423, %jit3A_424, %jit3A_425 : i32
      %add3A_427 = arith.addi %min3A_421, %select_n3A_426 : i32
      %sub3A_428 = arith.constant 2047 : i32
      %sub3A_429 = arith.subi %sub3A_428, %min3A_421 : i32
      %convert_element_type3A_430 = arith.sitofp %min3A_421 : i32 to f32
      %mul3A_431 = arith.constant 3.125000e-02 : f32
      %mul3A_432 = arith.mulf %convert_element_type3A_430, %mul3A_431 : f32
      %add3A_433 = arith.addf %mul3A_432, %add3A_9 : f32
      %jit3A_434 = arith.constant 0.000000e+00 : f32
      %jit3A_435 = arith.constant 1.000000e+00 : f32
      %max3A_436 = arith.maximumf %jit3A_434, %add3A_433 : f32
      %min3A_437 = arith.minimumf %jit3A_435, %max3A_436 : f32
      %broadcast_in_dim3A_438 = vector.broadcast %min3A_437 : f32 to vector<16xf32>
      %broadcast_in_dim3A_439 = arith.constant 1.000000e+00 : f32
      %broadcast_in_dim3A_440 = vector.broadcast %broadcast_in_dim3A_439 : f32 to vector<16xf32>
      %broadcast_in_dim3A_441 = vector.broadcast %add3A_427 : i32 to vector<16xi32>
      %broadcast_in_dim3A_442 = vector.broadcast %sub3A_429 : i32 to vector<16xi32>
      %mul3A_443 = arith.constant 16 : i32
      %mul3A_444 = arith.muli %rem3A_58, %mul3A_443 : i32
      %add3A_445 = arith.constant 9 : i32
      %add3A_446 = arith.addi %mul3A_444, %add3A_445 : i32
      %scan3A_447 = arith.constant 0 : i32
      %scan3A_448 = arith.constant 0 : i32
      %scan3A_449 = arith.constant 128 : i32
      %scan3A_450 = arith.addi %scan3A_448, %scan3A_449 : i32
      %scan3A_451 = arith.constant 8 : i32
      scf.for %scan3A_694 = %scan3A_448 to %scan3A_450 step %scan3A_451  : i32 {
        %mul3A_695 = arith.constant 16 : i32
        %mul3A_696 = arith.muli %scan3A_694, %mul3A_695 : i32
        %add3A_697 = vector.broadcast %mul3A_696 : i32 to vector<16xi32>
        %add3A_698 = arith.addi %iota3A, %add3A_697 : vector<16xi32>
        %ge3A = arith.cmpi sge, %add3A_698, %broadcast_in_dim3A_441 : vector<16xi32>
        %le3A = arith.cmpi sle, %add3A_698, %broadcast_in_dim3A_442 : vector<16xi32>
        %and3A_699 = arith.andi %ge3A, %le3A : vector<16xi1>
        %select_n3A_700 = arith.select %and3A_699, %broadcast_in_dim3A_438, %broadcast_in_dim3A_440 : vector<16xi1>, vector<16xf32>
        %mul3A_701 = arith.constant 16 : i32
        %mul3A_702 = arith.muli %scan3A_694, %mul3A_701 : i32
        %get3A_703 = arith.index_cast %add3A_446 : i32 to index
        %get3A_704 = arith.index_cast %mul3A_702 : i32 to index
        %get3A_705 = tpu.vector_load %arg5[%get3A_703, %get3A_704] {strides = array<i32>} : memref<32x2048xf32, #tpu.memory_space<vmem>>, vector<1x16xf32>,
        %get3A_706 = vector.shape_cast %get3A_705 : vector<1x16xf32> to vector<16xf32>
        %mul3A_707 = arith.mulf %get3A_706, %select_n3A_700 : vector<16xf32>
        %mul3A_708 = arith.constant 16 : i32
        %mul3A_709 = arith.muli %scan3A_694, %mul3A_708 : i32
        %swap3A = arith.index_cast %add3A_446 : i32 to index
        %swap3A_710 = arith.index_cast %mul3A_709 : i32 to index
        %swap3A_711 = tpu.vector_load %arg5[%swap3A, %swap3A_710] {strides = array<i32>} : memref<32x2048xf32, #tpu.memory_space<vmem>>, vector<1x16xf32>,
        %swap3A_712 = vector.shape_cast %swap3A_711 : vector<1x16xf32> to vector<16xf32>
        %swap3A_713 = vector.shape_cast %mul3A_707 : vector<16xf32> to vector<1x16xf32>
        tpu.vector_store %arg5[%swap3A, %swap3A_710], %swap3A_713 {strides = array<i32>} : memref<32x2048xf32, #tpu.memory_space<vmem>>, vector<1x16xf32>,
        %scan3A_714 = arith.constant 1 : i32
        %scan3A_715 = arith.addi %scan3A_694, %scan3A_714 : i32
        %mul3A_716 = arith.constant 16 : i32
        %mul3A_717 = arith.muli %scan3A_715, %mul3A_716 : i32
        %add3A_718 = vector.broadcast %mul3A_717 : i32 to vector<16xi32>
        %add3A_719 = arith.addi %iota3A, %add3A_718 : vector<16xi32>
        %ge3A_720 = arith.cmpi sge, %add3A_719, %broadcast_in_dim3A_441 : vector<16xi32>
        %le3A_721 = arith.cmpi sle, %add3A_719, %broadcast_in_dim3A_442 : vector<16xi32>
        %and3A_722 = arith.andi %ge3A_720, %le3A_721 : vector<16xi1>
        %select_n3A_723 = arith.select %and3A_722, %broadcast_in_dim3A_438, %broadcast_in_dim3A_440 : vector<16xi1>, vector<16xf32>
        %mul3A_724 = arith.constant 16 : i32
        %mul3A_725 = arith.muli %scan3A_715, %mul3A_724 : i32
        %get3A_726 = arith.index_cast %add3A_446 : i32 to index
        %get3A_727 = arith.index_cast %mul3A_725 : i32 to index
        %get3A_728 = tpu.vector_load %arg5[%get3A_726, %get3A_727] {strides = array<i32>} : memref<32x2048xf32, #tpu.memory_space<vmem>>, vector<1x16xf32>,
        %get3A_729 = vector.shape_cast %get3A_728 : vector<1x16xf32> to vector<16xf32>
        %mul3A_730 = arith.mulf %get3A_729, %select_n3A_723 : vector<16xf32>
        %mul3A_731 = arith.constant 16 : i32
        %mul3A_732 = arith.muli %scan3A_715, %mul3A_731 : i32
        %swap3A_733 = arith.index_cast %add3A_446 : i32 to index
        %swap3A_734 = arith.index_cast %mul3A_732 : i32 to index
        %swap3A_735 = tpu.vector_load %arg5[%swap3A_733, %swap3A_734] {strides = array<i32>} : memref<32x2048xf32, #tpu.memory_space<vmem>>, vector<1x16xf32>,
        %swap3A_736 = vector.shape_cast %swap3A_735 : vector<1x16xf32> to vector<16xf32>
        %swap3A_737 = vector.shape_cast %mul3A_730 : vector<16xf32> to vector<1x16xf32>
        tpu.vector_store %arg5[%swap3A_733, %swap3A_734], %swap3A_737 {strides = array<i32>} : memref<32x2048xf32, #tpu.memory_space<vmem>>, vector<1x16xf32>,
        %scan3A_738 = arith.constant 2 : i32
        %scan3A_739 = arith.addi %scan3A_694, %scan3A_738 : i32
        %mul3A_740 = arith.constant 16 : i32
        %mul3A_741 = arith.muli %scan3A_739, %mul3A_740 : i32
        %add3A_742 = vector.broadcast %mul3A_741 : i32 to vector<16xi32>
        %add3A_743 = arith.addi %iota3A, %add3A_742 : vector<16xi32>
        %ge3A_744 = arith.cmpi sge, %add3A_743, %broadcast_in_dim3A_441 : vector<16xi32>
        %le3A_745 = arith.cmpi sle, %add3A_743, %broadcast_in_dim3A_442 : vector<16xi32>
        %and3A_746 = arith.andi %ge3A_744, %le3A_745 : vector<16xi1>
        %select_n3A_747 = arith.select %and3A_746, %broadcast_in_dim3A_438, %broadcast_in_dim3A_440 : vector<16xi1>, vector<16xf32>
        %mul3A_748 = arith.constant 16 : i32
        %mul3A_749 = arith.muli %scan3A_739, %mul3A_748 : i32
        %get3A_750 = arith.index_cast %add3A_446 : i32 to index
        %get3A_751 = arith.index_cast %mul3A_749 : i32 to index
        %get3A_752 = tpu.vector_load %arg5[%get3A_750, %get3A_751] {strides = array<i32>} : memref<32x2048xf32, #tpu.memory_space<vmem>>, vector<1x16xf32>,
        %get3A_753 = vector.shape_cast %get3A_752 : vector<1x16xf32> to vector<16xf32>
        %mul3A_754 = arith.mulf %get3A_753, %select_n3A_747 : vector<16xf32>
        %mul3A_755 = arith.constant 16 : i32
        %mul3A_756 = arith.muli %scan3A_739, %mul3A_755 : i32
        %swap3A_757 = arith.index_cast %add3A_446 : i32 to index
        %swap3A_758 = arith.index_cast %mul3A_756 : i32 to index
        %swap3A_759 = tpu.vector_load %arg5[%swap3A_757, %swap3A_758] {strides = array<i32>} : memref<32x2048xf32, #tpu.memory_space<vmem>>, vector<1x16xf32>,
        %swap3A_760 = vector.shape_cast %swap3A_759 : vector<1x16xf32> to vector<16xf32>
        %swap3A_761 = vector.shape_cast %mul3A_754 : vector<16xf32> to vector<1x16xf32>
        tpu.vector_store %arg5[%swap3A_757, %swap3A_758], %swap3A_761 {strides = array<i32>} : memref<32x2048xf32, #tpu.memory_space<vmem>>, vector<1x16xf32>,
        %scan3A_762 = arith.constant 3 : i32
        %scan3A_763 = arith.addi %scan3A_694, %scan3A_762 : i32
        %mul3A_764 = arith.constant 16 : i32
        %mul3A_765 = arith.muli %scan3A_763, %mul3A_764 : i32
        %add3A_766 = vector.broadcast %mul3A_765 : i32 to vector<16xi32>
        %add3A_767 = arith.addi %iota3A, %add3A_766 : vector<16xi32>
        %ge3A_768 = arith.cmpi sge, %add3A_767, %broadcast_in_dim3A_441 : vector<16xi32>
        %le3A_769 = arith.cmpi sle, %add3A_767, %broadcast_in_dim3A_442 : vector<16xi32>
        %and3A_770 = arith.andi %ge3A_768, %le3A_769 : vector<16xi1>
        %select_n3A_771 = arith.select %and3A_770, %broadcast_in_dim3A_438, %broadcast_in_dim3A_440 : vector<16xi1>, vector<16xf32>
        %mul3A_772 = arith.constant 16 : i32
        %mul3A_773 = arith.muli %scan3A_763, %mul3A_772 : i32
        %get3A_774 = arith.index_cast %add3A_446 : i32 to index
        %get3A_775 = arith.index_cast %mul3A_773 : i32 to index
        %get3A_776 = tpu.vector_load %arg5[%get3A_774, %get3A_775] {strides = array<i32>} : memref<32x2048xf32, #tpu.memory_space<vmem>>, vector<1x16xf32>,
        %get3A_777 = vector.shape_cast %get3A_776 : vector<1x16xf32> to vector<16xf32>
        %mul3A_778 = arith.mulf %get3A_777, %select_n3A_771 : vector<16xf32>
        %mul3A_779 = arith.constant 16 : i32
        %mul3A_780 = arith.muli %scan3A_763, %mul3A_779 : i32
        %swap3A_781 = arith.index_cast %add3A_446 : i32 to index
        %swap3A_782 = arith.index_cast %mul3A_780 : i32 to index
        %swap3A_783 = tpu.vector_load %arg5[%swap3A_781, %swap3A_782] {strides = array<i32>} : memref<32x2048xf32, #tpu.memory_space<vmem>>, vector<1x16xf32>,
        %swap3A_784 = vector.shape_cast %swap3A_783 : vector<1x16xf32> to vector<16xf32>
        %swap3A_785 = vector.shape_cast %mul3A_778 : vector<16xf32> to vector<1x16xf32>
        tpu.vector_store %arg5[%swap3A_781, %swap3A_782], %swap3A_785 {strides = array<i32>} : memref<32x2048xf32, #tpu.memory_space<vmem>>, vector<1x16xf32>,
        %scan3A_786 = arith.constant 4 : i32
        %scan3A_787 = arith.addi %scan3A_694, %scan3A_786 : i32
        %mul3A_788 = arith.constant 16 : i32
        %mul3A_789 = arith.muli %scan3A_787, %mul3A_788 : i32
        %add3A_790 = vector.broadcast %mul3A_789 : i32 to vector<16xi32>
        %add3A_791 = arith.addi %iota3A, %add3A_790 : vector<16xi32>
        %ge3A_792 = arith.cmpi sge, %add3A_791, %broadcast_in_dim3A_441 : vector<16xi32>
        %le3A_793 = arith.cmpi sle, %add3A_791, %broadcast_in_dim3A_442 : vector<16xi32>
        %and3A_794 = arith.andi %ge3A_792, %le3A_793 : vector<16xi1>
        %select_n3A_795 = arith.select %and3A_794, %broadcast_in_dim3A_438, %broadcast_in_dim3A_440 : vector<16xi1>, vector<16xf32>
        %mul3A_796 = arith.constant 16 : i32
        %mul3A_797 = arith.muli %scan3A_787, %mul3A_796 : i32
        %get3A_798 = arith.index_cast %add3A_446 : i32 to index
        %get3A_799 = arith.index_cast %mul3A_797 : i32 to index
        %get3A_800 = tpu.vector_load %arg5[%get3A_798, %get3A_799] {strides = array<i32>} : memref<32x2048xf32, #tpu.memory_space<vmem>>, vector<1x16xf32>,
        %get3A_801 = vector.shape_cast %get3A_800 : vector<1x16xf32> to vector<16xf32>
        %mul3A_802 = arith.mulf %get3A_801, %select_n3A_795 : vector<16xf32>
        %mul3A_803 = arith.constant 16 : i32
        %mul3A_804 = arith.muli %scan3A_787, %mul3A_803 : i32
        %swap3A_805 = arith.index_cast %add3A_446 : i32 to index
        %swap3A_806 = arith.index_cast %mul3A_804 : i32 to index
        %swap3A_807 = tpu.vector_load %arg5[%swap3A_805, %swap3A_806] {strides = array<i32>} : memref<32x2048xf32, #tpu.memory_space<vmem>>, vector<1x16xf32>,
        %swap3A_808 = vector.shape_cast %swap3A_807 : vector<1x16xf32> to vector<16xf32>
        %swap3A_809 = vector.shape_cast %mul3A_802 : vector<16xf32> to vector<1x16xf32>
        tpu.vector_store %arg5[%swap3A_805, %swap3A_806], %swap3A_809 {strides = array<i32>} : memref<32x2048xf32, #tpu.memory_space<vmem>>, vector<1x16xf32>,
        %scan3A_810 = arith.constant 5 : i32
        %scan3A_811 = arith.addi %scan3A_694, %scan3A_810 : i32
        %mul3A_812 = arith.constant 16 : i32
        %mul3A_813 = arith.muli %scan3A_811, %mul3A_812 : i32
        %add3A_814 = vector.broadcast %mul3A_813 : i32 to vector<16xi32>
        %add3A_815 = arith.addi %iota3A, %add3A_814 : vector<16xi32>
        %ge3A_816 = arith.cmpi sge, %add3A_815, %broadcast_in_dim3A_441 : vector<16xi32>
        %le3A_817 = arith.cmpi sle, %add3A_815, %broadcast_in_dim3A_442 : vector<16xi32>
        %and3A_818 = arith.andi %ge3A_816, %le3A_817 : vector<16xi1>
        %select_n3A_819 = arith.select %and3A_818, %broadcast_in_dim3A_438, %broadcast_in_dim3A_440 : vector<16xi1>, vector<16xf32>
        %mul3A_820 = arith.constant 16 : i32
        %mul3A_821 = arith.muli %scan3A_811, %mul3A_820 : i32
        %get3A_822 = arith.index_cast %add3A_446 : i32 to index
        %get3A_823 = arith.index_cast %mul3A_821 : i32 to index
        %get3A_824 = tpu.vector_load %arg5[%get3A_822, %get3A_823] {strides = array<i32>} : memref<32x2048xf32, #tpu.memory_space<vmem>>, vector<1x16xf32>,
        %get3A_825 = vector.shape_cast %get3A_824 : vector<1x16xf32> to vector<16xf32>
        %mul3A_826 = arith.mulf %get3A_825, %select_n3A_819 : vector<16xf32>
        %mul3A_827 = arith.constant 16 : i32
        %mul3A_828 = arith.muli %scan3A_811, %mul3A_827 : i32
        %swap3A_829 = arith.index_cast %add3A_446 : i32 to index
        %swap3A_830 = arith.index_cast %mul3A_828 : i32 to index
        %swap3A_831 = tpu.vector_load %arg5[%swap3A_829, %swap3A_830] {strides = array<i32>} : memref<32x2048xf32, #tpu.memory_space<vmem>>, vector<1x16xf32>,
        %swap3A_832 = vector.shape_cast %swap3A_831 : vector<1x16xf32> to vector<16xf32>
        %swap3A_833 = vector.shape_cast %mul3A_826 : vector<16xf32> to vector<1x16xf32>
        tpu.vector_store %arg5[%swap3A_829, %swap3A_830], %swap3A_833 {strides = array<i32>} : memref<32x2048xf32, #tpu.memory_space<vmem>>, vector<1x16xf32>,
        %scan3A_834 = arith.constant 6 : i32
        %scan3A_835 = arith.addi %scan3A_694, %scan3A_834 : i32
        %mul3A_836 = arith.constant 16 : i32
        %mul3A_837 = arith.muli %scan3A_835, %mul3A_836 : i32
        %add3A_838 = vector.broadcast %mul3A_837 : i32 to vector<16xi32>
        %add3A_839 = arith.addi %iota3A, %add3A_838 : vector<16xi32>
        %ge3A_840 = arith.cmpi sge, %add3A_839, %broadcast_in_dim3A_441 : vector<16xi32>
        %le3A_841 = arith.cmpi sle, %add3A_839, %broadcast_in_dim3A_442 : vector<16xi32>
        %and3A_842 = arith.andi %ge3A_840, %le3A_841 : vector<16xi1>
        %select_n3A_843 = arith.select %and3A_842, %broadcast_in_dim3A_438, %broadcast_in_dim3A_440 : vector<16xi1>, vector<16xf32>
        %mul3A_844 = arith.constant 16 : i32
        %mul3A_845 = arith.muli %scan3A_835, %mul3A_844 : i32
        %get3A_846 = arith.index_cast %add3A_446 : i32 to index
        %get3A_847 = arith.index_cast %mul3A_845 : i32 to index
        %get3A_848 = tpu.vector_load %arg5[%get3A_846, %get3A_847] {strides = array<i32>} : memref<32x2048xf32, #tpu.memory_space<vmem>>, vector<1x16xf32>,
        %get3A_849 = vector.shape_cast %get3A_848 : vector<1x16xf32> to vector<16xf32>
        %mul3A_850 = arith.mulf %get3A_849, %select_n3A_843 : vector<16xf32>
        %mul3A_851 = arith.constant 16 : i32
        %mul3A_852 = arith.muli %scan3A_835, %mul3A_851 : i32
        %swap3A_853 = arith.index_cast %add3A_446 : i32 to index
        %swap3A_854 = arith.index_cast %mul3A_852 : i32 to index
        %swap3A_855 = tpu.vector_load %arg5[%swap3A_853, %swap3A_854] {strides = array<i32>} : memref<32x2048xf32, #tpu.memory_space<vmem>>, vector<1x16xf32>,
        %swap3A_856 = vector.shape_cast %swap3A_855 : vector<1x16xf32> to vector<16xf32>
        %swap3A_857 = vector.shape_cast %mul3A_850 : vector<16xf32> to vector<1x16xf32>
        tpu.vector_store %arg5[%swap3A_853, %swap3A_854], %swap3A_857 {strides = array<i32>} : memref<32x2048xf32, #tpu.memory_space<vmem>>, vector<1x16xf32>,
        %scan3A_858 = arith.constant 7 : i32
        %scan3A_859 = arith.addi %scan3A_694, %scan3A_858 : i32
        %mul3A_860 = arith.constant 16 : i32
        %mul3A_861 = arith.muli %scan3A_859, %mul3A_860 : i32
        %add3A_862 = vector.broadcast %mul3A_861 : i32 to vector<16xi32>
        %add3A_863 = arith.addi %iota3A, %add3A_862 : vector<16xi32>
        %ge3A_864 = arith.cmpi sge, %add3A_863, %broadcast_in_dim3A_441 : vector<16xi32>
        %le3A_865 = arith.cmpi sle, %add3A_863, %broadcast_in_dim3A_442 : vector<16xi32>
        %and3A_866 = arith.andi %ge3A_864, %le3A_865 : vector<16xi1>
        %select_n3A_867 = arith.select %and3A_866, %broadcast_in_dim3A_438, %broadcast_in_dim3A_440 : vector<16xi1>, vector<16xf32>
        %mul3A_868 = arith.constant 16 : i32
        %mul3A_869 = arith.muli %scan3A_859, %mul3A_868 : i32
        %get3A_870 = arith.index_cast %add3A_446 : i32 to index
        %get3A_871 = arith.index_cast %mul3A_869 : i32 to index
        %get3A_872 = tpu.vector_load %arg5[%get3A_870, %get3A_871] {strides = array<i32>} : memref<32x2048xf32, #tpu.memory_space<vmem>>, vector<1x16xf32>,
        %get3A_873 = vector.shape_cast %get3A_872 : vector<1x16xf32> to vector<16xf32>
        %mul3A_874 = arith.mulf %get3A_873, %select_n3A_867 : vector<16xf32>
        %mul3A_875 = arith.constant 16 : i32
        %mul3A_876 = arith.muli %scan3A_859, %mul3A_875 : i32
        %swap3A_877 = arith.index_cast %add3A_446 : i32 to index
        %swap3A_878 = arith.index_cast %mul3A_876 : i32 to index
        %swap3A_879 = tpu.vector_load %arg5[%swap3A_877, %swap3A_878] {strides = array<i32>} : memref<32x2048xf32, #tpu.memory_space<vmem>>, vector<1x16xf32>,
        %swap3A_880 = vector.shape_cast %swap3A_879 : vector<1x16xf32> to vector<16xf32>
        %swap3A_881 = vector.shape_cast %mul3A_874 : vector<16xf32> to vector<1x16xf32>
        tpu.vector_store %arg5[%swap3A_877, %swap3A_878], %swap3A_881 {strides = array<i32>} : memref<32x2048xf32, #tpu.memory_space<vmem>>, vector<1x16xf32>,
      }
      %scan3A_452 = arith.constant 128 : i32
      %add3A_453 = arith.constant 10 : i32
      %add3A_454 = arith.addi %add3A_78, %add3A_453 : i32
      %and3A_455 = arith.constant 2047 : i32
      %and3A_456 = arith.andi %add3A_454, %and3A_455 : i32
      %sub3A_457 = arith.constant 2047 : i32
      %sub3A_458 = arith.subi %sub3A_457, %and3A_456 : i32
      %min3A_459 = arith.minsi %and3A_456, %sub3A_458 : i32
      %lt3A_460 = arith.constant 1024 : i32
      %lt3A_461 = arith.cmpi slt, %and3A_456, %lt3A_460 : i32
      %jit3A_462 = arith.constant 0 : i32
      %jit3A_463 = arith.constant 1 : i32
      %select_n3A_464 = arith.select %lt3A_461, %jit3A_462, %jit3A_463 : i32
      %add3A_465 = arith.addi %min3A_459, %select_n3A_464 : i32
      %sub3A_466 = arith.constant 2047 : i32
      %sub3A_467 = arith.subi %sub3A_466, %min3A_459 : i32
      %convert_element_type3A_468 = arith.sitofp %min3A_459 : i32 to f32
      %mul3A_469 = arith.constant 3.125000e-02 : f32
      %mul3A_470 = arith.mulf %convert_element_type3A_468, %mul3A_469 : f32
      %add3A_471 = arith.addf %mul3A_470, %add3A_9 : f32
      %jit3A_472 = arith.constant 0.000000e+00 : f32
      %jit3A_473 = arith.constant 1.000000e+00 : f32
      %max3A_474 = arith.maximumf %jit3A_472, %add3A_471 : f32
      %min3A_475 = arith.minimumf %jit3A_473, %max3A_474 : f32
      %broadcast_in_dim3A_476 = vector.broadcast %min3A_475 : f32 to vector<16xf32>
      %broadcast_in_dim3A_477 = arith.constant 1.000000e+00 : f32
      %broadcast_in_dim3A_478 = vector.broadcast %broadcast_in_dim3A_477 : f32 to vector<16xf32>
      %broadcast_in_dim3A_479 = vector.broadcast %add3A_465 : i32 to vector<16xi32>
      %broadcast_in_dim3A_480 = vector.broadcast %sub3A_467 : i32 to vector<16xi32>
      %mul3A_481 = arith.constant 16 : i32
      %mul3A_482 = arith.muli %rem3A_58, %mul3A_481 : i32
      %add3A_483 = arith.constant 10 : i32
      %add3A_484 = arith.addi %mul3A_482, %add3A_483 : i32
      %scan3A_485 = arith.constant 0 : i32
      %scan3A_486 = arith.constant 0 : i32
      %scan3A_487 = arith.constant 128 : i32
      %scan3A_488 = arith.addi %scan3A_486, %scan3A_487 : i32
      %scan3A_489 = arith.constant 8 : i32
      scf.for %scan3A_694 = %scan3A_486 to %scan3A_488 step %scan3A_489  : i32 {
        %mul3A_695 = arith.constant 16 : i32
        %mul3A_696 = arith.muli %scan3A_694, %mul3A_695 : i32
        %add3A_697 = vector.broadcast %mul3A_696 : i32 to vector<16xi32>
        %add3A_698 = arith.addi %iota3A, %add3A_697 : vector<16xi32>
        %ge3A = arith.cmpi sge, %add3A_698, %broadcast_in_dim3A_479 : vector<16xi32>
        %le3A = arith.cmpi sle, %add3A_698, %broadcast_in_dim3A_480 : vector<16xi32>
        %and3A_699 = arith.andi %ge3A, %le3A : vector<16xi1>
        %select_n3A_700 = arith.select %and3A_699, %broadcast_in_dim3A_476, %broadcast_in_dim3A_478 : vector<16xi1>, vector<16xf32>
        %mul3A_701 = arith.constant 16 : i32
        %mul3A_702 = arith.muli %scan3A_694, %mul3A_701 : i32
        %get3A_703 = arith.index_cast %add3A_484 : i32 to index
        %get3A_704 = arith.index_cast %mul3A_702 : i32 to index
        %get3A_705 = tpu.vector_load %arg5[%get3A_703, %get3A_704] {strides = array<i32>} : memref<32x2048xf32, #tpu.memory_space<vmem>>, vector<1x16xf32>,
        %get3A_706 = vector.shape_cast %get3A_705 : vector<1x16xf32> to vector<16xf32>
        %mul3A_707 = arith.mulf %get3A_706, %select_n3A_700 : vector<16xf32>
        %mul3A_708 = arith.constant 16 : i32
        %mul3A_709 = arith.muli %scan3A_694, %mul3A_708 : i32
        %swap3A = arith.index_cast %add3A_484 : i32 to index
        %swap3A_710 = arith.index_cast %mul3A_709 : i32 to index
        %swap3A_711 = tpu.vector_load %arg5[%swap3A, %swap3A_710] {strides = array<i32>} : memref<32x2048xf32, #tpu.memory_space<vmem>>, vector<1x16xf32>,
        %swap3A_712 = vector.shape_cast %swap3A_711 : vector<1x16xf32> to vector<16xf32>
        %swap3A_713 = vector.shape_cast %mul3A_707 : vector<16xf32> to vector<1x16xf32>
        tpu.vector_store %arg5[%swap3A, %swap3A_710], %swap3A_713 {strides = array<i32>} : memref<32x2048xf32, #tpu.memory_space<vmem>>, vector<1x16xf32>,
        %scan3A_714 = arith.constant 1 : i32
        %scan3A_715 = arith.addi %scan3A_694, %scan3A_714 : i32
        %mul3A_716 = arith.constant 16 : i32
        %mul3A_717 = arith.muli %scan3A_715, %mul3A_716 : i32
        %add3A_718 = vector.broadcast %mul3A_717 : i32 to vector<16xi32>
        %add3A_719 = arith.addi %iota3A, %add3A_718 : vector<16xi32>
        %ge3A_720 = arith.cmpi sge, %add3A_719, %broadcast_in_dim3A_479 : vector<16xi32>
        %le3A_721 = arith.cmpi sle, %add3A_719, %broadcast_in_dim3A_480 : vector<16xi32>
        %and3A_722 = arith.andi %ge3A_720, %le3A_721 : vector<16xi1>
        %select_n3A_723 = arith.select %and3A_722, %broadcast_in_dim3A_476, %broadcast_in_dim3A_478 : vector<16xi1>, vector<16xf32>
        %mul3A_724 = arith.constant 16 : i32
        %mul3A_725 = arith.muli %scan3A_715, %mul3A_724 : i32
        %get3A_726 = arith.index_cast %add3A_484 : i32 to index
        %get3A_727 = arith.index_cast %mul3A_725 : i32 to index
        %get3A_728 = tpu.vector_load %arg5[%get3A_726, %get3A_727] {strides = array<i32>} : memref<32x2048xf32, #tpu.memory_space<vmem>>, vector<1x16xf32>,
        %get3A_729 = vector.shape_cast %get3A_728 : vector<1x16xf32> to vector<16xf32>
        %mul3A_730 = arith.mulf %get3A_729, %select_n3A_723 : vector<16xf32>
        %mul3A_731 = arith.constant 16 : i32
        %mul3A_732 = arith.muli %scan3A_715, %mul3A_731 : i32
        %swap3A_733 = arith.index_cast %add3A_484 : i32 to index
        %swap3A_734 = arith.index_cast %mul3A_732 : i32 to index
        %swap3A_735 = tpu.vector_load %arg5[%swap3A_733, %swap3A_734] {strides = array<i32>} : memref<32x2048xf32, #tpu.memory_space<vmem>>, vector<1x16xf32>,
        %swap3A_736 = vector.shape_cast %swap3A_735 : vector<1x16xf32> to vector<16xf32>
        %swap3A_737 = vector.shape_cast %mul3A_730 : vector<16xf32> to vector<1x16xf32>
        tpu.vector_store %arg5[%swap3A_733, %swap3A_734], %swap3A_737 {strides = array<i32>} : memref<32x2048xf32, #tpu.memory_space<vmem>>, vector<1x16xf32>,
        %scan3A_738 = arith.constant 2 : i32
        %scan3A_739 = arith.addi %scan3A_694, %scan3A_738 : i32
        %mul3A_740 = arith.constant 16 : i32
        %mul3A_741 = arith.muli %scan3A_739, %mul3A_740 : i32
        %add3A_742 = vector.broadcast %mul3A_741 : i32 to vector<16xi32>
        %add3A_743 = arith.addi %iota3A, %add3A_742 : vector<16xi32>
        %ge3A_744 = arith.cmpi sge, %add3A_743, %broadcast_in_dim3A_479 : vector<16xi32>
        %le3A_745 = arith.cmpi sle, %add3A_743, %broadcast_in_dim3A_480 : vector<16xi32>
        %and3A_746 = arith.andi %ge3A_744, %le3A_745 : vector<16xi1>
        %select_n3A_747 = arith.select %and3A_746, %broadcast_in_dim3A_476, %broadcast_in_dim3A_478 : vector<16xi1>, vector<16xf32>
        %mul3A_748 = arith.constant 16 : i32
        %mul3A_749 = arith.muli %scan3A_739, %mul3A_748 : i32
        %get3A_750 = arith.index_cast %add3A_484 : i32 to index
        %get3A_751 = arith.index_cast %mul3A_749 : i32 to index
        %get3A_752 = tpu.vector_load %arg5[%get3A_750, %get3A_751] {strides = array<i32>} : memref<32x2048xf32, #tpu.memory_space<vmem>>, vector<1x16xf32>,
        %get3A_753 = vector.shape_cast %get3A_752 : vector<1x16xf32> to vector<16xf32>
        %mul3A_754 = arith.mulf %get3A_753, %select_n3A_747 : vector<16xf32>
        %mul3A_755 = arith.constant 16 : i32
        %mul3A_756 = arith.muli %scan3A_739, %mul3A_755 : i32
        %swap3A_757 = arith.index_cast %add3A_484 : i32 to index
        %swap3A_758 = arith.index_cast %mul3A_756 : i32 to index
        %swap3A_759 = tpu.vector_load %arg5[%swap3A_757, %swap3A_758] {strides = array<i32>} : memref<32x2048xf32, #tpu.memory_space<vmem>>, vector<1x16xf32>,
        %swap3A_760 = vector.shape_cast %swap3A_759 : vector<1x16xf32> to vector<16xf32>
        %swap3A_761 = vector.shape_cast %mul3A_754 : vector<16xf32> to vector<1x16xf32>
        tpu.vector_store %arg5[%swap3A_757, %swap3A_758], %swap3A_761 {strides = array<i32>} : memref<32x2048xf32, #tpu.memory_space<vmem>>, vector<1x16xf32>,
        %scan3A_762 = arith.constant 3 : i32
        %scan3A_763 = arith.addi %scan3A_694, %scan3A_762 : i32
        %mul3A_764 = arith.constant 16 : i32
        %mul3A_765 = arith.muli %scan3A_763, %mul3A_764 : i32
        %add3A_766 = vector.broadcast %mul3A_765 : i32 to vector<16xi32>
        %add3A_767 = arith.addi %iota3A, %add3A_766 : vector<16xi32>
        %ge3A_768 = arith.cmpi sge, %add3A_767, %broadcast_in_dim3A_479 : vector<16xi32>
        %le3A_769 = arith.cmpi sle, %add3A_767, %broadcast_in_dim3A_480 : vector<16xi32>
        %and3A_770 = arith.andi %ge3A_768, %le3A_769 : vector<16xi1>
        %select_n3A_771 = arith.select %and3A_770, %broadcast_in_dim3A_476, %broadcast_in_dim3A_478 : vector<16xi1>, vector<16xf32>
        %mul3A_772 = arith.constant 16 : i32
        %mul3A_773 = arith.muli %scan3A_763, %mul3A_772 : i32
        %get3A_774 = arith.index_cast %add3A_484 : i32 to index
        %get3A_775 = arith.index_cast %mul3A_773 : i32 to index
        %get3A_776 = tpu.vector_load %arg5[%get3A_774, %get3A_775] {strides = array<i32>} : memref<32x2048xf32, #tpu.memory_space<vmem>>, vector<1x16xf32>,
        %get3A_777 = vector.shape_cast %get3A_776 : vector<1x16xf32> to vector<16xf32>
        %mul3A_778 = arith.mulf %get3A_777, %select_n3A_771 : vector<16xf32>
        %mul3A_779 = arith.constant 16 : i32
        %mul3A_780 = arith.muli %scan3A_763, %mul3A_779 : i32
        %swap3A_781 = arith.index_cast %add3A_484 : i32 to index
        %swap3A_782 = arith.index_cast %mul3A_780 : i32 to index
        %swap3A_783 = tpu.vector_load %arg5[%swap3A_781, %swap3A_782] {strides = array<i32>} : memref<32x2048xf32, #tpu.memory_space<vmem>>, vector<1x16xf32>,
        %swap3A_784 = vector.shape_cast %swap3A_783 : vector<1x16xf32> to vector<16xf32>
        %swap3A_785 = vector.shape_cast %mul3A_778 : vector<16xf32> to vector<1x16xf32>
        tpu.vector_store %arg5[%swap3A_781, %swap3A_782], %swap3A_785 {strides = array<i32>} : memref<32x2048xf32, #tpu.memory_space<vmem>>, vector<1x16xf32>,
        %scan3A_786 = arith.constant 4 : i32
        %scan3A_787 = arith.addi %scan3A_694, %scan3A_786 : i32
        %mul3A_788 = arith.constant 16 : i32
        %mul3A_789 = arith.muli %scan3A_787, %mul3A_788 : i32
        %add3A_790 = vector.broadcast %mul3A_789 : i32 to vector<16xi32>
        %add3A_791 = arith.addi %iota3A, %add3A_790 : vector<16xi32>
        %ge3A_792 = arith.cmpi sge, %add3A_791, %broadcast_in_dim3A_479 : vector<16xi32>
        %le3A_793 = arith.cmpi sle, %add3A_791, %broadcast_in_dim3A_480 : vector<16xi32>
        %and3A_794 = arith.andi %ge3A_792, %le3A_793 : vector<16xi1>
        %select_n3A_795 = arith.select %and3A_794, %broadcast_in_dim3A_476, %broadcast_in_dim3A_478 : vector<16xi1>, vector<16xf32>
        %mul3A_796 = arith.constant 16 : i32
        %mul3A_797 = arith.muli %scan3A_787, %mul3A_796 : i32
        %get3A_798 = arith.index_cast %add3A_484 : i32 to index
        %get3A_799 = arith.index_cast %mul3A_797 : i32 to index
        %get3A_800 = tpu.vector_load %arg5[%get3A_798, %get3A_799] {strides = array<i32>} : memref<32x2048xf32, #tpu.memory_space<vmem>>, vector<1x16xf32>,
        %get3A_801 = vector.shape_cast %get3A_800 : vector<1x16xf32> to vector<16xf32>
        %mul3A_802 = arith.mulf %get3A_801, %select_n3A_795 : vector<16xf32>
        %mul3A_803 = arith.constant 16 : i32
        %mul3A_804 = arith.muli %scan3A_787, %mul3A_803 : i32
        %swap3A_805 = arith.index_cast %add3A_484 : i32 to index
        %swap3A_806 = arith.index_cast %mul3A_804 : i32 to index
        %swap3A_807 = tpu.vector_load %arg5[%swap3A_805, %swap3A_806] {strides = array<i32>} : memref<32x2048xf32, #tpu.memory_space<vmem>>, vector<1x16xf32>,
        %swap3A_808 = vector.shape_cast %swap3A_807 : vector<1x16xf32> to vector<16xf32>
        %swap3A_809 = vector.shape_cast %mul3A_802 : vector<16xf32> to vector<1x16xf32>
        tpu.vector_store %arg5[%swap3A_805, %swap3A_806], %swap3A_809 {strides = array<i32>} : memref<32x2048xf32, #tpu.memory_space<vmem>>, vector<1x16xf32>,
        %scan3A_810 = arith.constant 5 : i32
        %scan3A_811 = arith.addi %scan3A_694, %scan3A_810 : i32
        %mul3A_812 = arith.constant 16 : i32
        %mul3A_813 = arith.muli %scan3A_811, %mul3A_812 : i32
        %add3A_814 = vector.broadcast %mul3A_813 : i32 to vector<16xi32>
        %add3A_815 = arith.addi %iota3A, %add3A_814 : vector<16xi32>
        %ge3A_816 = arith.cmpi sge, %add3A_815, %broadcast_in_dim3A_479 : vector<16xi32>
        %le3A_817 = arith.cmpi sle, %add3A_815, %broadcast_in_dim3A_480 : vector<16xi32>
        %and3A_818 = arith.andi %ge3A_816, %le3A_817 : vector<16xi1>
        %select_n3A_819 = arith.select %and3A_818, %broadcast_in_dim3A_476, %broadcast_in_dim3A_478 : vector<16xi1>, vector<16xf32>
        %mul3A_820 = arith.constant 16 : i32
        %mul3A_821 = arith.muli %scan3A_811, %mul3A_820 : i32
        %get3A_822 = arith.index_cast %add3A_484 : i32 to index
        %get3A_823 = arith.index_cast %mul3A_821 : i32 to index
        %get3A_824 = tpu.vector_load %arg5[%get3A_822, %get3A_823] {strides = array<i32>} : memref<32x2048xf32, #tpu.memory_space<vmem>>, vector<1x16xf32>,
        %get3A_825 = vector.shape_cast %get3A_824 : vector<1x16xf32> to vector<16xf32>
        %mul3A_826 = arith.mulf %get3A_825, %select_n3A_819 : vector<16xf32>
        %mul3A_827 = arith.constant 16 : i32
        %mul3A_828 = arith.muli %scan3A_811, %mul3A_827 : i32
        %swap3A_829 = arith.index_cast %add3A_484 : i32 to index
        %swap3A_830 = arith.index_cast %mul3A_828 : i32 to index
        %swap3A_831 = tpu.vector_load %arg5[%swap3A_829, %swap3A_830] {strides = array<i32>} : memref<32x2048xf32, #tpu.memory_space<vmem>>, vector<1x16xf32>,
        %swap3A_832 = vector.shape_cast %swap3A_831 : vector<1x16xf32> to vector<16xf32>
        %swap3A_833 = vector.shape_cast %mul3A_826 : vector<16xf32> to vector<1x16xf32>
        tpu.vector_store %arg5[%swap3A_829, %swap3A_830], %swap3A_833 {strides = array<i32>} : memref<32x2048xf32, #tpu.memory_space<vmem>>, vector<1x16xf32>,
        %scan3A_834 = arith.constant 6 : i32
        %scan3A_835 = arith.addi %scan3A_694, %scan3A_834 : i32
        %mul3A_836 = arith.constant 16 : i32
        %mul3A_837 = arith.muli %scan3A_835, %mul3A_836 : i32
        %add3A_838 = vector.broadcast %mul3A_837 : i32 to vector<16xi32>
        %add3A_839 = arith.addi %iota3A, %add3A_838 : vector<16xi32>
        %ge3A_840 = arith.cmpi sge, %add3A_839, %broadcast_in_dim3A_479 : vector<16xi32>
        %le3A_841 = arith.cmpi sle, %add3A_839, %broadcast_in_dim3A_480 : vector<16xi32>
        %and3A_842 = arith.andi %ge3A_840, %le3A_841 : vector<16xi1>
        %select_n3A_843 = arith.select %and3A_842, %broadcast_in_dim3A_476, %broadcast_in_dim3A_478 : vector<16xi1>, vector<16xf32>
        %mul3A_844 = arith.constant 16 : i32
        %mul3A_845 = arith.muli %scan3A_835, %mul3A_844 : i32
        %get3A_846 = arith.index_cast %add3A_484 : i32 to index
        %get3A_847 = arith.index_cast %mul3A_845 : i32 to index
        %get3A_848 = tpu.vector_load %arg5[%get3A_846, %get3A_847] {strides = array<i32>} : memref<32x2048xf32, #tpu.memory_space<vmem>>, vector<1x16xf32>,
        %get3A_849 = vector.shape_cast %get3A_848 : vector<1x16xf32> to vector<16xf32>
        %mul3A_850 = arith.mulf %get3A_849, %select_n3A_843 : vector<16xf32>
        %mul3A_851 = arith.constant 16 : i32
        %mul3A_852 = arith.muli %scan3A_835, %mul3A_851 : i32
        %swap3A_853 = arith.index_cast %add3A_484 : i32 to index
        %swap3A_854 = arith.index_cast %mul3A_852 : i32 to index
        %swap3A_855 = tpu.vector_load %arg5[%swap3A_853, %swap3A_854] {strides = array<i32>} : memref<32x2048xf32, #tpu.memory_space<vmem>>, vector<1x16xf32>,
        %swap3A_856 = vector.shape_cast %swap3A_855 : vector<1x16xf32> to vector<16xf32>
        %swap3A_857 = vector.shape_cast %mul3A_850 : vector<16xf32> to vector<1x16xf32>
        tpu.vector_store %arg5[%swap3A_853, %swap3A_854], %swap3A_857 {strides = array<i32>} : memref<32x2048xf32, #tpu.memory_space<vmem>>, vector<1x16xf32>,
        %scan3A_858 = arith.constant 7 : i32
        %scan3A_859 = arith.addi %scan3A_694, %scan3A_858 : i32
        %mul3A_860 = arith.constant 16 : i32
        %mul3A_861 = arith.muli %scan3A_859, %mul3A_860 : i32
        %add3A_862 = vector.broadcast %mul3A_861 : i32 to vector<16xi32>
        %add3A_863 = arith.addi %iota3A, %add3A_862 : vector<16xi32>
        %ge3A_864 = arith.cmpi sge, %add3A_863, %broadcast_in_dim3A_479 : vector<16xi32>
        %le3A_865 = arith.cmpi sle, %add3A_863, %broadcast_in_dim3A_480 : vector<16xi32>
        %and3A_866 = arith.andi %ge3A_864, %le3A_865 : vector<16xi1>
        %select_n3A_867 = arith.select %and3A_866, %broadcast_in_dim3A_476, %broadcast_in_dim3A_478 : vector<16xi1>, vector<16xf32>
        %mul3A_868 = arith.constant 16 : i32
        %mul3A_869 = arith.muli %scan3A_859, %mul3A_868 : i32
        %get3A_870 = arith.index_cast %add3A_484 : i32 to index
        %get3A_871 = arith.index_cast %mul3A_869 : i32 to index
        %get3A_872 = tpu.vector_load %arg5[%get3A_870, %get3A_871] {strides = array<i32>} : memref<32x2048xf32, #tpu.memory_space<vmem>>, vector<1x16xf32>,
        %get3A_873 = vector.shape_cast %get3A_872 : vector<1x16xf32> to vector<16xf32>
        %mul3A_874 = arith.mulf %get3A_873, %select_n3A_867 : vector<16xf32>
        %mul3A_875 = arith.constant 16 : i32
        %mul3A_876 = arith.muli %scan3A_859, %mul3A_875 : i32
        %swap3A_877 = arith.index_cast %add3A_484 : i32 to index
        %swap3A_878 = arith.index_cast %mul3A_876 : i32 to index
        %swap3A_879 = tpu.vector_load %arg5[%swap3A_877, %swap3A_878] {strides = array<i32>} : memref<32x2048xf32, #tpu.memory_space<vmem>>, vector<1x16xf32>,
        %swap3A_880 = vector.shape_cast %swap3A_879 : vector<1x16xf32> to vector<16xf32>
        %swap3A_881 = vector.shape_cast %mul3A_874 : vector<16xf32> to vector<1x16xf32>
        tpu.vector_store %arg5[%swap3A_877, %swap3A_878], %swap3A_881 {strides = array<i32>} : memref<32x2048xf32, #tpu.memory_space<vmem>>, vector<1x16xf32>,
      }
      %scan3A_490 = arith.constant 128 : i32
      %add3A_491 = arith.constant 11 : i32
      %add3A_492 = arith.addi %add3A_78, %add3A_491 : i32
      %and3A_493 = arith.constant 2047 : i32
      %and3A_494 = arith.andi %add3A_492, %and3A_493 : i32
      %sub3A_495 = arith.constant 2047 : i32
      %sub3A_496 = arith.subi %sub3A_495, %and3A_494 : i32
      %min3A_497 = arith.minsi %and3A_494, %sub3A_496 : i32
      %lt3A_498 = arith.constant 1024 : i32
      %lt3A_499 = arith.cmpi slt, %and3A_494, %lt3A_498 : i32
      %jit3A_500 = arith.constant 0 : i32
      %jit3A_501 = arith.constant 1 : i32
      %select_n3A_502 = arith.select %lt3A_499, %jit3A_500, %jit3A_501 : i32
      %add3A_503 = arith.addi %min3A_497, %select_n3A_502 : i32
      %sub3A_504 = arith.constant 2047 : i32
      %sub3A_505 = arith.subi %sub3A_504, %min3A_497 : i32
      %convert_element_type3A_506 = arith.sitofp %min3A_497 : i32 to f32
      %mul3A_507 = arith.constant 3.125000e-02 : f32
      %mul3A_508 = arith.mulf %convert_element_type3A_506, %mul3A_507 : f32
      %add3A_509 = arith.addf %mul3A_508, %add3A_9 : f32
      %jit3A_510 = arith.constant 0.000000e+00 : f32
      %jit3A_511 = arith.constant 1.000000e+00 : f32
      %max3A_512 = arith.maximumf %jit3A_510, %add3A_509 : f32
      %min3A_513 = arith.minimumf %jit3A_511, %max3A_512 : f32
      %broadcast_in_dim3A_514 = vector.broadcast %min3A_513 : f32 to vector<16xf32>
      %broadcast_in_dim3A_515 = arith.constant 1.000000e+00 : f32
      %broadcast_in_dim3A_516 = vector.broadcast %broadcast_in_dim3A_515 : f32 to vector<16xf32>
      %broadcast_in_dim3A_517 = vector.broadcast %add3A_503 : i32 to vector<16xi32>
      %broadcast_in_dim3A_518 = vector.broadcast %sub3A_505 : i32 to vector<16xi32>
      %mul3A_519 = arith.constant 16 : i32
      %mul3A_520 = arith.muli %rem3A_58, %mul3A_519 : i32
      %add3A_521 = arith.constant 11 : i32
      %add3A_522 = arith.addi %mul3A_520, %add3A_521 : i32
      %scan3A_523 = arith.constant 0 : i32
      %scan3A_524 = arith.constant 0 : i32
      %scan3A_525 = arith.constant 128 : i32
      %scan3A_526 = arith.addi %scan3A_524, %scan3A_525 : i32
      %scan3A_527 = arith.constant 8 : i32
      scf.for %scan3A_694 = %scan3A_524 to %scan3A_526 step %scan3A_527  : i32 {
        %mul3A_695 = arith.constant 16 : i32
        %mul3A_696 = arith.muli %scan3A_694, %mul3A_695 : i32
        %add3A_697 = vector.broadcast %mul3A_696 : i32 to vector<16xi32>
        %add3A_698 = arith.addi %iota3A, %add3A_697 : vector<16xi32>
        %ge3A = arith.cmpi sge, %add3A_698, %broadcast_in_dim3A_517 : vector<16xi32>
        %le3A = arith.cmpi sle, %add3A_698, %broadcast_in_dim3A_518 : vector<16xi32>
        %and3A_699 = arith.andi %ge3A, %le3A : vector<16xi1>
        %select_n3A_700 = arith.select %and3A_699, %broadcast_in_dim3A_514, %broadcast_in_dim3A_516 : vector<16xi1>, vector<16xf32>
        %mul3A_701 = arith.constant 16 : i32
        %mul3A_702 = arith.muli %scan3A_694, %mul3A_701 : i32
        %get3A_703 = arith.index_cast %add3A_522 : i32 to index
        %get3A_704 = arith.index_cast %mul3A_702 : i32 to index
        %get3A_705 = tpu.vector_load %arg5[%get3A_703, %get3A_704] {strides = array<i32>} : memref<32x2048xf32, #tpu.memory_space<vmem>>, vector<1x16xf32>,
        %get3A_706 = vector.shape_cast %get3A_705 : vector<1x16xf32> to vector<16xf32>
        %mul3A_707 = arith.mulf %get3A_706, %select_n3A_700 : vector<16xf32>
        %mul3A_708 = arith.constant 16 : i32
        %mul3A_709 = arith.muli %scan3A_694, %mul3A_708 : i32
        %swap3A = arith.index_cast %add3A_522 : i32 to index
        %swap3A_710 = arith.index_cast %mul3A_709 : i32 to index
        %swap3A_711 = tpu.vector_load %arg5[%swap3A, %swap3A_710] {strides = array<i32>} : memref<32x2048xf32, #tpu.memory_space<vmem>>, vector<1x16xf32>,
        %swap3A_712 = vector.shape_cast %swap3A_711 : vector<1x16xf32> to vector<16xf32>
        %swap3A_713 = vector.shape_cast %mul3A_707 : vector<16xf32> to vector<1x16xf32>
        tpu.vector_store %arg5[%swap3A, %swap3A_710], %swap3A_713 {strides = array<i32>} : memref<32x2048xf32, #tpu.memory_space<vmem>>, vector<1x16xf32>,
        %scan3A_714 = arith.constant 1 : i32
        %scan3A_715 = arith.addi %scan3A_694, %scan3A_714 : i32
        %mul3A_716 = arith.constant 16 : i32
        %mul3A_717 = arith.muli %scan3A_715, %mul3A_716 : i32
        %add3A_718 = vector.broadcast %mul3A_717 : i32 to vector<16xi32>
        %add3A_719 = arith.addi %iota3A, %add3A_718 : vector<16xi32>
        %ge3A_720 = arith.cmpi sge, %add3A_719, %broadcast_in_dim3A_517 : vector<16xi32>
        %le3A_721 = arith.cmpi sle, %add3A_719, %broadcast_in_dim3A_518 : vector<16xi32>
        %and3A_722 = arith.andi %ge3A_720, %le3A_721 : vector<16xi1>
        %select_n3A_723 = arith.select %and3A_722, %broadcast_in_dim3A_514, %broadcast_in_dim3A_516 : vector<16xi1>, vector<16xf32>
        %mul3A_724 = arith.constant 16 : i32
        %mul3A_725 = arith.muli %scan3A_715, %mul3A_724 : i32
        %get3A_726 = arith.index_cast %add3A_522 : i32 to index
        %get3A_727 = arith.index_cast %mul3A_725 : i32 to index
        %get3A_728 = tpu.vector_load %arg5[%get3A_726, %get3A_727] {strides = array<i32>} : memref<32x2048xf32, #tpu.memory_space<vmem>>, vector<1x16xf32>,
        %get3A_729 = vector.shape_cast %get3A_728 : vector<1x16xf32> to vector<16xf32>
        %mul3A_730 = arith.mulf %get3A_729, %select_n3A_723 : vector<16xf32>
        %mul3A_731 = arith.constant 16 : i32
        %mul3A_732 = arith.muli %scan3A_715, %mul3A_731 : i32
        %swap3A_733 = arith.index_cast %add3A_522 : i32 to index
        %swap3A_734 = arith.index_cast %mul3A_732 : i32 to index
        %swap3A_735 = tpu.vector_load %arg5[%swap3A_733, %swap3A_734] {strides = array<i32>} : memref<32x2048xf32, #tpu.memory_space<vmem>>, vector<1x16xf32>,
        %swap3A_736 = vector.shape_cast %swap3A_735 : vector<1x16xf32> to vector<16xf32>
        %swap3A_737 = vector.shape_cast %mul3A_730 : vector<16xf32> to vector<1x16xf32>
        tpu.vector_store %arg5[%swap3A_733, %swap3A_734], %swap3A_737 {strides = array<i32>} : memref<32x2048xf32, #tpu.memory_space<vmem>>, vector<1x16xf32>,
        %scan3A_738 = arith.constant 2 : i32
        %scan3A_739 = arith.addi %scan3A_694, %scan3A_738 : i32
        %mul3A_740 = arith.constant 16 : i32
        %mul3A_741 = arith.muli %scan3A_739, %mul3A_740 : i32
        %add3A_742 = vector.broadcast %mul3A_741 : i32 to vector<16xi32>
        %add3A_743 = arith.addi %iota3A, %add3A_742 : vector<16xi32>
        %ge3A_744 = arith.cmpi sge, %add3A_743, %broadcast_in_dim3A_517 : vector<16xi32>
        %le3A_745 = arith.cmpi sle, %add3A_743, %broadcast_in_dim3A_518 : vector<16xi32>
        %and3A_746 = arith.andi %ge3A_744, %le3A_745 : vector<16xi1>
        %select_n3A_747 = arith.select %and3A_746, %broadcast_in_dim3A_514, %broadcast_in_dim3A_516 : vector<16xi1>, vector<16xf32>
        %mul3A_748 = arith.constant 16 : i32
        %mul3A_749 = arith.muli %scan3A_739, %mul3A_748 : i32
        %get3A_750 = arith.index_cast %add3A_522 : i32 to index
        %get3A_751 = arith.index_cast %mul3A_749 : i32 to index
        %get3A_752 = tpu.vector_load %arg5[%get3A_750, %get3A_751] {strides = array<i32>} : memref<32x2048xf32, #tpu.memory_space<vmem>>, vector<1x16xf32>,
        %get3A_753 = vector.shape_cast %get3A_752 : vector<1x16xf32> to vector<16xf32>
        %mul3A_754 = arith.mulf %get3A_753, %select_n3A_747 : vector<16xf32>
        %mul3A_755 = arith.constant 16 : i32
        %mul3A_756 = arith.muli %scan3A_739, %mul3A_755 : i32
        %swap3A_757 = arith.index_cast %add3A_522 : i32 to index
        %swap3A_758 = arith.index_cast %mul3A_756 : i32 to index
        %swap3A_759 = tpu.vector_load %arg5[%swap3A_757, %swap3A_758] {strides = array<i32>} : memref<32x2048xf32, #tpu.memory_space<vmem>>, vector<1x16xf32>,
        %swap3A_760 = vector.shape_cast %swap3A_759 : vector<1x16xf32> to vector<16xf32>
        %swap3A_761 = vector.shape_cast %mul3A_754 : vector<16xf32> to vector<1x16xf32>
        tpu.vector_store %arg5[%swap3A_757, %swap3A_758], %swap3A_761 {strides = array<i32>} : memref<32x2048xf32, #tpu.memory_space<vmem>>, vector<1x16xf32>,
        %scan3A_762 = arith.constant 3 : i32
        %scan3A_763 = arith.addi %scan3A_694, %scan3A_762 : i32
        %mul3A_764 = arith.constant 16 : i32
        %mul3A_765 = arith.muli %scan3A_763, %mul3A_764 : i32
        %add3A_766 = vector.broadcast %mul3A_765 : i32 to vector<16xi32>
        %add3A_767 = arith.addi %iota3A, %add3A_766 : vector<16xi32>
        %ge3A_768 = arith.cmpi sge, %add3A_767, %broadcast_in_dim3A_517 : vector<16xi32>
        %le3A_769 = arith.cmpi sle, %add3A_767, %broadcast_in_dim3A_518 : vector<16xi32>
        %and3A_770 = arith.andi %ge3A_768, %le3A_769 : vector<16xi1>
        %select_n3A_771 = arith.select %and3A_770, %broadcast_in_dim3A_514, %broadcast_in_dim3A_516 : vector<16xi1>, vector<16xf32>
        %mul3A_772 = arith.constant 16 : i32
        %mul3A_773 = arith.muli %scan3A_763, %mul3A_772 : i32
        %get3A_774 = arith.index_cast %add3A_522 : i32 to index
        %get3A_775 = arith.index_cast %mul3A_773 : i32 to index
        %get3A_776 = tpu.vector_load %arg5[%get3A_774, %get3A_775] {strides = array<i32>} : memref<32x2048xf32, #tpu.memory_space<vmem>>, vector<1x16xf32>,
        %get3A_777 = vector.shape_cast %get3A_776 : vector<1x16xf32> to vector<16xf32>
        %mul3A_778 = arith.mulf %get3A_777, %select_n3A_771 : vector<16xf32>
        %mul3A_779 = arith.constant 16 : i32
        %mul3A_780 = arith.muli %scan3A_763, %mul3A_779 : i32
        %swap3A_781 = arith.index_cast %add3A_522 : i32 to index
        %swap3A_782 = arith.index_cast %mul3A_780 : i32 to index
        %swap3A_783 = tpu.vector_load %arg5[%swap3A_781, %swap3A_782] {strides = array<i32>} : memref<32x2048xf32, #tpu.memory_space<vmem>>, vector<1x16xf32>,
        %swap3A_784 = vector.shape_cast %swap3A_783 : vector<1x16xf32> to vector<16xf32>
        %swap3A_785 = vector.shape_cast %mul3A_778 : vector<16xf32> to vector<1x16xf32>
        tpu.vector_store %arg5[%swap3A_781, %swap3A_782], %swap3A_785 {strides = array<i32>} : memref<32x2048xf32, #tpu.memory_space<vmem>>, vector<1x16xf32>,
        %scan3A_786 = arith.constant 4 : i32
        %scan3A_787 = arith.addi %scan3A_694, %scan3A_786 : i32
        %mul3A_788 = arith.constant 16 : i32
        %mul3A_789 = arith.muli %scan3A_787, %mul3A_788 : i32
        %add3A_790 = vector.broadcast %mul3A_789 : i32 to vector<16xi32>
        %add3A_791 = arith.addi %iota3A, %add3A_790 : vector<16xi32>
        %ge3A_792 = arith.cmpi sge, %add3A_791, %broadcast_in_dim3A_517 : vector<16xi32>
        %le3A_793 = arith.cmpi sle, %add3A_791, %broadcast_in_dim3A_518 : vector<16xi32>
        %and3A_794 = arith.andi %ge3A_792, %le3A_793 : vector<16xi1>
        %select_n3A_795 = arith.select %and3A_794, %broadcast_in_dim3A_514, %broadcast_in_dim3A_516 : vector<16xi1>, vector<16xf32>
        %mul3A_796 = arith.constant 16 : i32
        %mul3A_797 = arith.muli %scan3A_787, %mul3A_796 : i32
        %get3A_798 = arith.index_cast %add3A_522 : i32 to index
        %get3A_799 = arith.index_cast %mul3A_797 : i32 to index
        %get3A_800 = tpu.vector_load %arg5[%get3A_798, %get3A_799] {strides = array<i32>} : memref<32x2048xf32, #tpu.memory_space<vmem>>, vector<1x16xf32>,
        %get3A_801 = vector.shape_cast %get3A_800 : vector<1x16xf32> to vector<16xf32>
        %mul3A_802 = arith.mulf %get3A_801, %select_n3A_795 : vector<16xf32>
        %mul3A_803 = arith.constant 16 : i32
        %mul3A_804 = arith.muli %scan3A_787, %mul3A_803 : i32
        %swap3A_805 = arith.index_cast %add3A_522 : i32 to index
        %swap3A_806 = arith.index_cast %mul3A_804 : i32 to index
        %swap3A_807 = tpu.vector_load %arg5[%swap3A_805, %swap3A_806] {strides = array<i32>} : memref<32x2048xf32, #tpu.memory_space<vmem>>, vector<1x16xf32>,
        %swap3A_808 = vector.shape_cast %swap3A_807 : vector<1x16xf32> to vector<16xf32>
        %swap3A_809 = vector.shape_cast %mul3A_802 : vector<16xf32> to vector<1x16xf32>
        tpu.vector_store %arg5[%swap3A_805, %swap3A_806], %swap3A_809 {strides = array<i32>} : memref<32x2048xf32, #tpu.memory_space<vmem>>, vector<1x16xf32>,
        %scan3A_810 = arith.constant 5 : i32
        %scan3A_811 = arith.addi %scan3A_694, %scan3A_810 : i32
        %mul3A_812 = arith.constant 16 : i32
        %mul3A_813 = arith.muli %scan3A_811, %mul3A_812 : i32
        %add3A_814 = vector.broadcast %mul3A_813 : i32 to vector<16xi32>
        %add3A_815 = arith.addi %iota3A, %add3A_814 : vector<16xi32>
        %ge3A_816 = arith.cmpi sge, %add3A_815, %broadcast_in_dim3A_517 : vector<16xi32>
        %le3A_817 = arith.cmpi sle, %add3A_815, %broadcast_in_dim3A_518 : vector<16xi32>
        %and3A_818 = arith.andi %ge3A_816, %le3A_817 : vector<16xi1>
        %select_n3A_819 = arith.select %and3A_818, %broadcast_in_dim3A_514, %broadcast_in_dim3A_516 : vector<16xi1>, vector<16xf32>
        %mul3A_820 = arith.constant 16 : i32
        %mul3A_821 = arith.muli %scan3A_811, %mul3A_820 : i32
        %get3A_822 = arith.index_cast %add3A_522 : i32 to index
        %get3A_823 = arith.index_cast %mul3A_821 : i32 to index
        %get3A_824 = tpu.vector_load %arg5[%get3A_822, %get3A_823] {strides = array<i32>} : memref<32x2048xf32, #tpu.memory_space<vmem>>, vector<1x16xf32>,
        %get3A_825 = vector.shape_cast %get3A_824 : vector<1x16xf32> to vector<16xf32>
        %mul3A_826 = arith.mulf %get3A_825, %select_n3A_819 : vector<16xf32>
        %mul3A_827 = arith.constant 16 : i32
        %mul3A_828 = arith.muli %scan3A_811, %mul3A_827 : i32
        %swap3A_829 = arith.index_cast %add3A_522 : i32 to index
        %swap3A_830 = arith.index_cast %mul3A_828 : i32 to index
        %swap3A_831 = tpu.vector_load %arg5[%swap3A_829, %swap3A_830] {strides = array<i32>} : memref<32x2048xf32, #tpu.memory_space<vmem>>, vector<1x16xf32>,
        %swap3A_832 = vector.shape_cast %swap3A_831 : vector<1x16xf32> to vector<16xf32>
        %swap3A_833 = vector.shape_cast %mul3A_826 : vector<16xf32> to vector<1x16xf32>
        tpu.vector_store %arg5[%swap3A_829, %swap3A_830], %swap3A_833 {strides = array<i32>} : memref<32x2048xf32, #tpu.memory_space<vmem>>, vector<1x16xf32>,
        %scan3A_834 = arith.constant 6 : i32
        %scan3A_835 = arith.addi %scan3A_694, %scan3A_834 : i32
        %mul3A_836 = arith.constant 16 : i32
        %mul3A_837 = arith.muli %scan3A_835, %mul3A_836 : i32
        %add3A_838 = vector.broadcast %mul3A_837 : i32 to vector<16xi32>
        %add3A_839 = arith.addi %iota3A, %add3A_838 : vector<16xi32>
        %ge3A_840 = arith.cmpi sge, %add3A_839, %broadcast_in_dim3A_517 : vector<16xi32>
        %le3A_841 = arith.cmpi sle, %add3A_839, %broadcast_in_dim3A_518 : vector<16xi32>
        %and3A_842 = arith.andi %ge3A_840, %le3A_841 : vector<16xi1>
        %select_n3A_843 = arith.select %and3A_842, %broadcast_in_dim3A_514, %broadcast_in_dim3A_516 : vector<16xi1>, vector<16xf32>
        %mul3A_844 = arith.constant 16 : i32
        %mul3A_845 = arith.muli %scan3A_835, %mul3A_844 : i32
        %get3A_846 = arith.index_cast %add3A_522 : i32 to index
        %get3A_847 = arith.index_cast %mul3A_845 : i32 to index
        %get3A_848 = tpu.vector_load %arg5[%get3A_846, %get3A_847] {strides = array<i32>} : memref<32x2048xf32, #tpu.memory_space<vmem>>, vector<1x16xf32>,
        %get3A_849 = vector.shape_cast %get3A_848 : vector<1x16xf32> to vector<16xf32>
        %mul3A_850 = arith.mulf %get3A_849, %select_n3A_843 : vector<16xf32>
        %mul3A_851 = arith.constant 16 : i32
        %mul3A_852 = arith.muli %scan3A_835, %mul3A_851 : i32
        %swap3A_853 = arith.index_cast %add3A_522 : i32 to index
        %swap3A_854 = arith.index_cast %mul3A_852 : i32 to index
        %swap3A_855 = tpu.vector_load %arg5[%swap3A_853, %swap3A_854] {strides = array<i32>} : memref<32x2048xf32, #tpu.memory_space<vmem>>, vector<1x16xf32>,
        %swap3A_856 = vector.shape_cast %swap3A_855 : vector<1x16xf32> to vector<16xf32>
        %swap3A_857 = vector.shape_cast %mul3A_850 : vector<16xf32> to vector<1x16xf32>
        tpu.vector_store %arg5[%swap3A_853, %swap3A_854], %swap3A_857 {strides = array<i32>} : memref<32x2048xf32, #tpu.memory_space<vmem>>, vector<1x16xf32>,
        %scan3A_858 = arith.constant 7 : i32
        %scan3A_859 = arith.addi %scan3A_694, %scan3A_858 : i32
        %mul3A_860 = arith.constant 16 : i32
        %mul3A_861 = arith.muli %scan3A_859, %mul3A_860 : i32
        %add3A_862 = vector.broadcast %mul3A_861 : i32 to vector<16xi32>
        %add3A_863 = arith.addi %iota3A, %add3A_862 : vector<16xi32>
        %ge3A_864 = arith.cmpi sge, %add3A_863, %broadcast_in_dim3A_517 : vector<16xi32>
        %le3A_865 = arith.cmpi sle, %add3A_863, %broadcast_in_dim3A_518 : vector<16xi32>
        %and3A_866 = arith.andi %ge3A_864, %le3A_865 : vector<16xi1>
        %select_n3A_867 = arith.select %and3A_866, %broadcast_in_dim3A_514, %broadcast_in_dim3A_516 : vector<16xi1>, vector<16xf32>
        %mul3A_868 = arith.constant 16 : i32
        %mul3A_869 = arith.muli %scan3A_859, %mul3A_868 : i32
        %get3A_870 = arith.index_cast %add3A_522 : i32 to index
        %get3A_871 = arith.index_cast %mul3A_869 : i32 to index
        %get3A_872 = tpu.vector_load %arg5[%get3A_870, %get3A_871] {strides = array<i32>} : memref<32x2048xf32, #tpu.memory_space<vmem>>, vector<1x16xf32>,
        %get3A_873 = vector.shape_cast %get3A_872 : vector<1x16xf32> to vector<16xf32>
        %mul3A_874 = arith.mulf %get3A_873, %select_n3A_867 : vector<16xf32>
        %mul3A_875 = arith.constant 16 : i32
        %mul3A_876 = arith.muli %scan3A_859, %mul3A_875 : i32
        %swap3A_877 = arith.index_cast %add3A_522 : i32 to index
        %swap3A_878 = arith.index_cast %mul3A_876 : i32 to index
        %swap3A_879 = tpu.vector_load %arg5[%swap3A_877, %swap3A_878] {strides = array<i32>} : memref<32x2048xf32, #tpu.memory_space<vmem>>, vector<1x16xf32>,
        %swap3A_880 = vector.shape_cast %swap3A_879 : vector<1x16xf32> to vector<16xf32>
        %swap3A_881 = vector.shape_cast %mul3A_874 : vector<16xf32> to vector<1x16xf32>
        tpu.vector_store %arg5[%swap3A_877, %swap3A_878], %swap3A_881 {strides = array<i32>} : memref<32x2048xf32, #tpu.memory_space<vmem>>, vector<1x16xf32>,
      }
      %scan3A_528 = arith.constant 128 : i32
      %add3A_529 = arith.constant 12 : i32
      %add3A_530 = arith.addi %add3A_78, %add3A_529 : i32
      %and3A_531 = arith.constant 2047 : i32
      %and3A_532 = arith.andi %add3A_530, %and3A_531 : i32
      %sub3A_533 = arith.constant 2047 : i32
      %sub3A_534 = arith.subi %sub3A_533, %and3A_532 : i32
      %min3A_535 = arith.minsi %and3A_532, %sub3A_534 : i32
      %lt3A_536 = arith.constant 1024 : i32
      %lt3A_537 = arith.cmpi slt, %and3A_532, %lt3A_536 : i32
      %jit3A_538 = arith.constant 0 : i32
      %jit3A_539 = arith.constant 1 : i32
      %select_n3A_540 = arith.select %lt3A_537, %jit3A_538, %jit3A_539 : i32
      %add3A_541 = arith.addi %min3A_535, %select_n3A_540 : i32
      %sub3A_542 = arith.constant 2047 : i32
      %sub3A_543 = arith.subi %sub3A_542, %min3A_535 : i32
      %convert_element_type3A_544 = arith.sitofp %min3A_535 : i32 to f32
      %mul3A_545 = arith.constant 3.125000e-02 : f32
      %mul3A_546 = arith.mulf %convert_element_type3A_544, %mul3A_545 : f32
      %add3A_547 = arith.addf %mul3A_546, %add3A_9 : f32
      %jit3A_548 = arith.constant 0.000000e+00 : f32
      %jit3A_549 = arith.constant 1.000000e+00 : f32
      %max3A_550 = arith.maximumf %jit3A_548, %add3A_547 : f32
      %min3A_551 = arith.minimumf %jit3A_549, %max3A_550 : f32
      %broadcast_in_dim3A_552 = vector.broadcast %min3A_551 : f32 to vector<16xf32>
      %broadcast_in_dim3A_553 = arith.constant 1.000000e+00 : f32
      %broadcast_in_dim3A_554 = vector.broadcast %broadcast_in_dim3A_553 : f32 to vector<16xf32>
      %broadcast_in_dim3A_555 = vector.broadcast %add3A_541 : i32 to vector<16xi32>
      %broadcast_in_dim3A_556 = vector.broadcast %sub3A_543 : i32 to vector<16xi32>
      %mul3A_557 = arith.constant 16 : i32
      %mul3A_558 = arith.muli %rem3A_58, %mul3A_557 : i32
      %add3A_559 = arith.constant 12 : i32
      %add3A_560 = arith.addi %mul3A_558, %add3A_559 : i32
      %scan3A_561 = arith.constant 0 : i32
      %scan3A_562 = arith.constant 0 : i32
      %scan3A_563 = arith.constant 128 : i32
      %scan3A_564 = arith.addi %scan3A_562, %scan3A_563 : i32
      %scan3A_565 = arith.constant 8 : i32
      scf.for %scan3A_694 = %scan3A_562 to %scan3A_564 step %scan3A_565  : i32 {
        %mul3A_695 = arith.constant 16 : i32
        %mul3A_696 = arith.muli %scan3A_694, %mul3A_695 : i32
        %add3A_697 = vector.broadcast %mul3A_696 : i32 to vector<16xi32>
        %add3A_698 = arith.addi %iota3A, %add3A_697 : vector<16xi32>
        %ge3A = arith.cmpi sge, %add3A_698, %broadcast_in_dim3A_555 : vector<16xi32>
        %le3A = arith.cmpi sle, %add3A_698, %broadcast_in_dim3A_556 : vector<16xi32>
        %and3A_699 = arith.andi %ge3A, %le3A : vector<16xi1>
        %select_n3A_700 = arith.select %and3A_699, %broadcast_in_dim3A_552, %broadcast_in_dim3A_554 : vector<16xi1>, vector<16xf32>
        %mul3A_701 = arith.constant 16 : i32
        %mul3A_702 = arith.muli %scan3A_694, %mul3A_701 : i32
        %get3A_703 = arith.index_cast %add3A_560 : i32 to index
        %get3A_704 = arith.index_cast %mul3A_702 : i32 to index
        %get3A_705 = tpu.vector_load %arg5[%get3A_703, %get3A_704] {strides = array<i32>} : memref<32x2048xf32, #tpu.memory_space<vmem>>, vector<1x16xf32>,
        %get3A_706 = vector.shape_cast %get3A_705 : vector<1x16xf32> to vector<16xf32>
        %mul3A_707 = arith.mulf %get3A_706, %select_n3A_700 : vector<16xf32>
        %mul3A_708 = arith.constant 16 : i32
        %mul3A_709 = arith.muli %scan3A_694, %mul3A_708 : i32
        %swap3A = arith.index_cast %add3A_560 : i32 to index
        %swap3A_710 = arith.index_cast %mul3A_709 : i32 to index
        %swap3A_711 = tpu.vector_load %arg5[%swap3A, %swap3A_710] {strides = array<i32>} : memref<32x2048xf32, #tpu.memory_space<vmem>>, vector<1x16xf32>,
        %swap3A_712 = vector.shape_cast %swap3A_711 : vector<1x16xf32> to vector<16xf32>
        %swap3A_713 = vector.shape_cast %mul3A_707 : vector<16xf32> to vector<1x16xf32>
        tpu.vector_store %arg5[%swap3A, %swap3A_710], %swap3A_713 {strides = array<i32>} : memref<32x2048xf32, #tpu.memory_space<vmem>>, vector<1x16xf32>,
        %scan3A_714 = arith.constant 1 : i32
        %scan3A_715 = arith.addi %scan3A_694, %scan3A_714 : i32
        %mul3A_716 = arith.constant 16 : i32
        %mul3A_717 = arith.muli %scan3A_715, %mul3A_716 : i32
        %add3A_718 = vector.broadcast %mul3A_717 : i32 to vector<16xi32>
        %add3A_719 = arith.addi %iota3A, %add3A_718 : vector<16xi32>
        %ge3A_720 = arith.cmpi sge, %add3A_719, %broadcast_in_dim3A_555 : vector<16xi32>
        %le3A_721 = arith.cmpi sle, %add3A_719, %broadcast_in_dim3A_556 : vector<16xi32>
        %and3A_722 = arith.andi %ge3A_720, %le3A_721 : vector<16xi1>
        %select_n3A_723 = arith.select %and3A_722, %broadcast_in_dim3A_552, %broadcast_in_dim3A_554 : vector<16xi1>, vector<16xf32>
        %mul3A_724 = arith.constant 16 : i32
        %mul3A_725 = arith.muli %scan3A_715, %mul3A_724 : i32
        %get3A_726 = arith.index_cast %add3A_560 : i32 to index
        %get3A_727 = arith.index_cast %mul3A_725 : i32 to index
        %get3A_728 = tpu.vector_load %arg5[%get3A_726, %get3A_727] {strides = array<i32>} : memref<32x2048xf32, #tpu.memory_space<vmem>>, vector<1x16xf32>,
        %get3A_729 = vector.shape_cast %get3A_728 : vector<1x16xf32> to vector<16xf32>
        %mul3A_730 = arith.mulf %get3A_729, %select_n3A_723 : vector<16xf32>
        %mul3A_731 = arith.constant 16 : i32
        %mul3A_732 = arith.muli %scan3A_715, %mul3A_731 : i32
        %swap3A_733 = arith.index_cast %add3A_560 : i32 to index
        %swap3A_734 = arith.index_cast %mul3A_732 : i32 to index
        %swap3A_735 = tpu.vector_load %arg5[%swap3A_733, %swap3A_734] {strides = array<i32>} : memref<32x2048xf32, #tpu.memory_space<vmem>>, vector<1x16xf32>,
        %swap3A_736 = vector.shape_cast %swap3A_735 : vector<1x16xf32> to vector<16xf32>
        %swap3A_737 = vector.shape_cast %mul3A_730 : vector<16xf32> to vector<1x16xf32>
        tpu.vector_store %arg5[%swap3A_733, %swap3A_734], %swap3A_737 {strides = array<i32>} : memref<32x2048xf32, #tpu.memory_space<vmem>>, vector<1x16xf32>,
        %scan3A_738 = arith.constant 2 : i32
        %scan3A_739 = arith.addi %scan3A_694, %scan3A_738 : i32
        %mul3A_740 = arith.constant 16 : i32
        %mul3A_741 = arith.muli %scan3A_739, %mul3A_740 : i32
        %add3A_742 = vector.broadcast %mul3A_741 : i32 to vector<16xi32>
        %add3A_743 = arith.addi %iota3A, %add3A_742 : vector<16xi32>
        %ge3A_744 = arith.cmpi sge, %add3A_743, %broadcast_in_dim3A_555 : vector<16xi32>
        %le3A_745 = arith.cmpi sle, %add3A_743, %broadcast_in_dim3A_556 : vector<16xi32>
        %and3A_746 = arith.andi %ge3A_744, %le3A_745 : vector<16xi1>
        %select_n3A_747 = arith.select %and3A_746, %broadcast_in_dim3A_552, %broadcast_in_dim3A_554 : vector<16xi1>, vector<16xf32>
        %mul3A_748 = arith.constant 16 : i32
        %mul3A_749 = arith.muli %scan3A_739, %mul3A_748 : i32
        %get3A_750 = arith.index_cast %add3A_560 : i32 to index
        %get3A_751 = arith.index_cast %mul3A_749 : i32 to index
        %get3A_752 = tpu.vector_load %arg5[%get3A_750, %get3A_751] {strides = array<i32>} : memref<32x2048xf32, #tpu.memory_space<vmem>>, vector<1x16xf32>,
        %get3A_753 = vector.shape_cast %get3A_752 : vector<1x16xf32> to vector<16xf32>
        %mul3A_754 = arith.mulf %get3A_753, %select_n3A_747 : vector<16xf32>
        %mul3A_755 = arith.constant 16 : i32
        %mul3A_756 = arith.muli %scan3A_739, %mul3A_755 : i32
        %swap3A_757 = arith.index_cast %add3A_560 : i32 to index
        %swap3A_758 = arith.index_cast %mul3A_756 : i32 to index
        %swap3A_759 = tpu.vector_load %arg5[%swap3A_757, %swap3A_758] {strides = array<i32>} : memref<32x2048xf32, #tpu.memory_space<vmem>>, vector<1x16xf32>,
        %swap3A_760 = vector.shape_cast %swap3A_759 : vector<1x16xf32> to vector<16xf32>
        %swap3A_761 = vector.shape_cast %mul3A_754 : vector<16xf32> to vector<1x16xf32>
        tpu.vector_store %arg5[%swap3A_757, %swap3A_758], %swap3A_761 {strides = array<i32>} : memref<32x2048xf32, #tpu.memory_space<vmem>>, vector<1x16xf32>,
        %scan3A_762 = arith.constant 3 : i32
        %scan3A_763 = arith.addi %scan3A_694, %scan3A_762 : i32
        %mul3A_764 = arith.constant 16 : i32
        %mul3A_765 = arith.muli %scan3A_763, %mul3A_764 : i32
        %add3A_766 = vector.broadcast %mul3A_765 : i32 to vector<16xi32>
        %add3A_767 = arith.addi %iota3A, %add3A_766 : vector<16xi32>
        %ge3A_768 = arith.cmpi sge, %add3A_767, %broadcast_in_dim3A_555 : vector<16xi32>
        %le3A_769 = arith.cmpi sle, %add3A_767, %broadcast_in_dim3A_556 : vector<16xi32>
        %and3A_770 = arith.andi %ge3A_768, %le3A_769 : vector<16xi1>
        %select_n3A_771 = arith.select %and3A_770, %broadcast_in_dim3A_552, %broadcast_in_dim3A_554 : vector<16xi1>, vector<16xf32>
        %mul3A_772 = arith.constant 16 : i32
        %mul3A_773 = arith.muli %scan3A_763, %mul3A_772 : i32
        %get3A_774 = arith.index_cast %add3A_560 : i32 to index
        %get3A_775 = arith.index_cast %mul3A_773 : i32 to index
        %get3A_776 = tpu.vector_load %arg5[%get3A_774, %get3A_775] {strides = array<i32>} : memref<32x2048xf32, #tpu.memory_space<vmem>>, vector<1x16xf32>,
        %get3A_777 = vector.shape_cast %get3A_776 : vector<1x16xf32> to vector<16xf32>
        %mul3A_778 = arith.mulf %get3A_777, %select_n3A_771 : vector<16xf32>
        %mul3A_779 = arith.constant 16 : i32
        %mul3A_780 = arith.muli %scan3A_763, %mul3A_779 : i32
        %swap3A_781 = arith.index_cast %add3A_560 : i32 to index
        %swap3A_782 = arith.index_cast %mul3A_780 : i32 to index
        %swap3A_783 = tpu.vector_load %arg5[%swap3A_781, %swap3A_782] {strides = array<i32>} : memref<32x2048xf32, #tpu.memory_space<vmem>>, vector<1x16xf32>,
        %swap3A_784 = vector.shape_cast %swap3A_783 : vector<1x16xf32> to vector<16xf32>
        %swap3A_785 = vector.shape_cast %mul3A_778 : vector<16xf32> to vector<1x16xf32>
        tpu.vector_store %arg5[%swap3A_781, %swap3A_782], %swap3A_785 {strides = array<i32>} : memref<32x2048xf32, #tpu.memory_space<vmem>>, vector<1x16xf32>,
        %scan3A_786 = arith.constant 4 : i32
        %scan3A_787 = arith.addi %scan3A_694, %scan3A_786 : i32
        %mul3A_788 = arith.constant 16 : i32
        %mul3A_789 = arith.muli %scan3A_787, %mul3A_788 : i32
        %add3A_790 = vector.broadcast %mul3A_789 : i32 to vector<16xi32>
        %add3A_791 = arith.addi %iota3A, %add3A_790 : vector<16xi32>
        %ge3A_792 = arith.cmpi sge, %add3A_791, %broadcast_in_dim3A_555 : vector<16xi32>
        %le3A_793 = arith.cmpi sle, %add3A_791, %broadcast_in_dim3A_556 : vector<16xi32>
        %and3A_794 = arith.andi %ge3A_792, %le3A_793 : vector<16xi1>
        %select_n3A_795 = arith.select %and3A_794, %broadcast_in_dim3A_552, %broadcast_in_dim3A_554 : vector<16xi1>, vector<16xf32>
        %mul3A_796 = arith.constant 16 : i32
        %mul3A_797 = arith.muli %scan3A_787, %mul3A_796 : i32
        %get3A_798 = arith.index_cast %add3A_560 : i32 to index
        %get3A_799 = arith.index_cast %mul3A_797 : i32 to index
        %get3A_800 = tpu.vector_load %arg5[%get3A_798, %get3A_799] {strides = array<i32>} : memref<32x2048xf32, #tpu.memory_space<vmem>>, vector<1x16xf32>,
        %get3A_801 = vector.shape_cast %get3A_800 : vector<1x16xf32> to vector<16xf32>
        %mul3A_802 = arith.mulf %get3A_801, %select_n3A_795 : vector<16xf32>
        %mul3A_803 = arith.constant 16 : i32
        %mul3A_804 = arith.muli %scan3A_787, %mul3A_803 : i32
        %swap3A_805 = arith.index_cast %add3A_560 : i32 to index
        %swap3A_806 = arith.index_cast %mul3A_804 : i32 to index
        %swap3A_807 = tpu.vector_load %arg5[%swap3A_805, %swap3A_806] {strides = array<i32>} : memref<32x2048xf32, #tpu.memory_space<vmem>>, vector<1x16xf32>,
        %swap3A_808 = vector.shape_cast %swap3A_807 : vector<1x16xf32> to vector<16xf32>
        %swap3A_809 = vector.shape_cast %mul3A_802 : vector<16xf32> to vector<1x16xf32>
        tpu.vector_store %arg5[%swap3A_805, %swap3A_806], %swap3A_809 {strides = array<i32>} : memref<32x2048xf32, #tpu.memory_space<vmem>>, vector<1x16xf32>,
        %scan3A_810 = arith.constant 5 : i32
        %scan3A_811 = arith.addi %scan3A_694, %scan3A_810 : i32
        %mul3A_812 = arith.constant 16 : i32
        %mul3A_813 = arith.muli %scan3A_811, %mul3A_812 : i32
        %add3A_814 = vector.broadcast %mul3A_813 : i32 to vector<16xi32>
        %add3A_815 = arith.addi %iota3A, %add3A_814 : vector<16xi32>
        %ge3A_816 = arith.cmpi sge, %add3A_815, %broadcast_in_dim3A_555 : vector<16xi32>
        %le3A_817 = arith.cmpi sle, %add3A_815, %broadcast_in_dim3A_556 : vector<16xi32>
        %and3A_818 = arith.andi %ge3A_816, %le3A_817 : vector<16xi1>
        %select_n3A_819 = arith.select %and3A_818, %broadcast_in_dim3A_552, %broadcast_in_dim3A_554 : vector<16xi1>, vector<16xf32>
        %mul3A_820 = arith.constant 16 : i32
        %mul3A_821 = arith.muli %scan3A_811, %mul3A_820 : i32
        %get3A_822 = arith.index_cast %add3A_560 : i32 to index
        %get3A_823 = arith.index_cast %mul3A_821 : i32 to index
        %get3A_824 = tpu.vector_load %arg5[%get3A_822, %get3A_823] {strides = array<i32>} : memref<32x2048xf32, #tpu.memory_space<vmem>>, vector<1x16xf32>,
        %get3A_825 = vector.shape_cast %get3A_824 : vector<1x16xf32> to vector<16xf32>
        %mul3A_826 = arith.mulf %get3A_825, %select_n3A_819 : vector<16xf32>
        %mul3A_827 = arith.constant 16 : i32
        %mul3A_828 = arith.muli %scan3A_811, %mul3A_827 : i32
        %swap3A_829 = arith.index_cast %add3A_560 : i32 to index
        %swap3A_830 = arith.index_cast %mul3A_828 : i32 to index
        %swap3A_831 = tpu.vector_load %arg5[%swap3A_829, %swap3A_830] {strides = array<i32>} : memref<32x2048xf32, #tpu.memory_space<vmem>>, vector<1x16xf32>,
        %swap3A_832 = vector.shape_cast %swap3A_831 : vector<1x16xf32> to vector<16xf32>
        %swap3A_833 = vector.shape_cast %mul3A_826 : vector<16xf32> to vector<1x16xf32>
        tpu.vector_store %arg5[%swap3A_829, %swap3A_830], %swap3A_833 {strides = array<i32>} : memref<32x2048xf32, #tpu.memory_space<vmem>>, vector<1x16xf32>,
        %scan3A_834 = arith.constant 6 : i32
        %scan3A_835 = arith.addi %scan3A_694, %scan3A_834 : i32
        %mul3A_836 = arith.constant 16 : i32
        %mul3A_837 = arith.muli %scan3A_835, %mul3A_836 : i32
        %add3A_838 = vector.broadcast %mul3A_837 : i32 to vector<16xi32>
        %add3A_839 = arith.addi %iota3A, %add3A_838 : vector<16xi32>
        %ge3A_840 = arith.cmpi sge, %add3A_839, %broadcast_in_dim3A_555 : vector<16xi32>
        %le3A_841 = arith.cmpi sle, %add3A_839, %broadcast_in_dim3A_556 : vector<16xi32>
        %and3A_842 = arith.andi %ge3A_840, %le3A_841 : vector<16xi1>
        %select_n3A_843 = arith.select %and3A_842, %broadcast_in_dim3A_552, %broadcast_in_dim3A_554 : vector<16xi1>, vector<16xf32>
        %mul3A_844 = arith.constant 16 : i32
        %mul3A_845 = arith.muli %scan3A_835, %mul3A_844 : i32
        %get3A_846 = arith.index_cast %add3A_560 : i32 to index
        %get3A_847 = arith.index_cast %mul3A_845 : i32 to index
        %get3A_848 = tpu.vector_load %arg5[%get3A_846, %get3A_847] {strides = array<i32>} : memref<32x2048xf32, #tpu.memory_space<vmem>>, vector<1x16xf32>,
        %get3A_849 = vector.shape_cast %get3A_848 : vector<1x16xf32> to vector<16xf32>
        %mul3A_850 = arith.mulf %get3A_849, %select_n3A_843 : vector<16xf32>
        %mul3A_851 = arith.constant 16 : i32
        %mul3A_852 = arith.muli %scan3A_835, %mul3A_851 : i32
        %swap3A_853 = arith.index_cast %add3A_560 : i32 to index
        %swap3A_854 = arith.index_cast %mul3A_852 : i32 to index
        %swap3A_855 = tpu.vector_load %arg5[%swap3A_853, %swap3A_854] {strides = array<i32>} : memref<32x2048xf32, #tpu.memory_space<vmem>>, vector<1x16xf32>,
        %swap3A_856 = vector.shape_cast %swap3A_855 : vector<1x16xf32> to vector<16xf32>
        %swap3A_857 = vector.shape_cast %mul3A_850 : vector<16xf32> to vector<1x16xf32>
        tpu.vector_store %arg5[%swap3A_853, %swap3A_854], %swap3A_857 {strides = array<i32>} : memref<32x2048xf32, #tpu.memory_space<vmem>>, vector<1x16xf32>,
        %scan3A_858 = arith.constant 7 : i32
        %scan3A_859 = arith.addi %scan3A_694, %scan3A_858 : i32
        %mul3A_860 = arith.constant 16 : i32
        %mul3A_861 = arith.muli %scan3A_859, %mul3A_860 : i32
        %add3A_862 = vector.broadcast %mul3A_861 : i32 to vector<16xi32>
        %add3A_863 = arith.addi %iota3A, %add3A_862 : vector<16xi32>
        %ge3A_864 = arith.cmpi sge, %add3A_863, %broadcast_in_dim3A_555 : vector<16xi32>
        %le3A_865 = arith.cmpi sle, %add3A_863, %broadcast_in_dim3A_556 : vector<16xi32>
        %and3A_866 = arith.andi %ge3A_864, %le3A_865 : vector<16xi1>
        %select_n3A_867 = arith.select %and3A_866, %broadcast_in_dim3A_552, %broadcast_in_dim3A_554 : vector<16xi1>, vector<16xf32>
        %mul3A_868 = arith.constant 16 : i32
        %mul3A_869 = arith.muli %scan3A_859, %mul3A_868 : i32
        %get3A_870 = arith.index_cast %add3A_560 : i32 to index
        %get3A_871 = arith.index_cast %mul3A_869 : i32 to index
        %get3A_872 = tpu.vector_load %arg5[%get3A_870, %get3A_871] {strides = array<i32>} : memref<32x2048xf32, #tpu.memory_space<vmem>>, vector<1x16xf32>,
        %get3A_873 = vector.shape_cast %get3A_872 : vector<1x16xf32> to vector<16xf32>
        %mul3A_874 = arith.mulf %get3A_873, %select_n3A_867 : vector<16xf32>
        %mul3A_875 = arith.constant 16 : i32
        %mul3A_876 = arith.muli %scan3A_859, %mul3A_875 : i32
        %swap3A_877 = arith.index_cast %add3A_560 : i32 to index
        %swap3A_878 = arith.index_cast %mul3A_876 : i32 to index
        %swap3A_879 = tpu.vector_load %arg5[%swap3A_877, %swap3A_878] {strides = array<i32>} : memref<32x2048xf32, #tpu.memory_space<vmem>>, vector<1x16xf32>,
        %swap3A_880 = vector.shape_cast %swap3A_879 : vector<1x16xf32> to vector<16xf32>
        %swap3A_881 = vector.shape_cast %mul3A_874 : vector<16xf32> to vector<1x16xf32>
        tpu.vector_store %arg5[%swap3A_877, %swap3A_878], %swap3A_881 {strides = array<i32>} : memref<32x2048xf32, #tpu.memory_space<vmem>>, vector<1x16xf32>,
      }
      %scan3A_566 = arith.constant 128 : i32
      %add3A_567 = arith.constant 13 : i32
      %add3A_568 = arith.addi %add3A_78, %add3A_567 : i32
      %and3A_569 = arith.constant 2047 : i32
      %and3A_570 = arith.andi %add3A_568, %and3A_569 : i32
      %sub3A_571 = arith.constant 2047 : i32
      %sub3A_572 = arith.subi %sub3A_571, %and3A_570 : i32
      %min3A_573 = arith.minsi %and3A_570, %sub3A_572 : i32
      %lt3A_574 = arith.constant 1024 : i32
      %lt3A_575 = arith.cmpi slt, %and3A_570, %lt3A_574 : i32
      %jit3A_576 = arith.constant 0 : i32
      %jit3A_577 = arith.constant 1 : i32
      %select_n3A_578 = arith.select %lt3A_575, %jit3A_576, %jit3A_577 : i32
      %add3A_579 = arith.addi %min3A_573, %select_n3A_578 : i32
      %sub3A_580 = arith.constant 2047 : i32
      %sub3A_581 = arith.subi %sub3A_580, %min3A_573 : i32
      %convert_element_type3A_582 = arith.sitofp %min3A_573 : i32 to f32
      %mul3A_583 = arith.constant 3.125000e-02 : f32
      %mul3A_584 = arith.mulf %convert_element_type3A_582, %mul3A_583 : f32
      %add3A_585 = arith.addf %mul3A_584, %add3A_9 : f32
      %jit3A_586 = arith.constant 0.000000e+00 : f32
      %jit3A_587 = arith.constant 1.000000e+00 : f32
      %max3A_588 = arith.maximumf %jit3A_586, %add3A_585 : f32
      %min3A_589 = arith.minimumf %jit3A_587, %max3A_588 : f32
      %broadcast_in_dim3A_590 = vector.broadcast %min3A_589 : f32 to vector<16xf32>
      %broadcast_in_dim3A_591 = arith.constant 1.000000e+00 : f32
      %broadcast_in_dim3A_592 = vector.broadcast %broadcast_in_dim3A_591 : f32 to vector<16xf32>
      %broadcast_in_dim3A_593 = vector.broadcast %add3A_579 : i32 to vector<16xi32>
      %broadcast_in_dim3A_594 = vector.broadcast %sub3A_581 : i32 to vector<16xi32>
      %mul3A_595 = arith.constant 16 : i32
      %mul3A_596 = arith.muli %rem3A_58, %mul3A_595 : i32
      %add3A_597 = arith.constant 13 : i32
      %add3A_598 = arith.addi %mul3A_596, %add3A_597 : i32
      %scan3A_599 = arith.constant 0 : i32
      %scan3A_600 = arith.constant 0 : i32
      %scan3A_601 = arith.constant 128 : i32
      %scan3A_602 = arith.addi %scan3A_600, %scan3A_601 : i32
      %scan3A_603 = arith.constant 8 : i32
      scf.for %scan3A_694 = %scan3A_600 to %scan3A_602 step %scan3A_603  : i32 {
        %mul3A_695 = arith.constant 16 : i32
        %mul3A_696 = arith.muli %scan3A_694, %mul3A_695 : i32
        %add3A_697 = vector.broadcast %mul3A_696 : i32 to vector<16xi32>
        %add3A_698 = arith.addi %iota3A, %add3A_697 : vector<16xi32>
        %ge3A = arith.cmpi sge, %add3A_698, %broadcast_in_dim3A_593 : vector<16xi32>
        %le3A = arith.cmpi sle, %add3A_698, %broadcast_in_dim3A_594 : vector<16xi32>
        %and3A_699 = arith.andi %ge3A, %le3A : vector<16xi1>
        %select_n3A_700 = arith.select %and3A_699, %broadcast_in_dim3A_590, %broadcast_in_dim3A_592 : vector<16xi1>, vector<16xf32>
        %mul3A_701 = arith.constant 16 : i32
        %mul3A_702 = arith.muli %scan3A_694, %mul3A_701 : i32
        %get3A_703 = arith.index_cast %add3A_598 : i32 to index
        %get3A_704 = arith.index_cast %mul3A_702 : i32 to index
        %get3A_705 = tpu.vector_load %arg5[%get3A_703, %get3A_704] {strides = array<i32>} : memref<32x2048xf32, #tpu.memory_space<vmem>>, vector<1x16xf32>,
        %get3A_706 = vector.shape_cast %get3A_705 : vector<1x16xf32> to vector<16xf32>
        %mul3A_707 = arith.mulf %get3A_706, %select_n3A_700 : vector<16xf32>
        %mul3A_708 = arith.constant 16 : i32
        %mul3A_709 = arith.muli %scan3A_694, %mul3A_708 : i32
        %swap3A = arith.index_cast %add3A_598 : i32 to index
        %swap3A_710 = arith.index_cast %mul3A_709 : i32 to index
        %swap3A_711 = tpu.vector_load %arg5[%swap3A, %swap3A_710] {strides = array<i32>} : memref<32x2048xf32, #tpu.memory_space<vmem>>, vector<1x16xf32>,
        %swap3A_712 = vector.shape_cast %swap3A_711 : vector<1x16xf32> to vector<16xf32>
        %swap3A_713 = vector.shape_cast %mul3A_707 : vector<16xf32> to vector<1x16xf32>
        tpu.vector_store %arg5[%swap3A, %swap3A_710], %swap3A_713 {strides = array<i32>} : memref<32x2048xf32, #tpu.memory_space<vmem>>, vector<1x16xf32>,
        %scan3A_714 = arith.constant 1 : i32
        %scan3A_715 = arith.addi %scan3A_694, %scan3A_714 : i32
        %mul3A_716 = arith.constant 16 : i32
        %mul3A_717 = arith.muli %scan3A_715, %mul3A_716 : i32
        %add3A_718 = vector.broadcast %mul3A_717 : i32 to vector<16xi32>
        %add3A_719 = arith.addi %iota3A, %add3A_718 : vector<16xi32>
        %ge3A_720 = arith.cmpi sge, %add3A_719, %broadcast_in_dim3A_593 : vector<16xi32>
        %le3A_721 = arith.cmpi sle, %add3A_719, %broadcast_in_dim3A_594 : vector<16xi32>
        %and3A_722 = arith.andi %ge3A_720, %le3A_721 : vector<16xi1>
        %select_n3A_723 = arith.select %and3A_722, %broadcast_in_dim3A_590, %broadcast_in_dim3A_592 : vector<16xi1>, vector<16xf32>
        %mul3A_724 = arith.constant 16 : i32
        %mul3A_725 = arith.muli %scan3A_715, %mul3A_724 : i32
        %get3A_726 = arith.index_cast %add3A_598 : i32 to index
        %get3A_727 = arith.index_cast %mul3A_725 : i32 to index
        %get3A_728 = tpu.vector_load %arg5[%get3A_726, %get3A_727] {strides = array<i32>} : memref<32x2048xf32, #tpu.memory_space<vmem>>, vector<1x16xf32>,
        %get3A_729 = vector.shape_cast %get3A_728 : vector<1x16xf32> to vector<16xf32>
        %mul3A_730 = arith.mulf %get3A_729, %select_n3A_723 : vector<16xf32>
        %mul3A_731 = arith.constant 16 : i32
        %mul3A_732 = arith.muli %scan3A_715, %mul3A_731 : i32
        %swap3A_733 = arith.index_cast %add3A_598 : i32 to index
        %swap3A_734 = arith.index_cast %mul3A_732 : i32 to index
        %swap3A_735 = tpu.vector_load %arg5[%swap3A_733, %swap3A_734] {strides = array<i32>} : memref<32x2048xf32, #tpu.memory_space<vmem>>, vector<1x16xf32>,
        %swap3A_736 = vector.shape_cast %swap3A_735 : vector<1x16xf32> to vector<16xf32>
        %swap3A_737 = vector.shape_cast %mul3A_730 : vector<16xf32> to vector<1x16xf32>
        tpu.vector_store %arg5[%swap3A_733, %swap3A_734], %swap3A_737 {strides = array<i32>} : memref<32x2048xf32, #tpu.memory_space<vmem>>, vector<1x16xf32>,
        %scan3A_738 = arith.constant 2 : i32
        %scan3A_739 = arith.addi %scan3A_694, %scan3A_738 : i32
        %mul3A_740 = arith.constant 16 : i32
        %mul3A_741 = arith.muli %scan3A_739, %mul3A_740 : i32
        %add3A_742 = vector.broadcast %mul3A_741 : i32 to vector<16xi32>
        %add3A_743 = arith.addi %iota3A, %add3A_742 : vector<16xi32>
        %ge3A_744 = arith.cmpi sge, %add3A_743, %broadcast_in_dim3A_593 : vector<16xi32>
        %le3A_745 = arith.cmpi sle, %add3A_743, %broadcast_in_dim3A_594 : vector<16xi32>
        %and3A_746 = arith.andi %ge3A_744, %le3A_745 : vector<16xi1>
        %select_n3A_747 = arith.select %and3A_746, %broadcast_in_dim3A_590, %broadcast_in_dim3A_592 : vector<16xi1>, vector<16xf32>
        %mul3A_748 = arith.constant 16 : i32
        %mul3A_749 = arith.muli %scan3A_739, %mul3A_748 : i32
        %get3A_750 = arith.index_cast %add3A_598 : i32 to index
        %get3A_751 = arith.index_cast %mul3A_749 : i32 to index
        %get3A_752 = tpu.vector_load %arg5[%get3A_750, %get3A_751] {strides = array<i32>} : memref<32x2048xf32, #tpu.memory_space<vmem>>, vector<1x16xf32>,
        %get3A_753 = vector.shape_cast %get3A_752 : vector<1x16xf32> to vector<16xf32>
        %mul3A_754 = arith.mulf %get3A_753, %select_n3A_747 : vector<16xf32>
        %mul3A_755 = arith.constant 16 : i32
        %mul3A_756 = arith.muli %scan3A_739, %mul3A_755 : i32
        %swap3A_757 = arith.index_cast %add3A_598 : i32 to index
        %swap3A_758 = arith.index_cast %mul3A_756 : i32 to index
        %swap3A_759 = tpu.vector_load %arg5[%swap3A_757, %swap3A_758] {strides = array<i32>} : memref<32x2048xf32, #tpu.memory_space<vmem>>, vector<1x16xf32>,
        %swap3A_760 = vector.shape_cast %swap3A_759 : vector<1x16xf32> to vector<16xf32>
        %swap3A_761 = vector.shape_cast %mul3A_754 : vector<16xf32> to vector<1x16xf32>
        tpu.vector_store %arg5[%swap3A_757, %swap3A_758], %swap3A_761 {strides = array<i32>} : memref<32x2048xf32, #tpu.memory_space<vmem>>, vector<1x16xf32>,
        %scan3A_762 = arith.constant 3 : i32
        %scan3A_763 = arith.addi %scan3A_694, %scan3A_762 : i32
        %mul3A_764 = arith.constant 16 : i32
        %mul3A_765 = arith.muli %scan3A_763, %mul3A_764 : i32
        %add3A_766 = vector.broadcast %mul3A_765 : i32 to vector<16xi32>
        %add3A_767 = arith.addi %iota3A, %add3A_766 : vector<16xi32>
        %ge3A_768 = arith.cmpi sge, %add3A_767, %broadcast_in_dim3A_593 : vector<16xi32>
        %le3A_769 = arith.cmpi sle, %add3A_767, %broadcast_in_dim3A_594 : vector<16xi32>
        %and3A_770 = arith.andi %ge3A_768, %le3A_769 : vector<16xi1>
        %select_n3A_771 = arith.select %and3A_770, %broadcast_in_dim3A_590, %broadcast_in_dim3A_592 : vector<16xi1>, vector<16xf32>
        %mul3A_772 = arith.constant 16 : i32
        %mul3A_773 = arith.muli %scan3A_763, %mul3A_772 : i32
        %get3A_774 = arith.index_cast %add3A_598 : i32 to index
        %get3A_775 = arith.index_cast %mul3A_773 : i32 to index
        %get3A_776 = tpu.vector_load %arg5[%get3A_774, %get3A_775] {strides = array<i32>} : memref<32x2048xf32, #tpu.memory_space<vmem>>, vector<1x16xf32>,
        %get3A_777 = vector.shape_cast %get3A_776 : vector<1x16xf32> to vector<16xf32>
        %mul3A_778 = arith.mulf %get3A_777, %select_n3A_771 : vector<16xf32>
        %mul3A_779 = arith.constant 16 : i32
        %mul3A_780 = arith.muli %scan3A_763, %mul3A_779 : i32
        %swap3A_781 = arith.index_cast %add3A_598 : i32 to index
        %swap3A_782 = arith.index_cast %mul3A_780 : i32 to index
        %swap3A_783 = tpu.vector_load %arg5[%swap3A_781, %swap3A_782] {strides = array<i32>} : memref<32x2048xf32, #tpu.memory_space<vmem>>, vector<1x16xf32>,
        %swap3A_784 = vector.shape_cast %swap3A_783 : vector<1x16xf32> to vector<16xf32>
        %swap3A_785 = vector.shape_cast %mul3A_778 : vector<16xf32> to vector<1x16xf32>
        tpu.vector_store %arg5[%swap3A_781, %swap3A_782], %swap3A_785 {strides = array<i32>} : memref<32x2048xf32, #tpu.memory_space<vmem>>, vector<1x16xf32>,
        %scan3A_786 = arith.constant 4 : i32
        %scan3A_787 = arith.addi %scan3A_694, %scan3A_786 : i32
        %mul3A_788 = arith.constant 16 : i32
        %mul3A_789 = arith.muli %scan3A_787, %mul3A_788 : i32
        %add3A_790 = vector.broadcast %mul3A_789 : i32 to vector<16xi32>
        %add3A_791 = arith.addi %iota3A, %add3A_790 : vector<16xi32>
        %ge3A_792 = arith.cmpi sge, %add3A_791, %broadcast_in_dim3A_593 : vector<16xi32>
        %le3A_793 = arith.cmpi sle, %add3A_791, %broadcast_in_dim3A_594 : vector<16xi32>
        %and3A_794 = arith.andi %ge3A_792, %le3A_793 : vector<16xi1>
        %select_n3A_795 = arith.select %and3A_794, %broadcast_in_dim3A_590, %broadcast_in_dim3A_592 : vector<16xi1>, vector<16xf32>
        %mul3A_796 = arith.constant 16 : i32
        %mul3A_797 = arith.muli %scan3A_787, %mul3A_796 : i32
        %get3A_798 = arith.index_cast %add3A_598 : i32 to index
        %get3A_799 = arith.index_cast %mul3A_797 : i32 to index
        %get3A_800 = tpu.vector_load %arg5[%get3A_798, %get3A_799] {strides = array<i32>} : memref<32x2048xf32, #tpu.memory_space<vmem>>, vector<1x16xf32>,
        %get3A_801 = vector.shape_cast %get3A_800 : vector<1x16xf32> to vector<16xf32>
        %mul3A_802 = arith.mulf %get3A_801, %select_n3A_795 : vector<16xf32>
        %mul3A_803 = arith.constant 16 : i32
        %mul3A_804 = arith.muli %scan3A_787, %mul3A_803 : i32
        %swap3A_805 = arith.index_cast %add3A_598 : i32 to index
        %swap3A_806 = arith.index_cast %mul3A_804 : i32 to index
        %swap3A_807 = tpu.vector_load %arg5[%swap3A_805, %swap3A_806] {strides = array<i32>} : memref<32x2048xf32, #tpu.memory_space<vmem>>, vector<1x16xf32>,
        %swap3A_808 = vector.shape_cast %swap3A_807 : vector<1x16xf32> to vector<16xf32>
        %swap3A_809 = vector.shape_cast %mul3A_802 : vector<16xf32> to vector<1x16xf32>
        tpu.vector_store %arg5[%swap3A_805, %swap3A_806], %swap3A_809 {strides = array<i32>} : memref<32x2048xf32, #tpu.memory_space<vmem>>, vector<1x16xf32>,
        %scan3A_810 = arith.constant 5 : i32
        %scan3A_811 = arith.addi %scan3A_694, %scan3A_810 : i32
        %mul3A_812 = arith.constant 16 : i32
        %mul3A_813 = arith.muli %scan3A_811, %mul3A_812 : i32
        %add3A_814 = vector.broadcast %mul3A_813 : i32 to vector<16xi32>
        %add3A_815 = arith.addi %iota3A, %add3A_814 : vector<16xi32>
        %ge3A_816 = arith.cmpi sge, %add3A_815, %broadcast_in_dim3A_593 : vector<16xi32>
        %le3A_817 = arith.cmpi sle, %add3A_815, %broadcast_in_dim3A_594 : vector<16xi32>
        %and3A_818 = arith.andi %ge3A_816, %le3A_817 : vector<16xi1>
        %select_n3A_819 = arith.select %and3A_818, %broadcast_in_dim3A_590, %broadcast_in_dim3A_592 : vector<16xi1>, vector<16xf32>
        %mul3A_820 = arith.constant 16 : i32
        %mul3A_821 = arith.muli %scan3A_811, %mul3A_820 : i32
        %get3A_822 = arith.index_cast %add3A_598 : i32 to index
        %get3A_823 = arith.index_cast %mul3A_821 : i32 to index
        %get3A_824 = tpu.vector_load %arg5[%get3A_822, %get3A_823] {strides = array<i32>} : memref<32x2048xf32, #tpu.memory_space<vmem>>, vector<1x16xf32>,
        %get3A_825 = vector.shape_cast %get3A_824 : vector<1x16xf32> to vector<16xf32>
        %mul3A_826 = arith.mulf %get3A_825, %select_n3A_819 : vector<16xf32>
        %mul3A_827 = arith.constant 16 : i32
        %mul3A_828 = arith.muli %scan3A_811, %mul3A_827 : i32
        %swap3A_829 = arith.index_cast %add3A_598 : i32 to index
        %swap3A_830 = arith.index_cast %mul3A_828 : i32 to index
        %swap3A_831 = tpu.vector_load %arg5[%swap3A_829, %swap3A_830] {strides = array<i32>} : memref<32x2048xf32, #tpu.memory_space<vmem>>, vector<1x16xf32>,
        %swap3A_832 = vector.shape_cast %swap3A_831 : vector<1x16xf32> to vector<16xf32>
        %swap3A_833 = vector.shape_cast %mul3A_826 : vector<16xf32> to vector<1x16xf32>
        tpu.vector_store %arg5[%swap3A_829, %swap3A_830], %swap3A_833 {strides = array<i32>} : memref<32x2048xf32, #tpu.memory_space<vmem>>, vector<1x16xf32>,
        %scan3A_834 = arith.constant 6 : i32
        %scan3A_835 = arith.addi %scan3A_694, %scan3A_834 : i32
        %mul3A_836 = arith.constant 16 : i32
        %mul3A_837 = arith.muli %scan3A_835, %mul3A_836 : i32
        %add3A_838 = vector.broadcast %mul3A_837 : i32 to vector<16xi32>
        %add3A_839 = arith.addi %iota3A, %add3A_838 : vector<16xi32>
        %ge3A_840 = arith.cmpi sge, %add3A_839, %broadcast_in_dim3A_593 : vector<16xi32>
        %le3A_841 = arith.cmpi sle, %add3A_839, %broadcast_in_dim3A_594 : vector<16xi32>
        %and3A_842 = arith.andi %ge3A_840, %le3A_841 : vector<16xi1>
        %select_n3A_843 = arith.select %and3A_842, %broadcast_in_dim3A_590, %broadcast_in_dim3A_592 : vector<16xi1>, vector<16xf32>
        %mul3A_844 = arith.constant 16 : i32
        %mul3A_845 = arith.muli %scan3A_835, %mul3A_844 : i32
        %get3A_846 = arith.index_cast %add3A_598 : i32 to index
        %get3A_847 = arith.index_cast %mul3A_845 : i32 to index
        %get3A_848 = tpu.vector_load %arg5[%get3A_846, %get3A_847] {strides = array<i32>} : memref<32x2048xf32, #tpu.memory_space<vmem>>, vector<1x16xf32>,
        %get3A_849 = vector.shape_cast %get3A_848 : vector<1x16xf32> to vector<16xf32>
        %mul3A_850 = arith.mulf %get3A_849, %select_n3A_843 : vector<16xf32>
        %mul3A_851 = arith.constant 16 : i32
        %mul3A_852 = arith.muli %scan3A_835, %mul3A_851 : i32
        %swap3A_853 = arith.index_cast %add3A_598 : i32 to index
        %swap3A_854 = arith.index_cast %mul3A_852 : i32 to index
        %swap3A_855 = tpu.vector_load %arg5[%swap3A_853, %swap3A_854] {strides = array<i32>} : memref<32x2048xf32, #tpu.memory_space<vmem>>, vector<1x16xf32>,
        %swap3A_856 = vector.shape_cast %swap3A_855 : vector<1x16xf32> to vector<16xf32>
        %swap3A_857 = vector.shape_cast %mul3A_850 : vector<16xf32> to vector<1x16xf32>
        tpu.vector_store %arg5[%swap3A_853, %swap3A_854], %swap3A_857 {strides = array<i32>} : memref<32x2048xf32, #tpu.memory_space<vmem>>, vector<1x16xf32>,
        %scan3A_858 = arith.constant 7 : i32
        %scan3A_859 = arith.addi %scan3A_694, %scan3A_858 : i32
        %mul3A_860 = arith.constant 16 : i32
        %mul3A_861 = arith.muli %scan3A_859, %mul3A_860 : i32
        %add3A_862 = vector.broadcast %mul3A_861 : i32 to vector<16xi32>
        %add3A_863 = arith.addi %iota3A, %add3A_862 : vector<16xi32>
        %ge3A_864 = arith.cmpi sge, %add3A_863, %broadcast_in_dim3A_593 : vector<16xi32>
        %le3A_865 = arith.cmpi sle, %add3A_863, %broadcast_in_dim3A_594 : vector<16xi32>
        %and3A_866 = arith.andi %ge3A_864, %le3A_865 : vector<16xi1>
        %select_n3A_867 = arith.select %and3A_866, %broadcast_in_dim3A_590, %broadcast_in_dim3A_592 : vector<16xi1>, vector<16xf32>
        %mul3A_868 = arith.constant 16 : i32
        %mul3A_869 = arith.muli %scan3A_859, %mul3A_868 : i32
        %get3A_870 = arith.index_cast %add3A_598 : i32 to index
        %get3A_871 = arith.index_cast %mul3A_869 : i32 to index
        %get3A_872 = tpu.vector_load %arg5[%get3A_870, %get3A_871] {strides = array<i32>} : memref<32x2048xf32, #tpu.memory_space<vmem>>, vector<1x16xf32>,
        %get3A_873 = vector.shape_cast %get3A_872 : vector<1x16xf32> to vector<16xf32>
        %mul3A_874 = arith.mulf %get3A_873, %select_n3A_867 : vector<16xf32>
        %mul3A_875 = arith.constant 16 : i32
        %mul3A_876 = arith.muli %scan3A_859, %mul3A_875 : i32
        %swap3A_877 = arith.index_cast %add3A_598 : i32 to index
        %swap3A_878 = arith.index_cast %mul3A_876 : i32 to index
        %swap3A_879 = tpu.vector_load %arg5[%swap3A_877, %swap3A_878] {strides = array<i32>} : memref<32x2048xf32, #tpu.memory_space<vmem>>, vector<1x16xf32>,
        %swap3A_880 = vector.shape_cast %swap3A_879 : vector<1x16xf32> to vector<16xf32>
        %swap3A_881 = vector.shape_cast %mul3A_874 : vector<16xf32> to vector<1x16xf32>
        tpu.vector_store %arg5[%swap3A_877, %swap3A_878], %swap3A_881 {strides = array<i32>} : memref<32x2048xf32, #tpu.memory_space<vmem>>, vector<1x16xf32>,
      }
      %scan3A_604 = arith.constant 128 : i32
      %add3A_605 = arith.constant 14 : i32
      %add3A_606 = arith.addi %add3A_78, %add3A_605 : i32
      %and3A_607 = arith.constant 2047 : i32
      %and3A_608 = arith.andi %add3A_606, %and3A_607 : i32
      %sub3A_609 = arith.constant 2047 : i32
      %sub3A_610 = arith.subi %sub3A_609, %and3A_608 : i32
      %min3A_611 = arith.minsi %and3A_608, %sub3A_610 : i32
      %lt3A_612 = arith.constant 1024 : i32
      %lt3A_613 = arith.cmpi slt, %and3A_608, %lt3A_612 : i32
      %jit3A_614 = arith.constant 0 : i32
      %jit3A_615 = arith.constant 1 : i32
      %select_n3A_616 = arith.select %lt3A_613, %jit3A_614, %jit3A_615 : i32
      %add3A_617 = arith.addi %min3A_611, %select_n3A_616 : i32
      %sub3A_618 = arith.constant 2047 : i32
      %sub3A_619 = arith.subi %sub3A_618, %min3A_611 : i32
      %convert_element_type3A_620 = arith.sitofp %min3A_611 : i32 to f32
      %mul3A_621 = arith.constant 3.125000e-02 : f32
      %mul3A_622 = arith.mulf %convert_element_type3A_620, %mul3A_621 : f32
      %add3A_623 = arith.addf %mul3A_622, %add3A_9 : f32
      %jit3A_624 = arith.constant 0.000000e+00 : f32
      %jit3A_625 = arith.constant 1.000000e+00 : f32
      %max3A_626 = arith.maximumf %jit3A_624, %add3A_623 : f32
      %min3A_627 = arith.minimumf %jit3A_625, %max3A_626 : f32
      %broadcast_in_dim3A_628 = vector.broadcast %min3A_627 : f32 to vector<16xf32>
      %broadcast_in_dim3A_629 = arith.constant 1.000000e+00 : f32
      %broadcast_in_dim3A_630 = vector.broadcast %broadcast_in_dim3A_629 : f32 to vector<16xf32>
      %broadcast_in_dim3A_631 = vector.broadcast %add3A_617 : i32 to vector<16xi32>
      %broadcast_in_dim3A_632 = vector.broadcast %sub3A_619 : i32 to vector<16xi32>
      %mul3A_633 = arith.constant 16 : i32
      %mul3A_634 = arith.muli %rem3A_58, %mul3A_633 : i32
      %add3A_635 = arith.constant 14 : i32
      %add3A_636 = arith.addi %mul3A_634, %add3A_635 : i32
      %scan3A_637 = arith.constant 0 : i32
      %scan3A_638 = arith.constant 0 : i32
      %scan3A_639 = arith.constant 128 : i32
      %scan3A_640 = arith.addi %scan3A_638, %scan3A_639 : i32
      %scan3A_641 = arith.constant 8 : i32
      scf.for %scan3A_694 = %scan3A_638 to %scan3A_640 step %scan3A_641  : i32 {
        %mul3A_695 = arith.constant 16 : i32
        %mul3A_696 = arith.muli %scan3A_694, %mul3A_695 : i32
        %add3A_697 = vector.broadcast %mul3A_696 : i32 to vector<16xi32>
        %add3A_698 = arith.addi %iota3A, %add3A_697 : vector<16xi32>
        %ge3A = arith.cmpi sge, %add3A_698, %broadcast_in_dim3A_631 : vector<16xi32>
        %le3A = arith.cmpi sle, %add3A_698, %broadcast_in_dim3A_632 : vector<16xi32>
        %and3A_699 = arith.andi %ge3A, %le3A : vector<16xi1>
        %select_n3A_700 = arith.select %and3A_699, %broadcast_in_dim3A_628, %broadcast_in_dim3A_630 : vector<16xi1>, vector<16xf32>
        %mul3A_701 = arith.constant 16 : i32
        %mul3A_702 = arith.muli %scan3A_694, %mul3A_701 : i32
        %get3A_703 = arith.index_cast %add3A_636 : i32 to index
        %get3A_704 = arith.index_cast %mul3A_702 : i32 to index
        %get3A_705 = tpu.vector_load %arg5[%get3A_703, %get3A_704] {strides = array<i32>} : memref<32x2048xf32, #tpu.memory_space<vmem>>, vector<1x16xf32>,
        %get3A_706 = vector.shape_cast %get3A_705 : vector<1x16xf32> to vector<16xf32>
        %mul3A_707 = arith.mulf %get3A_706, %select_n3A_700 : vector<16xf32>
        %mul3A_708 = arith.constant 16 : i32
        %mul3A_709 = arith.muli %scan3A_694, %mul3A_708 : i32
        %swap3A = arith.index_cast %add3A_636 : i32 to index
        %swap3A_710 = arith.index_cast %mul3A_709 : i32 to index
        %swap3A_711 = tpu.vector_load %arg5[%swap3A, %swap3A_710] {strides = array<i32>} : memref<32x2048xf32, #tpu.memory_space<vmem>>, vector<1x16xf32>,
        %swap3A_712 = vector.shape_cast %swap3A_711 : vector<1x16xf32> to vector<16xf32>
        %swap3A_713 = vector.shape_cast %mul3A_707 : vector<16xf32> to vector<1x16xf32>
        tpu.vector_store %arg5[%swap3A, %swap3A_710], %swap3A_713 {strides = array<i32>} : memref<32x2048xf32, #tpu.memory_space<vmem>>, vector<1x16xf32>,
        %scan3A_714 = arith.constant 1 : i32
        %scan3A_715 = arith.addi %scan3A_694, %scan3A_714 : i32
        %mul3A_716 = arith.constant 16 : i32
        %mul3A_717 = arith.muli %scan3A_715, %mul3A_716 : i32
        %add3A_718 = vector.broadcast %mul3A_717 : i32 to vector<16xi32>
        %add3A_719 = arith.addi %iota3A, %add3A_718 : vector<16xi32>
        %ge3A_720 = arith.cmpi sge, %add3A_719, %broadcast_in_dim3A_631 : vector<16xi32>
        %le3A_721 = arith.cmpi sle, %add3A_719, %broadcast_in_dim3A_632 : vector<16xi32>
        %and3A_722 = arith.andi %ge3A_720, %le3A_721 : vector<16xi1>
        %select_n3A_723 = arith.select %and3A_722, %broadcast_in_dim3A_628, %broadcast_in_dim3A_630 : vector<16xi1>, vector<16xf32>
        %mul3A_724 = arith.constant 16 : i32
        %mul3A_725 = arith.muli %scan3A_715, %mul3A_724 : i32
        %get3A_726 = arith.index_cast %add3A_636 : i32 to index
        %get3A_727 = arith.index_cast %mul3A_725 : i32 to index
        %get3A_728 = tpu.vector_load %arg5[%get3A_726, %get3A_727] {strides = array<i32>} : memref<32x2048xf32, #tpu.memory_space<vmem>>, vector<1x16xf32>,
        %get3A_729 = vector.shape_cast %get3A_728 : vector<1x16xf32> to vector<16xf32>
        %mul3A_730 = arith.mulf %get3A_729, %select_n3A_723 : vector<16xf32>
        %mul3A_731 = arith.constant 16 : i32
        %mul3A_732 = arith.muli %scan3A_715, %mul3A_731 : i32
        %swap3A_733 = arith.index_cast %add3A_636 : i32 to index
        %swap3A_734 = arith.index_cast %mul3A_732 : i32 to index
        %swap3A_735 = tpu.vector_load %arg5[%swap3A_733, %swap3A_734] {strides = array<i32>} : memref<32x2048xf32, #tpu.memory_space<vmem>>, vector<1x16xf32>,
        %swap3A_736 = vector.shape_cast %swap3A_735 : vector<1x16xf32> to vector<16xf32>
        %swap3A_737 = vector.shape_cast %mul3A_730 : vector<16xf32> to vector<1x16xf32>
        tpu.vector_store %arg5[%swap3A_733, %swap3A_734], %swap3A_737 {strides = array<i32>} : memref<32x2048xf32, #tpu.memory_space<vmem>>, vector<1x16xf32>,
        %scan3A_738 = arith.constant 2 : i32
        %scan3A_739 = arith.addi %scan3A_694, %scan3A_738 : i32
        %mul3A_740 = arith.constant 16 : i32
        %mul3A_741 = arith.muli %scan3A_739, %mul3A_740 : i32
        %add3A_742 = vector.broadcast %mul3A_741 : i32 to vector<16xi32>
        %add3A_743 = arith.addi %iota3A, %add3A_742 : vector<16xi32>
        %ge3A_744 = arith.cmpi sge, %add3A_743, %broadcast_in_dim3A_631 : vector<16xi32>
        %le3A_745 = arith.cmpi sle, %add3A_743, %broadcast_in_dim3A_632 : vector<16xi32>
        %and3A_746 = arith.andi %ge3A_744, %le3A_745 : vector<16xi1>
        %select_n3A_747 = arith.select %and3A_746, %broadcast_in_dim3A_628, %broadcast_in_dim3A_630 : vector<16xi1>, vector<16xf32>
        %mul3A_748 = arith.constant 16 : i32
        %mul3A_749 = arith.muli %scan3A_739, %mul3A_748 : i32
        %get3A_750 = arith.index_cast %add3A_636 : i32 to index
        %get3A_751 = arith.index_cast %mul3A_749 : i32 to index
        %get3A_752 = tpu.vector_load %arg5[%get3A_750, %get3A_751] {strides = array<i32>} : memref<32x2048xf32, #tpu.memory_space<vmem>>, vector<1x16xf32>,
        %get3A_753 = vector.shape_cast %get3A_752 : vector<1x16xf32> to vector<16xf32>
        %mul3A_754 = arith.mulf %get3A_753, %select_n3A_747 : vector<16xf32>
        %mul3A_755 = arith.constant 16 : i32
        %mul3A_756 = arith.muli %scan3A_739, %mul3A_755 : i32
        %swap3A_757 = arith.index_cast %add3A_636 : i32 to index
        %swap3A_758 = arith.index_cast %mul3A_756 : i32 to index
        %swap3A_759 = tpu.vector_load %arg5[%swap3A_757, %swap3A_758] {strides = array<i32>} : memref<32x2048xf32, #tpu.memory_space<vmem>>, vector<1x16xf32>,
        %swap3A_760 = vector.shape_cast %swap3A_759 : vector<1x16xf32> to vector<16xf32>
        %swap3A_761 = vector.shape_cast %mul3A_754 : vector<16xf32> to vector<1x16xf32>
        tpu.vector_store %arg5[%swap3A_757, %swap3A_758], %swap3A_761 {strides = array<i32>} : memref<32x2048xf32, #tpu.memory_space<vmem>>, vector<1x16xf32>,
        %scan3A_762 = arith.constant 3 : i32
        %scan3A_763 = arith.addi %scan3A_694, %scan3A_762 : i32
        %mul3A_764 = arith.constant 16 : i32
        %mul3A_765 = arith.muli %scan3A_763, %mul3A_764 : i32
        %add3A_766 = vector.broadcast %mul3A_765 : i32 to vector<16xi32>
        %add3A_767 = arith.addi %iota3A, %add3A_766 : vector<16xi32>
        %ge3A_768 = arith.cmpi sge, %add3A_767, %broadcast_in_dim3A_631 : vector<16xi32>
        %le3A_769 = arith.cmpi sle, %add3A_767, %broadcast_in_dim3A_632 : vector<16xi32>
        %and3A_770 = arith.andi %ge3A_768, %le3A_769 : vector<16xi1>
        %select_n3A_771 = arith.select %and3A_770, %broadcast_in_dim3A_628, %broadcast_in_dim3A_630 : vector<16xi1>, vector<16xf32>
        %mul3A_772 = arith.constant 16 : i32
        %mul3A_773 = arith.muli %scan3A_763, %mul3A_772 : i32
        %get3A_774 = arith.index_cast %add3A_636 : i32 to index
        %get3A_775 = arith.index_cast %mul3A_773 : i32 to index
        %get3A_776 = tpu.vector_load %arg5[%get3A_774, %get3A_775] {strides = array<i32>} : memref<32x2048xf32, #tpu.memory_space<vmem>>, vector<1x16xf32>,
        %get3A_777 = vector.shape_cast %get3A_776 : vector<1x16xf32> to vector<16xf32>
        %mul3A_778 = arith.mulf %get3A_777, %select_n3A_771 : vector<16xf32>
        %mul3A_779 = arith.constant 16 : i32
        %mul3A_780 = arith.muli %scan3A_763, %mul3A_779 : i32
        %swap3A_781 = arith.index_cast %add3A_636 : i32 to index
        %swap3A_782 = arith.index_cast %mul3A_780 : i32 to index
        %swap3A_783 = tpu.vector_load %arg5[%swap3A_781, %swap3A_782] {strides = array<i32>} : memref<32x2048xf32, #tpu.memory_space<vmem>>, vector<1x16xf32>,
        %swap3A_784 = vector.shape_cast %swap3A_783 : vector<1x16xf32> to vector<16xf32>
        %swap3A_785 = vector.shape_cast %mul3A_778 : vector<16xf32> to vector<1x16xf32>
        tpu.vector_store %arg5[%swap3A_781, %swap3A_782], %swap3A_785 {strides = array<i32>} : memref<32x2048xf32, #tpu.memory_space<vmem>>, vector<1x16xf32>,
        %scan3A_786 = arith.constant 4 : i32
        %scan3A_787 = arith.addi %scan3A_694, %scan3A_786 : i32
        %mul3A_788 = arith.constant 16 : i32
        %mul3A_789 = arith.muli %scan3A_787, %mul3A_788 : i32
        %add3A_790 = vector.broadcast %mul3A_789 : i32 to vector<16xi32>
        %add3A_791 = arith.addi %iota3A, %add3A_790 : vector<16xi32>
        %ge3A_792 = arith.cmpi sge, %add3A_791, %broadcast_in_dim3A_631 : vector<16xi32>
        %le3A_793 = arith.cmpi sle, %add3A_791, %broadcast_in_dim3A_632 : vector<16xi32>
        %and3A_794 = arith.andi %ge3A_792, %le3A_793 : vector<16xi1>
        %select_n3A_795 = arith.select %and3A_794, %broadcast_in_dim3A_628, %broadcast_in_dim3A_630 : vector<16xi1>, vector<16xf32>
        %mul3A_796 = arith.constant 16 : i32
        %mul3A_797 = arith.muli %scan3A_787, %mul3A_796 : i32
        %get3A_798 = arith.index_cast %add3A_636 : i32 to index
        %get3A_799 = arith.index_cast %mul3A_797 : i32 to index
        %get3A_800 = tpu.vector_load %arg5[%get3A_798, %get3A_799] {strides = array<i32>} : memref<32x2048xf32, #tpu.memory_space<vmem>>, vector<1x16xf32>,
        %get3A_801 = vector.shape_cast %get3A_800 : vector<1x16xf32> to vector<16xf32>
        %mul3A_802 = arith.mulf %get3A_801, %select_n3A_795 : vector<16xf32>
        %mul3A_803 = arith.constant 16 : i32
        %mul3A_804 = arith.muli %scan3A_787, %mul3A_803 : i32
        %swap3A_805 = arith.index_cast %add3A_636 : i32 to index
        %swap3A_806 = arith.index_cast %mul3A_804 : i32 to index
        %swap3A_807 = tpu.vector_load %arg5[%swap3A_805, %swap3A_806] {strides = array<i32>} : memref<32x2048xf32, #tpu.memory_space<vmem>>, vector<1x16xf32>,
        %swap3A_808 = vector.shape_cast %swap3A_807 : vector<1x16xf32> to vector<16xf32>
        %swap3A_809 = vector.shape_cast %mul3A_802 : vector<16xf32> to vector<1x16xf32>
        tpu.vector_store %arg5[%swap3A_805, %swap3A_806], %swap3A_809 {strides = array<i32>} : memref<32x2048xf32, #tpu.memory_space<vmem>>, vector<1x16xf32>,
        %scan3A_810 = arith.constant 5 : i32
        %scan3A_811 = arith.addi %scan3A_694, %scan3A_810 : i32
        %mul3A_812 = arith.constant 16 : i32
        %mul3A_813 = arith.muli %scan3A_811, %mul3A_812 : i32
        %add3A_814 = vector.broadcast %mul3A_813 : i32 to vector<16xi32>
        %add3A_815 = arith.addi %iota3A, %add3A_814 : vector<16xi32>
        %ge3A_816 = arith.cmpi sge, %add3A_815, %broadcast_in_dim3A_631 : vector<16xi32>
        %le3A_817 = arith.cmpi sle, %add3A_815, %broadcast_in_dim3A_632 : vector<16xi32>
        %and3A_818 = arith.andi %ge3A_816, %le3A_817 : vector<16xi1>
        %select_n3A_819 = arith.select %and3A_818, %broadcast_in_dim3A_628, %broadcast_in_dim3A_630 : vector<16xi1>, vector<16xf32>
        %mul3A_820 = arith.constant 16 : i32
        %mul3A_821 = arith.muli %scan3A_811, %mul3A_820 : i32
        %get3A_822 = arith.index_cast %add3A_636 : i32 to index
        %get3A_823 = arith.index_cast %mul3A_821 : i32 to index
        %get3A_824 = tpu.vector_load %arg5[%get3A_822, %get3A_823] {strides = array<i32>} : memref<32x2048xf32, #tpu.memory_space<vmem>>, vector<1x16xf32>,
        %get3A_825 = vector.shape_cast %get3A_824 : vector<1x16xf32> to vector<16xf32>
        %mul3A_826 = arith.mulf %get3A_825, %select_n3A_819 : vector<16xf32>
        %mul3A_827 = arith.constant 16 : i32
        %mul3A_828 = arith.muli %scan3A_811, %mul3A_827 : i32
        %swap3A_829 = arith.index_cast %add3A_636 : i32 to index
        %swap3A_830 = arith.index_cast %mul3A_828 : i32 to index
        %swap3A_831 = tpu.vector_load %arg5[%swap3A_829, %swap3A_830] {strides = array<i32>} : memref<32x2048xf32, #tpu.memory_space<vmem>>, vector<1x16xf32>,
        %swap3A_832 = vector.shape_cast %swap3A_831 : vector<1x16xf32> to vector<16xf32>
        %swap3A_833 = vector.shape_cast %mul3A_826 : vector<16xf32> to vector<1x16xf32>
        tpu.vector_store %arg5[%swap3A_829, %swap3A_830], %swap3A_833 {strides = array<i32>} : memref<32x2048xf32, #tpu.memory_space<vmem>>, vector<1x16xf32>,
        %scan3A_834 = arith.constant 6 : i32
        %scan3A_835 = arith.addi %scan3A_694, %scan3A_834 : i32
        %mul3A_836 = arith.constant 16 : i32
        %mul3A_837 = arith.muli %scan3A_835, %mul3A_836 : i32
        %add3A_838 = vector.broadcast %mul3A_837 : i32 to vector<16xi32>
        %add3A_839 = arith.addi %iota3A, %add3A_838 : vector<16xi32>
        %ge3A_840 = arith.cmpi sge, %add3A_839, %broadcast_in_dim3A_631 : vector<16xi32>
        %le3A_841 = arith.cmpi sle, %add3A_839, %broadcast_in_dim3A_632 : vector<16xi32>
        %and3A_842 = arith.andi %ge3A_840, %le3A_841 : vector<16xi1>
        %select_n3A_843 = arith.select %and3A_842, %broadcast_in_dim3A_628, %broadcast_in_dim3A_630 : vector<16xi1>, vector<16xf32>
        %mul3A_844 = arith.constant 16 : i32
        %mul3A_845 = arith.muli %scan3A_835, %mul3A_844 : i32
        %get3A_846 = arith.index_cast %add3A_636 : i32 to index
        %get3A_847 = arith.index_cast %mul3A_845 : i32 to index
        %get3A_848 = tpu.vector_load %arg5[%get3A_846, %get3A_847] {strides = array<i32>} : memref<32x2048xf32, #tpu.memory_space<vmem>>, vector<1x16xf32>,
        %get3A_849 = vector.shape_cast %get3A_848 : vector<1x16xf32> to vector<16xf32>
        %mul3A_850 = arith.mulf %get3A_849, %select_n3A_843 : vector<16xf32>
        %mul3A_851 = arith.constant 16 : i32
        %mul3A_852 = arith.muli %scan3A_835, %mul3A_851 : i32
        %swap3A_853 = arith.index_cast %add3A_636 : i32 to index
        %swap3A_854 = arith.index_cast %mul3A_852 : i32 to index
        %swap3A_855 = tpu.vector_load %arg5[%swap3A_853, %swap3A_854] {strides = array<i32>} : memref<32x2048xf32, #tpu.memory_space<vmem>>, vector<1x16xf32>,
        %swap3A_856 = vector.shape_cast %swap3A_855 : vector<1x16xf32> to vector<16xf32>
        %swap3A_857 = vector.shape_cast %mul3A_850 : vector<16xf32> to vector<1x16xf32>
        tpu.vector_store %arg5[%swap3A_853, %swap3A_854], %swap3A_857 {strides = array<i32>} : memref<32x2048xf32, #tpu.memory_space<vmem>>, vector<1x16xf32>,
        %scan3A_858 = arith.constant 7 : i32
        %scan3A_859 = arith.addi %scan3A_694, %scan3A_858 : i32
        %mul3A_860 = arith.constant 16 : i32
        %mul3A_861 = arith.muli %scan3A_859, %mul3A_860 : i32
        %add3A_862 = vector.broadcast %mul3A_861 : i32 to vector<16xi32>
        %add3A_863 = arith.addi %iota3A, %add3A_862 : vector<16xi32>
        %ge3A_864 = arith.cmpi sge, %add3A_863, %broadcast_in_dim3A_631 : vector<16xi32>
        %le3A_865 = arith.cmpi sle, %add3A_863, %broadcast_in_dim3A_632 : vector<16xi32>
        %and3A_866 = arith.andi %ge3A_864, %le3A_865 : vector<16xi1>
        %select_n3A_867 = arith.select %and3A_866, %broadcast_in_dim3A_628, %broadcast_in_dim3A_630 : vector<16xi1>, vector<16xf32>
        %mul3A_868 = arith.constant 16 : i32
        %mul3A_869 = arith.muli %scan3A_859, %mul3A_868 : i32
        %get3A_870 = arith.index_cast %add3A_636 : i32 to index
        %get3A_871 = arith.index_cast %mul3A_869 : i32 to index
        %get3A_872 = tpu.vector_load %arg5[%get3A_870, %get3A_871] {strides = array<i32>} : memref<32x2048xf32, #tpu.memory_space<vmem>>, vector<1x16xf32>,
        %get3A_873 = vector.shape_cast %get3A_872 : vector<1x16xf32> to vector<16xf32>
        %mul3A_874 = arith.mulf %get3A_873, %select_n3A_867 : vector<16xf32>
        %mul3A_875 = arith.constant 16 : i32
        %mul3A_876 = arith.muli %scan3A_859, %mul3A_875 : i32
        %swap3A_877 = arith.index_cast %add3A_636 : i32 to index
        %swap3A_878 = arith.index_cast %mul3A_876 : i32 to index
        %swap3A_879 = tpu.vector_load %arg5[%swap3A_877, %swap3A_878] {strides = array<i32>} : memref<32x2048xf32, #tpu.memory_space<vmem>>, vector<1x16xf32>,
        %swap3A_880 = vector.shape_cast %swap3A_879 : vector<1x16xf32> to vector<16xf32>
        %swap3A_881 = vector.shape_cast %mul3A_874 : vector<16xf32> to vector<1x16xf32>
        tpu.vector_store %arg5[%swap3A_877, %swap3A_878], %swap3A_881 {strides = array<i32>} : memref<32x2048xf32, #tpu.memory_space<vmem>>, vector<1x16xf32>,
      }
      %scan3A_642 = arith.constant 128 : i32
      %add3A_643 = arith.constant 15 : i32
      %add3A_644 = arith.addi %add3A_78, %add3A_643 : i32
      %and3A_645 = arith.constant 2047 : i32
      %and3A_646 = arith.andi %add3A_644, %and3A_645 : i32
      %sub3A_647 = arith.constant 2047 : i32
      %sub3A_648 = arith.subi %sub3A_647, %and3A_646 : i32
      %min3A_649 = arith.minsi %and3A_646, %sub3A_648 : i32
      %lt3A_650 = arith.constant 1024 : i32
      %lt3A_651 = arith.cmpi slt, %and3A_646, %lt3A_650 : i32
      %jit3A_652 = arith.constant 0 : i32
      %jit3A_653 = arith.constant 1 : i32
      %select_n3A_654 = arith.select %lt3A_651, %jit3A_652, %jit3A_653 : i32
      %add3A_655 = arith.addi %min3A_649, %select_n3A_654 : i32
      %sub3A_656 = arith.constant 2047 : i32
      %sub3A_657 = arith.subi %sub3A_656, %min3A_649 : i32
      %convert_element_type3A_658 = arith.sitofp %min3A_649 : i32 to f32
      %mul3A_659 = arith.constant 3.125000e-02 : f32
      %mul3A_660 = arith.mulf %convert_element_type3A_658, %mul3A_659 : f32
      %add3A_661 = arith.addf %mul3A_660, %add3A_9 : f32
      %jit3A_662 = arith.constant 0.000000e+00 : f32
      %jit3A_663 = arith.constant 1.000000e+00 : f32
      %max3A_664 = arith.maximumf %jit3A_662, %add3A_661 : f32
      %min3A_665 = arith.minimumf %jit3A_663, %max3A_664 : f32
      %broadcast_in_dim3A_666 = vector.broadcast %min3A_665 : f32 to vector<16xf32>
      %broadcast_in_dim3A_667 = arith.constant 1.000000e+00 : f32
      %broadcast_in_dim3A_668 = vector.broadcast %broadcast_in_dim3A_667 : f32 to vector<16xf32>
      %broadcast_in_dim3A_669 = vector.broadcast %add3A_655 : i32 to vector<16xi32>
      %broadcast_in_dim3A_670 = vector.broadcast %sub3A_657 : i32 to vector<16xi32>
      %mul3A_671 = arith.constant 16 : i32
      %mul3A_672 = arith.muli %rem3A_58, %mul3A_671 : i32
      %add3A_673 = arith.constant 15 : i32
      %add3A_674 = arith.addi %mul3A_672, %add3A_673 : i32
      %scan3A_675 = arith.constant 0 : i32
      %scan3A_676 = arith.constant 0 : i32
      %scan3A_677 = arith.constant 128 : i32
      %scan3A_678 = arith.addi %scan3A_676, %scan3A_677 : i32
      %scan3A_679 = arith.constant 8 : i32
      scf.for %scan3A_694 = %scan3A_676 to %scan3A_678 step %scan3A_679  : i32 {
        %mul3A_695 = arith.constant 16 : i32
        %mul3A_696 = arith.muli %scan3A_694, %mul3A_695 : i32
        %add3A_697 = vector.broadcast %mul3A_696 : i32 to vector<16xi32>
        %add3A_698 = arith.addi %iota3A, %add3A_697 : vector<16xi32>
        %ge3A = arith.cmpi sge, %add3A_698, %broadcast_in_dim3A_669 : vector<16xi32>
        %le3A = arith.cmpi sle, %add3A_698, %broadcast_in_dim3A_670 : vector<16xi32>
        %and3A_699 = arith.andi %ge3A, %le3A : vector<16xi1>
        %select_n3A_700 = arith.select %and3A_699, %broadcast_in_dim3A_666, %broadcast_in_dim3A_668 : vector<16xi1>, vector<16xf32>
        %mul3A_701 = arith.constant 16 : i32
        %mul3A_702 = arith.muli %scan3A_694, %mul3A_701 : i32
        %get3A_703 = arith.index_cast %add3A_674 : i32 to index
        %get3A_704 = arith.index_cast %mul3A_702 : i32 to index
        %get3A_705 = tpu.vector_load %arg5[%get3A_703, %get3A_704] {strides = array<i32>} : memref<32x2048xf32, #tpu.memory_space<vmem>>, vector<1x16xf32>,
        %get3A_706 = vector.shape_cast %get3A_705 : vector<1x16xf32> to vector<16xf32>
        %mul3A_707 = arith.mulf %get3A_706, %select_n3A_700 : vector<16xf32>
        %mul3A_708 = arith.constant 16 : i32
        %mul3A_709 = arith.muli %scan3A_694, %mul3A_708 : i32
        %swap3A = arith.index_cast %add3A_674 : i32 to index
        %swap3A_710 = arith.index_cast %mul3A_709 : i32 to index
        %swap3A_711 = tpu.vector_load %arg5[%swap3A, %swap3A_710] {strides = array<i32>} : memref<32x2048xf32, #tpu.memory_space<vmem>>, vector<1x16xf32>,
        %swap3A_712 = vector.shape_cast %swap3A_711 : vector<1x16xf32> to vector<16xf32>
        %swap3A_713 = vector.shape_cast %mul3A_707 : vector<16xf32> to vector<1x16xf32>
        tpu.vector_store %arg5[%swap3A, %swap3A_710], %swap3A_713 {strides = array<i32>} : memref<32x2048xf32, #tpu.memory_space<vmem>>, vector<1x16xf32>,
        %scan3A_714 = arith.constant 1 : i32
        %scan3A_715 = arith.addi %scan3A_694, %scan3A_714 : i32
        %mul3A_716 = arith.constant 16 : i32
        %mul3A_717 = arith.muli %scan3A_715, %mul3A_716 : i32
        %add3A_718 = vector.broadcast %mul3A_717 : i32 to vector<16xi32>
        %add3A_719 = arith.addi %iota3A, %add3A_718 : vector<16xi32>
        %ge3A_720 = arith.cmpi sge, %add3A_719, %broadcast_in_dim3A_669 : vector<16xi32>
        %le3A_721 = arith.cmpi sle, %add3A_719, %broadcast_in_dim3A_670 : vector<16xi32>
        %and3A_722 = arith.andi %ge3A_720, %le3A_721 : vector<16xi1>
        %select_n3A_723 = arith.select %and3A_722, %broadcast_in_dim3A_666, %broadcast_in_dim3A_668 : vector<16xi1>, vector<16xf32>
        %mul3A_724 = arith.constant 16 : i32
        %mul3A_725 = arith.muli %scan3A_715, %mul3A_724 : i32
        %get3A_726 = arith.index_cast %add3A_674 : i32 to index
        %get3A_727 = arith.index_cast %mul3A_725 : i32 to index
        %get3A_728 = tpu.vector_load %arg5[%get3A_726, %get3A_727] {strides = array<i32>} : memref<32x2048xf32, #tpu.memory_space<vmem>>, vector<1x16xf32>,
        %get3A_729 = vector.shape_cast %get3A_728 : vector<1x16xf32> to vector<16xf32>
        %mul3A_730 = arith.mulf %get3A_729, %select_n3A_723 : vector<16xf32>
        %mul3A_731 = arith.constant 16 : i32
        %mul3A_732 = arith.muli %scan3A_715, %mul3A_731 : i32
        %swap3A_733 = arith.index_cast %add3A_674 : i32 to index
        %swap3A_734 = arith.index_cast %mul3A_732 : i32 to index
        %swap3A_735 = tpu.vector_load %arg5[%swap3A_733, %swap3A_734] {strides = array<i32>} : memref<32x2048xf32, #tpu.memory_space<vmem>>, vector<1x16xf32>,
        %swap3A_736 = vector.shape_cast %swap3A_735 : vector<1x16xf32> to vector<16xf32>
        %swap3A_737 = vector.shape_cast %mul3A_730 : vector<16xf32> to vector<1x16xf32>
        tpu.vector_store %arg5[%swap3A_733, %swap3A_734], %swap3A_737 {strides = array<i32>} : memref<32x2048xf32, #tpu.memory_space<vmem>>, vector<1x16xf32>,
        %scan3A_738 = arith.constant 2 : i32
        %scan3A_739 = arith.addi %scan3A_694, %scan3A_738 : i32
        %mul3A_740 = arith.constant 16 : i32
        %mul3A_741 = arith.muli %scan3A_739, %mul3A_740 : i32
        %add3A_742 = vector.broadcast %mul3A_741 : i32 to vector<16xi32>
        %add3A_743 = arith.addi %iota3A, %add3A_742 : vector<16xi32>
        %ge3A_744 = arith.cmpi sge, %add3A_743, %broadcast_in_dim3A_669 : vector<16xi32>
        %le3A_745 = arith.cmpi sle, %add3A_743, %broadcast_in_dim3A_670 : vector<16xi32>
        %and3A_746 = arith.andi %ge3A_744, %le3A_745 : vector<16xi1>
        %select_n3A_747 = arith.select %and3A_746, %broadcast_in_dim3A_666, %broadcast_in_dim3A_668 : vector<16xi1>, vector<16xf32>
        %mul3A_748 = arith.constant 16 : i32
        %mul3A_749 = arith.muli %scan3A_739, %mul3A_748 : i32
        %get3A_750 = arith.index_cast %add3A_674 : i32 to index
        %get3A_751 = arith.index_cast %mul3A_749 : i32 to index
        %get3A_752 = tpu.vector_load %arg5[%get3A_750, %get3A_751] {strides = array<i32>} : memref<32x2048xf32, #tpu.memory_space<vmem>>, vector<1x16xf32>,
        %get3A_753 = vector.shape_cast %get3A_752 : vector<1x16xf32> to vector<16xf32>
        %mul3A_754 = arith.mulf %get3A_753, %select_n3A_747 : vector<16xf32>
        %mul3A_755 = arith.constant 16 : i32
        %mul3A_756 = arith.muli %scan3A_739, %mul3A_755 : i32
        %swap3A_757 = arith.index_cast %add3A_674 : i32 to index
        %swap3A_758 = arith.index_cast %mul3A_756 : i32 to index
        %swap3A_759 = tpu.vector_load %arg5[%swap3A_757, %swap3A_758] {strides = array<i32>} : memref<32x2048xf32, #tpu.memory_space<vmem>>, vector<1x16xf32>,
        %swap3A_760 = vector.shape_cast %swap3A_759 : vector<1x16xf32> to vector<16xf32>
        %swap3A_761 = vector.shape_cast %mul3A_754 : vector<16xf32> to vector<1x16xf32>
        tpu.vector_store %arg5[%swap3A_757, %swap3A_758], %swap3A_761 {strides = array<i32>} : memref<32x2048xf32, #tpu.memory_space<vmem>>, vector<1x16xf32>,
        %scan3A_762 = arith.constant 3 : i32
        %scan3A_763 = arith.addi %scan3A_694, %scan3A_762 : i32
        %mul3A_764 = arith.constant 16 : i32
        %mul3A_765 = arith.muli %scan3A_763, %mul3A_764 : i32
        %add3A_766 = vector.broadcast %mul3A_765 : i32 to vector<16xi32>
        %add3A_767 = arith.addi %iota3A, %add3A_766 : vector<16xi32>
        %ge3A_768 = arith.cmpi sge, %add3A_767, %broadcast_in_dim3A_669 : vector<16xi32>
        %le3A_769 = arith.cmpi sle, %add3A_767, %broadcast_in_dim3A_670 : vector<16xi32>
        %and3A_770 = arith.andi %ge3A_768, %le3A_769 : vector<16xi1>
        %select_n3A_771 = arith.select %and3A_770, %broadcast_in_dim3A_666, %broadcast_in_dim3A_668 : vector<16xi1>, vector<16xf32>
        %mul3A_772 = arith.constant 16 : i32
        %mul3A_773 = arith.muli %scan3A_763, %mul3A_772 : i32
        %get3A_774 = arith.index_cast %add3A_674 : i32 to index
        %get3A_775 = arith.index_cast %mul3A_773 : i32 to index
        %get3A_776 = tpu.vector_load %arg5[%get3A_774, %get3A_775] {strides = array<i32>} : memref<32x2048xf32, #tpu.memory_space<vmem>>, vector<1x16xf32>,
        %get3A_777 = vector.shape_cast %get3A_776 : vector<1x16xf32> to vector<16xf32>
        %mul3A_778 = arith.mulf %get3A_777, %select_n3A_771 : vector<16xf32>
        %mul3A_779 = arith.constant 16 : i32
        %mul3A_780 = arith.muli %scan3A_763, %mul3A_779 : i32
        %swap3A_781 = arith.index_cast %add3A_674 : i32 to index
        %swap3A_782 = arith.index_cast %mul3A_780 : i32 to index
        %swap3A_783 = tpu.vector_load %arg5[%swap3A_781, %swap3A_782] {strides = array<i32>} : memref<32x2048xf32, #tpu.memory_space<vmem>>, vector<1x16xf32>,
        %swap3A_784 = vector.shape_cast %swap3A_783 : vector<1x16xf32> to vector<16xf32>
        %swap3A_785 = vector.shape_cast %mul3A_778 : vector<16xf32> to vector<1x16xf32>
        tpu.vector_store %arg5[%swap3A_781, %swap3A_782], %swap3A_785 {strides = array<i32>} : memref<32x2048xf32, #tpu.memory_space<vmem>>, vector<1x16xf32>,
        %scan3A_786 = arith.constant 4 : i32
        %scan3A_787 = arith.addi %scan3A_694, %scan3A_786 : i32
        %mul3A_788 = arith.constant 16 : i32
        %mul3A_789 = arith.muli %scan3A_787, %mul3A_788 : i32
        %add3A_790 = vector.broadcast %mul3A_789 : i32 to vector<16xi32>
        %add3A_791 = arith.addi %iota3A, %add3A_790 : vector<16xi32>
        %ge3A_792 = arith.cmpi sge, %add3A_791, %broadcast_in_dim3A_669 : vector<16xi32>
        %le3A_793 = arith.cmpi sle, %add3A_791, %broadcast_in_dim3A_670 : vector<16xi32>
        %and3A_794 = arith.andi %ge3A_792, %le3A_793 : vector<16xi1>
        %select_n3A_795 = arith.select %and3A_794, %broadcast_in_dim3A_666, %broadcast_in_dim3A_668 : vector<16xi1>, vector<16xf32>
        %mul3A_796 = arith.constant 16 : i32
        %mul3A_797 = arith.muli %scan3A_787, %mul3A_796 : i32
        %get3A_798 = arith.index_cast %add3A_674 : i32 to index
        %get3A_799 = arith.index_cast %mul3A_797 : i32 to index
        %get3A_800 = tpu.vector_load %arg5[%get3A_798, %get3A_799] {strides = array<i32>} : memref<32x2048xf32, #tpu.memory_space<vmem>>, vector<1x16xf32>,
        %get3A_801 = vector.shape_cast %get3A_800 : vector<1x16xf32> to vector<16xf32>
        %mul3A_802 = arith.mulf %get3A_801, %select_n3A_795 : vector<16xf32>
        %mul3A_803 = arith.constant 16 : i32
        %mul3A_804 = arith.muli %scan3A_787, %mul3A_803 : i32
        %swap3A_805 = arith.index_cast %add3A_674 : i32 to index
        %swap3A_806 = arith.index_cast %mul3A_804 : i32 to index
        %swap3A_807 = tpu.vector_load %arg5[%swap3A_805, %swap3A_806] {strides = array<i32>} : memref<32x2048xf32, #tpu.memory_space<vmem>>, vector<1x16xf32>,
        %swap3A_808 = vector.shape_cast %swap3A_807 : vector<1x16xf32> to vector<16xf32>
        %swap3A_809 = vector.shape_cast %mul3A_802 : vector<16xf32> to vector<1x16xf32>
        tpu.vector_store %arg5[%swap3A_805, %swap3A_806], %swap3A_809 {strides = array<i32>} : memref<32x2048xf32, #tpu.memory_space<vmem>>, vector<1x16xf32>,
        %scan3A_810 = arith.constant 5 : i32
        %scan3A_811 = arith.addi %scan3A_694, %scan3A_810 : i32
        %mul3A_812 = arith.constant 16 : i32
        %mul3A_813 = arith.muli %scan3A_811, %mul3A_812 : i32
        %add3A_814 = vector.broadcast %mul3A_813 : i32 to vector<16xi32>
        %add3A_815 = arith.addi %iota3A, %add3A_814 : vector<16xi32>
        %ge3A_816 = arith.cmpi sge, %add3A_815, %broadcast_in_dim3A_669 : vector<16xi32>
        %le3A_817 = arith.cmpi sle, %add3A_815, %broadcast_in_dim3A_670 : vector<16xi32>
        %and3A_818 = arith.andi %ge3A_816, %le3A_817 : vector<16xi1>
        %select_n3A_819 = arith.select %and3A_818, %broadcast_in_dim3A_666, %broadcast_in_dim3A_668 : vector<16xi1>, vector<16xf32>
        %mul3A_820 = arith.constant 16 : i32
        %mul3A_821 = arith.muli %scan3A_811, %mul3A_820 : i32
        %get3A_822 = arith.index_cast %add3A_674 : i32 to index
        %get3A_823 = arith.index_cast %mul3A_821 : i32 to index
        %get3A_824 = tpu.vector_load %arg5[%get3A_822, %get3A_823] {strides = array<i32>} : memref<32x2048xf32, #tpu.memory_space<vmem>>, vector<1x16xf32>,
        %get3A_825 = vector.shape_cast %get3A_824 : vector<1x16xf32> to vector<16xf32>
        %mul3A_826 = arith.mulf %get3A_825, %select_n3A_819 : vector<16xf32>
        %mul3A_827 = arith.constant 16 : i32
        %mul3A_828 = arith.muli %scan3A_811, %mul3A_827 : i32
        %swap3A_829 = arith.index_cast %add3A_674 : i32 to index
        %swap3A_830 = arith.index_cast %mul3A_828 : i32 to index
        %swap3A_831 = tpu.vector_load %arg5[%swap3A_829, %swap3A_830] {strides = array<i32>} : memref<32x2048xf32, #tpu.memory_space<vmem>>, vector<1x16xf32>,
        %swap3A_832 = vector.shape_cast %swap3A_831 : vector<1x16xf32> to vector<16xf32>
        %swap3A_833 = vector.shape_cast %mul3A_826 : vector<16xf32> to vector<1x16xf32>
        tpu.vector_store %arg5[%swap3A_829, %swap3A_830], %swap3A_833 {strides = array<i32>} : memref<32x2048xf32, #tpu.memory_space<vmem>>, vector<1x16xf32>,
        %scan3A_834 = arith.constant 6 : i32
        %scan3A_835 = arith.addi %scan3A_694, %scan3A_834 : i32
        %mul3A_836 = arith.constant 16 : i32
        %mul3A_837 = arith.muli %scan3A_835, %mul3A_836 : i32
        %add3A_838 = vector.broadcast %mul3A_837 : i32 to vector<16xi32>
        %add3A_839 = arith.addi %iota3A, %add3A_838 : vector<16xi32>
        %ge3A_840 = arith.cmpi sge, %add3A_839, %broadcast_in_dim3A_669 : vector<16xi32>
        %le3A_841 = arith.cmpi sle, %add3A_839, %broadcast_in_dim3A_670 : vector<16xi32>
        %and3A_842 = arith.andi %ge3A_840, %le3A_841 : vector<16xi1>
        %select_n3A_843 = arith.select %and3A_842, %broadcast_in_dim3A_666, %broadcast_in_dim3A_668 : vector<16xi1>, vector<16xf32>
        %mul3A_844 = arith.constant 16 : i32
        %mul3A_845 = arith.muli %scan3A_835, %mul3A_844 : i32
        %get3A_846 = arith.index_cast %add3A_674 : i32 to index
        %get3A_847 = arith.index_cast %mul3A_845 : i32 to index
        %get3A_848 = tpu.vector_load %arg5[%get3A_846, %get3A_847] {strides = array<i32>} : memref<32x2048xf32, #tpu.memory_space<vmem>>, vector<1x16xf32>,
        %get3A_849 = vector.shape_cast %get3A_848 : vector<1x16xf32> to vector<16xf32>
        %mul3A_850 = arith.mulf %get3A_849, %select_n3A_843 : vector<16xf32>
        %mul3A_851 = arith.constant 16 : i32
        %mul3A_852 = arith.muli %scan3A_835, %mul3A_851 : i32
        %swap3A_853 = arith.index_cast %add3A_674 : i32 to index
        %swap3A_854 = arith.index_cast %mul3A_852 : i32 to index
        %swap3A_855 = tpu.vector_load %arg5[%swap3A_853, %swap3A_854] {strides = array<i32>} : memref<32x2048xf32, #tpu.memory_space<vmem>>, vector<1x16xf32>,
        %swap3A_856 = vector.shape_cast %swap3A_855 : vector<1x16xf32> to vector<16xf32>
        %swap3A_857 = vector.shape_cast %mul3A_850 : vector<16xf32> to vector<1x16xf32>
        tpu.vector_store %arg5[%swap3A_853, %swap3A_854], %swap3A_857 {strides = array<i32>} : memref<32x2048xf32, #tpu.memory_space<vmem>>, vector<1x16xf32>,
        %scan3A_858 = arith.constant 7 : i32
        %scan3A_859 = arith.addi %scan3A_694, %scan3A_858 : i32
        %mul3A_860 = arith.constant 16 : i32
        %mul3A_861 = arith.muli %scan3A_859, %mul3A_860 : i32
        %add3A_862 = vector.broadcast %mul3A_861 : i32 to vector<16xi32>
        %add3A_863 = arith.addi %iota3A, %add3A_862 : vector<16xi32>
        %ge3A_864 = arith.cmpi sge, %add3A_863, %broadcast_in_dim3A_669 : vector<16xi32>
        %le3A_865 = arith.cmpi sle, %add3A_863, %broadcast_in_dim3A_670 : vector<16xi32>
        %and3A_866 = arith.andi %ge3A_864, %le3A_865 : vector<16xi1>
        %select_n3A_867 = arith.select %and3A_866, %broadcast_in_dim3A_666, %broadcast_in_dim3A_668 : vector<16xi1>, vector<16xf32>
        %mul3A_868 = arith.constant 16 : i32
        %mul3A_869 = arith.muli %scan3A_859, %mul3A_868 : i32
        %get3A_870 = arith.index_cast %add3A_674 : i32 to index
        %get3A_871 = arith.index_cast %mul3A_869 : i32 to index
        %get3A_872 = tpu.vector_load %arg5[%get3A_870, %get3A_871] {strides = array<i32>} : memref<32x2048xf32, #tpu.memory_space<vmem>>, vector<1x16xf32>,
        %get3A_873 = vector.shape_cast %get3A_872 : vector<1x16xf32> to vector<16xf32>
        %mul3A_874 = arith.mulf %get3A_873, %select_n3A_867 : vector<16xf32>
        %mul3A_875 = arith.constant 16 : i32
        %mul3A_876 = arith.muli %scan3A_859, %mul3A_875 : i32
        %swap3A_877 = arith.index_cast %add3A_674 : i32 to index
        %swap3A_878 = arith.index_cast %mul3A_876 : i32 to index
        %swap3A_879 = tpu.vector_load %arg5[%swap3A_877, %swap3A_878] {strides = array<i32>} : memref<32x2048xf32, #tpu.memory_space<vmem>>, vector<1x16xf32>,
        %swap3A_880 = vector.shape_cast %swap3A_879 : vector<1x16xf32> to vector<16xf32>
        %swap3A_881 = vector.shape_cast %mul3A_874 : vector<16xf32> to vector<1x16xf32>
        tpu.vector_store %arg5[%swap3A_877, %swap3A_878], %swap3A_881 {strides = array<i32>} : memref<32x2048xf32, #tpu.memory_space<vmem>>, vector<1x16xf32>,
      }
      %scan3A_680 = arith.constant 128 : i32
      %mul3A_681 = arith.constant 16 : i32
      %mul3A_682 = arith.muli %rem3A_58, %mul3A_681 : i32
      %mul3A_683 = arith.constant 16 : i32
      %mul3A_684 = arith.muli %scan3A_56, %mul3A_683 : i32
      %add3A_685 = arith.addi %mul3A_11, %mul3A_684 : i32
      %dma_start3A_686 = arith.constant 0 : i32
      %dma_start3A_687 = tpu.memref_slice %arg5[%mul3A_682, %dma_start3A_686] : memref<32x2048xf32, #tpu.memory_space<vmem>> -> memref<16x2048xf32, #tpu.memory_space<vmem>>
      %dma_start3A_688 = arith.constant 0 : i32
      %dma_start3A_689 = tpu.memref_slice %arg4[%add3A_685, %dma_start3A_688] : memref<24576x2048xf32, #tpu.memory_space<hbm>> -> memref<16x2048xf32, #tpu.memory_space<hbm>>
      %dma_start3A_690 = arith.constant 0 : i32
      %dma_start3A_691 = tpu.memref_slice %arg4[%add3A_685, %dma_start3A_690] : memref<24576x2048xf32, #tpu.memory_space<hbm>> -> memref<16x2048xf32, #tpu.memory_space<hbm>>
      %dma_start3A_692 = arith.constant 0 : i32
      %dma_start3A_693 = tpu.memref_slice %arg5[%mul3A_682, %dma_start3A_692] : memref<32x2048xf32, #tpu.memory_space<vmem>> -> memref<16x2048xf32, #tpu.memory_space<vmem>>
      tpu.enqueue_dma source(%dma_start3A_693 : memref<16x2048xf32, #tpu.memory_space<vmem>>) target(%dma_start3A_691 : memref<16x2048xf32, #tpu.memory_space<hbm>>) target_semaphore(%arg8 : memref<!tpu.dma_semaphore, #tpu.memory_space<semaphore_mem>>)
    }
    %scan3A_27 = arith.constant 48 : i32
    %rem3A = arith.constant 46 : i32
    %rem3A_28 = arith.constant 2 : i32
    %rem3A_29 = arith.remsi %rem3A, %rem3A_28 : i32
    %mul3A_30 = arith.constant 16 : i32
    %mul3A_31 = arith.muli %rem3A_29, %mul3A_30 : i32
    %add3A_32 = arith.constant 736 : i32
    %add3A_33 = arith.addi %mul3A_11, %add3A_32 : i32
    %dma_wait3A = arith.constant 0 : i32
    %dma_wait3A_34 = tpu.memref_slice %arg5[%mul3A_31, %dma_wait3A] : memref<32x2048xf32, #tpu.memory_space<vmem>> -> memref<16x2048xf32, #tpu.memory_space<vmem>>
    %dma_wait3A_35 = arith.constant 0 : i32
    %dma_wait3A_36 = tpu.memref_slice %arg4[%add3A_33, %dma_wait3A_35] : memref<24576x2048xf32, #tpu.memory_space<hbm>> -> memref<16x2048xf32, #tpu.memory_space<hbm>>
    %dma_wait3A_37 = arith.constant 0 : i32
    %dma_wait3A_38 = tpu.memref_slice %arg4[%add3A_33, %dma_wait3A_37] : memref<24576x2048xf32, #tpu.memory_space<hbm>> -> memref<16x2048xf32, #tpu.memory_space<hbm>>
    %dma_wait3A_39 = arith.constant 0 : i32
    %dma_wait3A_40 = tpu.memref_slice %arg5[%mul3A_31, %dma_wait3A_39] : memref<32x2048xf32, #tpu.memory_space<vmem>> -> memref<16x2048xf32, #tpu.memory_space<vmem>>
    tpu.wait_dma2 semaphore(%arg8 : memref<!tpu.dma_semaphore, #tpu.memory_space<semaphore_mem>>) src(%dma_wait3A_40 : memref<16x2048xf32, #tpu.memory_space<vmem>>) dst(%dma_wait3A_38 : memref<16x2048xf32, #tpu.memory_space<hbm>>)
    %rem3A_41 = arith.constant 47 : i32
    %rem3A_42 = arith.constant 2 : i32
    %rem3A_43 = arith.remsi %rem3A_41, %rem3A_42 : i32
    %mul3A_44 = arith.constant 16 : i32
    %mul3A_45 = arith.muli %rem3A_43, %mul3A_44 : i32
    %add3A_46 = arith.constant 752 : i32
    %add3A_47 = arith.addi %mul3A_11, %add3A_46 : i32
    %dma_wait3A_48 = arith.constant 0 : i32
    %dma_wait3A_49 = tpu.memref_slice %arg5[%mul3A_45, %dma_wait3A_48] : memref<32x2048xf32, #tpu.memory_space<vmem>> -> memref<16x2048xf32, #tpu.memory_space<vmem>>
    %dma_wait3A_50 = arith.constant 0 : i32
    %dma_wait3A_51 = tpu.memref_slice %arg4[%add3A_47, %dma_wait3A_50] : memref<24576x2048xf32, #tpu.memory_space<hbm>> -> memref<16x2048xf32, #tpu.memory_space<hbm>>
    %dma_wait3A_52 = arith.constant 0 : i32
    %dma_wait3A_53 = tpu.memref_slice %arg4[%add3A_47, %dma_wait3A_52] : memref<24576x2048xf32, #tpu.memory_space<hbm>> -> memref<16x2048xf32, #tpu.memory_space<hbm>>
    %dma_wait3A_54 = arith.constant 0 : i32
    %dma_wait3A_55 = tpu.memref_slice %arg5[%mul3A_45, %dma_wait3A_54] : memref<32x2048xf32, #tpu.memory_space<vmem>> -> memref<16x2048xf32, #tpu.memory_space<vmem>>
    tpu.wait_dma2 semaphore(%arg8 : memref<!tpu.dma_semaphore, #tpu.memory_space<semaphore_mem>>) src(%dma_wait3A_55 : memref<16x2048xf32, #tpu.memory_space<vmem>>) dst(%dma_wait3A_53 : memref<16x2048xf32, #tpu.memory_space<hbm>>)
    return
  }
}

</mosaic_0001>

<sc_bundles>
// kernel: kernel.3.cloned.1.call-start
scs
__scs_entry_jumppad:
0x0: {  	(pc) =	sbr.rel $0x88, $3  }
0x1: {  	(tag) =	ssettag $0x0;
	lr =	simm.s32 $0x1  }
0x2: {  	[smem:$0x3F9F] =	sst lr;
	_ =	strace $0xD0000000  }
0x3: {  	_ = 	snop  }
0x4: {  	_ = 	snop  }
0x5: {  	_ = 	snop  }
0x6: {  	_ = 	snop  }
0x7: {  	_ = 	snop  }
__scs_overlays_trampoline_lowered:
0x8: {  	[smem:$0x3FAE] =	sst s0  }
0x9: {  	[smem:$0x3FAF] =	sst s1  }
0xa: {  	[smem:$0x3FB0] =	sst s2  }
0xb: {  	[smem:$0x3FB1] =	sst s3  }
0xc: {  	[smem:$0x3FB2] =	sst s4  }
0xd: {  	[smem:$0x3FB3] =	sst s5  }
0xe: {  	[smem:$0x3FB4] =	sst s6  }
0xf: {  	[smem:$0x3FB5] =	sst s7  }
0x10: {  	[smem:$0x3FB6] =	sst s8  }
0x11: {  	[smem:$0x3FB7] =	sst s9;
	s0 =	simm.s32 @!p0 $0x0  }
0x12: {  	s1 =	sld [smem:$0x3F9D];
	s0 =	simm.s32 @p0 $0x1  }
0x13: {  	[smem:$0x3FB8] =	sst s0;
	s0 =	simm.s32 @!p1 $0x0  }
0x14: {  	s2 =	sld [smem:$0x3F9C];
	s0 =	simm.s32 @p1 $0x1  }
0x15: {  	[smem:$0x3FB9] =	sst s0;
	s0 =	simm.s32 @!p2 $0x0  }
0x16: {  	s3 =	sld [smem:$0x3FDB];
	s0 =	simm.s32 @p2 $0x1  }
0x17: {  	s4 =	simm.s32 $0x1BF5;
	[smem:$0x3FBB] =	sst s0  }
0x18: {  	s0 =	sld [smem:$0x3F9E];
	_ =	swait.ge [sflag:s4], $0x0  }
0x19: {  	s7 =	sld [smem:$0x3F9F]  }
0x1a: {  	s8 =	sadd.s32 $0xFFFFE003, lr  }
0x1b: {  	s9 =	sadd.s32 $0xFFFFFEF7, lr;
	s5 =	simm.s32 $0xFFFFFFFF;
	p2 =	slt.u32 s8, $0xFFFFF086  }
0x1c: {  	p1 =	slt.u32 s9, $0xF7A;
	s5 =	simm.s32 @!p2 $0x0  }
0x1d: {  	s5 =	simm.s32 @p1 $0x1;
	p0 =	seq.s32 s7, s2  }
0x1e: {  	s7 =	smul.u32 @!p0 $0xF7A, s2;
	p2 =	seq.s32 @!p0 s5, $0x0  }
0x1f: {  	s9 =	smul.u32 $0xF7A, s1;
	s8 =	simm.s32 @!p0 $0x1BF5;
	p2 =	por !p2, p0  }
0x20: {  	[sflag:s8] =	ssyncset.s32 @!p0 $0xFFFFF086;
	s6 =	sadd.s32 @!p0 s3, s7;
	s7 =	simm.s32 @!p0 $0x108  }
0x21: {  	s3 =	sadd.s32 s3, s9;
	s6 =	sadd.s32 @!p0 $0x88, s6;
	s7 =	simm.s32 @p2 $0x1082  }
0x22: {  	[simem:s7], [sflag:s8] =	dma.local @!p0 [hbm:s6], $0xF7A  }
0x23: {  	s9 =	sor.u32 $0xD0000000, s2;
	s6 =	simm.s32 $0x108;
	_ =	swait.ge @!p0 [sflag:s8], $0x0  }
0x24: {  	s3 =	sadd.s32 $0x88, s3;
	s6 =	simm.s32 @!p1 $0x1082;
	[sflag:s4] =	ssyncset.s32 $0xFFFFF086  }
0x25: {  	[simem:s6], [sflag:s4] =	dma.local [hbm:s3], $0xF7A  }
0x26: {  	[smem:$0x3F9F] =	sst s1;
	(tag) =	ssettag s2;
	_ =	strace s9  }
0x27: {  	s1 =	sld [smem:$0x3FAF]  }
0x28: {  	s2 =	sld [smem:$0x3FB0]  }
0x29: {  	s4 =	sld [smem:$0x3FB2]  }
0x2a: {  	p0 =	seq.s32 s5, $0x0;
	s5 =	sld [smem:$0x3FB3]  }
0x2b: {  	s6 =	sld [smem:$0x3FB4]  }
0x2c: {  	s7 =	sld [smem:$0x3FB5]  }
0x2d: {  	s3 =	simm.s32 $0x108;
	s8 =	sld [smem:$0x3FB6]  }
0x2e: {  	s3 =	simm.s32 @!p0 $0x1082;
	s9 =	sld [smem:$0x3FB7]  }
0x2f: {  	lr =	sadd.s32 s0, s3;
	s0 =	sld [smem:$0x3FAE]  }
0x30: {  	s3 =	sld [smem:$0x3FB1]  }
0x31: {  	[smem:$0x3FBA] =	sst s10  }
0x32: {  	s10 =	sld [smem:$0x3FB8];
	_ =	sdelay $0x3  }
0x33: {  	p0 =	seq.s32 s10, $0x1;
	s10 =	sld [smem:$0x3FBA];
	_ =	sdelay $0x3  }
0x34: {  	[smem:$0x3FBA] =	sst s10  }
0x35: {  	s10 =	sld [smem:$0x3FB9];
	_ =	sdelay $0x3  }
0x36: {  	p1 =	seq.s32 s10, $0x1;
	s10 =	sld [smem:$0x3FBA];
	_ =	sdelay $0x3  }
0x37: {  	[smem:$0x3FBA] =	sst s10  }
0x38: {  	s10 =	sld [smem:$0x3FBB]  }
0x39: {  	_ = 	snop;
	(pc) =	sbr.ind lr, $3  }
0x3a: {  	_ = 	snop  }
0x3b: {  	_ = 	snop  }
0x3c: {  	p2 =	seq.s32 s10, $0x1;
	s10 =	sld [smem:$0x3FBA]  }
0x3d: {  	_ =	shalt  }
0x3e: {  	_ =	shalt  }
0x3f: {  	_ =	shalt  }
0x40: {  	_ =	shalt  }
0x41: {  	_ =	shalt  }
0x42: {  	_ =	shalt  }
0x43: {  	_ =	shalt  }
0x44: {  	_ =	shalt  }
0x45: {  	_ =	shalt  }
0x46: {  	_ =	shalt  }
0x47: {  	_ =	shalt  }
0x48: {  	_ =	shalt  }
0x49: {  	_ =	shalt  }
0x4a: {  	_ =	shalt  }
0x4b: {  	_ =	shalt  }
0x4c: {  	_ =	shalt  }
0x4d: {  	_ =	shalt  }
0x4e: {  	_ =	shalt  }
0x4f: {  	_ =	shalt  }
0x50: {  	_ =	shalt  }
0x51: {  	_ =	shalt  }
0x52: {  	_ =	shalt  }
0x53: {  	_ =	shalt  }
0x54: {  	_ =	shalt  }
0x55: {  	_ =	shalt  }
0x56: {  	_ =	shalt  }
0x57: {  	_ =	shalt  }
0x58: {  	_ =	shalt  }
0x59: {  	_ =	shalt  }
0x5a: {  	_ =	shalt  }
0x5b: {  	_ =	shalt  }
0x5c: {  	_ =	shalt  }
0x5d: {  	_ =	shalt  }
0x5e: {  	_ =	shalt  }
0x5f: {  	_ =	shalt  }
0x60: {  	_ =	shalt  }
0x61: {  	_ =	shalt  }
0x62: {  	_ =	shalt  }
0x63: {  	_ =	shalt  }
0x64: {  	_ =	shalt  }
0x65: {  	_ =	shalt  }
0x66: {  	_ =	shalt  }
0x67: {  	_ =	shalt  }
0x68: {  	_ =	shalt  }
0x69: {  	_ =	shalt  }
0x6a: {  	_ =	shalt  }
0x6b: {  	_ =	shalt  }
0x6c: {  	_ =	shalt  }
0x6d: {  	_ =	shalt  }
0x6e: {  	_ =	shalt  }
0x6f: {  	_ =	shalt  }
0x70: {  	_ =	shalt  }
0x71: {  	_ =	shalt  }
0x72: {  	_ =	shalt  }
0x73: {  	_ =	shalt  }
0x74: {  	_ =	shalt  }
0x75: {  	_ =	shalt  }
0x76: {  	_ =	shalt  }
0x77: {  	_ =	shalt  }
0x78: {  	_ =	shalt  }
0x79: {  	_ =	shalt  }
0x7a: {  	_ =	shalt  }
0x7b: {  	_ =	shalt  }
0x7c: {  	_ =	shalt  }
0x7d: {  	_ =	shalt  }
0x7e: {  	_ =	shalt  }
0x7f: {  	_ =	shalt  }
0x80: {  	_ =	shalt  }
0x81: {  	_ =	shalt  }
0x82: {  	_ =	shalt  }
0x83: {  	_ =	shalt  }
0x84: {  	_ =	shalt  }
0x85: {  	_ =	shalt  }
0x86: {  	_ =	shalt  }
0x87: {  	_ =	shalt  }
.Lfunc_end0:
.L_simem_size_0:
called_computation_lowered:
.L_overlay_start_0:
0x88: {  	s2 =	sld [smem:$0x3FD9]  }
0x89: {  	s3 =	sld [smem:$0x3FFE];
	_ =	sdelay $0x1  }
0x8a: {  	s1 =	srdreg.scid  }
0x8b: {  	s0 =	sand.u32 $0x1, s1  }
0x8c: {  	s17 =	sshll.u32 s0, $0xA;
	s2 =	sadd.s32 s3, s2  }
0x8d: {  	s2 =	sadd.s32 s2, s17  }
0x8e: {  	[smem:$0x3FC6] =	sst s2  }
0x8f: {  	_ = 	snop  }
0x90: {  	s2 =	sld [smem:$0x3FC9]  }
0x91: {  	s18 =	sld [smem:$0x3FD0];
	(tm) =	ssettm $0x1  }
0x92: {  	s4 =	sld [smem:$0x3FFB];
	_ =	sdelay $0x3  }
0x93: {  	_ =	strace s4  }
0x94: {  	s4 =	sld [smem:$0x3FFC];
	_ =	sdelay $0x3  }
0x95: {  	_ =	strace s4  }
0x96: {  	s4 =	sld [smem:$0x3FFD];
	_ =	sdelay $0x3  }
0x97: {  	_ =	strace s4  }
0x98: {  	_ =	strace $0x8FFFFFFF  }
0x99: {  	s19 =	sld [smem:$0x3FDB];
	_ =	sdelay $0x1  }
0x9a: {  	s5 =	simm.s32 $_scs_section_size  }
0x9b: {  	s6 =	simm.s32 $_size__tile_overlayer_lowered;
	s7 =	simm.s32 $_tile_overlayer_lowered  }
0x9c: {  	s22 =	simm.s32 $0x1BFF;
	s21 =	sshll.u32 s7, $0x1;
	s4 =	sadd.s32 s5, s19  }
0x9d: {  	s8 =	simm.s32 $0x0;
	s20 =	sshll.u32 s6, $0x1;
	s6 =	sadd.s32 s21, s4  }
0x9e: {  	[timem:s8], [sflag:s22] =	dma.local [hbm:s6], s20  }
0x9f: {  	_ =	swait.ge [sflag:s22], s20  }
0xa0: {  	s5 =	ssub.s32 $0x0, s20;
	[sflag:s22] =	ssyncset.done $0x0  }
0xa1: {  	[sflag:s22] =	ssyncadd.s32 s5;
	_ =	sdelay $0x1  }
0xa2: {  	s23 =	simm.s32 $0x1B8B  }
0xa3: {  	_ =	swait.ge [sflag:s23], $0x1  }
0xa4: {  	[sflag:s23] =	ssyncset.done $0x0  }
0xa5: {  	s25 =	simm.s32 $0x1B8E;
	s24 =	sld [smem:$0x3FFE];
	[sflag:s23] =	ssyncadd.s32 $0xFFFFFFFF  }
0xa6: {  	s26 =	simm.s32 $execute0_lowered;
	[smem:$0x3FD2] =	sst s25  }
0xa7: {  	s6 =	sshll.u32 s26, $0x1;
	_ =	strace $0x80000046;
	[dreg:$0x1] =	wrdreg $0xFFFFFFFF  }
0xa8: {  	s28 =	simm.s32 $_size_execute0_lowered;
	s4 =	sadd.s32 s4, s6;
	[dreg:$0x0] =	wrdreg $0x0  }
0xa9: {  	s6 =	sshll.u32 s28, $0x1;
	[dreg:$0x2] =	wrdreg s4  }
0xaa: {  	[dreg:$0x3] =	wrdreg s6  }
0xab: {  	[dreg:$0x4] =	wrdreg $0xC0  }
0xac: {  	_ =	task [dreg:s8], $0x5FFFF  }
0xad: {  	[dreg:$0x1] =	wrdreg $0xFFFFFFFF  }
0xae: {  	[dreg:$0x0] =	wrdreg $0x60  }
0xaf: {  	[dreg:$0x2] =	wrdreg s2  }
0xb0: {  	[dreg:$0x3] =	wrdreg s24  }
0xb1: {  	[dreg:$0x4] =	wrdreg s18  }
0xb2: {  	[dreg:$0x5] =	wrdreg $0x9  }
0xb3: {  	_ =	task.clear_ibuf [dreg:s8], $0x6FFFF;
	_ =	strace $0x90000046  }
0xb4: {  	s29 =	simm.s32 $0x9;
	_ =	strace $0x80000048  }
0xb5: {  	_ =	swait.ge [sflag:s29], $0x1  }
0xb6: {  	[sflag:s29] =	ssyncadd.s32 $0xFFFFFFFF  }
0xb7: {  	_ =	strace $0x90000048  }
0xb8: {  	_ =	sfence  }
0xb9: {  	s30 =	sld [smem:$0x0];
	_ =	sdelay $0x2  }
0xba: {  	s31 =	sshll.u32 s1, $0xD;
	s1 =	sshrl.u32 s1, $0x2  }
0xbb: {  	s3 =	sand.u32 $0x4000, s31;
	s1 =	sadd.s32 s1, s30  }
0xbc: {  	s0 =	sor.u32 s3, s0;
	s1 =	sshll.u32 s1, $0x11  }
0xbd: {  	s0 =	sor.u32 s1, s0  }
0xbe: {  	s0 =	sadd.s32 $0x8F2B, s0  }
0xbf: {  	[sflag:s0] =	ssyncadd.remote.s32 $0x1  }
0xc0: {  	_ =	sfence.sel $0xFFFF  }
0xc1: {  	[dreg:$0x0] =	wrdreg $0xFFFFFFFF;
	(pc) =	sbr.abs _section_cstart, $3  }
0xc2: {  	[dreg:$0x1] =	wrdreg $0xFFFFFFFF  }
0xc3: {  	_ =	task.clear_ibuf [dreg:s8], $0x2FFFF;
	_ =	strace $0x9FFFFFFF  }
0xc4: {  	(tm) =	ssettm $0x7FFFFFFF  }
0xc5: {  	_ =	shalt  }
tec
execute0_lowered:
.L_overlay_start_1:
0x0: {  	(tag) =	ssettag $0x1  }
0x1: {  	s1 =	srdreg.scid;
	s2 =	stileid.u32  }
0x2: {  	s3 =	rddreg [dreg:$0x0];
	s1 =	sand.u32 $0x1, s1;
	s2 =	sshll.u32 s2, $0x1  }
0x3: {  	s0 =	rddreg [dreg:$0x1];
	s4 =	simm.s32 $0x0;
	s2 =	sor.u32 s1, s2  }
0x4: {  	[smem:$0x7FF] =	sst s4;
	s5 =	smul.u32 $0x30000, s2  }
0x5: {  	s0 =	sadd.s32 $0x400, s0;
	s1 =	ssub.s32 $0x2, s1;
	s31 =	smul.u32 $0x180000, s2  }
0x6: {  	_ =	strace $0x80000047;
	[dreg:$0x4] =	wrdreg s0;
	s29 =	sshrl.u32 s1, $0x1  }
0x7: {  	s0 =	ssub.s32 s1, s29;
	s30 =	sadd.s32 s3, s5;
	[dreg:$0x6] =	wrdreg s31  }
0x8: {  	s12 =	simm.s32 $0x1;
	s0 =	smax.u32 s0, $0x1;
	[dreg:$0x5] =	wrdreg s30  }
0x9: {  	v0 =	vlaneseq.u32;
	s6 =	smul.u32 $0x300, s2;
	s2 =	simm.s32 $0x0;
	[dreg:$0x7] =	wrdreg s0  }
.LBB2_1:
0xa: {  	[dreg:$0x8] =	wrdreg s2  }
0xb: {  	s0 =	rddreg [dreg:$0x4];
	s1 =	simm.s32 $0x10000;
	s29 =	simm.s32 $0x3  }
0xc: {  	[tilespmem:s1], [sflag:$0x3] =	stream.linear.gather [hbm4b:s0+s4], $0x80, $0x38;
	[tilespmem:$0x10080] =	vst v63  }
0xd: {  	_ =	swait.ge [sflag:s29], $0x80  }
0xe: {  	[sflag:s29] =	ssyncset.done $0x0  }
0xf: {  	[sflag:s29] =	ssyncadd.s32 $0xFFFFFF80  }
0x10: {  	v1 =	vld [tilespmem:$0x10000];
	_ =	sdelay $0x4  }
0x11: {  	(v2sf) =	vpush v1, $0x0;
	_ =	sdelay $0xe  }
0x12: {  	s30 =	spop (v2sf)  }
0x13: {  	s0 =	smul.f32 $2.048000000e+03, s30;
	_ =	sdelay $0x1  }
0x14: {  	s0 =	sadd.f32 $-1.023000000e+03, s0;
	_ =	sdelay $0x1  }
0x15: {  	s31 =	rddreg [dreg:$0x5];
	s0 =	smul.f32 $3.125000000e-02, s0  }
0x16: {  	[tilespmem:s4], [sflag:$0x1] =	stream.linear.gather [hbm4b:s31+s4], $0x8000, $0x38;
	[tilespmem:$0x10080] =	vst v63  }
0x17: {  	p0 =	por $0x0, $0x0;
	s15 =	sadd.f32 $1.000000000e+00, s0;
	s0 =	simm.s32 $0x0  }
.LBB2_2:
0x18: {  	p1 =	seq.s32 s0, $0x0  }
.Ltmp0:
0x19: {  	_ = 	snop;
	(pc) =	sbr.rel @p1 .LBB2_5-.Ltmp0, $4  }
0x1a: {  	_ = 	snop  }
0x1b: {  	_ =	swait.ge [sflag:s12], $0x8000  }
0x1c: {  	s1 =	sshll.u32 s0, $0xF;
	[sflag:s12] =	ssyncset.done $0x0  }
0x1d: {  	s16 =	sadd.s32 $0x1, s0;
	s17 =	sand.u32 $0x8000, s1;
	[sflag:s12] =	ssyncadd.s32 $0xFFFF8000  }
0x1e: {  	p1 =	seq.s32 s0, $0x2F  }
.Ltmp1:
0x1f: {  	_ = 	snop;
	(pc) =	sbr.rel @p1 .LBB2_6-.Ltmp1, $1  }
0x20: {  	_ =	sdelay $0x3  }
0x21: {  	s1 =	simm.s32 $0x2  }
0x22: {  	_ =	swait.ge [sflag:s1], $0x8000  }
0x23: {  	[sflag:s1] =	ssyncset.done $0x0  }
0x24: {  	[sflag:s1] =	ssyncadd.s32 $0xFFFF8000  }
.LBB2_5:
0x25: {  	s1 =	sshll.u32 s16, $0xF;
	s2 =	rddreg [dreg:$0x6]  }
0x26: {  	s1 =	sadd.s32 s2, s1  }
0x27: {  	s3 =	rddreg [dreg:$0x0];
	s1 =	sshrl.u32 s1, $0x3  }
0x28: {  	s31 =	ssub.s32 $0x8000, s17;
	s1 =	sadd.s32 s3, s1  }
0x29: {  	[tilespmem:s31], [sflag:$0x1] =	stream.linear.gather [hbm4b:s1+s4], $0x8000, $0x38;
	[tilespmem:$0x10080] =	vst v63  }
.LBB2_6:
0x2a: {  	s0 =	sshll.u32 s0, $0x4  }
0x2b: {  	s20 =	simm.s32 $0x1;
	s2 =	simm.s32 $0x1;
	s7 =	simm.s32 $0x0  }
0x2c: {  	s3 =	simm.s32 $0x20;
	s8 =	simm.s32 $0x50;
	s18 =	sadd.s32 s6, s0  }
0x2d: {  	s10 =	simm.s32 $0x60;
	s11 =	simm.s32 $0x70;
	s21 =	sand.u32 $0x7F0, s18  }
0x2e: {  	s23 =	simm.s32 $0xC0;
	s26 =	sxor.u32 $0x7FF, s21;
	p1 =	sgt.u32 s21, $0x3FF  }
0x2f: {  	s25 =	simm.s32 $0xE0;
	v4 =	vor.u32 s7, v0;
	v6 =	vor.u32 s3, v0;
	s0 =	smin.u32 s21, s26;
	s20 =	simm.s32 @!p1 $0x0  }
0x30: {  	s2 =	simm.s32 @!p0 $0x0;
	v8 =	vor.u32 s8, v0;
	v9 =	vor.u32 s10, v0;
	v10 =	vor.u32 s11, v0;
	s1 =	scvt.s32.f32 s0;
	s5 =	sadd.s32 s20, s0  }
0x31: {  	v60 =	vor.u32 s23, v0;
	v61 =	vor.u32 s25, v0;
	s7 =	sshll.u32 s2, $0xF;
	s2 =	simm.s32 $0x10;
	s0 =	sxor.u32 $0x7FF, s0;
	v2 =	vmov s5  }
0x32: {  	v5 =	vor.u32 s2, v0;
	v3 =	vmov s0;
	s5 =	simm.s32 $0x40;
	s1 =	smul.f32 $3.125000000e-02, s1;
	vm0 =	vge.u32 v4, v2  }
0x33: {  	vm1 =	vle.u32 v4, v3;
	v7 =	vor.u32 s5, v0;
	vm2 =	vle.u32 v5, v3  }
0x34: {  	vm3 =	vge.u32 v6, v2;
	vm4 =	vle.u32 v6, v3;
	vm7 =	vge.u32 v8, v2;
	s1 =	sadd.f32 s1, s15  }
0x35: {  	s9 =	sor.u32 $0x40, s7;
	vm8 =	vle.u32 v8, v3;
	vm9 =	vge.u32 v9, v2;
	vm10 =	vle.u32 v9, v3  }
0x36: {  	v11 =	vld [tilespmem:s9+$0xFFFFFFC0];
	vm11 =	vge.u32 v10, v2;
	vm13 =	vge.u32 v61, v2;
	vm14 =	vle.u32 v61, v3;
	s1 =	smax.f32 s1, $0.0e+00  }
0x37: {  	vm0 =	vmand vm0, vm1;
	vm1 =	vge.u32 v5, v2;
	v5 =	vld [tilespmem:s9+$0xFFFFFFD0];
	vm5 =	vge.u32 v7, v2;
	s1 =	smin.f32 s1, $1.000000000e+00  }
0x38: {  	v8 =	vld [tilespmem:s9+$0x10];
	vm6 =	vle.u32 v7, v3;
	vm1 =	vmand vm1, vm2;
	v1 =	vmov s1;
	s1 =	simm.s32 $0x30  }
0x39: {  	v6 =	vld [tilespmem:s9+$0xFFFFFFE0];
	vm2 =	vmand vm7, vm8;
	vm7 =	vle.u32 v60, v3;
	v4 =	vor.u32 s1, v0  }
0x3a: {  	v7 =	vld [tilespmem:s9+$0x0];
	v9 =	vnsel vm0, $0x3F800000, v1;
	vm0 =	vle.u32 v10, v3;
	v10 =	vnsel vm1, $0x3F800000, v1  }
0x3b: {  	vm1 =	vmand vm3, vm4;
	v13 =	vnsel vm2, $0x3F800000, v1;
	v9 =	vmul.f32 v11, v9  }
0x3c: {  	v5 =	vmul.f32 v5, v10;
	v10 =	vnsel vm1, $0x3F800000, v1;
	vm1 =	vmand vm5, vm6  }
0x3d: {  	v11 =	vld [tilespmem:s9+$0x20];
	v8 =	vmul.f32 v8, v13;
	vm0 =	vmand vm11, vm0;
	vm6 =	vge.u32 v60, v2  }
0x3e: {  	s19 =	simm.s32 $0x90;
	v12 =	vld [tilespmem:s9+$0x30];
	v6 =	vmul.f32 v6, v10;
	v10 =	vnsel vm1, $0x3F800000, v1;
	vm1 =	vmand vm9, vm10;
	[tilespmem:s9+$0xFFFFFFC0] =	vst v9  }
0x3f: {  	s22 =	simm.s32 $0xA0;
	v7 =	vmul.f32 v7, v10;
	v10 =	vnsel vm1, $0x3F800000, v1;
	[tilespmem:s9+$0xFFFFFFD0] =	vst v5;
	v5 =	vor.u32 s19, v0  }
0x40: {  	s24 =	simm.s32 $0xD0;
	s26 =	simm.s32 $0xF0;
	vm1 =	vge.u32 v4, v2;
	[tilespmem:s9+$0xFFFFFFE0] =	vst v6;
	v6 =	vor.u32 s22, v0;
	vm3 =	vge.u32 v5, v2  }
0x41: {  	s11 =	sadd.s32 $0x400, s9;
	vm15 =	vle.u32 v5, v3;
	v5 =	vor.u32 s26, v0;
	[tilespmem:s9+$0x0] =	vst v7;
	v7 =	vor.u32 s24, v0  }
0x42: {  	s13 =	simm.s32 $0x80;
	v14 =	vld [tilespmem:s11+$0xFFFFFFC0];
	vm5 =	vle.u32 v6, v3;
	v9 =	vmul.f32 v11, v10;
	v10 =	vnsel vm0, $0x3F800000, v1  }
0x43: {  	[tilespmem:s9+$0x10] =	vst v8;
	vm0 =	vle.u32 v4, v3;
	v4 =	vld [tilespmem:s9+$0xFFFFFFF0];
	v11 =	vor.u32 s13, v0;
	v10 =	vmul.f32 v12, v10  }
0x44: {  	v8 =	vld [tilespmem:s11+$0xFFFFFFD0];
	vm0 =	vmand vm1, vm0;
	vm1 =	vge.u32 v11, v2;
	vm2 =	vle.u32 v11, v3;
	[tilespmem:s9+$0x20] =	vst v9  }
0x45: {  	vm3 =	vmand vm3, vm15;
	vm1 =	vmand vm1, vm2;
	vm2 =	vge.u32 v6, v2;
	v6 =	vld [tilespmem:s11+$0xFFFFFFE0];
	[tilespmem:s9+$0x30] =	vst v10  }
0x46: {  	s14 =	simm.s32 $0xB0;
	vm15 =	vle.u32 v5, v3;
	vm8 =	vge.u32 v7, v2;
	vm12 =	vle.u32 v7, v3;
	v7 =	vld [tilespmem:s11+$0x0]  }
0x47: {  	v11 =	vor.u32 s14, v0;
	v9 =	vnsel vm1, $0x3F800000, v1;
	vm1 =	vge.u32 v5, v2;
	v10 =	vld [tilespmem:s11+$0x10]  }
0x48: {  	v5 =	vnsel vm3, $0x3F800000, v1;
	vm2 =	vmand vm2, vm5;
	v9 =	vmul.f32 v14, v9;
	v62 =	vld [tilespmem:s11+$0x20]  }
0x49: {  	s23 =	sor.u32 $0x42F0, s7;
	s25 =	sor.u32 $0x41F0, s7;
	v63 =	vld [tilespmem:s11+$0x30];
	v8 =	vmul.f32 v8, v5;
	v5 =	vnsel vm2, $0x3F800000, v1;
	vm2 =	vmand vm6, vm7  }
0x4a: {  	s28 =	sor.u32 $0x40F0, s7;
	s29 =	sor.u32 $0x4070, s7;
	s30 =	sor.u32 $0x3F0, s7;
	[tilespmem:s11+$0xFFFFFFC0] =	vst v9;
	v9 =	vnsel vm2, $0x3F800000, v1;
	vm2 =	vmand vm8, vm12;
	v6 =	vmul.f32 v6, v5;
	v5 =	vld [tilespmem:s11+$0xFFFFFFF0]  }
0x4b: {  	s31 =	sor.u32 $0x370, s7;
	s2 =	sor.u32 $0x270, s7;
	s10 =	sor.u32 $0x1F0, s7;
	[tilespmem:s11+$0xFFFFFFD0] =	vst v8;
	v8 =	vnsel vm2, $0x3F800000, v1;
	vm2 =	vmand vm13, vm14;
	v7 =	vmul.f32 v7, v9  }
0x4c: {  	s0 =	sor.u32 $0x2F0, s7;
	s5 =	sor.u32 $0x170, s7;
	s1 =	simm.s32 $0x100;
	[tilespmem:s11+$0xFFFFFFE0] =	vst v6;
	v6 =	vmul.f32 v10, v8;
	v8 =	vnsel vm2, $0x3F800000, v1;
	vm2 =	vmand vm1, vm15  }
0x4d: {  	s19 =	sor.u32 $0x43F0, s7;
	s22 =	sor.u32 $0x4370, s7;
	s26 =	sor.u32 $0x4170, s7;
	vm1 =	vge.u32 v11, v2;
	[tilespmem:s11+$0x0] =	vst v7;
	v7 =	vmul.f32 v62, v8;
	v8 =	vnsel vm2, $0x3F800000, v1  }
0x4e: {  	s24 =	sor.u32 $0x4270, s7;
	s7 =	sor.u32 $0xF0, s7;
	s14 =	simm.s32 $0x8;
	vm2 =	vle.u32 v11, v3;
	[tilespmem:s11+$0x10] =	vst v6;
	v6 =	vmul.f32 v63, v8;
	v8 =	vnsel vm0, $0x3F800000, v1  }
.LBB2_7:
0x4f: {  	v9 =	vor.u32 s1, v0;
	s3 =	sadd.s32 $0x30, s1;
	vm0 =	vmand vm1, vm2;
	[tilespmem:s11+$0x20] =	vst v7;
	v7 =	vmul.f32 v4, v8;
	v4 =	vmovc v5  }
0x50: {  	s13 =	sadd.s32 $0x10, s1;
	s8 =	sadd.s32 $0x20, s1;
	vm1 =	vge.u32 v9, v2;
	vm2 =	vle.u32 v9, v3;
	v8 =	vor.u32 s3, v0;
	s3 =	sadd.s32 $0x40, s1;
	[tilespmem:s11+$0x30] =	vst v6  }
0x51: {  	v5 =	vor.u32 s13, v0;
	v6 =	vor.u32 s8, v0;
	s8 =	sadd.s32 $0x60, s1;
	s13 =	sadd.s32 $0x70, s1;
	v9 =	vor.u32 s3, v0;
	s3 =	sadd.s32 $0x50, s1;
	[tilespmem:s9+$0xFFFFFFF0] =	vst v7  }
0x52: {  	v10 =	vor.u32 s8, v0;
	v11 =	vor.u32 s13, v0;
	s9 =	smov.u32 s11;
	s11 =	sadd.s32 $0x400, s11;
	v7 =	vor.u32 s3, v0  }
0x53: {  	vm2 =	vmand vm1, vm2;
	vm3 =	vge.u32 v5, v2;
	vm4 =	vle.u32 v5, v3;
	v12 =	vld [tilespmem:s11+$0xFFFFFFC0]  }
0x54: {  	vm5 =	vge.u32 v6, v2;
	vm6 =	vle.u32 v6, v3;
	vm7 =	vge.u32 v9, v2;
	v5 =	vld [tilespmem:s11+$0xFFFFFFD0]  }
0x55: {  	vm8 =	vle.u32 v9, v3;
	vm9 =	vge.u32 v7, v2;
	vm10 =	vle.u32 v7, v3;
	v6 =	vld [tilespmem:s11+$0xFFFFFFE0]  }
0x56: {  	vm11 =	vge.u32 v10, v2;
	vm12 =	vle.u32 v10, v3;
	vm1 =	vge.u32 v11, v2;
	v7 =	vld [tilespmem:s11+$0x0]  }
0x57: {  	v9 =	vnsel vm2, $0x3F800000, v1;
	vm2 =	vmand vm3, vm4;
	vm3 =	vle.u32 v11, v3;
	v10 =	vld [tilespmem:s11+$0x10]  }
0x58: {  	s14 =	sadd.s32 $0x8, s14;
	v11 =	vnsel vm2, $0x3F800000, v1;
	vm2 =	vmand vm5, vm6;
	v9 =	vmul.f32 v12, v9;
	v12 =	vld [tilespmem:s11+$0x20]  }
0x59: {  	p1 =	slt.u32 s14, $0x78;
	v11 =	vmul.f32 v5, v11;
	v5 =	vnsel vm2, $0x3F800000, v1;
	vm2 =	vmand vm7, vm8;
	v13 =	vld [tilespmem:s11+$0x30]  }
.Ltmp2:
0x5a: {  	[tilespmem:s11+$0xFFFFFFC0] =	vst v9;
	v6 =	vmul.f32 v6, v5;
	v5 =	vld [tilespmem:s11+$0xFFFFFFF0];
	v9 =	vnsel vm2, $0x3F800000, v1;
	vm2 =	vmand vm9, vm10;
	(pc) =	sbr.rel @p1 .LBB2_7-.Ltmp2, $4  }
0x5b: {  	[tilespmem:s11+$0xFFFFFFD0] =	vst v11;
	v7 =	vmul.f32 v7, v9;
	v9 =	vnsel vm2, $0x3F800000, v1;
	vm2 =	vmand vm11, vm12  }
0x5c: {  	[tilespmem:s11+$0xFFFFFFE0] =	vst v6;
	v6 =	vmul.f32 v10, v9;
	v9 =	vnsel vm2, $0x3F800000, v1;
	vm2 =	vmand vm1, vm3  }
0x5d: {  	vm1 =	vge.u32 v8, v2;
	[tilespmem:s11+$0x0] =	vst v7;
	v7 =	vmul.f32 v12, v9;
	v9 =	vnsel vm2, $0x3F800000, v1  }
0x5e: {  	s1 =	sadd.s32 $0x80, s1;
	vm2 =	vle.u32 v8, v3;
	v8 =	vnsel vm0, $0x3F800000, v1;
	[tilespmem:s11+$0x10] =	vst v6;
	v6 =	vmul.f32 v13, v9  }
0x5f: {  	s1 =	sor.u32 $0x1, s21;
	s3 =	ssub.s32 $0x7FE, s21  }
0x60: {  	vm0 =	vmand vm1, vm2;
	s14 =	simm.s32 $0x0;
	v4 =	vmul.f32 v4, v8;
	s1 =	smin.u32 s1, s3  }
0x61: {  	[tilespmem:s11+$0x20] =	vst v7;
	v1 =	vnsel vm0, $0x3F800000, v1;
	v9 =	vor.u32 s14, v0;
	s14 =	simm.s32 $0x30;
	s3 =	scvt.s32.f32 s1  }
0x62: {  	s8 =	sadd.s32 s20, s1;
	v5 =	vmul.f32 v5, v1;
	s1 =	sxor.u32 $0x7FF, s1;
	[tilespmem:s9+$0xFFFFFFF0] =	vst v4;
	s9 =	simm.s32 $0x40;
	v7 =	vor.u32 s14, v0  }
0x63: {  	s14 =	simm.s32 $0x70;
	v2 =	vmov s8;
	v3 =	vmov s1;
	v8 =	vor.u32 s9, v0  }
0x64: {  	s13 =	simm.s32 $0x20;
	[tilespmem:s11+$0x30] =	vst v6;
	s8 =	simm.s32 $0x10;
	v10 =	vor.u32 s14, v0;
	s3 =	smul.f32 $3.125000000e-02, s3;
	vm0 =	vge.u32 v9, v2;
	vm1 =	vle.u32 v9, v3  }
0x65: {  	v6 =	vor.u32 s8, v0;
	[tilespmem:s11+$0xFFFFFFF0] =	vst v5;
	v5 =	vor.u32 s13, v0;
	vm5 =	vge.u32 v7, v2  }
0x66: {  	s14 =	simm.s32 $0xB0;
	s13 =	simm.s32 $0x50;
	vm6 =	vle.u32 v7, v3;
	vm7 =	vge.u32 v8, v2;
	vm8 =	vle.u32 v8, v3;
	s3 =	sadd.f32 s3, s15  }
0x67: {  	vm11 =	vge.u32 v10, v2;
	v60 =	vor.u32 s14, v0;
	v9 =	vor.u32 s13, v0  }
0x68: {  	s14 =	simm.s32 $0xF0;
	vm0 =	vmand vm0, vm1;
	v11 =	vld [tilespmem:s7+$0xFFFFFF90];
	vm1 =	vge.u32 v6, v2;
	vm2 =	vle.u32 v6, v3;
	s3 =	smax.f32 s3, $0.0e+00  }
0x69: {  	v6 =	vld [tilespmem:s7+$0xFFFFFFA0];
	vm3 =	vge.u32 v5, v2;
	vm4 =	vle.u32 v5, v3;
	v14 =	vor.u32 s14, v0;
	s3 =	smin.f32 s3, $1.000000000e+00  }
0x6a: {  	v5 =	vld [tilespmem:s7+$0xFFFFFFB0];
	vm9 =	vge.u32 v9, v2;
	vm10 =	vle.u32 v9, v3;
	v1 =	vmov s3;
	s3 =	simm.s32 $0x60  }
0x6b: {  	v7 =	vld [tilespmem:s7+$0xFFFFFFC0];
	vm12 =	vge.u32 v14, v2;
	v4 =	vor.u32 s3, v0;
	v8 =	vnsel vm0, $0x3F800000, v1  }
0x6c: {  	v9 =	vld [tilespmem:s7+$0xFFFFFFD0];
	vm0 =	vmand vm1, vm2;
	vm1 =	vle.u32 v10, v3;
	vm2 =	vmand vm3, vm4  }
0x6d: {  	v8 =	vmul.f32 v11, v8;
	v11 =	vnsel vm0, $0x3F800000, v1;
	v12 =	vnsel vm2, $0x3F800000, v1  }
0x6e: {  	v10 =	vld [tilespmem:s7+$0xFFFFFFE0];
	vm0 =	vmand vm5, vm6;
	vm2 =	vmand vm9, vm10;
	v6 =	vmul.f32 v6, v11  }
0x6f: {  	v5 =	vmul.f32 v5, v12;
	v57 =	vnsel vm0, $0x3F800000, v1;
	vm0 =	vmand vm7, vm8  }
0x70: {  	v13 =	vnsel vm2, $0x3F800000, v1;
	v7 =	vmul.f32 v7, v57;
	v58 =	vnsel vm0, $0x3F800000, v1  }
0x71: {  	s8 =	simm.s32 $0x80;
	vm0 =	vmand vm11, vm1;
	vm1 =	vge.u32 v4, v2;
	[tilespmem:s7+$0xFFFFFF90] =	vst v8;
	v9 =	vmul.f32 v9, v58  }
0x72: {  	s9 =	simm.s32 $0xE0;
	s11 =	simm.s32 $0x90;
	v11 =	vld [tilespmem:s7+$0x0];
	v59 =	vnsel vm0, $0x3F800000, v1;
	vm0 =	vle.u32 v4, v3;
	v4 =	vor.u32 s8, v0;
	[tilespmem:s7+$0xFFFFFFA0] =	vst v6  }
0x73: {  	v6 =	vor.u32 s9, v0;
	[tilespmem:s7+$0xFFFFFFB0] =	vst v5;
	v5 =	vor.u32 s11, v0;
	v10 =	vmul.f32 v10, v13  }
0x74: {  	s9 =	sadd.s32 $0x400, s7;
	vm0 =	vmand vm1, vm0;
	vm1 =	vge.u32 v4, v2;
	vm2 =	vle.u32 v4, v3;
	[tilespmem:s7+$0xFFFFFFC0] =	vst v7  }
0x75: {  	s11 =	simm.s32 $0xC0;
	vm3 =	vle.u32 v5, v3;
	[tilespmem:s7+$0xFFFFFFD0] =	vst v9;
	vm1 =	vmand vm1, vm2;
	vm2 =	vge.u32 v5, v2;
	v5 =	vld [tilespmem:s9+$0xFFFFFF90]  }
0x76: {  	s13 =	simm.s32 $0xA0;
	vm6 =	vge.u32 v60, v2;
	vm7 =	vle.u32 v60, v3;
	v7 =	vor.u32 s11, v0;
	[tilespmem:s7+$0xFFFFFFE0] =	vst v10;
	v9 =	vld [tilespmem:s9+$0xFFFFFFA0]  }
0x77: {  	vm8 =	vge.u32 v7, v2;
	v8 =	vmul.f32 v11, v59;
	v11 =	vor.u32 s13, v0;
	s13 =	simm.s32 $0xD0;
	v10 =	vld [tilespmem:s9+$0xFFFFFFB0]  }
0x78: {  	vm9 =	vle.u32 v7, v3;
	v61 =	vor.u32 s13, v0;
	vm4 =	vge.u32 v11, v2;
	v7 =	vld [tilespmem:s9+$0xFFFFFFC0]  }
0x79: {  	v4 =	vld [tilespmem:s7+$0xFFFFFFF0];
	vm5 =	vle.u32 v11, v3;
	[tilespmem:s7+$0x0] =	vst v8;
	v8 =	vnsel vm1, $0x3F800000, v1;
	vm1 =	vmand vm2, vm3  }
0x7a: {  	v11 =	vld [tilespmem:s9+$0xFFFFFFD0];
	v5 =	vmul.f32 v5, v8;
	v8 =	vnsel vm1, $0x3F800000, v1;
	vm1 =	vmand vm4, vm5  }
0x7b: {  	v62 =	vld [tilespmem:s9+$0xFFFFFFE0];
	v8 =	vmul.f32 v9, v8;
	v9 =	vnsel vm1, $0x3F800000, v1;
	vm1 =	vmand vm6, vm7  }
0x7c: {  	vm10 =	vge.u32 v61, v2;
	vm11 =	vle.u32 v61, v3;
	v63 =	vld [tilespmem:s9+$0x0];
	[tilespmem:s9+$0xFFFFFF90] =	vst v5;
	v5 =	vnsel vm1, $0x3F800000, v1  }
0x7d: {  	v9 =	vmul.f32 v10, v9;
	vm1 =	vmand vm8, vm9;
	v7 =	vmul.f32 v7, v5;
	v5 =	vld [tilespmem:s9+$0xFFFFFFF0]  }
0x7e: {  	vm2 =	vle.u32 v14, v3;
	[tilespmem:s9+$0xFFFFFFA0] =	vst v8;
	v8 =	vnsel vm1, $0x3F800000, v1;
	vm1 =	vmand vm10, vm11  }
0x7f: {  	vm2 =	vmand vm12, vm2;
	[tilespmem:s9+$0xFFFFFFB0] =	vst v9;
	v8 =	vmul.f32 v11, v8;
	v9 =	vnsel vm1, $0x3F800000, v1  }
0x80: {  	vm1 =	vge.u32 v6, v2;
	[tilespmem:s9+$0xFFFFFFC0] =	vst v7;
	v7 =	vmul.f32 v62, v9;
	v9 =	vnsel vm2, $0x3F800000, v1  }
0x81: {  	s1 =	simm.s32 $0x100;
	s11 =	simm.s32 $0x8;
	vm2 =	vle.u32 v6, v3;
	[tilespmem:s9+$0xFFFFFFD0] =	vst v8;
	v6 =	vmul.f32 v63, v9;
	v8 =	vnsel vm0, $0x3F800000, v1  }
.LBB2_9:
0x82: {  	v9 =	vor.u32 s1, v0;
	s3 =	sadd.s32 $0x60, s1;
	[tilespmem:s9+$0xFFFFFFE0] =	vst v7;
	vm0 =	vmand vm1, vm2;
	v7 =	vmul.f32 v4, v8;
	v4 =	vmovc v5  }
0x83: {  	s8 =	sadd.s32 $0x10, s1;
	s13 =	sadd.s32 $0x20, s1;
	s14 =	sadd.s32 $0x30, s1;
	vm1 =	vge.u32 v9, v2;
	vm2 =	vle.u32 v9, v3;
	v8 =	vor.u32 s3, v0;
	[tilespmem:s9+$0x0] =	vst v6  }
0x84: {  	v5 =	vor.u32 s8, v0;
	v6 =	vor.u32 s13, v0;
	v9 =	vor.u32 s14, v0;
	s3 =	sadd.s32 $0x40, s1;
	s8 =	sadd.s32 $0x50, s1;
	s13 =	sadd.s32 $0x70, s1;
	[tilespmem:s7+$0xFFFFFFF0] =	vst v7  }
0x85: {  	v7 =	vor.u32 s3, v0;
	v10 =	vor.u32 s8, v0;
	v11 =	vor.u32 s13, v0;
	s7 =	smov.u32 s9;
	s9 =	sadd.s32 $0x400, s9  }
0x86: {  	vm2 =	vmand vm1, vm2;
	vm3 =	vge.u32 v5, v2;
	vm4 =	vle.u32 v5, v3;
	v12 =	vld [tilespmem:s9+$0xFFFFFF90]  }
0x87: {  	vm5 =	vge.u32 v6, v2;
	vm6 =	vle.u32 v6, v3;
	vm7 =	vge.u32 v9, v2;
	v5 =	vld [tilespmem:s9+$0xFFFFFFA0]  }
0x88: {  	vm8 =	vle.u32 v9, v3;
	vm9 =	vge.u32 v7, v2;
	vm10 =	vle.u32 v7, v3;
	v6 =	vld [tilespmem:s9+$0xFFFFFFB0]  }
0x89: {  	vm11 =	vge.u32 v10, v2;
	vm12 =	vle.u32 v10, v3;
	vm1 =	vge.u32 v11, v2;
	v7 =	vld [tilespmem:s9+$0xFFFFFFC0]  }
0x8a: {  	v9 =	vnsel vm2, $0x3F800000, v1;
	vm2 =	vmand vm3, vm4;
	vm3 =	vle.u32 v11, v3;
	v10 =	vld [tilespmem:s9+$0xFFFFFFD0]  }
0x8b: {  	s11 =	sadd.s32 $0x8, s11;
	v11 =	vnsel vm2, $0x3F800000, v1;
	vm2 =	vmand vm5, vm6;
	v9 =	vmul.f32 v12, v9;
	v12 =	vld [tilespmem:s9+$0xFFFFFFE0]  }
0x8c: {  	p1 =	slt.u32 s11, $0x78;
	v11 =	vmul.f32 v5, v11;
	v5 =	vnsel vm2, $0x3F800000, v1;
	vm2 =	vmand vm7, vm8;
	v13 =	vld [tilespmem:s9+$0x0]  }
.Ltmp3:
0x8d: {  	[tilespmem:s9+$0xFFFFFF90] =	vst v9;
	v6 =	vmul.f32 v6, v5;
	v9 =	vnsel vm2, $0x3F800000, v1;
	vm2 =	vmand vm9, vm10;
	v5 =	vld [tilespmem:s9+$0xFFFFFFF0];
	(pc) =	sbr.rel @p1 .LBB2_9-.Ltmp3, $4  }
0x8e: {  	[tilespmem:s9+$0xFFFFFFA0] =	vst v11;
	v7 =	vmul.f32 v7, v9;
	v9 =	vnsel vm2, $0x3F800000, v1;
	vm2 =	vmand vm11, vm12  }
0x8f: {  	[tilespmem:s9+$0xFFFFFFB0] =	vst v6;
	v6 =	vmul.f32 v10, v9;
	v9 =	vnsel vm2, $0x3F800000, v1;
	vm2 =	vmand vm1, vm3  }
0x90: {  	vm1 =	vge.u32 v8, v2;
	[tilespmem:s9+$0xFFFFFFC0] =	vst v7;
	v7 =	vmul.f32 v12, v9;
	v9 =	vnsel vm2, $0x3F800000, v1  }
0x91: {  	s1 =	sadd.s32 $0x80, s1;
	vm2 =	vle.u32 v8, v3;
	v8 =	vnsel vm0, $0x3F800000, v1;
	[tilespmem:s9+$0xFFFFFFD0] =	vst v6;
	v6 =	vmul.f32 v13, v9  }
0x92: {  	s1 =	sor.u32 $0x2, s21;
	s3 =	ssub.s32 $0x7FD, s21;
	vm0 =	vmand vm1, vm2;
	s14 =	simm.s32 $0x0  }
0x93: {  	s11 =	simm.s32 $0x10;
	s1 =	smin.u32 s1, s3;
	v1 =	vnsel vm0, $0x3F800000, v1;
	v9 =	vor.u32 s14, v0;
	s14 =	simm.s32 $0x30  }
0x94: {  	v4 =	vmul.f32 v4, v8;
	[tilespmem:s9+$0x0] =	vst v6;
	v6 =	vor.u32 s11, v0;
	s3 =	scvt.s32.f32 s1;
	s8 =	sadd.s32 s20, s1;
	v5 =	vmul.f32 v5, v1;
	s1 =	sxor.u32 $0x7FF, s1  }
0x95: {  	[tilespmem:s9+$0xFFFFFFE0] =	vst v7;
	v7 =	vor.u32 s14, v0;
	v2 =	vmov s8;
	v3 =	vmov s1;
	s8 =	simm.s32 $0x60  }
0x96: {  	s13 =	simm.s32 $0x20;
	s11 =	simm.s32 $0x50;
	[tilespmem:s7+$0xFFFFFFF0] =	vst v4;
	s3 =	smul.f32 $3.125000000e-02, s3;
	vm0 =	vge.u32 v9, v2;
	vm1 =	vle.u32 v9, v3;
	v4 =	vor.u32 s8, v0  }
0x97: {  	s8 =	simm.s32 $0x40;
	[tilespmem:s9+$0xFFFFFFF0] =	vst v5;
	v5 =	vor.u32 s13, v0;
	v9 =	vor.u32 s11, v0;
	vm2 =	vle.u32 v6, v3  }
0x98: {  	s13 =	simm.s32 $0x70;
	vm5 =	vge.u32 v7, v2;
	vm6 =	vle.u32 v7, v3;
	v8 =	vor.u32 s8, v0;
	s3 =	sadd.f32 s3, s15  }
0x99: {  	v10 =	vor.u32 s13, v0;
	vm0 =	vmand vm0, vm1;
	v11 =	vld [tilespmem:s5+$0xFFFFFF90];
	vm1 =	vge.u32 v6, v2  }
0x9a: {  	s9 =	simm.s32 $0xB0;
	vm3 =	vge.u32 v5, v2;
	vm4 =	vle.u32 v5, v3;
	vm9 =	vge.u32 v9, v2;
	s3 =	smax.f32 s3, $0.0e+00  }
0x9b: {  	v6 =	vld [tilespmem:s5+$0xFFFFFFA0];
	vm10 =	vle.u32 v9, v3;
	v60 =	vor.u32 s9, v0;
	vm7 =	vge.u32 v8, v2;
	s3 =	smin.f32 s3, $1.000000000e+00  }
0x9c: {  	v5 =	vld [tilespmem:s5+$0xFFFFFFB0];
	s13 =	simm.s32 $0xD0;
	vm8 =	vle.u32 v8, v3;
	vm11 =	vge.u32 v10, v2;
	v1 =	vmov s3  }
0x9d: {  	v7 =	vld [tilespmem:s5+$0xFFFFFFC0];
	v61 =	vor.u32 s13, v0;
	v8 =	vnsel vm0, $0x3F800000, v1;
	vm0 =	vmand vm1, vm2  }
0x9e: {  	vm1 =	vle.u32 v10, v3;
	vm2 =	vmand vm3, vm4;
	v8 =	vmul.f32 v11, v8  }
0x9f: {  	v9 =	vld [tilespmem:s5+$0xFFFFFFD0];
	v11 =	vnsel vm0, $0x3F800000, v1;
	v12 =	vnsel vm2, $0x3F800000, v1;
	vm0 =	vmand vm5, vm6  }
0xa0: {  	v10 =	vld [tilespmem:s5+$0xFFFFFFE0];
	vm2 =	vmand vm9, vm10;
	vm6 =	vge.u32 v60, v2;
	vm10 =	vge.u32 v61, v2  }
0xa1: {  	v6 =	vmul.f32 v6, v11;
	v5 =	vmul.f32 v5, v12;
	v57 =	vnsel vm0, $0x3F800000, v1  }
0xa2: {  	vm0 =	vmand vm7, vm8;
	v13 =	vnsel vm2, $0x3F800000, v1;
	v7 =	vmul.f32 v7, v57  }
0xa3: {  	v58 =	vnsel vm0, $0x3F800000, v1;
	vm0 =	vmand vm11, vm1;
	vm1 =	vge.u32 v4, v2;
	[tilespmem:s5+$0xFFFFFF90] =	vst v8  }
0xa4: {  	s14 =	simm.s32 $0x80;
	s7 =	simm.s32 $0x90;
	v11 =	vld [tilespmem:s5+$0x0];
	v9 =	vmul.f32 v9, v58;
	v59 =	vnsel vm0, $0x3F800000, v1;
	vm0 =	vle.u32 v4, v3;
	[tilespmem:s5+$0xFFFFFFA0] =	vst v6  }
0xa5: {  	v4 =	vor.u32 s14, v0;
	[tilespmem:s5+$0xFFFFFFB0] =	vst v5;
	v5 =	vor.u32 s7, v0;
	v10 =	vmul.f32 v10, v13  }
0xa6: {  	s7 =	sadd.s32 $0x400, s5;
	vm0 =	vmand vm1, vm0;
	vm1 =	vge.u32 v4, v2;
	vm2 =	vle.u32 v4, v3;
	[tilespmem:s5+$0xFFFFFFC0] =	vst v7  }
0xa7: {  	s11 =	simm.s32 $0xC0;
	vm3 =	vle.u32 v5, v3;
	[tilespmem:s5+$0xFFFFFFD0] =	vst v9;
	vm1 =	vmand vm1, vm2;
	vm2 =	vge.u32 v5, v2;
	v5 =	vld [tilespmem:s7+$0xFFFFFF90]  }
0xa8: {  	s8 =	simm.s32 $0xA0;
	vm7 =	vle.u32 v60, v3;
	vm11 =	vle.u32 v61, v3;
	s14 =	simm.s32 $0xF0;
	v7 =	vor.u32 s11, v0;
	[tilespmem:s5+$0xFFFFFFE0] =	vst v10;
	v9 =	vld [tilespmem:s7+$0xFFFFFFA0]  }
0xa9: {  	v14 =	vor.u32 s14, v0;
	v8 =	vmul.f32 v11, v59;
	v11 =	vor.u32 s8, v0;
	v10 =	vld [tilespmem:s7+$0xFFFFFFB0]  }
0xaa: {  	vm8 =	vge.u32 v7, v2;
	vm9 =	vle.u32 v7, v3;
	vm4 =	vge.u32 v11, v2;
	v7 =	vld [tilespmem:s7+$0xFFFFFFC0]  }
0xab: {  	v4 =	vld [tilespmem:s5+$0xFFFFFFF0];
	vm5 =	vle.u32 v11, v3;
	[tilespmem:s5+$0x0] =	vst v8;
	v8 =	vnsel vm1, $0x3F800000, v1;
	vm1 =	vmand vm2, vm3  }
0xac: {  	v11 =	vld [tilespmem:s7+$0xFFFFFFD0];
	v5 =	vmul.f32 v5, v8;
	v8 =	vnsel vm1, $0x3F800000, v1;
	vm1 =	vmand vm4, vm5  }
0xad: {  	s3 =	simm.s32 $0xE0;
	v62 =	vld [tilespmem:s7+$0xFFFFFFE0];
	v8 =	vmul.f32 v9, v8;
	v9 =	vnsel vm1, $0x3F800000, v1;
	vm1 =	vmand vm6, vm7  }
0xae: {  	v6 =	vor.u32 s3, v0;
	vm12 =	vge.u32 v14, v2;
	v63 =	vld [tilespmem:s7+$0x0];
	[tilespmem:s7+$0xFFFFFF90] =	vst v5;
	v5 =	vnsel vm1, $0x3F800000, v1  }
0xaf: {  	v9 =	vmul.f32 v10, v9;
	vm1 =	vmand vm8, vm9;
	v7 =	vmul.f32 v7, v5;
	v5 =	vld [tilespmem:s7+$0xFFFFFFF0]  }
0xb0: {  	vm2 =	vle.u32 v14, v3;
	[tilespmem:s7+$0xFFFFFFA0] =	vst v8;
	v8 =	vnsel vm1, $0x3F800000, v1;
	vm1 =	vmand vm10, vm11  }
0xb1: {  	vm2 =	vmand vm12, vm2;
	[tilespmem:s7+$0xFFFFFFB0] =	vst v9;
	v8 =	vmul.f32 v11, v8;
	v9 =	vnsel vm1, $0x3F800000, v1  }
0xb2: {  	vm1 =	vge.u32 v6, v2;
	[tilespmem:s7+$0xFFFFFFC0] =	vst v7;
	v7 =	vmul.f32 v62, v9;
	v9 =	vnsel vm2, $0x3F800000, v1  }
0xb3: {  	s1 =	simm.s32 $0x100;
	s9 =	simm.s32 $0x8;
	vm2 =	vle.u32 v6, v3;
	[tilespmem:s7+$0xFFFFFFD0] =	vst v8;
	v6 =	vmul.f32 v63, v9;
	v8 =	vnsel vm0, $0x3F800000, v1  }
.LBB2_11:
0xb4: {  	v9 =	vor.u32 s1, v0;
	s3 =	sadd.s32 $0x60, s1;
	[tilespmem:s7+$0xFFFFFFE0] =	vst v7;
	vm0 =	vmand vm1, vm2;
	v7 =	vmul.f32 v4, v8;
	v4 =	vmovc v5  }
0xb5: {  	s8 =	sadd.s32 $0x10, s1;
	s11 =	sadd.s32 $0x20, s1;
	s13 =	sadd.s32 $0x30, s1;
	vm1 =	vge.u32 v9, v2;
	vm2 =	vle.u32 v9, v3;
	v8 =	vor.u32 s3, v0;
	[tilespmem:s7+$0x0] =	vst v6  }
0xb6: {  	v5 =	vor.u32 s8, v0;
	v6 =	vor.u32 s11, v0;
	v9 =	vor.u32 s13, v0;
	s3 =	sadd.s32 $0x40, s1;
	s8 =	sadd.s32 $0x50, s1;
	s11 =	sadd.s32 $0x70, s1;
	[tilespmem:s5+$0xFFFFFFF0] =	vst v7  }
0xb7: {  	v7 =	vor.u32 s3, v0;
	v10 =	vor.u32 s8, v0;
	v11 =	vor.u32 s11, v0;
	s5 =	smov.u32 s7;
	s7 =	sadd.s32 $0x400, s7  }
0xb8: {  	vm2 =	vmand vm1, vm2;
	vm3 =	vge.u32 v5, v2;
	vm4 =	vle.u32 v5, v3;
	v12 =	vld [tilespmem:s7+$0xFFFFFF90]  }
0xb9: {  	vm5 =	vge.u32 v6, v2;
	vm6 =	vle.u32 v6, v3;
	vm7 =	vge.u32 v9, v2;
	v5 =	vld [tilespmem:s7+$0xFFFFFFA0]  }
0xba: {  	vm8 =	vle.u32 v9, v3;
	vm9 =	vge.u32 v7, v2;
	vm10 =	vle.u32 v7, v3;
	v6 =	vld [tilespmem:s7+$0xFFFFFFB0]  }
0xbb: {  	vm11 =	vge.u32 v10, v2;
	vm12 =	vle.u32 v10, v3;
	vm1 =	vge.u32 v11, v2;
	v7 =	vld [tilespmem:s7+$0xFFFFFFC0]  }
0xbc: {  	v9 =	vnsel vm2, $0x3F800000, v1;
	vm2 =	vmand vm3, vm4;
	vm3 =	vle.u32 v11, v3;
	v10 =	vld [tilespmem:s7+$0xFFFFFFD0]  }
0xbd: {  	s9 =	sadd.s32 $0x8, s9;
	v11 =	vnsel vm2, $0x3F800000, v1;
	vm2 =	vmand vm5, vm6;
	v9 =	vmul.f32 v12, v9;
	v12 =	vld [tilespmem:s7+$0xFFFFFFE0]  }
0xbe: {  	p1 =	slt.u32 s9, $0x78;
	v11 =	vmul.f32 v5, v11;
	v5 =	vnsel vm2, $0x3F800000, v1;
	vm2 =	vmand vm7, vm8;
	v13 =	vld [tilespmem:s7+$0x0]  }
.Ltmp4:
0xbf: {  	[tilespmem:s7+$0xFFFFFF90] =	vst v9;
	v6 =	vmul.f32 v6, v5;
	v9 =	vnsel vm2, $0x3F800000, v1;
	vm2 =	vmand vm9, vm10;
	v5 =	vld [tilespmem:s7+$0xFFFFFFF0];
	(pc) =	sbr.rel @p1 .LBB2_11-.Ltmp4, $4  }
0xc0: {  	[tilespmem:s7+$0xFFFFFFA0] =	vst v11;
	v7 =	vmul.f32 v7, v9;
	v9 =	vnsel vm2, $0x3F800000, v1;
	vm2 =	vmand vm11, vm12  }
0xc1: {  	[tilespmem:s7+$0xFFFFFFB0] =	vst v6;
	v6 =	vmul.f32 v10, v9;
	v9 =	vnsel vm2, $0x3F800000, v1;
	vm2 =	vmand vm1, vm3  }
0xc2: {  	vm1 =	vge.u32 v8, v2;
	[tilespmem:s7+$0xFFFFFFC0] =	vst v7;
	v7 =	vmul.f32 v12, v9;
	v9 =	vnsel vm2, $0x3F800000, v1  }
0xc3: {  	s1 =	sadd.s32 $0x80, s1;
	vm2 =	vle.u32 v8, v3;
	v8 =	vnsel vm0, $0x3F800000, v1;
	[tilespmem:s7+$0xFFFFFFD0] =	vst v6;
	v6 =	vmul.f32 v13, v9  }
0xc4: {  	s1 =	sor.u32 $0x3, s21;
	s3 =	ssub.s32 $0x7FC, s21;
	vm0 =	vmand vm1, vm2;
	s11 =	simm.s32 $0x0  }
0xc5: {  	[tilespmem:s7+$0xFFFFFFE0] =	vst v7;
	v4 =	vmul.f32 v4, v8;
	s14 =	simm.s32 $0x10;
	s9 =	simm.s32 $0x30;
	s1 =	smin.u32 s1, s3;
	v1 =	vnsel vm0, $0x3F800000, v1  }
0xc6: {  	s13 =	simm.s32 $0x60;
	v9 =	vor.u32 s11, v0;
	[tilespmem:s7+$0x0] =	vst v6;
	v6 =	vor.u32 s14, v0;
	s11 =	simm.s32 $0x40;
	v7 =	vor.u32 s9, v0;
	s3 =	scvt.s32.f32 s1  }
0xc7: {  	s14 =	simm.s32 $0x70;
	s9 =	simm.s32 $0xB0;
	s8 =	sadd.s32 s20, s1;
	v5 =	vmul.f32 v5, v1;
	[tilespmem:s5+$0xFFFFFFF0] =	vst v4;
	v4 =	vor.u32 s13, v0;
	v8 =	vor.u32 s11, v0  }
0xc8: {  	s1 =	sxor.u32 $0x7FF, s1;
	v10 =	vor.u32 s14, v0;
	v60 =	vor.u32 s9, v0;
	s14 =	simm.s32 $0xF0;
	v2 =	vmov s8;
	s3 =	smul.f32 $3.125000000e-02, s3  }
0xc9: {  	s13 =	simm.s32 $0x50;
	v3 =	vmov s1;
	s8 =	simm.s32 $0x20;
	v14 =	vor.u32 s14, v0;
	vm0 =	vge.u32 v9, v2  }
0xca: {  	vm1 =	vle.u32 v9, v3;
	[tilespmem:s7+$0xFFFFFFF0] =	vst v5;
	v5 =	vor.u32 s8, v0;
	v9 =	vor.u32 s13, v0;
	s3 =	sadd.f32 s3, s15  }
0xcb: {  	vm2 =	vle.u32 v6, v3;
	vm5 =	vge.u32 v7, v2;
	vm6 =	vle.u32 v7, v3  }
0xcc: {  	vm7 =	vge.u32 v8, v2;
	vm8 =	vle.u32 v8, v3;
	vm11 =	vge.u32 v10, v2;
	v11 =	vld [tilespmem:s10+$0xFFFFFF90];
	s3 =	smax.f32 s3, $0.0e+00  }
0xcd: {  	vm12 =	vge.u32 v14, v2;
	vm0 =	vmand vm0, vm1;
	vm1 =	vge.u32 v6, v2;
	v6 =	vld [tilespmem:s10+$0xFFFFFFA0];
	s3 =	smin.f32 s3, $1.000000000e+00  }
0xce: {  	vm3 =	vge.u32 v5, v2;
	vm4 =	vle.u32 v5, v3;
	v5 =	vld [tilespmem:s10+$0xFFFFFFB0];
	v1 =	vmov s3  }
0xcf: {  	v7 =	vld [tilespmem:s10+$0xFFFFFFC0];
	vm9 =	vge.u32 v9, v2;
	vm10 =	vle.u32 v9, v3;
	v8 =	vnsel vm0, $0x3F800000, v1  }
0xd0: {  	v9 =	vld [tilespmem:s10+$0xFFFFFFD0];
	vm0 =	vmand vm1, vm2;
	vm1 =	vle.u32 v10, v3;
	vm2 =	vmand vm3, vm4  }
0xd1: {  	v8 =	vmul.f32 v11, v8;
	v11 =	vnsel vm0, $0x3F800000, v1;
	v12 =	vnsel vm2, $0x3F800000, v1  }
0xd2: {  	v10 =	vld [tilespmem:s10+$0xFFFFFFE0];
	vm0 =	vmand vm5, vm6;
	vm2 =	vmand vm9, vm10;
	v6 =	vmul.f32 v6, v11  }
0xd3: {  	v5 =	vmul.f32 v5, v12;
	v57 =	vnsel vm0, $0x3F800000, v1;
	vm0 =	vmand vm7, vm8  }
0xd4: {  	v13 =	vnsel vm2, $0x3F800000, v1;
	v7 =	vmul.f32 v7, v57;
	v58 =	vnsel vm0, $0x3F800000, v1  }
0xd5: {  	s3 =	simm.s32 $0x80;
	vm0 =	vmand vm11, vm1;
	vm1 =	vge.u32 v4, v2;
	[tilespmem:s10+$0xFFFFFF90] =	vst v8;
	v9 =	vmul.f32 v9, v58  }
0xd6: {  	s5 =	simm.s32 $0xE0;
	s7 =	simm.s32 $0x90;
	v11 =	vld [tilespmem:s10+$0x0];
	v59 =	vnsel vm0, $0x3F800000, v1;
	vm0 =	vle.u32 v4, v3;
	v4 =	vor.u32 s3, v0;
	[tilespmem:s10+$0xFFFFFFA0] =	vst v6  }
0xd7: {  	v6 =	vor.u32 s5, v0;
	[tilespmem:s10+$0xFFFFFFB0] =	vst v5;
	v5 =	vor.u32 s7, v0;
	v10 =	vmul.f32 v10, v13  }
0xd8: {  	s5 =	sadd.s32 $0x400, s10;
	vm0 =	vmand vm1, vm0;
	vm1 =	vge.u32 v4, v2;
	vm2 =	vle.u32 v4, v3;
	[tilespmem:s10+$0xFFFFFFC0] =	vst v7  }
0xd9: {  	s13 =	simm.s32 $0xD0;
	vm3 =	vle.u32 v5, v3;
	[tilespmem:s10+$0xFFFFFFD0] =	vst v9;
	vm1 =	vmand vm1, vm2;
	vm2 =	vge.u32 v5, v2;
	v5 =	vld [tilespmem:s5+$0xFFFFFF90]  }
0xda: {  	s11 =	simm.s32 $0xC0;
	s8 =	simm.s32 $0xA0;
	v61 =	vor.u32 s13, v0;
	vm6 =	vge.u32 v60, v2;
	vm7 =	vle.u32 v60, v3;
	[tilespmem:s10+$0xFFFFFFE0] =	vst v10;
	v9 =	vld [tilespmem:s5+$0xFFFFFFA0]  }
0xdb: {  	v7 =	vor.u32 s11, v0;
	v8 =	vmul.f32 v11, v59;
	v11 =	vor.u32 s8, v0;
	v10 =	vld [tilespmem:s5+$0xFFFFFFB0]  }
0xdc: {  	vm8 =	vge.u32 v7, v2;
	vm9 =	vle.u32 v7, v3;
	vm4 =	vge.u32 v11, v2;
	v7 =	vld [tilespmem:s5+$0xFFFFFFC0]  }
0xdd: {  	v4 =	vld [tilespmem:s10+$0xFFFFFFF0];
	vm5 =	vle.u32 v11, v3;
	[tilespmem:s10+$0x0] =	vst v8;
	v8 =	vnsel vm1, $0x3F800000, v1;
	vm1 =	vmand vm2, vm3  }
0xde: {  	v11 =	vld [tilespmem:s5+$0xFFFFFFD0];
	v5 =	vmul.f32 v5, v8;
	v8 =	vnsel vm1, $0x3F800000, v1;
	vm1 =	vmand vm4, vm5  }
0xdf: {  	v62 =	vld [tilespmem:s5+$0xFFFFFFE0];
	v8 =	vmul.f32 v9, v8;
	v9 =	vnsel vm1, $0x3F800000, v1;
	vm1 =	vmand vm6, vm7  }
0xe0: {  	vm10 =	vge.u32 v61, v2;
	vm11 =	vle.u32 v61, v3;
	v63 =	vld [tilespmem:s5+$0x0];
	[tilespmem:s5+$0xFFFFFF90] =	vst v5;
	v5 =	vnsel vm1, $0x3F800000, v1  }
0xe1: {  	v9 =	vmul.f32 v10, v9;
	vm1 =	vmand vm8, vm9;
	v7 =	vmul.f32 v7, v5;
	v5 =	vld [tilespmem:s5+$0xFFFFFFF0]  }
0xe2: {  	vm2 =	vle.u32 v14, v3;
	[tilespmem:s5+$0xFFFFFFA0] =	vst v8;
	v8 =	vnsel vm1, $0x3F800000, v1;
	vm1 =	vmand vm10, vm11  }
0xe3: {  	vm2 =	vmand vm12, vm2;
	[tilespmem:s5+$0xFFFFFFB0] =	vst v9;
	v8 =	vmul.f32 v11, v8;
	v9 =	vnsel vm1, $0x3F800000, v1  }
0xe4: {  	vm1 =	vge.u32 v6, v2;
	[tilespmem:s5+$0xFFFFFFC0] =	vst v7;
	v7 =	vmul.f32 v62, v9;
	v9 =	vnsel vm2, $0x3F800000, v1  }
0xe5: {  	s1 =	simm.s32 $0x100;
	s7 =	simm.s32 $0x8;
	vm2 =	vle.u32 v6, v3;
	[tilespmem:s5+$0xFFFFFFD0] =	vst v8;
	v6 =	vmul.f32 v63, v9;
	v8 =	vnsel vm0, $0x3F800000, v1  }
.LBB2_13:
0xe6: {  	v9 =	vor.u32 s1, v0;
	s3 =	sadd.s32 $0x60, s1;
	[tilespmem:s5+$0xFFFFFFE0] =	vst v7;
	vm0 =	vmand vm1, vm2;
	v7 =	vmul.f32 v4, v8;
	v4 =	vmovc v5  }
0xe7: {  	s8 =	sadd.s32 $0x10, s1;
	s9 =	sadd.s32 $0x20, s1;
	s11 =	sadd.s32 $0x30, s1;
	vm1 =	vge.u32 v9, v2;
	vm2 =	vle.u32 v9, v3;
	v8 =	vor.u32 s3, v0;
	[tilespmem:s5+$0x0] =	vst v6  }
0xe8: {  	v5 =	vor.u32 s8, v0;
	v6 =	vor.u32 s9, v0;
	v9 =	vor.u32 s11, v0;
	s3 =	sadd.s32 $0x40, s1;
	s8 =	sadd.s32 $0x50, s1;
	s9 =	sadd.s32 $0x70, s1;
	[tilespmem:s10+$0xFFFFFFF0] =	vst v7  }
0xe9: {  	v7 =	vor.u32 s3, v0;
	v10 =	vor.u32 s8, v0;
	v11 =	vor.u32 s9, v0;
	s10 =	smov.u32 s5;
	s5 =	sadd.s32 $0x400, s5  }
0xea: {  	vm2 =	vmand vm1, vm2;
	vm3 =	vge.u32 v5, v2;
	vm4 =	vle.u32 v5, v3;
	v12 =	vld [tilespmem:s5+$0xFFFFFF90]  }
0xeb: {  	vm5 =	vge.u32 v6, v2;
	vm6 =	vle.u32 v6, v3;
	vm7 =	vge.u32 v9, v2;
	v5 =	vld [tilespmem:s5+$0xFFFFFFA0]  }
0xec: {  	vm8 =	vle.u32 v9, v3;
	vm9 =	vge.u32 v7, v2;
	vm10 =	vle.u32 v7, v3;
	v6 =	vld [tilespmem:s5+$0xFFFFFFB0]  }
0xed: {  	vm11 =	vge.u32 v10, v2;
	vm12 =	vle.u32 v10, v3;
	vm1 =	vge.u32 v11, v2;
	v7 =	vld [tilespmem:s5+$0xFFFFFFC0]  }
0xee: {  	v9 =	vnsel vm2, $0x3F800000, v1;
	vm2 =	vmand vm3, vm4;
	vm3 =	vle.u32 v11, v3;
	v10 =	vld [tilespmem:s5+$0xFFFFFFD0]  }
0xef: {  	s7 =	sadd.s32 $0x8, s7;
	v11 =	vnsel vm2, $0x3F800000, v1;
	vm2 =	vmand vm5, vm6;
	v9 =	vmul.f32 v12, v9;
	v12 =	vld [tilespmem:s5+$0xFFFFFFE0]  }
0xf0: {  	p1 =	slt.u32 s7, $0x78;
	v11 =	vmul.f32 v5, v11;
	v5 =	vnsel vm2, $0x3F800000, v1;
	vm2 =	vmand vm7, vm8;
	v13 =	vld [tilespmem:s5+$0x0]  }
.Ltmp5:
0xf1: {  	[tilespmem:s5+$0xFFFFFF90] =	vst v9;
	v6 =	vmul.f32 v6, v5;
	v9 =	vnsel vm2, $0x3F800000, v1;
	vm2 =	vmand vm9, vm10;
	v5 =	vld [tilespmem:s5+$0xFFFFFFF0];
	(pc) =	sbr.rel @p1 .LBB2_13-.Ltmp5, $4  }
0xf2: {  	[tilespmem:s5+$0xFFFFFFA0] =	vst v11;
	v7 =	vmul.f32 v7, v9;
	v9 =	vnsel vm2, $0x3F800000, v1;
	vm2 =	vmand vm11, vm12  }
0xf3: {  	[tilespmem:s5+$0xFFFFFFB0] =	vst v6;
	v6 =	vmul.f32 v10, v9;
	v9 =	vnsel vm2, $0x3F800000, v1;
	vm2 =	vmand vm1, vm3  }
0xf4: {  	vm1 =	vge.u32 v8, v2;
	[tilespmem:s5+$0xFFFFFFC0] =	vst v7;
	v7 =	vmul.f32 v12, v9;
	v9 =	vnsel vm2, $0x3F800000, v1  }
0xf5: {  	s1 =	sadd.s32 $0x80, s1;
	vm2 =	vle.u32 v8, v3;
	v8 =	vnsel vm0, $0x3F800000, v1;
	[tilespmem:s5+$0xFFFFFFD0] =	vst v6;
	v6 =	vmul.f32 v13, v9  }
0xf6: {  	s1 =	sor.u32 $0x4, s21;
	s3 =	ssub.s32 $0x7FB, s21;
	vm0 =	vmand vm1, vm2;
	s14 =	simm.s32 $0x0  }
0xf7: {  	[tilespmem:s5+$0xFFFFFFE0] =	vst v7;
	v4 =	vmul.f32 v4, v8;
	s8 =	simm.s32 $0x10;
	s11 =	simm.s32 $0x40;
	s1 =	smin.u32 s1, s3;
	v1 =	vnsel vm0, $0x3F800000, v1  }
0xf8: {  	v9 =	vor.u32 s14, v0;
	[tilespmem:s5+$0x0] =	vst v6;
	v6 =	vor.u32 s8, v0;
	s14 =	simm.s32 $0x70;
	v8 =	vor.u32 s11, v0;
	s3 =	scvt.s32.f32 s1;
	s7 =	sadd.s32 s20, s1  }
0xf9: {  	v5 =	vmul.f32 v5, v1;
	s1 =	sxor.u32 $0x7FF, s1;
	[tilespmem:s10+$0xFFFFFFF0] =	vst v4;
	s10 =	simm.s32 $0x30;
	v10 =	vor.u32 s14, v0;
	s14 =	simm.s32 $0xF0;
	v2 =	vmov s7  }
0xfa: {  	v3 =	vmov s1;
	s7 =	simm.s32 $0x60;
	v7 =	vor.u32 s10, v0;
	v14 =	vor.u32 s14, v0  }
0xfb: {  	s9 =	simm.s32 $0x20;
	s13 =	simm.s32 $0x50;
	s3 =	smul.f32 $3.125000000e-02, s3;
	vm0 =	vge.u32 v9, v2;
	vm1 =	vle.u32 v9, v3;
	v4 =	vor.u32 s7, v0  }
0xfc: {  	[tilespmem:s5+$0xFFFFFFF0] =	vst v5;
	v5 =	vor.u32 s9, v0;
	v9 =	vor.u32 s13, v0;
	vm2 =	vle.u32 v6, v3  }
0xfd: {  	s10 =	simm.s32 $0xB0;
	vm5 =	vge.u32 v7, v2;
	vm6 =	vle.u32 v7, v3;
	vm7 =	vge.u32 v8, v2;
	s3 =	sadd.f32 s3, s15  }
0xfe: {  	vm8 =	vle.u32 v8, v3;
	vm11 =	vge.u32 v10, v2;
	v60 =	vor.u32 s10, v0;
	v11 =	vld [tilespmem:s2+$0xFFFFFF90]  }
0xff: {  	vm12 =	vge.u32 v14, v2;
	vm0 =	vmand vm0, vm1;
	vm1 =	vge.u32 v6, v2;
	v6 =	vld [tilespmem:s2+$0xFFFFFFA0];
	s3 =	smax.f32 s3, $0.0e+00  }
0x100: {  	s13 =	simm.s32 $0xD0;
	vm3 =	vge.u32 v5, v2;
	vm4 =	vle.u32 v5, v3;
	v5 =	vld [tilespmem:s2+$0xFFFFFFB0];
	vm9 =	vge.u32 v9, v2;
	s3 =	smin.f32 s3, $1.000000000e+00  }
0x101: {  	v7 =	vld [tilespmem:s2+$0xFFFFFFC0];
	vm10 =	vle.u32 v9, v3;
	v61 =	vor.u32 s13, v0;
	v1 =	vmov s3  }
0x102: {  	v8 =	vnsel vm0, $0x3F800000, v1;
	vm0 =	vmand vm1, vm2;
	vm1 =	vle.u32 v10, v3  }
0x103: {  	v9 =	vld [tilespmem:s2+$0xFFFFFFD0];
	vm2 =	vmand vm3, vm4;
	v8 =	vmul.f32 v11, v8;
	v11 =	vnsel vm0, $0x3F800000, v1  }
0x104: {  	v10 =	vld [tilespmem:s2+$0xFFFFFFE0];
	v12 =	vnsel vm2, $0x3F800000, v1;
	vm0 =	vmand vm5, vm6;
	vm2 =	vmand vm9, vm10  }
0x105: {  	v6 =	vmul.f32 v6, v11;
	v5 =	vmul.f32 v5, v12;
	v57 =	vnsel vm0, $0x3F800000, v1  }
0x106: {  	vm0 =	vmand vm7, vm8;
	v13 =	vnsel vm2, $0x3F800000, v1;
	v7 =	vmul.f32 v7, v57  }
0x107: {  	v58 =	vnsel vm0, $0x3F800000, v1;
	vm0 =	vmand vm11, vm1;
	vm1 =	vge.u32 v4, v2;
	[tilespmem:s2+$0xFFFFFF90] =	vst v8  }
0x108: {  	s8 =	simm.s32 $0x90;
	s5 =	simm.s32 $0x80;
	v11 =	vld [tilespmem:s2+$0x0];
	v9 =	vmul.f32 v9, v58;
	v59 =	vnsel vm0, $0x3F800000, v1;
	vm0 =	vle.u32 v4, v3;
	[tilespmem:s2+$0xFFFFFFA0] =	vst v6  }
0x109: {  	v4 =	vor.u32 s5, v0;
	[tilespmem:s2+$0xFFFFFFB0] =	vst v5;
	v5 =	vor.u32 s8, v0;
	v10 =	vmul.f32 v10, v13  }
0x10a: {  	s5 =	sadd.s32 $0x400, s2;
	vm0 =	vmand vm1, vm0;
	vm1 =	vge.u32 v4, v2;
	vm2 =	vle.u32 v4, v3;
	[tilespmem:s2+$0xFFFFFFC0] =	vst v7  }
0x10b: {  	vm3 =	vle.u32 v5, v3;
	[tilespmem:s2+$0xFFFFFFD0] =	vst v9;
	vm1 =	vmand vm1, vm2;
	vm2 =	vge.u32 v5, v2;
	v5 =	vld [tilespmem:s5+$0xFFFFFF90]  }
0x10c: {  	s11 =	simm.s32 $0xC0;
	s9 =	simm.s32 $0xA0;
	vm6 =	vge.u32 v60, v2;
	vm10 =	vge.u32 v61, v2;
	vm7 =	vle.u32 v60, v3;
	[tilespmem:s2+$0xFFFFFFE0] =	vst v10;
	v9 =	vld [tilespmem:s5+$0xFFFFFFA0]  }
0x10d: {  	v7 =	vor.u32 s11, v0;
	v8 =	vmul.f32 v11, v59;
	v11 =	vor.u32 s9, v0;
	v10 =	vld [tilespmem:s5+$0xFFFFFFB0]  }
0x10e: {  	vm8 =	vge.u32 v7, v2;
	vm9 =	vle.u32 v7, v3;
	vm4 =	vge.u32 v11, v2;
	v7 =	vld [tilespmem:s5+$0xFFFFFFC0]  }
0x10f: {  	v4 =	vld [tilespmem:s2+$0xFFFFFFF0];
	vm5 =	vle.u32 v11, v3;
	[tilespmem:s2+$0x0] =	vst v8;
	v8 =	vnsel vm1, $0x3F800000, v1;
	vm1 =	vmand vm2, vm3  }
0x110: {  	v11 =	vld [tilespmem:s5+$0xFFFFFFD0];
	v5 =	vmul.f32 v5, v8;
	v8 =	vnsel vm1, $0x3F800000, v1;
	vm1 =	vmand vm4, vm5  }
0x111: {  	s7 =	simm.s32 $0xE0;
	v62 =	vld [tilespmem:s5+$0xFFFFFFE0];
	v8 =	vmul.f32 v9, v8;
	v9 =	vnsel vm1, $0x3F800000, v1;
	vm1 =	vmand vm6, vm7  }
0x112: {  	vm11 =	vle.u32 v61, v3;
	v6 =	vor.u32 s7, v0;
	v63 =	vld [tilespmem:s5+$0x0];
	[tilespmem:s5+$0xFFFFFF90] =	vst v5;
	v5 =	vnsel vm1, $0x3F800000, v1  }
0x113: {  	v9 =	vmul.f32 v10, v9;
	vm1 =	vmand vm8, vm9;
	v7 =	vmul.f32 v7, v5;
	v5 =	vld [tilespmem:s5+$0xFFFFFFF0]  }
0x114: {  	vm2 =	vle.u32 v14, v3;
	[tilespmem:s5+$0xFFFFFFA0] =	vst v8;
	v8 =	vnsel vm1, $0x3F800000, v1;
	vm1 =	vmand vm10, vm11  }
0x115: {  	vm2 =	vmand vm12, vm2;
	[tilespmem:s5+$0xFFFFFFB0] =	vst v9;
	v8 =	vmul.f32 v11, v8;
	v9 =	vnsel vm1, $0x3F800000, v1  }
0x116: {  	vm1 =	vge.u32 v6, v2;
	[tilespmem:s5+$0xFFFFFFC0] =	vst v7;
	v7 =	vmul.f32 v62, v9;
	v9 =	vnsel vm2, $0x3F800000, v1  }
0x117: {  	s1 =	simm.s32 $0x100;
	s7 =	simm.s32 $0x8;
	vm2 =	vle.u32 v6, v3;
	[tilespmem:s5+$0xFFFFFFD0] =	vst v8;
	v6 =	vmul.f32 v63, v9;
	v8 =	vnsel vm0, $0x3F800000, v1  }
.LBB2_15:
0x118: {  	v9 =	vor.u32 s1, v0;
	s3 =	sadd.s32 $0x60, s1;
	[tilespmem:s5+$0xFFFFFFE0] =	vst v7;
	vm0 =	vmand vm1, vm2;
	v7 =	vmul.f32 v4, v8;
	v4 =	vmovc v5  }
0x119: {  	s8 =	sadd.s32 $0x10, s1;
	s9 =	sadd.s32 $0x20, s1;
	s10 =	sadd.s32 $0x30, s1;
	vm1 =	vge.u32 v9, v2;
	vm2 =	vle.u32 v9, v3;
	v8 =	vor.u32 s3, v0;
	[tilespmem:s5+$0x0] =	vst v6  }
0x11a: {  	v5 =	vor.u32 s8, v0;
	v6 =	vor.u32 s9, v0;
	v9 =	vor.u32 s10, v0;
	s3 =	sadd.s32 $0x40, s1;
	s8 =	sadd.s32 $0x50, s1;
	s9 =	sadd.s32 $0x70, s1;
	[tilespmem:s2+$0xFFFFFFF0] =	vst v7  }
0x11b: {  	v7 =	vor.u32 s3, v0;
	v10 =	vor.u32 s8, v0;
	v11 =	vor.u32 s9, v0;
	s2 =	smov.u32 s5;
	s5 =	sadd.s32 $0x400, s5  }
0x11c: {  	vm2 =	vmand vm1, vm2;
	vm3 =	vge.u32 v5, v2;
	vm4 =	vle.u32 v5, v3;
	v12 =	vld [tilespmem:s5+$0xFFFFFF90]  }
0x11d: {  	vm5 =	vge.u32 v6, v2;
	vm6 =	vle.u32 v6, v3;
	vm7 =	vge.u32 v9, v2;
	v5 =	vld [tilespmem:s5+$0xFFFFFFA0]  }
0x11e: {  	vm8 =	vle.u32 v9, v3;
	vm9 =	vge.u32 v7, v2;
	vm10 =	vle.u32 v7, v3;
	v6 =	vld [tilespmem:s5+$0xFFFFFFB0]  }
0x11f: {  	vm11 =	vge.u32 v10, v2;
	vm12 =	vle.u32 v10, v3;
	vm1 =	vge.u32 v11, v2;
	v7 =	vld [tilespmem:s5+$0xFFFFFFC0]  }
0x120: {  	v9 =	vnsel vm2, $0x3F800000, v1;
	vm2 =	vmand vm3, vm4;
	vm3 =	vle.u32 v11, v3;
	v10 =	vld [tilespmem:s5+$0xFFFFFFD0]  }
0x121: {  	s7 =	sadd.s32 $0x8, s7;
	v11 =	vnsel vm2, $0x3F800000, v1;
	vm2 =	vmand vm5, vm6;
	v9 =	vmul.f32 v12, v9;
	v12 =	vld [tilespmem:s5+$0xFFFFFFE0]  }
0x122: {  	p1 =	slt.u32 s7, $0x78;
	v11 =	vmul.f32 v5, v11;
	v5 =	vnsel vm2, $0x3F800000, v1;
	vm2 =	vmand vm7, vm8;
	v13 =	vld [tilespmem:s5+$0x0]  }
.Ltmp6:
0x123: {  	[tilespmem:s5+$0xFFFFFF90] =	vst v9;
	v6 =	vmul.f32 v6, v5;
	v9 =	vnsel vm2, $0x3F800000, v1;
	vm2 =	vmand vm9, vm10;
	v5 =	vld [tilespmem:s5+$0xFFFFFFF0];
	(pc) =	sbr.rel @p1 .LBB2_15-.Ltmp6, $4  }
0x124: {  	[tilespmem:s5+$0xFFFFFFA0] =	vst v11;
	v7 =	vmul.f32 v7, v9;
	v9 =	vnsel vm2, $0x3F800000, v1;
	vm2 =	vmand vm11, vm12  }
0x125: {  	[tilespmem:s5+$0xFFFFFFB0] =	vst v6;
	v6 =	vmul.f32 v10, v9;
	v9 =	vnsel vm2, $0x3F800000, v1;
	vm2 =	vmand vm1, vm3  }
0x126: {  	vm1 =	vge.u32 v8, v2;
	[tilespmem:s5+$0xFFFFFFC0] =	vst v7;
	v7 =	vmul.f32 v12, v9;
	v9 =	vnsel vm2, $0x3F800000, v1  }
0x127: {  	s1 =	sadd.s32 $0x80, s1;
	vm2 =	vle.u32 v8, v3;
	v8 =	vnsel vm0, $0x3F800000, v1;
	[tilespmem:s5+$0xFFFFFFD0] =	vst v6;
	v6 =	vmul.f32 v13, v9  }
0x128: {  	s1 =	sor.u32 $0x5, s21;
	s3 =	ssub.s32 $0x7FA, s21;
	vm0 =	vmand vm1, vm2;
	s14 =	simm.s32 $0x0  }
0x129: {  	[tilespmem:s5+$0xFFFFFFE0] =	vst v7;
	v4 =	vmul.f32 v4, v8;
	s8 =	simm.s32 $0x10;
	s10 =	simm.s32 $0x30;
	s11 =	simm.s32 $0x40;
	v1 =	vnsel vm0, $0x3F800000, v1  }
0x12a: {  	s1 =	smin.u32 s1, s3;
	v9 =	vor.u32 s14, v0;
	[tilespmem:s5+$0x0] =	vst v6;
	v6 =	vor.u32 s8, v0;
	v7 =	vor.u32 s10, v0;
	s14 =	simm.s32 $0x70;
	s10 =	simm.s32 $0xB0  }
0x12b: {  	v8 =	vor.u32 s11, v0;
	s3 =	scvt.s32.f32 s1;
	s7 =	sadd.s32 s20, s1;
	v5 =	vmul.f32 v5, v1;
	s1 =	sxor.u32 $0x7FF, s1;
	v10 =	vor.u32 s14, v0  }
0x12c: {  	s9 =	simm.s32 $0x20;
	v60 =	vor.u32 s10, v0;
	s14 =	simm.s32 $0xF0;
	v2 =	vmov s7;
	v3 =	vmov s1  }
0x12d: {  	s13 =	simm.s32 $0x50;
	[tilespmem:s2+$0xFFFFFFF0] =	vst v4;
	s7 =	simm.s32 $0x60;
	v14 =	vor.u32 s14, v0;
	s3 =	smul.f32 $3.125000000e-02, s3;
	vm0 =	vge.u32 v9, v2;
	vm1 =	vle.u32 v9, v3  }
0x12e: {  	v4 =	vor.u32 s7, v0;
	[tilespmem:s5+$0xFFFFFFF0] =	vst v5;
	v5 =	vor.u32 s9, v0;
	v9 =	vor.u32 s13, v0  }
0x12f: {  	vm2 =	vle.u32 v6, v3;
	vm5 =	vge.u32 v7, v2;
	vm6 =	vle.u32 v7, v3;
	s3 =	sadd.f32 s3, s15  }
0x130: {  	vm7 =	vge.u32 v8, v2;
	vm8 =	vle.u32 v8, v3;
	vm11 =	vge.u32 v10, v2;
	v11 =	vld [tilespmem:s0+$0xFFFFFF90]  }
0x131: {  	vm12 =	vge.u32 v14, v2;
	vm0 =	vmand vm0, vm1;
	vm1 =	vge.u32 v6, v2;
	v6 =	vld [tilespmem:s0+$0xFFFFFFA0];
	s3 =	smax.f32 s3, $0.0e+00  }
0x132: {  	s13 =	simm.s32 $0xD0;
	vm3 =	vge.u32 v5, v2;
	vm4 =	vle.u32 v5, v3;
	v5 =	vld [tilespmem:s0+$0xFFFFFFB0];
	vm9 =	vge.u32 v9, v2;
	s3 =	smin.f32 s3, $1.000000000e+00  }
0x133: {  	v7 =	vld [tilespmem:s0+$0xFFFFFFC0];
	vm10 =	vle.u32 v9, v3;
	v61 =	vor.u32 s13, v0;
	v1 =	vmov s3  }
0x134: {  	v8 =	vnsel vm0, $0x3F800000, v1;
	vm0 =	vmand vm1, vm2;
	vm1 =	vle.u32 v10, v3  }
0x135: {  	v9 =	vld [tilespmem:s0+$0xFFFFFFD0];
	vm2 =	vmand vm3, vm4;
	v8 =	vmul.f32 v11, v8;
	v11 =	vnsel vm0, $0x3F800000, v1  }
0x136: {  	v10 =	vld [tilespmem:s0+$0xFFFFFFE0];
	v12 =	vnsel vm2, $0x3F800000, v1;
	vm0 =	vmand vm5, vm6;
	vm2 =	vmand vm9, vm10  }
0x137: {  	v6 =	vmul.f32 v6, v11;
	v5 =	vmul.f32 v5, v12;
	v57 =	vnsel vm0, $0x3F800000, v1  }
0x138: {  	vm0 =	vmand vm7, vm8;
	v13 =	vnsel vm2, $0x3F800000, v1;
	v7 =	vmul.f32 v7, v57  }
0x139: {  	v58 =	vnsel vm0, $0x3F800000, v1;
	vm0 =	vmand vm11, vm1;
	vm1 =	vge.u32 v4, v2;
	[tilespmem:s0+$0xFFFFFF90] =	vst v8  }
0x13a: {  	s8 =	simm.s32 $0x90;
	s5 =	simm.s32 $0x80;
	v11 =	vld [tilespmem:s0+$0x0];
	v9 =	vmul.f32 v9, v58;
	v59 =	vnsel vm0, $0x3F800000, v1;
	vm0 =	vle.u32 v4, v3;
	[tilespmem:s0+$0xFFFFFFA0] =	vst v6  }
0x13b: {  	v4 =	vor.u32 s5, v0;
	[tilespmem:s0+$0xFFFFFFB0] =	vst v5;
	v5 =	vor.u32 s8, v0;
	v10 =	vmul.f32 v10, v13  }
0x13c: {  	s2 =	sadd.s32 $0x400, s0;
	vm0 =	vmand vm1, vm0;
	vm1 =	vge.u32 v4, v2;
	vm2 =	vle.u32 v4, v3;
	[tilespmem:s0+$0xFFFFFFC0] =	vst v7  }
0x13d: {  	vm3 =	vle.u32 v5, v3;
	[tilespmem:s0+$0xFFFFFFD0] =	vst v9;
	vm1 =	vmand vm1, vm2;
	vm2 =	vge.u32 v5, v2;
	v5 =	vld [tilespmem:s2+$0xFFFFFF90]  }
0x13e: {  	s11 =	simm.s32 $0xC0;
	s9 =	simm.s32 $0xA0;
	vm6 =	vge.u32 v60, v2;
	vm10 =	vge.u32 v61, v2;
	vm7 =	vle.u32 v60, v3;
	[tilespmem:s0+$0xFFFFFFE0] =	vst v10;
	v9 =	vld [tilespmem:s2+$0xFFFFFFA0]  }
0x13f: {  	v7 =	vor.u32 s11, v0;
	v8 =	vmul.f32 v11, v59;
	v11 =	vor.u32 s9, v0;
	v10 =	vld [tilespmem:s2+$0xFFFFFFB0]  }
0x140: {  	vm8 =	vge.u32 v7, v2;
	vm9 =	vle.u32 v7, v3;
	vm4 =	vge.u32 v11, v2;
	v7 =	vld [tilespmem:s2+$0xFFFFFFC0]  }
0x141: {  	v4 =	vld [tilespmem:s0+$0xFFFFFFF0];
	vm5 =	vle.u32 v11, v3;
	[tilespmem:s0+$0x0] =	vst v8;
	v8 =	vnsel vm1, $0x3F800000, v1;
	vm1 =	vmand vm2, vm3  }
0x142: {  	v11 =	vld [tilespmem:s2+$0xFFFFFFD0];
	v5 =	vmul.f32 v5, v8;
	v8 =	vnsel vm1, $0x3F800000, v1;
	vm1 =	vmand vm4, vm5  }
0x143: {  	s7 =	simm.s32 $0xE0;
	v62 =	vld [tilespmem:s2+$0xFFFFFFE0];
	v8 =	vmul.f32 v9, v8;
	v9 =	vnsel vm1, $0x3F800000, v1;
	vm1 =	vmand vm6, vm7  }
0x144: {  	vm11 =	vle.u32 v61, v3;
	v6 =	vor.u32 s7, v0;
	v63 =	vld [tilespmem:s2+$0x0];
	[tilespmem:s2+$0xFFFFFF90] =	vst v5;
	v5 =	vnsel vm1, $0x3F800000, v1  }
0x145: {  	v9 =	vmul.f32 v10, v9;
	vm1 =	vmand vm8, vm9;
	v7 =	vmul.f32 v7, v5;
	v5 =	vld [tilespmem:s2+$0xFFFFFFF0]  }
0x146: {  	vm2 =	vle.u32 v14, v3;
	[tilespmem:s2+$0xFFFFFFA0] =	vst v8;
	v8 =	vnsel vm1, $0x3F800000, v1;
	vm1 =	vmand vm10, vm11  }
0x147: {  	vm2 =	vmand vm12, vm2;
	[tilespmem:s2+$0xFFFFFFB0] =	vst v9;
	v8 =	vmul.f32 v11, v8;
	v9 =	vnsel vm1, $0x3F800000, v1  }
0x148: {  	vm1 =	vge.u32 v6, v2;
	[tilespmem:s2+$0xFFFFFFC0] =	vst v7;
	v7 =	vmul.f32 v62, v9;
	v9 =	vnsel vm2, $0x3F800000, v1  }
0x149: {  	s1 =	simm.s32 $0x100;
	s5 =	simm.s32 $0x8;
	vm2 =	vle.u32 v6, v3;
	[tilespmem:s2+$0xFFFFFFD0] =	vst v8;
	v6 =	vmul.f32 v63, v9;
	v8 =	vnsel vm0, $0x3F800000, v1  }
.LBB2_17:
0x14a: {  	v9 =	vor.u32 s1, v0;
	s3 =	sadd.s32 $0x60, s1;
	[tilespmem:s2+$0xFFFFFFE0] =	vst v7;
	vm0 =	vmand vm1, vm2;
	v7 =	vmul.f32 v4, v8;
	v4 =	vmovc v5  }
0x14b: {  	s7 =	sadd.s32 $0x10, s1;
	s8 =	sadd.s32 $0x20, s1;
	s9 =	sadd.s32 $0x30, s1;
	vm1 =	vge.u32 v9, v2;
	vm2 =	vle.u32 v9, v3;
	v8 =	vor.u32 s3, v0;
	[tilespmem:s2+$0x0] =	vst v6  }
0x14c: {  	v5 =	vor.u32 s7, v0;
	v6 =	vor.u32 s8, v0;
	v9 =	vor.u32 s9, v0;
	s3 =	sadd.s32 $0x40, s1;
	s7 =	sadd.s32 $0x50, s1;
	s8 =	sadd.s32 $0x70, s1;
	[tilespmem:s0+$0xFFFFFFF0] =	vst v7  }
0x14d: {  	v7 =	vor.u32 s3, v0;
	v10 =	vor.u32 s7, v0;
	v11 =	vor.u32 s8, v0;
	s0 =	smov.u32 s2;
	s2 =	sadd.s32 $0x400, s2  }
0x14e: {  	vm2 =	vmand vm1, vm2;
	vm3 =	vge.u32 v5, v2;
	vm4 =	vle.u32 v5, v3;
	v12 =	vld [tilespmem:s2+$0xFFFFFF90]  }
0x14f: {  	vm5 =	vge.u32 v6, v2;
	vm6 =	vle.u32 v6, v3;
	vm7 =	vge.u32 v9, v2;
	v5 =	vld [tilespmem:s2+$0xFFFFFFA0]  }
0x150: {  	vm8 =	vle.u32 v9, v3;
	vm9 =	vge.u32 v7, v2;
	vm10 =	vle.u32 v7, v3;
	v6 =	vld [tilespmem:s2+$0xFFFFFFB0]  }
0x151: {  	vm11 =	vge.u32 v10, v2;
	vm12 =	vle.u32 v10, v3;
	vm1 =	vge.u32 v11, v2;
	v7 =	vld [tilespmem:s2+$0xFFFFFFC0]  }
0x152: {  	v9 =	vnsel vm2, $0x3F800000, v1;
	vm2 =	vmand vm3, vm4;
	vm3 =	vle.u32 v11, v3;
	v10 =	vld [tilespmem:s2+$0xFFFFFFD0]  }
0x153: {  	s5 =	sadd.s32 $0x8, s5;
	v11 =	vnsel vm2, $0x3F800000, v1;
	vm2 =	vmand vm5, vm6;
	v9 =	vmul.f32 v12, v9;
	v12 =	vld [tilespmem:s2+$0xFFFFFFE0]  }
0x154: {  	p1 =	slt.u32 s5, $0x78;
	v11 =	vmul.f32 v5, v11;
	v5 =	vnsel vm2, $0x3F800000, v1;
	vm2 =	vmand vm7, vm8;
	v13 =	vld [tilespmem:s2+$0x0]  }
.Ltmp7:
0x155: {  	[tilespmem:s2+$0xFFFFFF90] =	vst v9;
	v6 =	vmul.f32 v6, v5;
	v9 =	vnsel vm2, $0x3F800000, v1;
	vm2 =	vmand vm9, vm10;
	v5 =	vld [tilespmem:s2+$0xFFFFFFF0];
	(pc) =	sbr.rel @p1 .LBB2_17-.Ltmp7, $4  }
0x156: {  	[tilespmem:s2+$0xFFFFFFA0] =	vst v11;
	v7 =	vmul.f32 v7, v9;
	v9 =	vnsel vm2, $0x3F800000, v1;
	vm2 =	vmand vm11, vm12  }
0x157: {  	[tilespmem:s2+$0xFFFFFFB0] =	vst v6;
	v6 =	vmul.f32 v10, v9;
	v9 =	vnsel vm2, $0x3F800000, v1;
	vm2 =	vmand vm1, vm3  }
0x158: {  	vm1 =	vge.u32 v8, v2;
	[tilespmem:s2+$0xFFFFFFC0] =	vst v7;
	v7 =	vmul.f32 v12, v9;
	v9 =	vnsel vm2, $0x3F800000, v1  }
0x159: {  	s1 =	sadd.s32 $0x80, s1;
	vm2 =	vle.u32 v8, v3;
	v8 =	vnsel vm0, $0x3F800000, v1;
	[tilespmem:s2+$0xFFFFFFD0] =	vst v6;
	v6 =	vmul.f32 v13, v9  }
0x15a: {  	s1 =	sor.u32 $0x6, s21;
	s3 =	ssub.s32 $0x7F9, s21;
	vm0 =	vmand vm1, vm2;
	s8 =	simm.s32 $0x0  }
0x15b: {  	[tilespmem:s2+$0xFFFFFFE0] =	vst v7;
	v4 =	vmul.f32 v4, v8;
	s9 =	simm.s32 $0x60;
	s10 =	simm.s32 $0x10;
	s13 =	simm.s32 $0x30;
	v1 =	vnsel vm0, $0x3F800000, v1  }
0x15c: {  	s14 =	simm.s32 $0x40;
	s1 =	smin.u32 s1, s3;
	v9 =	vor.u32 s8, v0;
	[tilespmem:s2+$0x0] =	vst v6;
	v6 =	vor.u32 s10, v0;
	v7 =	vor.u32 s13, v0;
	s10 =	simm.s32 $0xB0  }
0x15d: {  	v8 =	vor.u32 s14, v0;
	s13 =	simm.s32 $0xD0;
	s3 =	scvt.s32.f32 s1;
	s5 =	sadd.s32 s20, s1;
	v5 =	vmul.f32 v5, v1;
	[tilespmem:s0+$0xFFFFFFF0] =	vst v4;
	v4 =	vor.u32 s9, v0  }
0x15e: {  	s14 =	simm.s32 $0xF0;
	s1 =	sxor.u32 $0x7FF, s1;
	v60 =	vor.u32 s10, v0;
	v61 =	vor.u32 s13, v0;
	v2 =	vmov s5  }
0x15f: {  	s11 =	simm.s32 $0x20;
	v14 =	vor.u32 s14, v0;
	v3 =	vmov s1;
	s1 =	simm.s32 $0x50;
	s3 =	smul.f32 $3.125000000e-02, s3;
	vm0 =	vge.u32 v9, v2  }
0x160: {  	vm1 =	vle.u32 v9, v3;
	[tilespmem:s2+$0xFFFFFFF0] =	vst v5;
	v5 =	vor.u32 s11, v0;
	v9 =	vor.u32 s1, v0  }
0x161: {  	vm2 =	vle.u32 v6, v3;
	vm5 =	vge.u32 v7, v2;
	vm6 =	vle.u32 v7, v3;
	s3 =	sadd.f32 s3, s15  }
0x162: {  	s2 =	simm.s32 $0x70;
	vm7 =	vge.u32 v8, v2;
	vm8 =	vle.u32 v8, v3;
	vm12 =	vge.u32 v14, v2;
	v11 =	vld [tilespmem:s31+$0xFFFFFF90]  }
0x163: {  	v10 =	vor.u32 s2, v0;
	vm0 =	vmand vm0, vm1;
	vm1 =	vge.u32 v6, v2;
	v6 =	vld [tilespmem:s31+$0xFFFFFFA0];
	s3 =	smax.f32 s3, $0.0e+00  }
0x164: {  	vm3 =	vge.u32 v5, v2;
	vm4 =	vle.u32 v5, v3;
	v5 =	vld [tilespmem:s31+$0xFFFFFFB0];
	vm9 =	vge.u32 v9, v2;
	s3 =	smin.f32 s3, $1.000000000e+00  }
0x165: {  	v7 =	vld [tilespmem:s31+$0xFFFFFFC0];
	vm10 =	vle.u32 v9, v3;
	vm11 =	vge.u32 v10, v2;
	v1 =	vmov s3  }
0x166: {  	v8 =	vnsel vm0, $0x3F800000, v1;
	vm0 =	vmand vm1, vm2;
	vm1 =	vle.u32 v10, v3  }
0x167: {  	v9 =	vld [tilespmem:s31+$0xFFFFFFD0];
	vm2 =	vmand vm3, vm4;
	v8 =	vmul.f32 v11, v8;
	v11 =	vnsel vm0, $0x3F800000, v1  }
0x168: {  	v10 =	vld [tilespmem:s31+$0xFFFFFFE0];
	v12 =	vnsel vm2, $0x3F800000, v1;
	vm0 =	vmand vm5, vm6;
	vm2 =	vmand vm9, vm10  }
0x169: {  	v6 =	vmul.f32 v6, v11;
	v5 =	vmul.f32 v5, v12;
	v57 =	vnsel vm0, $0x3F800000, v1  }
0x16a: {  	vm0 =	vmand vm7, vm8;
	v13 =	vnsel vm2, $0x3F800000, v1;
	v7 =	vmul.f32 v7, v57  }
0x16b: {  	v58 =	vnsel vm0, $0x3F800000, v1;
	vm0 =	vmand vm11, vm1;
	vm1 =	vge.u32 v4, v2;
	[tilespmem:s31+$0xFFFFFF90] =	vst v8  }
0x16c: {  	s8 =	simm.s32 $0x90;
	s5 =	simm.s32 $0x80;
	v11 =	vld [tilespmem:s31+$0x0];
	v9 =	vmul.f32 v9, v58;
	v59 =	vnsel vm0, $0x3F800000, v1;
	vm0 =	vle.u32 v4, v3;
	[tilespmem:s31+$0xFFFFFFA0] =	vst v6  }
0x16d: {  	v4 =	vor.u32 s5, v0;
	[tilespmem:s31+$0xFFFFFFB0] =	vst v5;
	v5 =	vor.u32 s8, v0;
	v10 =	vmul.f32 v10, v13  }
0x16e: {  	s0 =	sadd.s32 $0x400, s31;
	vm0 =	vmand vm1, vm0;
	vm1 =	vge.u32 v4, v2;
	vm2 =	vle.u32 v4, v3;
	[tilespmem:s31+$0xFFFFFFC0] =	vst v7  }
0x16f: {  	vm3 =	vle.u32 v5, v3;
	[tilespmem:s31+$0xFFFFFFD0] =	vst v9;
	vm1 =	vmand vm1, vm2;
	vm2 =	vge.u32 v5, v2;
	v5 =	vld [tilespmem:s0+$0xFFFFFF90]  }
0x170: {  	s9 =	simm.s32 $0xA0;
	s11 =	simm.s32 $0xC0;
	vm6 =	vge.u32 v60, v2;
	vm10 =	vge.u32 v61, v2;
	vm7 =	vle.u32 v60, v3;
	[tilespmem:s31+$0xFFFFFFE0] =	vst v10;
	v9 =	vld [tilespmem:s0+$0xFFFFFFA0]  }
0x171: {  	v7 =	vor.u32 s11, v0;
	v8 =	vmul.f32 v11, v59;
	v11 =	vor.u32 s9, v0;
	v10 =	vld [tilespmem:s0+$0xFFFFFFB0]  }
0x172: {  	vm8 =	vge.u32 v7, v2;
	vm9 =	vle.u32 v7, v3;
	vm4 =	vge.u32 v11, v2;
	v7 =	vld [tilespmem:s0+$0xFFFFFFC0]  }
0x173: {  	v4 =	vld [tilespmem:s31+$0xFFFFFFF0];
	vm5 =	vle.u32 v11, v3;
	[tilespmem:s31+$0x0] =	vst v8;
	v8 =	vnsel vm1, $0x3F800000, v1;
	vm1 =	vmand vm2, vm3  }
0x174: {  	v11 =	vld [tilespmem:s0+$0xFFFFFFD0];
	v5 =	vmul.f32 v5, v8;
	v8 =	vnsel vm1, $0x3F800000, v1;
	vm1 =	vmand vm4, vm5  }
0x175: {  	s7 =	simm.s32 $0xE0;
	v62 =	vld [tilespmem:s0+$0xFFFFFFE0];
	v8 =	vmul.f32 v9, v8;
	v9 =	vnsel vm1, $0x3F800000, v1;
	vm1 =	vmand vm6, vm7  }
0x176: {  	vm11 =	vle.u32 v61, v3;
	v6 =	vor.u32 s7, v0;
	v63 =	vld [tilespmem:s0+$0x0];
	[tilespmem:s0+$0xFFFFFF90] =	vst v5;
	v5 =	vnsel vm1, $0x3F800000, v1  }
0x177: {  	v9 =	vmul.f32 v10, v9;
	vm1 =	vmand vm8, vm9;
	v7 =	vmul.f32 v7, v5;
	v5 =	vld [tilespmem:s0+$0xFFFFFFF0]  }
0x178: {  	vm2 =	vle.u32 v14, v3;
	[tilespmem:s0+$0xFFFFFFA0] =	vst v8;
	v8 =	vnsel vm1, $0x3F800000, v1;
	vm1 =	vmand vm10, vm11  }
0x179: {  	vm2 =	vmand vm12, vm2;
	[tilespmem:s0+$0xFFFFFFB0] =	vst v9;
	v8 =	vmul.f32 v11, v8;
	v9 =	vnsel vm1, $0x3F800000, v1  }
0x17a: {  	vm1 =	vge.u32 v6, v2;
	[tilespmem:s0+$0xFFFFFFC0] =	vst v7;
	v7 =	vmul.f32 v62, v9;
	v9 =	vnsel vm2, $0x3F800000, v1  }
0x17b: {  	s1 =	simm.s32 $0x100;
	s2 =	simm.s32 $0x8;
	vm2 =	vle.u32 v6, v3;
	[tilespmem:s0+$0xFFFFFFD0] =	vst v8;
	v6 =	vmul.f32 v63, v9;
	v8 =	vnsel vm0, $0x3F800000, v1  }
.LBB2_19:
0x17c: {  	v9 =	vor.u32 s1, v0;
	s3 =	sadd.s32 $0x60, s1;
	[tilespmem:s0+$0xFFFFFFE0] =	vst v7;
	vm0 =	vmand vm1, vm2;
	v7 =	vmul.f32 v4, v8;
	v4 =	vmovc v5  }
0x17d: {  	s5 =	sadd.s32 $0x10, s1;
	s7 =	sadd.s32 $0x20, s1;
	s8 =	sadd.s32 $0x30, s1;
	vm1 =	vge.u32 v9, v2;
	vm2 =	vle.u32 v9, v3;
	v8 =	vor.u32 s3, v0;
	[tilespmem:s0+$0x0] =	vst v6  }
0x17e: {  	v5 =	vor.u32 s5, v0;
	v6 =	vor.u32 s7, v0;
	v9 =	vor.u32 s8, v0;
	s3 =	sadd.s32 $0x40, s1;
	s5 =	sadd.s32 $0x50, s1;
	s7 =	sadd.s32 $0x70, s1;
	[tilespmem:s31+$0xFFFFFFF0] =	vst v7  }
0x17f: {  	v7 =	vor.u32 s3, v0;
	v10 =	vor.u32 s5, v0;
	v11 =	vor.u32 s7, v0;
	s31 =	smov.u32 s0;
	s0 =	sadd.s32 $0x400, s0  }
0x180: {  	vm2 =	vmand vm1, vm2;
	vm3 =	vge.u32 v5, v2;
	vm4 =	vle.u32 v5, v3;
	v12 =	vld [tilespmem:s0+$0xFFFFFF90]  }
0x181: {  	vm5 =	vge.u32 v6, v2;
	vm6 =	vle.u32 v6, v3;
	vm7 =	vge.u32 v9, v2;
	v5 =	vld [tilespmem:s0+$0xFFFFFFA0]  }
0x182: {  	vm8 =	vle.u32 v9, v3;
	vm9 =	vge.u32 v7, v2;
	vm10 =	vle.u32 v7, v3;
	v6 =	vld [tilespmem:s0+$0xFFFFFFB0]  }
0x183: {  	vm11 =	vge.u32 v10, v2;
	vm12 =	vle.u32 v10, v3;
	vm1 =	vge.u32 v11, v2;
	v7 =	vld [tilespmem:s0+$0xFFFFFFC0]  }
0x184: {  	v9 =	vnsel vm2, $0x3F800000, v1;
	vm2 =	vmand vm3, vm4;
	vm3 =	vle.u32 v11, v3;
	v10 =	vld [tilespmem:s0+$0xFFFFFFD0]  }
0x185: {  	s2 =	sadd.s32 $0x8, s2;
	v11 =	vnsel vm2, $0x3F800000, v1;
	vm2 =	vmand vm5, vm6;
	v9 =	vmul.f32 v12, v9;
	v12 =	vld [tilespmem:s0+$0xFFFFFFE0]  }
0x186: {  	p1 =	slt.u32 s2, $0x78;
	v11 =	vmul.f32 v5, v11;
	v5 =	vnsel vm2, $0x3F800000, v1;
	vm2 =	vmand vm7, vm8;
	v13 =	vld [tilespmem:s0+$0x0]  }
.Ltmp8:
0x187: {  	[tilespmem:s0+$0xFFFFFF90] =	vst v9;
	v6 =	vmul.f32 v6, v5;
	v9 =	vnsel vm2, $0x3F800000, v1;
	vm2 =	vmand vm9, vm10;
	v5 =	vld [tilespmem:s0+$0xFFFFFFF0];
	(pc) =	sbr.rel @p1 .LBB2_19-.Ltmp8, $4  }
0x188: {  	[tilespmem:s0+$0xFFFFFFA0] =	vst v11;
	v7 =	vmul.f32 v7, v9;
	v9 =	vnsel vm2, $0x3F800000, v1;
	vm2 =	vmand vm11, vm12  }
0x189: {  	[tilespmem:s0+$0xFFFFFFB0] =	vst v6;
	v6 =	vmul.f32 v10, v9;
	v9 =	vnsel vm2, $0x3F800000, v1;
	vm2 =	vmand vm1, vm3  }
0x18a: {  	vm1 =	vge.u32 v8, v2;
	[tilespmem:s0+$0xFFFFFFC0] =	vst v7;
	v7 =	vmul.f32 v12, v9;
	v9 =	vnsel vm2, $0x3F800000, v1  }
0x18b: {  	s1 =	sadd.s32 $0x80, s1;
	vm2 =	vle.u32 v8, v3;
	v8 =	vnsel vm0, $0x3F800000, v1;
	[tilespmem:s0+$0xFFFFFFD0] =	vst v6;
	v6 =	vmul.f32 v13, v9  }
0x18c: {  	s1 =	sor.u32 $0x7, s21;
	s2 =	ssub.s32 $0x7F8, s21;
	vm0 =	vmand vm1, vm2;
	s9 =	simm.s32 $0x0  }
0x18d: {  	[tilespmem:s0+$0xFFFFFFE0] =	vst v7;
	v4 =	vmul.f32 v4, v8;
	s10 =	simm.s32 $0x60;
	s11 =	simm.s32 $0x10;
	s14 =	simm.s32 $0x30;
	v2 =	vnsel vm0, $0x3F800000, v1  }
0x18e: {  	s5 =	simm.s32 $0x70;
	s1 =	smin.u32 s1, s2;
	v9 =	vor.u32 s9, v0;
	[tilespmem:s0+$0x0] =	vst v6;
	v6 =	vor.u32 s11, v0;
	v7 =	vor.u32 s14, v0;
	s11 =	simm.s32 $0xB0  }
0x18f: {  	v10 =	vor.u32 s5, v0;
	s14 =	simm.s32 $0xD0;
	s2 =	scvt.s32.f32 s1;
	s3 =	sadd.s32 s20, s1;
	v5 =	vmul.f32 v5, v2;
	[tilespmem:s31+$0xFFFFFFF0] =	vst v4;
	v4 =	vor.u32 s10, v0  }
0x190: {  	s1 =	sxor.u32 $0x7FF, s1;
	s31 =	simm.s32 $0x40;
	v60 =	vor.u32 s11, v0;
	v61 =	vor.u32 s14, v0;
	v1 =	vmov s3  }
0x191: {  	s13 =	simm.s32 $0x20;
	v3 =	vmov s1;
	s3 =	simm.s32 $0x50;
	v8 =	vor.u32 s31, v0;
	s2 =	smul.f32 $3.125000000e-02, s2;
	vm0 =	vge.u32 v9, v1  }
0x192: {  	vm1 =	vle.u32 v9, v3;
	[tilespmem:s0+$0xFFFFFFF0] =	vst v5;
	v5 =	vor.u32 s13, v0;
	v9 =	vor.u32 s3, v0  }
0x193: {  	vm2 =	vle.u32 v6, v3;
	vm5 =	vge.u32 v7, v1;
	vm6 =	vle.u32 v7, v3;
	s2 =	sadd.f32 s2, s15  }
0x194: {  	s31 =	simm.s32 $0xF0;
	vm7 =	vge.u32 v8, v1;
	vm8 =	vle.u32 v8, v3;
	vm11 =	vge.u32 v10, v1;
	v11 =	vld [tilespmem:s30+$0xFFFFFF90]  }
0x195: {  	v14 =	vor.u32 s31, v0;
	vm0 =	vmand vm0, vm1;
	vm1 =	vge.u32 v6, v1;
	v6 =	vld [tilespmem:s30+$0xFFFFFFA0];
	s2 =	smax.f32 s2, $0.0e+00  }
0x196: {  	vm3 =	vge.u32 v5, v1;
	vm4 =	vle.u32 v5, v3;
	v5 =	vld [tilespmem:s30+$0xFFFFFFB0];
	vm9 =	vge.u32 v9, v1;
	s2 =	smin.f32 s2, $1.000000000e+00  }
0x197: {  	v7 =	vld [tilespmem:s30+$0xFFFFFFC0];
	vm10 =	vle.u32 v9, v3;
	vm12 =	vge.u32 v14, v1;
	v2 =	vmov s2  }
0x198: {  	v8 =	vnsel vm0, $0x3F800000, v2;
	vm0 =	vmand vm1, vm2;
	vm1 =	vle.u32 v10, v3  }
0x199: {  	v9 =	vld [tilespmem:s30+$0xFFFFFFD0];
	vm2 =	vmand vm3, vm4;
	v8 =	vmul.f32 v11, v8;
	v11 =	vnsel vm0, $0x3F800000, v2  }
0x19a: {  	v10 =	vld [tilespmem:s30+$0xFFFFFFE0];
	v12 =	vnsel vm2, $0x3F800000, v2;
	vm0 =	vmand vm5, vm6;
	vm2 =	vmand vm9, vm10  }
0x19b: {  	v6 =	vmul.f32 v6, v11;
	v5 =	vmul.f32 v5, v12;
	v57 =	vnsel vm0, $0x3F800000, v2  }
0x19c: {  	vm0 =	vmand vm7, vm8;
	v13 =	vnsel vm2, $0x3F800000, v2;
	v7 =	vmul.f32 v7, v57  }
0x19d: {  	v58 =	vnsel vm0, $0x3F800000, v2;
	vm0 =	vmand vm11, vm1;
	vm1 =	vge.u32 v4, v1;
	[tilespmem:s30+$0xFFFFFF90] =	vst v8  }
0x19e: {  	s7 =	simm.s32 $0x80;
	s9 =	simm.s32 $0x90;
	v11 =	vld [tilespmem:s30+$0x0];
	v9 =	vmul.f32 v9, v58;
	v59 =	vnsel vm0, $0x3F800000, v2;
	vm0 =	vle.u32 v4, v3;
	[tilespmem:s30+$0xFFFFFFA0] =	vst v6  }
0x19f: {  	v4 =	vor.u32 s7, v0;
	[tilespmem:s30+$0xFFFFFFB0] =	vst v5;
	v5 =	vor.u32 s9, v0;
	v10 =	vmul.f32 v10, v13  }
0x1a0: {  	s0 =	sadd.s32 $0x400, s30;
	vm0 =	vmand vm1, vm0;
	vm1 =	vge.u32 v4, v1;
	vm2 =	vle.u32 v4, v3;
	[tilespmem:s30+$0xFFFFFFC0] =	vst v7  }
0x1a1: {  	vm3 =	vle.u32 v5, v3;
	[tilespmem:s30+$0xFFFFFFD0] =	vst v9;
	vm1 =	vmand vm1, vm2;
	vm2 =	vge.u32 v5, v1;
	v5 =	vld [tilespmem:s0+$0xFFFFFF90]  }
0x1a2: {  	s10 =	simm.s32 $0xA0;
	s13 =	simm.s32 $0xC0;
	vm6 =	vge.u32 v60, v1;
	vm10 =	vge.u32 v61, v1;
	vm7 =	vle.u32 v60, v3;
	[tilespmem:s30+$0xFFFFFFE0] =	vst v10;
	v9 =	vld [tilespmem:s0+$0xFFFFFFA0]  }
0x1a3: {  	v7 =	vor.u32 s13, v0;
	v8 =	vmul.f32 v11, v59;
	v11 =	vor.u32 s10, v0;
	v10 =	vld [tilespmem:s0+$0xFFFFFFB0]  }
0x1a4: {  	vm8 =	vge.u32 v7, v1;
	vm9 =	vle.u32 v7, v3;
	vm4 =	vge.u32 v11, v1;
	v7 =	vld [tilespmem:s0+$0xFFFFFFC0]  }
0x1a5: {  	v4 =	vld [tilespmem:s30+$0xFFFFFFF0];
	vm5 =	vle.u32 v11, v3;
	[tilespmem:s30+$0x0] =	vst v8;
	v8 =	vnsel vm1, $0x3F800000, v2;
	vm1 =	vmand vm2, vm3  }
0x1a6: {  	v11 =	vld [tilespmem:s0+$0xFFFFFFD0];
	v5 =	vmul.f32 v5, v8;
	v8 =	vnsel vm1, $0x3F800000, v2;
	vm1 =	vmand vm4, vm5  }
0x1a7: {  	s8 =	simm.s32 $0xE0;
	v62 =	vld [tilespmem:s0+$0xFFFFFFE0];
	v8 =	vmul.f32 v9, v8;
	v9 =	vnsel vm1, $0x3F800000, v2;
	vm1 =	vmand vm6, vm7  }
0x1a8: {  	vm11 =	vle.u32 v61, v3;
	v6 =	vor.u32 s8, v0;
	v63 =	vld [tilespmem:s0+$0x0];
	[tilespmem:s0+$0xFFFFFF90] =	vst v5;
	v5 =	vnsel vm1, $0x3F800000, v2  }
0x1a9: {  	v9 =	vmul.f32 v10, v9;
	vm1 =	vmand vm8, vm9;
	v7 =	vmul.f32 v7, v5;
	v5 =	vld [tilespmem:s0+$0xFFFFFFF0]  }
0x1aa: {  	vm2 =	vle.u32 v14, v3;
	[tilespmem:s0+$0xFFFFFFA0] =	vst v8;
	v8 =	vnsel vm1, $0x3F800000, v2;
	vm1 =	vmand vm10, vm11  }
0x1ab: {  	vm2 =	vmand vm12, vm2;
	[tilespmem:s0+$0xFFFFFFB0] =	vst v9;
	v8 =	vmul.f32 v11, v8;
	v9 =	vnsel vm1, $0x3F800000, v2  }
0x1ac: {  	vm1 =	vge.u32 v6, v1;
	[tilespmem:s0+$0xFFFFFFC0] =	vst v7;
	v7 =	vmul.f32 v62, v9;
	v9 =	vnsel vm2, $0x3F800000, v2  }
0x1ad: {  	s1 =	simm.s32 $0x100;
	s2 =	simm.s32 $0x8;
	vm2 =	vle.u32 v6, v3;
	[tilespmem:s0+$0xFFFFFFD0] =	vst v8;
	v6 =	vmul.f32 v63, v9;
	v8 =	vnsel vm0, $0x3F800000, v2  }
.LBB2_21:
0x1ae: {  	v9 =	vor.u32 s1, v0;
	s3 =	sadd.s32 $0x60, s1;
	[tilespmem:s0+$0xFFFFFFE0] =	vst v7;
	vm0 =	vmand vm1, vm2;
	v7 =	vmul.f32 v4, v8;
	v4 =	vmovc v5  }
0x1af: {  	s5 =	sadd.s32 $0x10, s1;
	s7 =	sadd.s32 $0x20, s1;
	s8 =	sadd.s32 $0x30, s1;
	vm1 =	vge.u32 v9, v1;
	vm2 =	vle.u32 v9, v3;
	v8 =	vor.u32 s3, v0;
	[tilespmem:s0+$0x0] =	vst v6  }
0x1b0: {  	v5 =	vor.u32 s5, v0;
	v6 =	vor.u32 s7, v0;
	v9 =	vor.u32 s8, v0;
	s3 =	sadd.s32 $0x40, s1;
	s5 =	sadd.s32 $0x50, s1;
	s7 =	sadd.s32 $0x70, s1;
	[tilespmem:s30+$0xFFFFFFF0] =	vst v7  }
0x1b1: {  	v7 =	vor.u32 s3, v0;
	v10 =	vor.u32 s5, v0;
	v11 =	vor.u32 s7, v0;
	s30 =	smov.u32 s0;
	s0 =	sadd.s32 $0x400, s0  }
0x1b2: {  	vm2 =	vmand vm1, vm2;
	vm3 =	vge.u32 v5, v1;
	vm4 =	vle.u32 v5, v3;
	v12 =	vld [tilespmem:s0+$0xFFFFFF90]  }
0x1b3: {  	vm5 =	vge.u32 v6, v1;
	vm6 =	vle.u32 v6, v3;
	vm7 =	vge.u32 v9, v1;
	v5 =	vld [tilespmem:s0+$0xFFFFFFA0]  }
0x1b4: {  	vm8 =	vle.u32 v9, v3;
	vm9 =	vge.u32 v7, v1;
	vm10 =	vle.u32 v7, v3;
	v6 =	vld [tilespmem:s0+$0xFFFFFFB0]  }
0x1b5: {  	vm11 =	vge.u32 v10, v1;
	vm12 =	vle.u32 v10, v3;
	vm1 =	vge.u32 v11, v1;
	v7 =	vld [tilespmem:s0+$0xFFFFFFC0]  }
0x1b6: {  	v9 =	vnsel vm2, $0x3F800000, v2;
	vm2 =	vmand vm3, vm4;
	vm3 =	vle.u32 v11, v3;
	v10 =	vld [tilespmem:s0+$0xFFFFFFD0]  }
0x1b7: {  	s2 =	sadd.s32 $0x8, s2;
	v11 =	vnsel vm2, $0x3F800000, v2;
	vm2 =	vmand vm5, vm6;
	v9 =	vmul.f32 v12, v9;
	v12 =	vld [tilespmem:s0+$0xFFFFFFE0]  }
0x1b8: {  	p1 =	slt.u32 s2, $0x78;
	v11 =	vmul.f32 v5, v11;
	v5 =	vnsel vm2, $0x3F800000, v2;
	vm2 =	vmand vm7, vm8;
	v13 =	vld [tilespmem:s0+$0x0]  }
.Ltmp9:
0x1b9: {  	[tilespmem:s0+$0xFFFFFF90] =	vst v9;
	v6 =	vmul.f32 v6, v5;
	v9 =	vnsel vm2, $0x3F800000, v2;
	vm2 =	vmand vm9, vm10;
	v5 =	vld [tilespmem:s0+$0xFFFFFFF0];
	(pc) =	sbr.rel @p1 .LBB2_21-.Ltmp9, $4  }
0x1ba: {  	[tilespmem:s0+$0xFFFFFFA0] =	vst v11;
	v7 =	vmul.f32 v7, v9;
	v9 =	vnsel vm2, $0x3F800000, v2;
	vm2 =	vmand vm11, vm12  }
0x1bb: {  	[tilespmem:s0+$0xFFFFFFB0] =	vst v6;
	v6 =	vmul.f32 v10, v9;
	v9 =	vnsel vm2, $0x3F800000, v2;
	vm2 =	vmand vm1, vm3  }
0x1bc: {  	vm1 =	vge.u32 v8, v1;
	[tilespmem:s0+$0xFFFFFFC0] =	vst v7;
	v7 =	vmul.f32 v12, v9;
	v9 =	vnsel vm2, $0x3F800000, v2  }
0x1bd: {  	s1 =	sadd.s32 $0x80, s1;
	vm2 =	vle.u32 v8, v3;
	v8 =	vnsel vm0, $0x3F800000, v2;
	[tilespmem:s0+$0xFFFFFFD0] =	vst v6;
	v6 =	vmul.f32 v13, v9  }
0x1be: {  	s1 =	sor.u32 $0x8, s21;
	s2 =	ssub.s32 $0x7F7, s21;
	vm0 =	vmand vm1, vm2  }
0x1bf: {  	v4 =	vmul.f32 v4, v8;
	[tilespmem:s0+$0xFFFFFFE0] =	vst v7;
	s11 =	simm.s32 $0x70;
	s31 =	simm.s32 $0x30;
	s5 =	simm.s32 $0x40;
	v7 =	vnsel vm0, $0x3F800000, v2  }
0x1c0: {  	s13 =	simm.s32 $0x60;
	s7 =	simm.s32 $0x50;
	s1 =	smin.u32 s1, s2;
	[tilespmem:s0+$0x0] =	vst v6;
	v6 =	vor.u32 s11, v0;
	v8 =	vor.u32 s31, v0;
	v9 =	vor.u32 s5, v0  }
0x1c1: {  	s14 =	simm.s32 $0x0;
	v10 =	vor.u32 s7, v0;
	s31 =	simm.s32 $0xD0;
	s10 =	sadd.s32 s20, s1;
	v5 =	vmul.f32 v5, v7;
	v7 =	vor.u32 s13, v0  }
0x1c2: {  	s2 =	scvt.s32.f32 s1;
	s1 =	sxor.u32 $0x7FF, s1;
	[tilespmem:s30+$0xFFFFFFF0] =	vst v4;
	v4 =	vor.u32 s14, v0;
	s13 =	simm.s32 $0xA0;
	v14 =	vor.u32 s31, v0;
	v2 =	vmov s10  }
0x1c3: {  	s3 =	simm.s32 $0x20;
	s30 =	simm.s32 $0x10;
	v3 =	vmov s1;
	v60 =	vor.u32 s13, v0;
	vm0 =	vge.u32 v6, v2  }
0x1c4: {  	s2 =	smul.f32 $3.125000000e-02, s2;
	vm1 =	vle.u32 v6, v3;
	[tilespmem:s0+$0xFFFFFFF0] =	vst v5;
	v5 =	vor.u32 s30, v0;
	v6 =	vor.u32 s3, v0  }
0x1c5: {  	vm2 =	vge.u32 v4, v2;
	vm3 =	vle.u32 v4, v3;
	vm8 =	vge.u32 v8, v2  }
0x1c6: {  	vm9 =	vle.u32 v8, v3;
	vm10 =	vge.u32 v9, v2;
	vm11 =	vge.u32 v10, v2;
	s2 =	sadd.f32 s2, s15  }
0x1c7: {  	vm12 =	vle.u32 v10, v3;
	vm15 =	vle.u32 v14, v3;
	v11 =	vld [tilespmem:s29+$0xFFFFFF90];
	vm4 =	vge.u32 v5, v2  }
0x1c8: {  	vm5 =	vle.u32 v5, v3;
	v4 =	vld [tilespmem:s29+$0xFFFFFFA0];
	vm6 =	vge.u32 v6, v2;
	vm7 =	vle.u32 v6, v3;
	s2 =	smax.f32 s2, $0.0e+00  }
0x1c9: {  	s30 =	simm.s32 $0xC0;
	v5 =	vld [tilespmem:s29+$0xFFFFFFB0];
	vm2 =	vmand vm2, vm3;
	vm3 =	vle.u32 v9, v3;
	vm0 =	vmand vm0, vm1;
	s2 =	smin.f32 s2, $1.000000000e+00  }
0x1ca: {  	vm1 =	vge.u32 v7, v2;
	v61 =	vor.u32 s30, v0;
	v1 =	vmov s2  }
0x1cb: {  	v6 =	vld [tilespmem:s29+$0xFFFFFFC0];
	vm13 =	vmand vm6, vm7;
	v8 =	vnsel vm2, $0x3F800000, v1;
	vm2 =	vmand vm4, vm5  }
0x1cc: {  	v9 =	vld [tilespmem:s29+$0xFFFFFFD0];
	v12 =	vnsel vm13, $0x3F800000, v1;
	v59 =	vnsel vm0, $0x3F800000, v1;
	vm0 =	vle.u32 v7, v3  }
0x1cd: {  	v10 =	vld [tilespmem:s29+$0xFFFFFFE0];
	v8 =	vmul.f32 v11, v8;
	v11 =	vnsel vm2, $0x3F800000, v1;
	vm2 =	vmand vm8, vm9  }
0x1ce: {  	v5 =	vmul.f32 v5, v12;
	vm0 =	vmand vm1, vm0;
	v4 =	vmul.f32 v4, v11  }
0x1cf: {  	v57 =	vnsel vm2, $0x3F800000, v1;
	vm2 =	vmand vm10, vm3;
	vm3 =	vmand vm11, vm12;
	[tilespmem:s29+$0xFFFFFF90] =	vst v8  }
0x1d0: {  	s8 =	simm.s32 $0xF0;
	s10 =	simm.s32 $0x80;
	v11 =	vld [tilespmem:s29+$0x0];
	v6 =	vmul.f32 v6, v57;
	v58 =	vnsel vm2, $0x3F800000, v1;
	v13 =	vnsel vm3, $0x3F800000, v1;
	[tilespmem:s29+$0xFFFFFFB0] =	vst v5  }
0x1d1: {  	v8 =	vor.u32 s8, v0;
	v5 =	vor.u32 s10, v0;
	v9 =	vmul.f32 v9, v58;
	[tilespmem:s29+$0xFFFFFFA0] =	vst v4  }
0x1d2: {  	s11 =	simm.s32 $0x90;
	s0 =	sadd.s32 $0x400, s29;
	v10 =	vmul.f32 v10, v13;
	vm1 =	vge.u32 v8, v2;
	vm2 =	vle.u32 v8, v3;
	[tilespmem:s29+$0xFFFFFFC0] =	vst v6  }
0x1d3: {  	v8 =	vor.u32 s11, v0;
	vm3 =	vge.u32 v5, v2;
	vm14 =	vle.u32 v5, v3;
	[tilespmem:s29+$0xFFFFFFD0] =	vst v9;
	v5 =	vld [tilespmem:s0+$0xFFFFFF90]  }
0x1d4: {  	s14 =	simm.s32 $0xB0;
	vm7 =	vge.u32 v60, v2;
	vm5 =	vge.u32 v8, v2;
	vm6 =	vle.u32 v8, v3;
	[tilespmem:s29+$0xFFFFFFE0] =	vst v10;
	v8 =	vld [tilespmem:s0+$0xFFFFFFA0]  }
0x1d5: {  	vm4 =	vle.u32 v61, v3;
	v6 =	vor.u32 s14, v0;
	v7 =	vmul.f32 v11, v59;
	v9 =	vld [tilespmem:s0+$0xFFFFFFB0]  }
0x1d6: {  	vm3 =	vmand vm3, vm14;
	vm9 =	vge.u32 v6, v2;
	vm10 =	vle.u32 v6, v3;
	v6 =	vld [tilespmem:s0+$0xFFFFFFC0]  }
0x1d7: {  	vm8 =	vle.u32 v60, v3;
	v4 =	vld [tilespmem:s29+$0xFFFFFFF0];
	[tilespmem:s29+$0x0] =	vst v7;
	v7 =	vnsel vm3, $0x3F800000, v1;
	vm3 =	vmand vm5, vm6  }
0x1d8: {  	v10 =	vld [tilespmem:s0+$0xFFFFFFD0];
	v5 =	vmul.f32 v5, v7;
	v7 =	vnsel vm3, $0x3F800000, v1;
	vm3 =	vmand vm7, vm8  }
0x1d9: {  	v62 =	vld [tilespmem:s0+$0xFFFFFFE0];
	v7 =	vmul.f32 v8, v7;
	v8 =	vnsel vm3, $0x3F800000, v1;
	vm3 =	vmand vm9, vm10  }
0x1da: {  	vm11 =	vge.u32 v61, v2;
	vm12 =	vge.u32 v14, v2;
	v63 =	vld [tilespmem:s0+$0x0];
	[tilespmem:s0+$0xFFFFFF90] =	vst v5;
	v5 =	vnsel vm3, $0x3F800000, v1  }
0x1db: {  	v8 =	vmul.f32 v9, v8;
	vm3 =	vmand vm11, vm4;
	v6 =	vmul.f32 v6, v5;
	v5 =	vld [tilespmem:s0+$0xFFFFFFF0]  }
0x1dc: {  	s9 =	simm.s32 $0xE0;
	vm2 =	vmand vm1, vm2;
	[tilespmem:s0+$0xFFFFFFA0] =	vst v7;
	v7 =	vnsel vm3, $0x3F800000, v1;
	vm3 =	vmand vm12, vm15  }
0x1dd: {  	v11 =	vor.u32 s9, v0;
	[tilespmem:s0+$0xFFFFFFB0] =	vst v8;
	v8 =	vmul.f32 v10, v7;
	v7 =	vnsel vm3, $0x3F800000, v1  }
0x1de: {  	vm1 =	vge.u32 v11, v2;
	[tilespmem:s0+$0xFFFFFFC0] =	vst v6;
	v7 =	vmul.f32 v62, v7;
	v6 =	vnsel vm2, $0x3F800000, v1  }
0x1df: {  	s1 =	simm.s32 $0x170;
	s2 =	simm.s32 $0x8;
	vm2 =	vle.u32 v11, v3;
	[tilespmem:s0+$0xFFFFFFD0] =	vst v8;
	v6 =	vmul.f32 v63, v6;
	v8 =	vnsel vm0, $0x3F800000, v1  }
.LBB2_23:
0x1e0: {  	s3 =	sadd.s32 $0xFFFFFFF0, s1;
	v9 =	vor.u32 s1, v0;
	[tilespmem:s0+$0xFFFFFFE0] =	vst v7;
	vm0 =	vmand vm1, vm2;
	v7 =	vmul.f32 v4, v8;
	v4 =	vmovc v5  }
0x1e1: {  	s5 =	sadd.s32 $0xFFFFFF90, s1;
	s7 =	sadd.s32 $0xFFFFFFA0, s1;
	s8 =	sadd.s32 $0xFFFFFFB0, s1;
	v8 =	vor.u32 s3, v0;
	vm1 =	vge.u32 v9, v2;
	vm2 =	vle.u32 v9, v3;
	[tilespmem:s0+$0x0] =	vst v6  }
0x1e2: {  	v5 =	vor.u32 s5, v0;
	v6 =	vor.u32 s7, v0;
	v9 =	vor.u32 s8, v0;
	s3 =	sadd.s32 $0xFFFFFFC0, s1;
	s5 =	sadd.s32 $0xFFFFFFD0, s1;
	s7 =	sadd.s32 $0xFFFFFFE0, s1;
	[tilespmem:s29+$0xFFFFFFF0] =	vst v7  }
0x1e3: {  	v7 =	vor.u32 s3, v0;
	v10 =	vor.u32 s5, v0;
	v11 =	vor.u32 s7, v0;
	s29 =	smov.u32 s0;
	s0 =	sadd.s32 $0x400, s0  }
0x1e4: {  	vm3 =	vge.u32 v5, v2;
	vm4 =	vle.u32 v5, v3;
	vm5 =	vge.u32 v6, v2;
	v5 =	vld [tilespmem:s0+$0xFFFFFF90]  }
0x1e5: {  	vm6 =	vle.u32 v6, v3;
	vm7 =	vge.u32 v9, v2;
	vm8 =	vle.u32 v9, v3;
	v6 =	vld [tilespmem:s0+$0xFFFFFFA0]  }
0x1e6: {  	vm9 =	vge.u32 v7, v2;
	vm10 =	vle.u32 v7, v3;
	vm11 =	vge.u32 v10, v2;
	v9 =	vld [tilespmem:s0+$0xFFFFFFB0]  }
0x1e7: {  	vm3 =	vmand vm3, vm4;
	vm4 =	vle.u32 v10, v3;
	vm12 =	vge.u32 v11, v2;
	v7 =	vld [tilespmem:s0+$0xFFFFFFC0]  }
0x1e8: {  	v10 =	vnsel vm3, $0x3F800000, v1;
	vm3 =	vmand vm5, vm6;
	vm5 =	vle.u32 v11, v3;
	v12 =	vld [tilespmem:s0+$0xFFFFFFD0]  }
0x1e9: {  	s2 =	sadd.s32 $0x8, s2;
	v5 =	vmul.f32 v5, v10;
	v10 =	vnsel vm3, $0x3F800000, v1;
	vm3 =	vmand vm7, vm8;
	v11 =	vld [tilespmem:s0+$0xFFFFFFE0]  }
0x1ea: {  	p1 =	slt.u32 s2, $0x78;
	v6 =	vmul.f32 v6, v10;
	v10 =	vnsel vm3, $0x3F800000, v1;
	vm3 =	vmand vm9, vm10;
	v13 =	vld [tilespmem:s0+$0x0]  }
.Ltmp10:
0x1eb: {  	[tilespmem:s0+$0xFFFFFF90] =	vst v5;
	v9 =	vmul.f32 v9, v10;
	v10 =	vnsel vm3, $0x3F800000, v1;
	vm3 =	vmand vm11, vm4;
	v5 =	vld [tilespmem:s0+$0xFFFFFFF0];
	(pc) =	sbr.rel @p1 .LBB2_23-.Ltmp10, $4  }
0x1ec: {  	[tilespmem:s0+$0xFFFFFFA0] =	vst v6;
	v6 =	vmul.f32 v7, v10;
	v7 =	vnsel vm3, $0x3F800000, v1;
	vm3 =	vmand vm12, vm5  }
0x1ed: {  	vm2 =	vmand vm1, vm2;
	[tilespmem:s0+$0xFFFFFFB0] =	vst v9;
	v9 =	vmul.f32 v12, v7;
	v7 =	vnsel vm3, $0x3F800000, v1  }
0x1ee: {  	vm1 =	vge.u32 v8, v2;
	[tilespmem:s0+$0xFFFFFFC0] =	vst v6;
	v7 =	vmul.f32 v11, v7;
	v6 =	vnsel vm2, $0x3F800000, v1  }
0x1ef: {  	s1 =	sadd.s32 $0x80, s1;
	vm2 =	vle.u32 v8, v3;
	v8 =	vnsel vm0, $0x3F800000, v1;
	[tilespmem:s0+$0xFFFFFFD0] =	vst v9;
	v6 =	vmul.f32 v13, v6  }
0x1f0: {  	s1 =	sor.u32 $0x9, s21;
	s2 =	ssub.s32 $0x7F6, s21;
	vm0 =	vmand vm1, vm2;
	s13 =	simm.s32 $0x70  }
0x1f1: {  	v4 =	vmul.f32 v4, v8;
	[tilespmem:s0+$0xFFFFFFE0] =	vst v7;
	s14 =	simm.s32 $0x60;
	s5 =	simm.s32 $0x30;
	s7 =	simm.s32 $0x40;
	v7 =	vnsel vm0, $0x3F800000, v1  }
0x1f2: {  	s30 =	simm.s32 $0x0;
	s8 =	simm.s32 $0x50;
	s1 =	smin.u32 s1, s2;
	[tilespmem:s0+$0x0] =	vst v6;
	v6 =	vor.u32 s13, v0;
	v8 =	vor.u32 s5, v0;
	v9 =	vor.u32 s7, v0  }
0x1f3: {  	v10 =	vor.u32 s8, v0;
	s2 =	scvt.s32.f32 s1;
	s11 =	sadd.s32 s20, s1;
	s1 =	sxor.u32 $0x7FF, s1;
	v5 =	vmul.f32 v5, v7;
	v7 =	vor.u32 s14, v0  }
0x1f4: {  	[tilespmem:s29+$0xFFFFFFF0] =	vst v4;
	v4 =	vor.u32 s30, v0;
	s14 =	simm.s32 $0xA0;
	s30 =	simm.s32 $0xC0;
	v1 =	vmov s11;
	v3 =	vmov s1  }
0x1f5: {  	s31 =	simm.s32 $0x10;
	s3 =	simm.s32 $0x20;
	v60 =	vor.u32 s14, v0;
	v61 =	vor.u32 s30, v0;
	vm0 =	vge.u32 v6, v1  }
0x1f6: {  	s2 =	smul.f32 $3.125000000e-02, s2;
	vm1 =	vle.u32 v6, v3;
	[tilespmem:s0+$0xFFFFFFF0] =	vst v5;
	v5 =	vor.u32 s31, v0;
	v6 =	vor.u32 s3, v0  }
0x1f7: {  	vm2 =	vge.u32 v4, v1;
	vm3 =	vle.u32 v4, v3;
	vm8 =	vge.u32 v8, v1  }
0x1f8: {  	vm9 =	vle.u32 v8, v3;
	vm10 =	vge.u32 v9, v1;
	vm11 =	vge.u32 v10, v1;
	s2 =	sadd.f32 s2, s15  }
0x1f9: {  	vm12 =	vle.u32 v10, v3;
	v11 =	vld [tilespmem:s28+$0xFFFFFF90];
	vm4 =	vge.u32 v5, v1;
	vm5 =	vle.u32 v5, v3  }
0x1fa: {  	v4 =	vld [tilespmem:s28+$0xFFFFFFA0];
	vm6 =	vge.u32 v6, v1;
	vm7 =	vle.u32 v6, v3;
	vm2 =	vmand vm2, vm3;
	s2 =	smax.f32 s2, $0.0e+00  }
0x1fb: {  	s31 =	simm.s32 $0xD0;
	v5 =	vld [tilespmem:s28+$0xFFFFFFB0];
	vm3 =	vle.u32 v9, v3;
	vm0 =	vmand vm0, vm1;
	vm1 =	vge.u32 v7, v1;
	s2 =	smin.f32 s2, $1.000000000e+00  }
0x1fc: {  	v14 =	vor.u32 s31, v0;
	vm13 =	vmand vm6, vm7;
	v2 =	vmov s2  }
0x1fd: {  	v6 =	vld [tilespmem:s28+$0xFFFFFFC0];
	vm7 =	vge.u32 v60, v1;
	v8 =	vnsel vm2, $0x3F800000, v2;
	vm2 =	vmand vm4, vm5  }
0x1fe: {  	v9 =	vld [tilespmem:s28+$0xFFFFFFD0];
	v12 =	vnsel vm13, $0x3F800000, v2;
	v59 =	vnsel vm0, $0x3F800000, v2;
	vm0 =	vle.u32 v7, v3  }
0x1ff: {  	v10 =	vld [tilespmem:s28+$0xFFFFFFE0];
	v8 =	vmul.f32 v11, v8;
	v11 =	vnsel vm2, $0x3F800000, v2;
	vm2 =	vmand vm8, vm9  }
0x200: {  	v5 =	vmul.f32 v5, v12;
	vm0 =	vmand vm1, vm0;
	v4 =	vmul.f32 v4, v11  }
0x201: {  	v57 =	vnsel vm2, $0x3F800000, v2;
	vm2 =	vmand vm10, vm3;
	vm3 =	vmand vm11, vm12;
	[tilespmem:s28+$0xFFFFFF90] =	vst v8  }
0x202: {  	s9 =	simm.s32 $0xF0;
	s11 =	simm.s32 $0x80;
	v11 =	vld [tilespmem:s28+$0x0];
	v6 =	vmul.f32 v6, v57;
	v58 =	vnsel vm2, $0x3F800000, v2;
	v13 =	vnsel vm3, $0x3F800000, v2;
	[tilespmem:s28+$0xFFFFFFB0] =	vst v5  }
0x203: {  	v8 =	vor.u32 s9, v0;
	v5 =	vor.u32 s11, v0;
	v9 =	vmul.f32 v9, v58;
	[tilespmem:s28+$0xFFFFFFA0] =	vst v4  }
0x204: {  	s13 =	simm.s32 $0x90;
	s0 =	sadd.s32 $0x400, s28;
	v10 =	vmul.f32 v10, v13;
	vm1 =	vge.u32 v8, v1;
	vm2 =	vle.u32 v8, v3;
	[tilespmem:s28+$0xFFFFFFC0] =	vst v6  }
0x205: {  	v8 =	vor.u32 s13, v0;
	vm3 =	vge.u32 v5, v1;
	vm14 =	vle.u32 v5, v3;
	[tilespmem:s28+$0xFFFFFFD0] =	vst v9;
	v5 =	vld [tilespmem:s0+$0xFFFFFF90]  }
0x206: {  	s29 =	simm.s32 $0xB0;
	vm15 =	vle.u32 v14, v3;
	vm5 =	vge.u32 v8, v1;
	vm6 =	vle.u32 v8, v3;
	[tilespmem:s28+$0xFFFFFFE0] =	vst v10;
	v8 =	vld [tilespmem:s0+$0xFFFFFFA0]  }
0x207: {  	vm4 =	vle.u32 v61, v3;
	v6 =	vor.u32 s29, v0;
	v7 =	vmul.f32 v11, v59;
	v9 =	vld [tilespmem:s0+$0xFFFFFFB0]  }
0x208: {  	vm3 =	vmand vm3, vm14;
	vm9 =	vge.u32 v6, v1;
	vm10 =	vle.u32 v6, v3;
	v6 =	vld [tilespmem:s0+$0xFFFFFFC0]  }
0x209: {  	vm8 =	vle.u32 v60, v3;
	v4 =	vld [tilespmem:s28+$0xFFFFFFF0];
	[tilespmem:s28+$0x0] =	vst v7;
	v7 =	vnsel vm3, $0x3F800000, v2;
	vm3 =	vmand vm5, vm6  }
0x20a: {  	v10 =	vld [tilespmem:s0+$0xFFFFFFD0];
	v5 =	vmul.f32 v5, v7;
	v7 =	vnsel vm3, $0x3F800000, v2;
	vm3 =	vmand vm7, vm8  }
0x20b: {  	v62 =	vld [tilespmem:s0+$0xFFFFFFE0];
	v7 =	vmul.f32 v8, v7;
	v8 =	vnsel vm3, $0x3F800000, v2;
	vm3 =	vmand vm9, vm10  }
0x20c: {  	vm11 =	vge.u32 v61, v1;
	vm12 =	vge.u32 v14, v1;
	v63 =	vld [tilespmem:s0+$0x0];
	[tilespmem:s0+$0xFFFFFF90] =	vst v5;
	v5 =	vnsel vm3, $0x3F800000, v2  }
0x20d: {  	v8 =	vmul.f32 v9, v8;
	vm3 =	vmand vm11, vm4;
	v6 =	vmul.f32 v6, v5;
	v5 =	vld [tilespmem:s0+$0xFFFFFFF0]  }
0x20e: {  	s10 =	simm.s32 $0xE0;
	vm2 =	vmand vm1, vm2;
	[tilespmem:s0+$0xFFFFFFA0] =	vst v7;
	v7 =	vnsel vm3, $0x3F800000, v2;
	vm3 =	vmand vm12, vm15  }
0x20f: {  	v11 =	vor.u32 s10, v0;
	[tilespmem:s0+$0xFFFFFFB0] =	vst v8;
	v8 =	vmul.f32 v10, v7;
	v7 =	vnsel vm3, $0x3F800000, v2  }
0x210: {  	vm1 =	vge.u32 v11, v1;
	[tilespmem:s0+$0xFFFFFFC0] =	vst v6;
	v7 =	vmul.f32 v62, v7;
	v6 =	vnsel vm2, $0x3F800000, v2  }
0x211: {  	s1 =	simm.s32 $0x170;
	s2 =	simm.s32 $0x8;
	vm2 =	vle.u32 v11, v3;
	[tilespmem:s0+$0xFFFFFFD0] =	vst v8;
	v6 =	vmul.f32 v63, v6;
	v8 =	vnsel vm0, $0x3F800000, v2  }
.LBB2_25:
0x212: {  	s3 =	sadd.s32 $0xFFFFFFF0, s1;
	v9 =	vor.u32 s1, v0;
	[tilespmem:s0+$0xFFFFFFE0] =	vst v7;
	vm0 =	vmand vm1, vm2;
	v7 =	vmul.f32 v4, v8;
	v4 =	vmovc v5  }
0x213: {  	s5 =	sadd.s32 $0xFFFFFF90, s1;
	s7 =	sadd.s32 $0xFFFFFFA0, s1;
	s8 =	sadd.s32 $0xFFFFFFB0, s1;
	v8 =	vor.u32 s3, v0;
	vm1 =	vge.u32 v9, v1;
	vm2 =	vle.u32 v9, v3;
	[tilespmem:s0+$0x0] =	vst v6  }
0x214: {  	v5 =	vor.u32 s5, v0;
	v6 =	vor.u32 s7, v0;
	v9 =	vor.u32 s8, v0;
	s3 =	sadd.s32 $0xFFFFFFC0, s1;
	s5 =	sadd.s32 $0xFFFFFFD0, s1;
	s7 =	sadd.s32 $0xFFFFFFE0, s1;
	[tilespmem:s28+$0xFFFFFFF0] =	vst v7  }
0x215: {  	v7 =	vor.u32 s3, v0;
	v10 =	vor.u32 s5, v0;
	v11 =	vor.u32 s7, v0;
	s28 =	smov.u32 s0;
	s0 =	sadd.s32 $0x400, s0  }
0x216: {  	vm3 =	vge.u32 v5, v1;
	vm4 =	vle.u32 v5, v3;
	vm5 =	vge.u32 v6, v1;
	v5 =	vld [tilespmem:s0+$0xFFFFFF90]  }
0x217: {  	vm6 =	vle.u32 v6, v3;
	vm7 =	vge.u32 v9, v1;
	vm8 =	vle.u32 v9, v3;
	v6 =	vld [tilespmem:s0+$0xFFFFFFA0]  }
0x218: {  	vm9 =	vge.u32 v7, v1;
	vm10 =	vle.u32 v7, v3;
	vm11 =	vge.u32 v10, v1;
	v9 =	vld [tilespmem:s0+$0xFFFFFFB0]  }
0x219: {  	vm3 =	vmand vm3, vm4;
	vm4 =	vle.u32 v10, v3;
	vm12 =	vge.u32 v11, v1;
	v7 =	vld [tilespmem:s0+$0xFFFFFFC0]  }
0x21a: {  	v10 =	vnsel vm3, $0x3F800000, v2;
	vm3 =	vmand vm5, vm6;
	vm5 =	vle.u32 v11, v3;
	v12 =	vld [tilespmem:s0+$0xFFFFFFD0]  }
0x21b: {  	s2 =	sadd.s32 $0x8, s2;
	v5 =	vmul.f32 v5, v10;
	v10 =	vnsel vm3, $0x3F800000, v2;
	vm3 =	vmand vm7, vm8;
	v11 =	vld [tilespmem:s0+$0xFFFFFFE0]  }
0x21c: {  	p1 =	slt.u32 s2, $0x78;
	v6 =	vmul.f32 v6, v10;
	v10 =	vnsel vm3, $0x3F800000, v2;
	vm3 =	vmand vm9, vm10;
	v13 =	vld [tilespmem:s0+$0x0]  }
.Ltmp11:
0x21d: {  	[tilespmem:s0+$0xFFFFFF90] =	vst v5;
	v9 =	vmul.f32 v9, v10;
	v10 =	vnsel vm3, $0x3F800000, v2;
	vm3 =	vmand vm11, vm4;
	v5 =	vld [tilespmem:s0+$0xFFFFFFF0];
	(pc) =	sbr.rel @p1 .LBB2_25-.Ltmp11, $4  }
0x21e: {  	[tilespmem:s0+$0xFFFFFFA0] =	vst v6;
	v6 =	vmul.f32 v7, v10;
	v7 =	vnsel vm3, $0x3F800000, v2;
	vm3 =	vmand vm12, vm5  }
0x21f: {  	vm2 =	vmand vm1, vm2;
	[tilespmem:s0+$0xFFFFFFB0] =	vst v9;
	v9 =	vmul.f32 v12, v7;
	v7 =	vnsel vm3, $0x3F800000, v2  }
0x220: {  	vm1 =	vge.u32 v8, v1;
	[tilespmem:s0+$0xFFFFFFC0] =	vst v6;
	v7 =	vmul.f32 v11, v7;
	v6 =	vnsel vm2, $0x3F800000, v2  }
0x221: {  	s1 =	sadd.s32 $0x80, s1;
	vm2 =	vle.u32 v8, v3;
	v8 =	vnsel vm0, $0x3F800000, v2;
	[tilespmem:s0+$0xFFFFFFD0] =	vst v9;
	v6 =	vmul.f32 v13, v6  }
0x222: {  	s1 =	sor.u32 $0xA, s21;
	s2 =	ssub.s32 $0x7F5, s21;
	vm0 =	vmand vm1, vm2;
	s29 =	simm.s32 $0x70  }
0x223: {  	v4 =	vmul.f32 v4, v8;
	[tilespmem:s0+$0xFFFFFFE0] =	vst v7;
	s30 =	simm.s32 $0x60;
	s7 =	simm.s32 $0x30;
	s8 =	simm.s32 $0x40;
	v7 =	vnsel vm0, $0x3F800000, v2  }
0x224: {  	s31 =	simm.s32 $0x0;
	s9 =	simm.s32 $0x50;
	s1 =	smin.u32 s1, s2;
	[tilespmem:s0+$0x0] =	vst v6;
	v6 =	vor.u32 s29, v0;
	v8 =	vor.u32 s7, v0;
	v9 =	vor.u32 s8, v0  }
0x225: {  	v10 =	vor.u32 s9, v0;
	s2 =	scvt.s32.f32 s1;
	s14 =	sadd.s32 s20, s1;
	s1 =	sxor.u32 $0x7FF, s1;
	v5 =	vmul.f32 v5, v7;
	v7 =	vor.u32 s30, v0  }
0x226: {  	[tilespmem:s28+$0xFFFFFFF0] =	vst v4;
	v4 =	vor.u32 s31, v0;
	s28 =	simm.s32 $0xA0;
	s30 =	simm.s32 $0xC0;
	s31 =	simm.s32 $0xD0;
	v2 =	vmov s14;
	v3 =	vmov s1  }
0x227: {  	s5 =	simm.s32 $0x10;
	v60 =	vor.u32 s28, v0;
	v61 =	vor.u32 s30, v0;
	v14 =	vor.u32 s31, v0  }
0x228: {  	s3 =	simm.s32 $0x20;
	s2 =	smul.f32 $3.125000000e-02, s2;
	vm0 =	vge.u32 v6, v2;
	vm1 =	vle.u32 v6, v3;
	[tilespmem:s0+$0xFFFFFFF0] =	vst v5;
	v5 =	vor.u32 s5, v0  }
0x229: {  	v6 =	vor.u32 s3, v0;
	vm2 =	vge.u32 v4, v2;
	vm3 =	vle.u32 v4, v3  }
0x22a: {  	vm8 =	vge.u32 v8, v2;
	vm9 =	vle.u32 v8, v3;
	vm10 =	vge.u32 v9, v2;
	s2 =	sadd.f32 s2, s15  }
0x22b: {  	vm11 =	vge.u32 v10, v2;
	vm12 =	vle.u32 v10, v3;
	vm15 =	vle.u32 v14, v3;
	v11 =	vld [tilespmem:s26+$0xFFFFFF90]  }
0x22c: {  	vm4 =	vge.u32 v5, v2;
	vm5 =	vle.u32 v5, v3;
	v4 =	vld [tilespmem:s26+$0xFFFFFFA0];
	vm6 =	vge.u32 v6, v2;
	s2 =	smax.f32 s2, $0.0e+00  }
0x22d: {  	vm7 =	vle.u32 v6, v3;
	v5 =	vld [tilespmem:s26+$0xFFFFFFB0];
	vm2 =	vmand vm2, vm3;
	vm3 =	vle.u32 v9, v3;
	s2 =	smin.f32 s2, $1.000000000e+00  }
0x22e: {  	vm0 =	vmand vm0, vm1;
	vm1 =	vge.u32 v7, v2;
	v1 =	vmov s2  }
0x22f: {  	v6 =	vld [tilespmem:s26+$0xFFFFFFC0];
	vm13 =	vmand vm6, vm7;
	v8 =	vnsel vm2, $0x3F800000, v1;
	vm2 =	vmand vm4, vm5  }
0x230: {  	v9 =	vld [tilespmem:s26+$0xFFFFFFD0];
	v12 =	vnsel vm13, $0x3F800000, v1;
	v59 =	vnsel vm0, $0x3F800000, v1;
	vm0 =	vle.u32 v7, v3  }
0x231: {  	v10 =	vld [tilespmem:s26+$0xFFFFFFE0];
	v8 =	vmul.f32 v11, v8;
	v11 =	vnsel vm2, $0x3F800000, v1;
	vm2 =	vmand vm8, vm9  }
0x232: {  	v5 =	vmul.f32 v5, v12;
	vm0 =	vmand vm1, vm0;
	v4 =	vmul.f32 v4, v11  }
0x233: {  	v57 =	vnsel vm2, $0x3F800000, v1;
	vm2 =	vmand vm10, vm3;
	vm3 =	vmand vm11, vm12;
	[tilespmem:s26+$0xFFFFFF90] =	vst v8  }
0x234: {  	s10 =	simm.s32 $0xF0;
	s13 =	simm.s32 $0x80;
	v11 =	vld [tilespmem:s26+$0x0];
	v6 =	vmul.f32 v6, v57;
	v58 =	vnsel vm2, $0x3F800000, v1;
	v13 =	vnsel vm3, $0x3F800000, v1;
	[tilespmem:s26+$0xFFFFFFB0] =	vst v5  }
0x235: {  	v8 =	vor.u32 s10, v0;
	v5 =	vor.u32 s13, v0;
	v9 =	vmul.f32 v9, v58;
	[tilespmem:s26+$0xFFFFFFA0] =	vst v4  }
0x236: {  	s14 =	simm.s32 $0x90;
	s0 =	sadd.s32 $0x400, s26;
	v10 =	vmul.f32 v10, v13;
	vm1 =	vge.u32 v8, v2;
	vm2 =	vle.u32 v8, v3;
	[tilespmem:s26+$0xFFFFFFC0] =	vst v6  }
0x237: {  	v8 =	vor.u32 s14, v0;
	vm3 =	vge.u32 v5, v2;
	vm14 =	vle.u32 v5, v3;
	[tilespmem:s26+$0xFFFFFFD0] =	vst v9;
	v5 =	vld [tilespmem:s0+$0xFFFFFF90]  }
0x238: {  	s29 =	simm.s32 $0xB0;
	vm7 =	vge.u32 v60, v2;
	vm5 =	vge.u32 v8, v2;
	vm6 =	vle.u32 v8, v3;
	[tilespmem:s26+$0xFFFFFFE0] =	vst v10;
	v8 =	vld [tilespmem:s0+$0xFFFFFFA0]  }
0x239: {  	vm4 =	vle.u32 v61, v3;
	v6 =	vor.u32 s29, v0;
	v7 =	vmul.f32 v11, v59;
	v9 =	vld [tilespmem:s0+$0xFFFFFFB0]  }
0x23a: {  	vm3 =	vmand vm3, vm14;
	vm9 =	vge.u32 v6, v2;
	vm10 =	vle.u32 v6, v3;
	v6 =	vld [tilespmem:s0+$0xFFFFFFC0]  }
0x23b: {  	vm8 =	vle.u32 v60, v3;
	v4 =	vld [tilespmem:s26+$0xFFFFFFF0];
	[tilespmem:s26+$0x0] =	vst v7;
	v7 =	vnsel vm3, $0x3F800000, v1;
	vm3 =	vmand vm5, vm6  }
0x23c: {  	v10 =	vld [tilespmem:s0+$0xFFFFFFD0];
	v5 =	vmul.f32 v5, v7;
	v7 =	vnsel vm3, $0x3F800000, v1;
	vm3 =	vmand vm7, vm8  }
0x23d: {  	v62 =	vld [tilespmem:s0+$0xFFFFFFE0];
	v7 =	vmul.f32 v8, v7;
	v8 =	vnsel vm3, $0x3F800000, v1;
	vm3 =	vmand vm9, vm10  }
0x23e: {  	vm11 =	vge.u32 v61, v2;
	vm12 =	vge.u32 v14, v2;
	v63 =	vld [tilespmem:s0+$0x0];
	[tilespmem:s0+$0xFFFFFF90] =	vst v5;
	v5 =	vnsel vm3, $0x3F800000, v1  }
0x23f: {  	v8 =	vmul.f32 v9, v8;
	vm3 =	vmand vm11, vm4;
	v6 =	vmul.f32 v6, v5;
	v5 =	vld [tilespmem:s0+$0xFFFFFFF0]  }
0x240: {  	s11 =	simm.s32 $0xE0;
	vm2 =	vmand vm1, vm2;
	[tilespmem:s0+$0xFFFFFFA0] =	vst v7;
	v7 =	vnsel vm3, $0x3F800000, v1;
	vm3 =	vmand vm12, vm15  }
0x241: {  	v11 =	vor.u32 s11, v0;
	[tilespmem:s0+$0xFFFFFFB0] =	vst v8;
	v8 =	vmul.f32 v10, v7;
	v7 =	vnsel vm3, $0x3F800000, v1  }
0x242: {  	vm1 =	vge.u32 v11, v2;
	[tilespmem:s0+$0xFFFFFFC0] =	vst v6;
	v7 =	vmul.f32 v62, v7;
	v6 =	vnsel vm2, $0x3F800000, v1  }
0x243: {  	s1 =	simm.s32 $0x170;
	s2 =	simm.s32 $0x8;
	vm2 =	vle.u32 v11, v3;
	[tilespmem:s0+$0xFFFFFFD0] =	vst v8;
	v6 =	vmul.f32 v63, v6;
	v8 =	vnsel vm0, $0x3F800000, v1  }
.LBB2_27:
0x244: {  	s3 =	sadd.s32 $0xFFFFFFF0, s1;
	v9 =	vor.u32 s1, v0;
	[tilespmem:s0+$0xFFFFFFE0] =	vst v7;
	vm0 =	vmand vm1, vm2;
	v7 =	vmul.f32 v4, v8;
	v4 =	vmovc v5  }
0x245: {  	s5 =	sadd.s32 $0xFFFFFF90, s1;
	s7 =	sadd.s32 $0xFFFFFFA0, s1;
	s8 =	sadd.s32 $0xFFFFFFB0, s1;
	v8 =	vor.u32 s3, v0;
	vm1 =	vge.u32 v9, v2;
	vm2 =	vle.u32 v9, v3;
	[tilespmem:s0+$0x0] =	vst v6  }
0x246: {  	v5 =	vor.u32 s5, v0;
	v6 =	vor.u32 s7, v0;
	v9 =	vor.u32 s8, v0;
	s3 =	sadd.s32 $0xFFFFFFC0, s1;
	s5 =	sadd.s32 $0xFFFFFFD0, s1;
	s7 =	sadd.s32 $0xFFFFFFE0, s1;
	[tilespmem:s26+$0xFFFFFFF0] =	vst v7  }
0x247: {  	v7 =	vor.u32 s3, v0;
	v10 =	vor.u32 s5, v0;
	v11 =	vor.u32 s7, v0;
	s26 =	smov.u32 s0;
	s0 =	sadd.s32 $0x400, s0  }
0x248: {  	vm3 =	vge.u32 v5, v2;
	vm4 =	vle.u32 v5, v3;
	vm5 =	vge.u32 v6, v2;
	v5 =	vld [tilespmem:s0+$0xFFFFFF90]  }
0x249: {  	vm6 =	vle.u32 v6, v3;
	vm7 =	vge.u32 v9, v2;
	vm8 =	vle.u32 v9, v3;
	v6 =	vld [tilespmem:s0+$0xFFFFFFA0]  }
0x24a: {  	vm9 =	vge.u32 v7, v2;
	vm10 =	vle.u32 v7, v3;
	vm11 =	vge.u32 v10, v2;
	v9 =	vld [tilespmem:s0+$0xFFFFFFB0]  }
0x24b: {  	vm3 =	vmand vm3, vm4;
	vm4 =	vle.u32 v10, v3;
	vm12 =	vge.u32 v11, v2;
	v7 =	vld [tilespmem:s0+$0xFFFFFFC0]  }
0x24c: {  	v10 =	vnsel vm3, $0x3F800000, v1;
	vm3 =	vmand vm5, vm6;
	vm5 =	vle.u32 v11, v3;
	v12 =	vld [tilespmem:s0+$0xFFFFFFD0]  }
0x24d: {  	s2 =	sadd.s32 $0x8, s2;
	v5 =	vmul.f32 v5, v10;
	v10 =	vnsel vm3, $0x3F800000, v1;
	vm3 =	vmand vm7, vm8;
	v11 =	vld [tilespmem:s0+$0xFFFFFFE0]  }
0x24e: {  	p1 =	slt.u32 s2, $0x78;
	v6 =	vmul.f32 v6, v10;
	v10 =	vnsel vm3, $0x3F800000, v1;
	vm3 =	vmand vm9, vm10;
	v13 =	vld [tilespmem:s0+$0x0]  }
.Ltmp12:
0x24f: {  	[tilespmem:s0+$0xFFFFFF90] =	vst v5;
	v9 =	vmul.f32 v9, v10;
	v10 =	vnsel vm3, $0x3F800000, v1;
	vm3 =	vmand vm11, vm4;
	v5 =	vld [tilespmem:s0+$0xFFFFFFF0];
	(pc) =	sbr.rel @p1 .LBB2_27-.Ltmp12, $4  }
0x250: {  	[tilespmem:s0+$0xFFFFFFA0] =	vst v6;
	v6 =	vmul.f32 v7, v10;
	v7 =	vnsel vm3, $0x3F800000, v1;
	vm3 =	vmand vm12, vm5  }
0x251: {  	vm2 =	vmand vm1, vm2;
	[tilespmem:s0+$0xFFFFFFB0] =	vst v9;
	v9 =	vmul.f32 v12, v7;
	v7 =	vnsel vm3, $0x3F800000, v1  }
0x252: {  	vm1 =	vge.u32 v8, v2;
	[tilespmem:s0+$0xFFFFFFC0] =	vst v6;
	v7 =	vmul.f32 v11, v7;
	v6 =	vnsel vm2, $0x3F800000, v1  }
0x253: {  	s1 =	sadd.s32 $0x80, s1;
	vm2 =	vle.u32 v8, v3;
	v8 =	vnsel vm0, $0x3F800000, v1;
	[tilespmem:s0+$0xFFFFFFD0] =	vst v9;
	v6 =	vmul.f32 v13, v6  }
0x254: {  	s1 =	sor.u32 $0xB, s21;
	s2 =	ssub.s32 $0x7F4, s21  }
0x255: {  	vm0 =	vmand vm1, vm2;
	s8 =	simm.s32 $0x30;
	s1 =	smin.u32 s1, s2  }
0x256: {  	v4 =	vmul.f32 v4, v8;
	[tilespmem:s0+$0xFFFFFFE0] =	vst v7;
	s9 =	simm.s32 $0x40;
	s10 =	simm.s32 $0x50;
	v7 =	vnsel vm0, $0x3F800000, v1;
	s2 =	scvt.s32.f32 s1  }
0x257: {  	s3 =	simm.s32 $0x60;
	s28 =	simm.s32 $0xA0;
	s30 =	simm.s32 $0xC0;
	v8 =	vor.u32 s8, v0;
	v9 =	vor.u32 s9, v0;
	v10 =	vor.u32 s10, v0  }
0x258: {  	s5 =	simm.s32 $0x0;
	[tilespmem:s0+$0x0] =	vst v6;
	v60 =	vor.u32 s28, v0;
	v61 =	vor.u32 s30, v0;
	s31 =	sadd.s32 s20, s1;
	v5 =	vmul.f32 v5, v7;
	s2 =	smul.f32 $3.125000000e-02, s2  }
0x259: {  	s7 =	simm.s32 $0x10;
	s1 =	sxor.u32 $0x7FF, s1;
	v7 =	vor.u32 s3, v0;
	[tilespmem:s26+$0xFFFFFFF0] =	vst v4;
	v4 =	vor.u32 s5, v0;
	v1 =	vmov s31  }
0x25a: {  	v3 =	vmov s1;
	[tilespmem:s0+$0xFFFFFFF0] =	vst v5;
	v5 =	vor.u32 s7, v0;
	vm2 =	vge.u32 v4, v1;
	s2 =	sadd.f32 s2, s15  }
0x25b: {  	vm3 =	vle.u32 v4, v3;
	vm8 =	vge.u32 v8, v1;
	vm9 =	vle.u32 v8, v3  }
0x25c: {  	s31 =	simm.s32 $0xD0;
	vm10 =	vge.u32 v9, v1;
	vm11 =	vge.u32 v10, v1;
	vm12 =	vle.u32 v10, v3;
	v11 =	vld [tilespmem:s25+$0xFFFFFF90];
	s2 =	smax.f32 s2, $0.0e+00  }
0x25d: {  	v14 =	vor.u32 s31, v0;
	vm4 =	vge.u32 v5, v1;
	vm5 =	vle.u32 v5, v3;
	s2 =	smin.f32 s2, $1.000000000e+00  }
0x25e: {  	v4 =	vld [tilespmem:s25+$0xFFFFFFA0];
	vm2 =	vmand vm2, vm3;
	vm3 =	vle.u32 v9, v3;
	v2 =	vmov s2;
	s2 =	simm.s32 $0x70  }
0x25f: {  	vm15 =	vle.u32 v14, v3;
	v6 =	vor.u32 s2, v0;
	v8 =	vnsel vm2, $0x3F800000, v2  }
0x260: {  	s3 =	simm.s32 $0x20;
	v5 =	vld [tilespmem:s25+$0xFFFFFFB0];
	vm2 =	vmand vm4, vm5;
	vm0 =	vge.u32 v6, v1;
	vm1 =	vle.u32 v6, v3  }
0x261: {  	v9 =	vld [tilespmem:s25+$0xFFFFFFD0];
	v6 =	vor.u32 s3, v0;
	v8 =	vmul.f32 v11, v8;
	v11 =	vnsel vm2, $0x3F800000, v2  }
0x262: {  	vm2 =	vmand vm8, vm9;
	vm6 =	vge.u32 v6, v1;
	vm7 =	vle.u32 v6, v3;
	v6 =	vld [tilespmem:s25+$0xFFFFFFC0]  }
0x263: {  	v10 =	vld [tilespmem:s25+$0xFFFFFFE0];
	v4 =	vmul.f32 v4, v11;
	v57 =	vnsel vm2, $0x3F800000, v2;
	vm2 =	vmand vm10, vm3  }
0x264: {  	vm3 =	vmand vm11, vm12;
	vm0 =	vmand vm0, vm1;
	vm13 =	vmand vm6, vm7  }
0x265: {  	vm1 =	vge.u32 v7, v1;
	v58 =	vnsel vm2, $0x3F800000, v2;
	v12 =	vnsel vm13, $0x3F800000, v2  }
0x266: {  	s11 =	simm.s32 $0xF0;
	v13 =	vnsel vm3, $0x3F800000, v2;
	v59 =	vnsel vm0, $0x3F800000, v2;
	[tilespmem:s25+$0xFFFFFF90] =	vst v8;
	v5 =	vmul.f32 v5, v12  }
0x267: {  	v11 =	vld [tilespmem:s25+$0x0];
	vm0 =	vle.u32 v7, v3;
	v8 =	vor.u32 s11, v0;
	[tilespmem:s25+$0xFFFFFFA0] =	vst v4;
	v6 =	vmul.f32 v6, v57  }
0x268: {  	s14 =	simm.s32 $0x80;
	v9 =	vmul.f32 v9, v58;
	v10 =	vmul.f32 v10, v13;
	vm0 =	vmand vm1, vm0;
	[tilespmem:s25+$0xFFFFFFB0] =	vst v5  }
0x269: {  	s26 =	simm.s32 $0x90;
	s0 =	sadd.s32 $0x400, s25;
	vm1 =	vge.u32 v8, v1;
	vm2 =	vle.u32 v8, v3;
	v5 =	vor.u32 s14, v0;
	[tilespmem:s25+$0xFFFFFFC0] =	vst v6  }
0x26a: {  	v8 =	vor.u32 s26, v0;
	[tilespmem:s25+$0xFFFFFFD0] =	vst v9;
	vm3 =	vge.u32 v5, v1;
	vm14 =	vle.u32 v5, v3;
	v5 =	vld [tilespmem:s0+$0xFFFFFF90]  }
0x26b: {  	s29 =	simm.s32 $0xB0;
	vm4 =	vle.u32 v61, v3;
	vm5 =	vge.u32 v8, v1;
	vm6 =	vle.u32 v8, v3;
	[tilespmem:s25+$0xFFFFFFE0] =	vst v10;
	v8 =	vld [tilespmem:s0+$0xFFFFFFA0]  }
0x26c: {  	vm8 =	vle.u32 v60, v3;
	v7 =	vmul.f32 v11, v59;
	v6 =	vor.u32 s29, v0;
	v9 =	vld [tilespmem:s0+$0xFFFFFFB0]  }
0x26d: {  	vm3 =	vmand vm3, vm14;
	vm9 =	vge.u32 v6, v1;
	vm10 =	vle.u32 v6, v3;
	v6 =	vld [tilespmem:s0+$0xFFFFFFC0]  }
0x26e: {  	vm7 =	vge.u32 v60, v1;
	v4 =	vld [tilespmem:s25+$0xFFFFFFF0];
	[tilespmem:s25+$0x0] =	vst v7;
	v7 =	vnsel vm3, $0x3F800000, v2;
	vm3 =	vmand vm5, vm6  }
0x26f: {  	v10 =	vld [tilespmem:s0+$0xFFFFFFD0];
	v5 =	vmul.f32 v5, v7;
	v7 =	vnsel vm3, $0x3F800000, v2;
	vm3 =	vmand vm7, vm8  }
0x270: {  	v62 =	vld [tilespmem:s0+$0xFFFFFFE0];
	v7 =	vmul.f32 v8, v7;
	v8 =	vnsel vm3, $0x3F800000, v2;
	vm3 =	vmand vm9, vm10  }
0x271: {  	vm11 =	vge.u32 v61, v1;
	vm12 =	vge.u32 v14, v1;
	v63 =	vld [tilespmem:s0+$0x0];
	[tilespmem:s0+$0xFFFFFF90] =	vst v5;
	v5 =	vnsel vm3, $0x3F800000, v2  }
0x272: {  	v8 =	vmul.f32 v9, v8;
	vm3 =	vmand vm11, vm4;
	v6 =	vmul.f32 v6, v5;
	v5 =	vld [tilespmem:s0+$0xFFFFFFF0]  }
0x273: {  	s13 =	simm.s32 $0xE0;
	vm2 =	vmand vm1, vm2;
	[tilespmem:s0+$0xFFFFFFA0] =	vst v7;
	v7 =	vnsel vm3, $0x3F800000, v2;
	vm3 =	vmand vm12, vm15  }
0x274: {  	v11 =	vor.u32 s13, v0;
	[tilespmem:s0+$0xFFFFFFB0] =	vst v8;
	v8 =	vmul.f32 v10, v7;
	v7 =	vnsel vm3, $0x3F800000, v2  }
0x275: {  	vm1 =	vge.u32 v11, v1;
	[tilespmem:s0+$0xFFFFFFC0] =	vst v6;
	v7 =	vmul.f32 v62, v7;
	v6 =	vnsel vm2, $0x3F800000, v2  }
0x276: {  	s1 =	simm.s32 $0x170;
	s2 =	simm.s32 $0x8;
	vm2 =	vle.u32 v11, v3;
	[tilespmem:s0+$0xFFFFFFD0] =	vst v8;
	v6 =	vmul.f32 v63, v6;
	v8 =	vnsel vm0, $0x3F800000, v2  }
.LBB2_29:
0x277: {  	s3 =	sadd.s32 $0xFFFFFFF0, s1;
	v9 =	vor.u32 s1, v0;
	[tilespmem:s0+$0xFFFFFFE0] =	vst v7;
	vm0 =	vmand vm1, vm2;
	v7 =	vmul.f32 v4, v8;
	v4 =	vmovc v5  }
0x278: {  	s5 =	sadd.s32 $0xFFFFFF90, s1;
	s7 =	sadd.s32 $0xFFFFFFA0, s1;
	s8 =	sadd.s32 $0xFFFFFFB0, s1;
	v8 =	vor.u32 s3, v0;
	vm1 =	vge.u32 v9, v1;
	vm2 =	vle.u32 v9, v3;
	[tilespmem:s0+$0x0] =	vst v6  }
0x279: {  	v5 =	vor.u32 s5, v0;
	v6 =	vor.u32 s7, v0;
	v9 =	vor.u32 s8, v0;
	s3 =	sadd.s32 $0xFFFFFFC0, s1;
	s5 =	sadd.s32 $0xFFFFFFD0, s1;
	s7 =	sadd.s32 $0xFFFFFFE0, s1;
	[tilespmem:s25+$0xFFFFFFF0] =	vst v7  }
0x27a: {  	v7 =	vor.u32 s3, v0;
	v10 =	vor.u32 s5, v0;
	v11 =	vor.u32 s7, v0;
	s25 =	smov.u32 s0;
	s0 =	sadd.s32 $0x400, s0  }
0x27b: {  	vm3 =	vge.u32 v5, v1;
	vm4 =	vle.u32 v5, v3;
	vm5 =	vge.u32 v6, v1;
	v5 =	vld [tilespmem:s0+$0xFFFFFF90]  }
0x27c: {  	vm6 =	vle.u32 v6, v3;
	vm7 =	vge.u32 v9, v1;
	vm8 =	vle.u32 v9, v3;
	v6 =	vld [tilespmem:s0+$0xFFFFFFA0]  }
0x27d: {  	vm9 =	vge.u32 v7, v1;
	vm10 =	vle.u32 v7, v3;
	vm11 =	vge.u32 v10, v1;
	v9 =	vld [tilespmem:s0+$0xFFFFFFB0]  }
0x27e: {  	vm3 =	vmand vm3, vm4;
	vm4 =	vle.u32 v10, v3;
	vm12 =	vge.u32 v11, v1;
	v7 =	vld [tilespmem:s0+$0xFFFFFFC0]  }
0x27f: {  	v10 =	vnsel vm3, $0x3F800000, v2;
	vm3 =	vmand vm5, vm6;
	vm5 =	vle.u32 v11, v3;
	v12 =	vld [tilespmem:s0+$0xFFFFFFD0]  }
0x280: {  	s2 =	sadd.s32 $0x8, s2;
	v5 =	vmul.f32 v5, v10;
	v10 =	vnsel vm3, $0x3F800000, v2;
	vm3 =	vmand vm7, vm8;
	v11 =	vld [tilespmem:s0+$0xFFFFFFE0]  }
0x281: {  	p1 =	slt.u32 s2, $0x78;
	v6 =	vmul.f32 v6, v10;
	v10 =	vnsel vm3, $0x3F800000, v2;
	vm3 =	vmand vm9, vm10;
	v13 =	vld [tilespmem:s0+$0x0]  }
.Ltmp13:
0x282: {  	[tilespmem:s0+$0xFFFFFF90] =	vst v5;
	v9 =	vmul.f32 v9, v10;
	v10 =	vnsel vm3, $0x3F800000, v2;
	vm3 =	vmand vm11, vm4;
	v5 =	vld [tilespmem:s0+$0xFFFFFFF0];
	(pc) =	sbr.rel @p1 .LBB2_29-.Ltmp13, $4  }
0x283: {  	[tilespmem:s0+$0xFFFFFFA0] =	vst v6;
	v6 =	vmul.f32 v7, v10;
	v7 =	vnsel vm3, $0x3F800000, v2;
	vm3 =	vmand vm12, vm5  }
0x284: {  	vm2 =	vmand vm1, vm2;
	[tilespmem:s0+$0xFFFFFFB0] =	vst v9;
	v9 =	vmul.f32 v12, v7;
	v7 =	vnsel vm3, $0x3F800000, v2  }
0x285: {  	vm1 =	vge.u32 v8, v1;
	[tilespmem:s0+$0xFFFFFFC0] =	vst v6;
	v7 =	vmul.f32 v11, v7;
	v6 =	vnsel vm2, $0x3F800000, v2  }
0x286: {  	s1 =	sadd.s32 $0x80, s1;
	vm2 =	vle.u32 v8, v3;
	v8 =	vnsel vm0, $0x3F800000, v2;
	[tilespmem:s0+$0xFFFFFFD0] =	vst v9;
	v6 =	vmul.f32 v13, v6  }
0x287: {  	s1 =	sor.u32 $0xC, s21;
	s2 =	ssub.s32 $0x7F3, s21;
	vm0 =	vmand vm1, vm2;
	s3 =	simm.s32 $0x70  }
0x288: {  	v4 =	vmul.f32 v4, v8;
	[tilespmem:s0+$0xFFFFFFE0] =	vst v7;
	s9 =	simm.s32 $0x30;
	s10 =	simm.s32 $0x40;
	s11 =	simm.s32 $0x50;
	v7 =	vnsel vm0, $0x3F800000, v2  }
0x289: {  	s28 =	simm.s32 $0xA0;
	s30 =	simm.s32 $0xC0;
	s1 =	smin.u32 s1, s2;
	[tilespmem:s0+$0x0] =	vst v6;
	v6 =	vor.u32 s3, v0;
	v8 =	vor.u32 s9, v0;
	v9 =	vor.u32 s10, v0  }
0x28a: {  	s5 =	simm.s32 $0x60;
	v10 =	vor.u32 s11, v0;
	v60 =	vor.u32 s28, v0;
	v61 =	vor.u32 s30, v0;
	s31 =	sadd.s32 s20, s1  }
0x28b: {  	s7 =	simm.s32 $0x0;
	s2 =	scvt.s32.f32 s1;
	s1 =	sxor.u32 $0x7FF, s1;
	v5 =	vmul.f32 v5, v7;
	v7 =	vor.u32 s5, v0;
	v2 =	vmov s31  }
0x28c: {  	s8 =	simm.s32 $0x10;
	s3 =	simm.s32 $0x20;
	[tilespmem:s25+$0xFFFFFFF0] =	vst v4;
	v4 =	vor.u32 s7, v0;
	v3 =	vmov s1;
	vm0 =	vge.u32 v6, v2  }
0x28d: {  	s2 =	smul.f32 $3.125000000e-02, s2;
	vm1 =	vle.u32 v6, v3;
	[tilespmem:s0+$0xFFFFFFF0] =	vst v5;
	v5 =	vor.u32 s8, v0;
	v6 =	vor.u32 s3, v0  }
0x28e: {  	vm2 =	vge.u32 v4, v2;
	vm3 =	vle.u32 v4, v3;
	vm8 =	vge.u32 v8, v2  }
0x28f: {  	s31 =	simm.s32 $0xD0;
	vm9 =	vle.u32 v8, v3;
	vm10 =	vge.u32 v9, v2;
	vm11 =	vge.u32 v10, v2;
	s2 =	sadd.f32 s2, s15  }
0x290: {  	vm12 =	vle.u32 v10, v3;
	v14 =	vor.u32 s31, v0;
	v11 =	vld [tilespmem:s24+$0xFFFFFF90];
	vm4 =	vge.u32 v5, v2  }
0x291: {  	vm5 =	vle.u32 v5, v3;
	v4 =	vld [tilespmem:s24+$0xFFFFFFA0];
	vm6 =	vge.u32 v6, v2;
	vm7 =	vle.u32 v6, v3;
	s2 =	smax.f32 s2, $0.0e+00  }
0x292: {  	v5 =	vld [tilespmem:s24+$0xFFFFFFB0];
	vm2 =	vmand vm2, vm3;
	vm3 =	vle.u32 v9, v3;
	vm0 =	vmand vm0, vm1;
	s2 =	smin.f32 s2, $1.000000000e+00  }
0x293: {  	vm1 =	vge.u32 v7, v2;
	vm15 =	vle.u32 v14, v3;
	v1 =	vmov s2  }
0x294: {  	v6 =	vld [tilespmem:s24+$0xFFFFFFC0];
	vm13 =	vmand vm6, vm7;
	v8 =	vnsel vm2, $0x3F800000, v1;
	vm2 =	vmand vm4, vm5  }
0x295: {  	v9 =	vld [tilespmem:s24+$0xFFFFFFD0];
	v12 =	vnsel vm13, $0x3F800000, v1;
	v59 =	vnsel vm0, $0x3F800000, v1;
	vm0 =	vle.u32 v7, v3  }
0x296: {  	v10 =	vld [tilespmem:s24+$0xFFFFFFE0];
	v8 =	vmul.f32 v11, v8;
	v11 =	vnsel vm2, $0x3F800000, v1;
	vm2 =	vmand vm8, vm9  }
0x297: {  	v5 =	vmul.f32 v5, v12;
	vm0 =	vmand vm1, vm0;
	v4 =	vmul.f32 v4, v11  }
0x298: {  	v57 =	vnsel vm2, $0x3F800000, v1;
	vm2 =	vmand vm10, vm3;
	vm3 =	vmand vm11, vm12;
	[tilespmem:s24+$0xFFFFFF90] =	vst v8  }
0x299: {  	s13 =	simm.s32 $0xF0;
	s25 =	simm.s32 $0x80;
	v11 =	vld [tilespmem:s24+$0x0];
	v6 =	vmul.f32 v6, v57;
	v58 =	vnsel vm2, $0x3F800000, v1;
	v13 =	vnsel vm3, $0x3F800000, v1;
	[tilespmem:s24+$0xFFFFFFB0] =	vst v5  }
0x29a: {  	v8 =	vor.u32 s13, v0;
	v5 =	vor.u32 s25, v0;
	v9 =	vmul.f32 v9, v58;
	[tilespmem:s24+$0xFFFFFFA0] =	vst v4  }
0x29b: {  	s26 =	simm.s32 $0x90;
	s0 =	sadd.s32 $0x400, s24;
	v10 =	vmul.f32 v10, v13;
	vm1 =	vge.u32 v8, v2;
	vm2 =	vle.u32 v8, v3;
	[tilespmem:s24+$0xFFFFFFC0] =	vst v6  }
0x29c: {  	v8 =	vor.u32 s26, v0;
	vm3 =	vge.u32 v5, v2;
	vm14 =	vle.u32 v5, v3;
	[tilespmem:s24+$0xFFFFFFD0] =	vst v9;
	v5 =	vld [tilespmem:s0+$0xFFFFFF90]  }
0x29d: {  	s29 =	simm.s32 $0xB0;
	vm7 =	vge.u32 v60, v2;
	vm5 =	vge.u32 v8, v2;
	vm6 =	vle.u32 v8, v3;
	[tilespmem:s24+$0xFFFFFFE0] =	vst v10;
	v8 =	vld [tilespmem:s0+$0xFFFFFFA0]  }
0x29e: {  	vm4 =	vle.u32 v61, v3;
	v6 =	vor.u32 s29, v0;
	v7 =	vmul.f32 v11, v59;
	v9 =	vld [tilespmem:s0+$0xFFFFFFB0]  }
0x29f: {  	vm3 =	vmand vm3, vm14;
	vm9 =	vge.u32 v6, v2;
	vm10 =	vle.u32 v6, v3;
	v6 =	vld [tilespmem:s0+$0xFFFFFFC0]  }
0x2a0: {  	vm8 =	vle.u32 v60, v3;
	v4 =	vld [tilespmem:s24+$0xFFFFFFF0];
	[tilespmem:s24+$0x0] =	vst v7;
	v7 =	vnsel vm3, $0x3F800000, v1;
	vm3 =	vmand vm5, vm6  }
0x2a1: {  	v10 =	vld [tilespmem:s0+$0xFFFFFFD0];
	v5 =	vmul.f32 v5, v7;
	v7 =	vnsel vm3, $0x3F800000, v1;
	vm3 =	vmand vm7, vm8  }
0x2a2: {  	v62 =	vld [tilespmem:s0+$0xFFFFFFE0];
	v7 =	vmul.f32 v8, v7;
	v8 =	vnsel vm3, $0x3F800000, v1;
	vm3 =	vmand vm9, vm10  }
0x2a3: {  	vm11 =	vge.u32 v61, v2;
	vm12 =	vge.u32 v14, v2;
	v63 =	vld [tilespmem:s0+$0x0];
	[tilespmem:s0+$0xFFFFFF90] =	vst v5;
	v5 =	vnsel vm3, $0x3F800000, v1  }
0x2a4: {  	v8 =	vmul.f32 v9, v8;
	vm3 =	vmand vm11, vm4;
	v6 =	vmul.f32 v6, v5;
	v5 =	vld [tilespmem:s0+$0xFFFFFFF0]  }
0x2a5: {  	s14 =	simm.s32 $0xE0;
	vm2 =	vmand vm1, vm2;
	[tilespmem:s0+$0xFFFFFFA0] =	vst v7;
	v7 =	vnsel vm3, $0x3F800000, v1;
	vm3 =	vmand vm12, vm15  }
0x2a6: {  	v11 =	vor.u32 s14, v0;
	[tilespmem:s0+$0xFFFFFFB0] =	vst v8;
	v8 =	vmul.f32 v10, v7;
	v7 =	vnsel vm3, $0x3F800000, v1  }
0x2a7: {  	vm1 =	vge.u32 v11, v2;
	[tilespmem:s0+$0xFFFFFFC0] =	vst v6;
	v7 =	vmul.f32 v62, v7;
	v6 =	vnsel vm2, $0x3F800000, v1  }
0x2a8: {  	s1 =	simm.s32 $0x170;
	s2 =	simm.s32 $0x8;
	vm2 =	vle.u32 v11, v3;
	[tilespmem:s0+$0xFFFFFFD0] =	vst v8;
	v6 =	vmul.f32 v63, v6;
	v8 =	vnsel vm0, $0x3F800000, v1  }
.LBB2_31:
0x2a9: {  	s3 =	sadd.s32 $0xFFFFFFF0, s1;
	v9 =	vor.u32 s1, v0;
	[tilespmem:s0+$0xFFFFFFE0] =	vst v7;
	vm0 =	vmand vm1, vm2;
	v7 =	vmul.f32 v4, v8;
	v4 =	vmovc v5  }
0x2aa: {  	s5 =	sadd.s32 $0xFFFFFF90, s1;
	s7 =	sadd.s32 $0xFFFFFFA0, s1;
	s8 =	sadd.s32 $0xFFFFFFB0, s1;
	v8 =	vor.u32 s3, v0;
	vm1 =	vge.u32 v9, v2;
	vm2 =	vle.u32 v9, v3;
	[tilespmem:s0+$0x0] =	vst v6  }
0x2ab: {  	v5 =	vor.u32 s5, v0;
	v6 =	vor.u32 s7, v0;
	v9 =	vor.u32 s8, v0;
	s3 =	sadd.s32 $0xFFFFFFC0, s1;
	s5 =	sadd.s32 $0xFFFFFFD0, s1;
	s7 =	sadd.s32 $0xFFFFFFE0, s1;
	[tilespmem:s24+$0xFFFFFFF0] =	vst v7  }
0x2ac: {  	v7 =	vor.u32 s3, v0;
	v10 =	vor.u32 s5, v0;
	v11 =	vor.u32 s7, v0;
	s24 =	smov.u32 s0;
	s0 =	sadd.s32 $0x400, s0  }
0x2ad: {  	vm3 =	vge.u32 v5, v2;
	vm4 =	vle.u32 v5, v3;
	vm5 =	vge.u32 v6, v2;
	v5 =	vld [tilespmem:s0+$0xFFFFFF90]  }
0x2ae: {  	vm6 =	vle.u32 v6, v3;
	vm7 =	vge.u32 v9, v2;
	vm8 =	vle.u32 v9, v3;
	v6 =	vld [tilespmem:s0+$0xFFFFFFA0]  }
0x2af: {  	vm9 =	vge.u32 v7, v2;
	vm10 =	vle.u32 v7, v3;
	vm11 =	vge.u32 v10, v2;
	v9 =	vld [tilespmem:s0+$0xFFFFFFB0]  }
0x2b0: {  	vm3 =	vmand vm3, vm4;
	vm4 =	vle.u32 v10, v3;
	vm12 =	vge.u32 v11, v2;
	v7 =	vld [tilespmem:s0+$0xFFFFFFC0]  }
0x2b1: {  	v10 =	vnsel vm3, $0x3F800000, v1;
	vm3 =	vmand vm5, vm6;
	vm5 =	vle.u32 v11, v3;
	v12 =	vld [tilespmem:s0+$0xFFFFFFD0]  }
0x2b2: {  	s2 =	sadd.s32 $0x8, s2;
	v5 =	vmul.f32 v5, v10;
	v10 =	vnsel vm3, $0x3F800000, v1;
	vm3 =	vmand vm7, vm8;
	v11 =	vld [tilespmem:s0+$0xFFFFFFE0]  }
0x2b3: {  	p1 =	slt.u32 s2, $0x78;
	v6 =	vmul.f32 v6, v10;
	v10 =	vnsel vm3, $0x3F800000, v1;
	vm3 =	vmand vm9, vm10;
	v13 =	vld [tilespmem:s0+$0x0]  }
.Ltmp14:
0x2b4: {  	[tilespmem:s0+$0xFFFFFF90] =	vst v5;
	v9 =	vmul.f32 v9, v10;
	v10 =	vnsel vm3, $0x3F800000, v1;
	vm3 =	vmand vm11, vm4;
	v5 =	vld [tilespmem:s0+$0xFFFFFFF0];
	(pc) =	sbr.rel @p1 .LBB2_31-.Ltmp14, $4  }
0x2b5: {  	[tilespmem:s0+$0xFFFFFFA0] =	vst v6;
	v6 =	vmul.f32 v7, v10;
	v7 =	vnsel vm3, $0x3F800000, v1;
	vm3 =	vmand vm12, vm5  }
0x2b6: {  	vm2 =	vmand vm1, vm2;
	[tilespmem:s0+$0xFFFFFFB0] =	vst v9;
	v9 =	vmul.f32 v12, v7;
	v7 =	vnsel vm3, $0x3F800000, v1  }
0x2b7: {  	vm1 =	vge.u32 v8, v2;
	[tilespmem:s0+$0xFFFFFFC0] =	vst v6;
	v7 =	vmul.f32 v11, v7;
	v6 =	vnsel vm2, $0x3F800000, v1  }
0x2b8: {  	s1 =	sadd.s32 $0x80, s1;
	vm2 =	vle.u32 v8, v3;
	v8 =	vnsel vm0, $0x3F800000, v1;
	[tilespmem:s0+$0xFFFFFFD0] =	vst v9;
	v6 =	vmul.f32 v13, v6  }
0x2b9: {  	s1 =	sor.u32 $0xD, s21;
	s2 =	ssub.s32 $0x7F2, s21;
	vm0 =	vmand vm1, vm2;
	s5 =	simm.s32 $0x70  }
0x2ba: {  	v4 =	vmul.f32 v4, v8;
	[tilespmem:s0+$0xFFFFFFE0] =	vst v7;
	s7 =	simm.s32 $0x60;
	s10 =	simm.s32 $0x30;
	s11 =	simm.s32 $0x40;
	v7 =	vnsel vm0, $0x3F800000, v1  }
0x2bb: {  	s13 =	simm.s32 $0x50;
	s28 =	simm.s32 $0xA0;
	s30 =	simm.s32 $0xC0;
	[tilespmem:s0+$0x0] =	vst v6;
	v6 =	vor.u32 s5, v0;
	v8 =	vor.u32 s10, v0;
	v9 =	vor.u32 s11, v0  }
0x2bc: {  	s8 =	simm.s32 $0x0;
	s31 =	simm.s32 $0xD0;
	s1 =	smin.u32 s1, s2;
	v10 =	vor.u32 s13, v0;
	v60 =	vor.u32 s28, v0;
	v61 =	vor.u32 s30, v0  }
0x2bd: {  	v14 =	vor.u32 s31, v0;
	s2 =	scvt.s32.f32 s1;
	s3 =	sadd.s32 s20, s1;
	s1 =	sxor.u32 $0x7FF, s1;
	v5 =	vmul.f32 v5, v7;
	v7 =	vor.u32 s7, v0  }
0x2be: {  	s9 =	simm.s32 $0x10;
	[tilespmem:s24+$0xFFFFFFF0] =	vst v4;
	v4 =	vor.u32 s8, v0;
	v1 =	vmov s3;
	v3 =	vmov s1  }
0x2bf: {  	s3 =	simm.s32 $0x20;
	s2 =	smul.f32 $3.125000000e-02, s2;
	vm0 =	vge.u32 v6, v1;
	vm1 =	vle.u32 v6, v3;
	[tilespmem:s0+$0xFFFFFFF0] =	vst v5;
	v5 =	vor.u32 s9, v0  }
0x2c0: {  	v6 =	vor.u32 s3, v0;
	vm2 =	vge.u32 v4, v1;
	vm3 =	vle.u32 v4, v3  }
0x2c1: {  	vm8 =	vge.u32 v8, v1;
	vm9 =	vle.u32 v8, v3;
	vm10 =	vge.u32 v9, v1;
	s2 =	sadd.f32 s2, s15  }
0x2c2: {  	vm11 =	vge.u32 v10, v1;
	vm12 =	vle.u32 v10, v3;
	vm15 =	vle.u32 v14, v3;
	v11 =	vld [tilespmem:s23+$0xFFFFFF90]  }
0x2c3: {  	vm4 =	vge.u32 v5, v1;
	vm5 =	vle.u32 v5, v3;
	v4 =	vld [tilespmem:s23+$0xFFFFFFA0];
	vm6 =	vge.u32 v6, v1;
	s2 =	smax.f32 s2, $0.0e+00  }
0x2c4: {  	vm7 =	vle.u32 v6, v3;
	v5 =	vld [tilespmem:s23+$0xFFFFFFB0];
	vm2 =	vmand vm2, vm3;
	vm3 =	vle.u32 v9, v3;
	s2 =	smin.f32 s2, $1.000000000e+00  }
0x2c5: {  	vm0 =	vmand vm0, vm1;
	vm1 =	vge.u32 v7, v1;
	v2 =	vmov s2  }
0x2c6: {  	v6 =	vld [tilespmem:s23+$0xFFFFFFC0];
	vm13 =	vmand vm6, vm7;
	v8 =	vnsel vm2, $0x3F800000, v2;
	vm2 =	vmand vm4, vm5  }
0x2c7: {  	v9 =	vld [tilespmem:s23+$0xFFFFFFD0];
	v12 =	vnsel vm13, $0x3F800000, v2;
	v59 =	vnsel vm0, $0x3F800000, v2;
	vm0 =	vle.u32 v7, v3  }
0x2c8: {  	v10 =	vld [tilespmem:s23+$0xFFFFFFE0];
	v8 =	vmul.f32 v11, v8;
	v11 =	vnsel vm2, $0x3F800000, v2;
	vm2 =	vmand vm8, vm9  }
0x2c9: {  	v5 =	vmul.f32 v5, v12;
	vm0 =	vmand vm1, vm0;
	v4 =	vmul.f32 v4, v11  }
0x2ca: {  	v57 =	vnsel vm2, $0x3F800000, v2;
	vm2 =	vmand vm10, vm3;
	vm3 =	vmand vm11, vm12;
	[tilespmem:s23+$0xFFFFFF90] =	vst v8  }
0x2cb: {  	s14 =	simm.s32 $0xF0;
	s25 =	simm.s32 $0x80;
	v11 =	vld [tilespmem:s23+$0x0];
	v6 =	vmul.f32 v6, v57;
	v58 =	vnsel vm2, $0x3F800000, v2;
	v13 =	vnsel vm3, $0x3F800000, v2;
	[tilespmem:s23+$0xFFFFFFB0] =	vst v5  }
0x2cc: {  	v8 =	vor.u32 s14, v0;
	v5 =	vor.u32 s25, v0;
	v9 =	vmul.f32 v9, v58;
	[tilespmem:s23+$0xFFFFFFA0] =	vst v4  }
0x2cd: {  	s26 =	simm.s32 $0x90;
	s0 =	sadd.s32 $0x400, s23;
	v10 =	vmul.f32 v10, v13;
	vm1 =	vge.u32 v8, v1;
	vm2 =	vle.u32 v8, v3;
	[tilespmem:s23+$0xFFFFFFC0] =	vst v6  }
0x2ce: {  	v8 =	vor.u32 s26, v0;
	vm3 =	vge.u32 v5, v1;
	vm14 =	vle.u32 v5, v3;
	[tilespmem:s23+$0xFFFFFFD0] =	vst v9;
	v5 =	vld [tilespmem:s0+$0xFFFFFF90]  }
0x2cf: {  	s29 =	simm.s32 $0xB0;
	vm7 =	vge.u32 v60, v1;
	vm5 =	vge.u32 v8, v1;
	vm6 =	vle.u32 v8, v3;
	[tilespmem:s23+$0xFFFFFFE0] =	vst v10;
	v8 =	vld [tilespmem:s0+$0xFFFFFFA0]  }
0x2d0: {  	vm4 =	vle.u32 v61, v3;
	v6 =	vor.u32 s29, v0;
	v7 =	vmul.f32 v11, v59;
	v9 =	vld [tilespmem:s0+$0xFFFFFFB0]  }
0x2d1: {  	vm3 =	vmand vm3, vm14;
	vm9 =	vge.u32 v6, v1;
	vm10 =	vle.u32 v6, v3;
	v6 =	vld [tilespmem:s0+$0xFFFFFFC0]  }
0x2d2: {  	vm8 =	vle.u32 v60, v3;
	v4 =	vld [tilespmem:s23+$0xFFFFFFF0];
	[tilespmem:s23+$0x0] =	vst v7;
	v7 =	vnsel vm3, $0x3F800000, v2;
	vm3 =	vmand vm5, vm6  }
0x2d3: {  	v10 =	vld [tilespmem:s0+$0xFFFFFFD0];
	v5 =	vmul.f32 v5, v7;
	v7 =	vnsel vm3, $0x3F800000, v2;
	vm3 =	vmand vm7, vm8  }
0x2d4: {  	v62 =	vld [tilespmem:s0+$0xFFFFFFE0];
	v7 =	vmul.f32 v8, v7;
	v8 =	vnsel vm3, $0x3F800000, v2;
	vm3 =	vmand vm9, vm10  }
0x2d5: {  	vm11 =	vge.u32 v61, v1;
	vm12 =	vge.u32 v14, v1;
	v63 =	vld [tilespmem:s0+$0x0];
	[tilespmem:s0+$0xFFFFFF90] =	vst v5;
	v5 =	vnsel vm3, $0x3F800000, v2  }
0x2d6: {  	v8 =	vmul.f32 v9, v8;
	vm3 =	vmand vm11, vm4;
	v6 =	vmul.f32 v6, v5;
	v5 =	vld [tilespmem:s0+$0xFFFFFFF0]  }
0x2d7: {  	s24 =	simm.s32 $0xE0;
	vm2 =	vmand vm1, vm2;
	[tilespmem:s0+$0xFFFFFFA0] =	vst v7;
	v7 =	vnsel vm3, $0x3F800000, v2;
	vm3 =	vmand vm12, vm15  }
0x2d8: {  	v11 =	vor.u32 s24, v0;
	[tilespmem:s0+$0xFFFFFFB0] =	vst v8;
	v8 =	vmul.f32 v10, v7;
	v7 =	vnsel vm3, $0x3F800000, v2  }
0x2d9: {  	vm1 =	vge.u32 v11, v1;
	[tilespmem:s0+$0xFFFFFFC0] =	vst v6;
	v7 =	vmul.f32 v62, v7;
	v6 =	vnsel vm2, $0x3F800000, v2  }
0x2da: {  	s1 =	simm.s32 $0x170;
	s2 =	simm.s32 $0x8;
	vm2 =	vle.u32 v11, v3;
	[tilespmem:s0+$0xFFFFFFD0] =	vst v8;
	v6 =	vmul.f32 v63, v6;
	v8 =	vnsel vm0, $0x3F800000, v2  }
.LBB2_33:
0x2db: {  	s3 =	sadd.s32 $0xFFFFFFF0, s1;
	v9 =	vor.u32 s1, v0;
	[tilespmem:s0+$0xFFFFFFE0] =	vst v7;
	vm0 =	vmand vm1, vm2;
	v7 =	vmul.f32 v4, v8;
	v4 =	vmovc v5  }
0x2dc: {  	s5 =	sadd.s32 $0xFFFFFF90, s1;
	s7 =	sadd.s32 $0xFFFFFFA0, s1;
	s8 =	sadd.s32 $0xFFFFFFB0, s1;
	v8 =	vor.u32 s3, v0;
	vm1 =	vge.u32 v9, v1;
	vm2 =	vle.u32 v9, v3;
	[tilespmem:s0+$0x0] =	vst v6  }
0x2dd: {  	v5 =	vor.u32 s5, v0;
	v6 =	vor.u32 s7, v0;
	v9 =	vor.u32 s8, v0;
	s3 =	sadd.s32 $0xFFFFFFC0, s1;
	s5 =	sadd.s32 $0xFFFFFFD0, s1;
	s7 =	sadd.s32 $0xFFFFFFE0, s1;
	[tilespmem:s23+$0xFFFFFFF0] =	vst v7  }
0x2de: {  	v7 =	vor.u32 s3, v0;
	v10 =	vor.u32 s5, v0;
	v11 =	vor.u32 s7, v0;
	s23 =	smov.u32 s0;
	s0 =	sadd.s32 $0x400, s0  }
0x2df: {  	vm3 =	vge.u32 v5, v1;
	vm4 =	vle.u32 v5, v3;
	vm5 =	vge.u32 v6, v1;
	v5 =	vld [tilespmem:s0+$0xFFFFFF90]  }
0x2e0: {  	vm6 =	vle.u32 v6, v3;
	vm7 =	vge.u32 v9, v1;
	vm8 =	vle.u32 v9, v3;
	v6 =	vld [tilespmem:s0+$0xFFFFFFA0]  }
0x2e1: {  	vm9 =	vge.u32 v7, v1;
	vm10 =	vle.u32 v7, v3;
	vm11 =	vge.u32 v10, v1;
	v9 =	vld [tilespmem:s0+$0xFFFFFFB0]  }
0x2e2: {  	vm3 =	vmand vm3, vm4;
	vm4 =	vle.u32 v10, v3;
	vm12 =	vge.u32 v11, v1;
	v7 =	vld [tilespmem:s0+$0xFFFFFFC0]  }
0x2e3: {  	v10 =	vnsel vm3, $0x3F800000, v2;
	vm3 =	vmand vm5, vm6;
	vm5 =	vle.u32 v11, v3;
	v12 =	vld [tilespmem:s0+$0xFFFFFFD0]  }
0x2e4: {  	s2 =	sadd.s32 $0x8, s2;
	v5 =	vmul.f32 v5, v10;
	v10 =	vnsel vm3, $0x3F800000, v2;
	vm3 =	vmand vm7, vm8;
	v11 =	vld [tilespmem:s0+$0xFFFFFFE0]  }
0x2e5: {  	p1 =	slt.u32 s2, $0x78;
	v6 =	vmul.f32 v6, v10;
	v10 =	vnsel vm3, $0x3F800000, v2;
	vm3 =	vmand vm9, vm10;
	v13 =	vld [tilespmem:s0+$0x0]  }
.Ltmp15:
0x2e6: {  	[tilespmem:s0+$0xFFFFFF90] =	vst v5;
	v9 =	vmul.f32 v9, v10;
	v10 =	vnsel vm3, $0x3F800000, v2;
	vm3 =	vmand vm11, vm4;
	v5 =	vld [tilespmem:s0+$0xFFFFFFF0];
	(pc) =	sbr.rel @p1 .LBB2_33-.Ltmp15, $4  }
0x2e7: {  	[tilespmem:s0+$0xFFFFFFA0] =	vst v6;
	v6 =	vmul.f32 v7, v10;
	v7 =	vnsel vm3, $0x3F800000, v2;
	vm3 =	vmand vm12, vm5  }
0x2e8: {  	vm2 =	vmand vm1, vm2;
	[tilespmem:s0+$0xFFFFFFB0] =	vst v9;
	v9 =	vmul.f32 v12, v7;
	v7 =	vnsel vm3, $0x3F800000, v2  }
0x2e9: {  	vm1 =	vge.u32 v8, v1;
	[tilespmem:s0+$0xFFFFFFC0] =	vst v6;
	v7 =	vmul.f32 v11, v7;
	v6 =	vnsel vm2, $0x3F800000, v2  }
0x2ea: {  	s1 =	sadd.s32 $0x80, s1;
	vm2 =	vle.u32 v8, v3;
	v8 =	vnsel vm0, $0x3F800000, v2;
	[tilespmem:s0+$0xFFFFFFD0] =	vst v9;
	v6 =	vmul.f32 v13, v6  }
0x2eb: {  	s1 =	sor.u32 $0xE, s21;
	s2 =	ssub.s32 $0x7F1, s21;
	vm0 =	vmand vm1, vm2;
	s7 =	simm.s32 $0x70  }
0x2ec: {  	v4 =	vmul.f32 v4, v8;
	[tilespmem:s0+$0xFFFFFFE0] =	vst v7;
	s8 =	simm.s32 $0x60;
	s11 =	simm.s32 $0x30;
	s13 =	simm.s32 $0x40;
	v7 =	vnsel vm0, $0x3F800000, v2  }
0x2ed: {  	s14 =	simm.s32 $0x50;
	s28 =	simm.s32 $0xA0;
	s30 =	simm.s32 $0xC0;
	[tilespmem:s0+$0x0] =	vst v6;
	v6 =	vor.u32 s7, v0;
	v8 =	vor.u32 s11, v0;
	v9 =	vor.u32 s13, v0  }
0x2ee: {  	s9 =	simm.s32 $0x0;
	s31 =	simm.s32 $0xD0;
	s1 =	smin.u32 s1, s2;
	v10 =	vor.u32 s14, v0;
	v60 =	vor.u32 s28, v0;
	v61 =	vor.u32 s30, v0  }
0x2ef: {  	v14 =	vor.u32 s31, v0;
	s2 =	scvt.s32.f32 s1;
	s5 =	sadd.s32 s20, s1;
	s1 =	sxor.u32 $0x7FF, s1;
	v5 =	vmul.f32 v5, v7;
	v7 =	vor.u32 s8, v0  }
0x2f0: {  	s10 =	simm.s32 $0x10;
	[tilespmem:s23+$0xFFFFFFF0] =	vst v4;
	v4 =	vor.u32 s9, v0;
	v2 =	vmov s5;
	v3 =	vmov s1  }
0x2f1: {  	s3 =	simm.s32 $0x20;
	s2 =	smul.f32 $3.125000000e-02, s2;
	vm0 =	vge.u32 v6, v2;
	vm1 =	vle.u32 v6, v3;
	[tilespmem:s0+$0xFFFFFFF0] =	vst v5;
	v5 =	vor.u32 s10, v0  }
0x2f2: {  	v6 =	vor.u32 s3, v0;
	vm2 =	vge.u32 v4, v2;
	vm3 =	vle.u32 v4, v3  }
0x2f3: {  	vm8 =	vge.u32 v8, v2;
	vm9 =	vle.u32 v8, v3;
	vm10 =	vge.u32 v9, v2;
	s2 =	sadd.f32 s2, s15  }
0x2f4: {  	vm11 =	vge.u32 v10, v2;
	vm12 =	vle.u32 v10, v3;
	vm15 =	vle.u32 v14, v3;
	v11 =	vld [tilespmem:s22+$0xFFFFFF90]  }
0x2f5: {  	vm4 =	vge.u32 v5, v2;
	vm5 =	vle.u32 v5, v3;
	v4 =	vld [tilespmem:s22+$0xFFFFFFA0];
	vm6 =	vge.u32 v6, v2;
	s2 =	smax.f32 s2, $0.0e+00  }
0x2f6: {  	vm7 =	vle.u32 v6, v3;
	v5 =	vld [tilespmem:s22+$0xFFFFFFB0];
	vm2 =	vmand vm2, vm3;
	vm3 =	vle.u32 v9, v3;
	s2 =	smin.f32 s2, $1.000000000e+00  }
0x2f7: {  	vm0 =	vmand vm0, vm1;
	vm1 =	vge.u32 v7, v2;
	v1 =	vmov s2  }
0x2f8: {  	v6 =	vld [tilespmem:s22+$0xFFFFFFC0];
	vm13 =	vmand vm6, vm7;
	v8 =	vnsel vm2, $0x3F800000, v1;
	vm2 =	vmand vm4, vm5  }
0x2f9: {  	v9 =	vld [tilespmem:s22+$0xFFFFFFD0];
	v12 =	vnsel vm13, $0x3F800000, v1;
	v59 =	vnsel vm0, $0x3F800000, v1;
	vm0 =	vle.u32 v7, v3  }
0x2fa: {  	v10 =	vld [tilespmem:s22+$0xFFFFFFE0];
	v8 =	vmul.f32 v11, v8;
	v11 =	vnsel vm2, $0x3F800000, v1;
	vm2 =	vmand vm8, vm9  }
0x2fb: {  	v5 =	vmul.f32 v5, v12;
	vm0 =	vmand vm1, vm0;
	v4 =	vmul.f32 v4, v11  }
0x2fc: {  	v57 =	vnsel vm2, $0x3F800000, v1;
	vm2 =	vmand vm10, vm3;
	vm3 =	vmand vm11, vm12;
	[tilespmem:s22+$0xFFFFFF90] =	vst v8  }
0x2fd: {  	s25 =	simm.s32 $0x80;
	s23 =	simm.s32 $0xF0;
	v11 =	vld [tilespmem:s22+$0x0];
	v6 =	vmul.f32 v6, v57;
	v58 =	vnsel vm2, $0x3F800000, v1;
	v13 =	vnsel vm3, $0x3F800000, v1;
	[tilespmem:s22+$0xFFFFFFB0] =	vst v5  }
0x2fe: {  	v8 =	vor.u32 s23, v0;
	v5 =	vor.u32 s25, v0;
	v9 =	vmul.f32 v9, v58;
	[tilespmem:s22+$0xFFFFFFA0] =	vst v4  }
0x2ff: {  	s26 =	simm.s32 $0x90;
	s0 =	sadd.s32 $0x400, s22;
	v10 =	vmul.f32 v10, v13;
	vm1 =	vge.u32 v8, v2;
	vm2 =	vle.u32 v8, v3;
	[tilespmem:s22+$0xFFFFFFC0] =	vst v6  }
0x300: {  	v8 =	vor.u32 s26, v0;
	vm3 =	vge.u32 v5, v2;
	vm14 =	vle.u32 v5, v3;
	[tilespmem:s22+$0xFFFFFFD0] =	vst v9;
	v5 =	vld [tilespmem:s0+$0xFFFFFF90]  }
0x301: {  	s29 =	simm.s32 $0xB0;
	vm7 =	vge.u32 v60, v2;
	vm5 =	vge.u32 v8, v2;
	vm6 =	vle.u32 v8, v3;
	[tilespmem:s22+$0xFFFFFFE0] =	vst v10;
	v8 =	vld [tilespmem:s0+$0xFFFFFFA0]  }
0x302: {  	vm4 =	vle.u32 v61, v3;
	v6 =	vor.u32 s29, v0;
	v7 =	vmul.f32 v11, v59;
	v9 =	vld [tilespmem:s0+$0xFFFFFFB0]  }
0x303: {  	vm3 =	vmand vm3, vm14;
	vm9 =	vge.u32 v6, v2;
	vm10 =	vle.u32 v6, v3;
	v6 =	vld [tilespmem:s0+$0xFFFFFFC0]  }
0x304: {  	vm8 =	vle.u32 v60, v3;
	v4 =	vld [tilespmem:s22+$0xFFFFFFF0];
	[tilespmem:s22+$0x0] =	vst v7;
	v7 =	vnsel vm3, $0x3F800000, v1;
	vm3 =	vmand vm5, vm6  }
0x305: {  	v10 =	vld [tilespmem:s0+$0xFFFFFFD0];
	v5 =	vmul.f32 v5, v7;
	v7 =	vnsel vm3, $0x3F800000, v1;
	vm3 =	vmand vm7, vm8  }
0x306: {  	v62 =	vld [tilespmem:s0+$0xFFFFFFE0];
	v7 =	vmul.f32 v8, v7;
	v8 =	vnsel vm3, $0x3F800000, v1;
	vm3 =	vmand vm9, vm10  }
0x307: {  	vm11 =	vge.u32 v61, v2;
	vm12 =	vge.u32 v14, v2;
	v63 =	vld [tilespmem:s0+$0x0];
	[tilespmem:s0+$0xFFFFFF90] =	vst v5;
	v5 =	vnsel vm3, $0x3F800000, v1  }
0x308: {  	v8 =	vmul.f32 v9, v8;
	vm3 =	vmand vm11, vm4;
	v6 =	vmul.f32 v6, v5;
	v5 =	vld [tilespmem:s0+$0xFFFFFFF0]  }
0x309: {  	s24 =	simm.s32 $0xE0;
	vm2 =	vmand vm1, vm2;
	[tilespmem:s0+$0xFFFFFFA0] =	vst v7;
	v7 =	vnsel vm3, $0x3F800000, v1;
	vm3 =	vmand vm12, vm15  }
0x30a: {  	v11 =	vor.u32 s24, v0;
	[tilespmem:s0+$0xFFFFFFB0] =	vst v8;
	v8 =	vmul.f32 v10, v7;
	v7 =	vnsel vm3, $0x3F800000, v1  }
0x30b: {  	vm1 =	vge.u32 v11, v2;
	[tilespmem:s0+$0xFFFFFFC0] =	vst v6;
	v7 =	vmul.f32 v62, v7;
	v6 =	vnsel vm2, $0x3F800000, v1  }
0x30c: {  	s1 =	simm.s32 $0x170;
	s2 =	simm.s32 $0x8;
	vm2 =	vle.u32 v11, v3;
	[tilespmem:s0+$0xFFFFFFD0] =	vst v8;
	v6 =	vmul.f32 v63, v6;
	v8 =	vnsel vm0, $0x3F800000, v1  }
.LBB2_35:
0x30d: {  	s3 =	sadd.s32 $0xFFFFFFF0, s1;
	v9 =	vor.u32 s1, v0;
	[tilespmem:s0+$0xFFFFFFE0] =	vst v7;
	vm0 =	vmand vm1, vm2;
	v7 =	vmul.f32 v4, v8;
	v4 =	vmovc v5  }
0x30e: {  	s5 =	sadd.s32 $0xFFFFFF90, s1;
	s7 =	sadd.s32 $0xFFFFFFA0, s1;
	s8 =	sadd.s32 $0xFFFFFFB0, s1;
	v8 =	vor.u32 s3, v0;
	vm1 =	vge.u32 v9, v2;
	vm2 =	vle.u32 v9, v3;
	[tilespmem:s0+$0x0] =	vst v6  }
0x30f: {  	v5 =	vor.u32 s5, v0;
	v6 =	vor.u32 s7, v0;
	v9 =	vor.u32 s8, v0;
	s3 =	sadd.s32 $0xFFFFFFC0, s1;
	s5 =	sadd.s32 $0xFFFFFFD0, s1;
	s7 =	sadd.s32 $0xFFFFFFE0, s1;
	[tilespmem:s22+$0xFFFFFFF0] =	vst v7  }
0x310: {  	v7 =	vor.u32 s3, v0;
	v10 =	vor.u32 s5, v0;
	v11 =	vor.u32 s7, v0;
	s22 =	smov.u32 s0;
	s0 =	sadd.s32 $0x400, s0  }
0x311: {  	vm3 =	vge.u32 v5, v2;
	vm4 =	vle.u32 v5, v3;
	vm5 =	vge.u32 v6, v2;
	v5 =	vld [tilespmem:s0+$0xFFFFFF90]  }
0x312: {  	vm6 =	vle.u32 v6, v3;
	vm7 =	vge.u32 v9, v2;
	vm8 =	vle.u32 v9, v3;
	v6 =	vld [tilespmem:s0+$0xFFFFFFA0]  }
0x313: {  	vm9 =	vge.u32 v7, v2;
	vm10 =	vle.u32 v7, v3;
	vm11 =	vge.u32 v10, v2;
	v9 =	vld [tilespmem:s0+$0xFFFFFFB0]  }
0x314: {  	vm3 =	vmand vm3, vm4;
	vm4 =	vle.u32 v10, v3;
	vm12 =	vge.u32 v11, v2;
	v7 =	vld [tilespmem:s0+$0xFFFFFFC0]  }
0x315: {  	v10 =	vnsel vm3, $0x3F800000, v1;
	vm3 =	vmand vm5, vm6;
	vm5 =	vle.u32 v11, v3;
	v12 =	vld [tilespmem:s0+$0xFFFFFFD0]  }
0x316: {  	s2 =	sadd.s32 $0x8, s2;
	v5 =	vmul.f32 v5, v10;
	v10 =	vnsel vm3, $0x3F800000, v1;
	vm3 =	vmand vm7, vm8;
	v11 =	vld [tilespmem:s0+$0xFFFFFFE0]  }
0x317: {  	p1 =	slt.u32 s2, $0x78;
	v6 =	vmul.f32 v6, v10;
	v10 =	vnsel vm3, $0x3F800000, v1;
	vm3 =	vmand vm9, vm10;
	v13 =	vld [tilespmem:s0+$0x0]  }
.Ltmp16:
0x318: {  	[tilespmem:s0+$0xFFFFFF90] =	vst v5;
	v9 =	vmul.f32 v9, v10;
	v10 =	vnsel vm3, $0x3F800000, v1;
	vm3 =	vmand vm11, vm4;
	v5 =	vld [tilespmem:s0+$0xFFFFFFF0];
	(pc) =	sbr.rel @p1 .LBB2_35-.Ltmp16, $4  }
0x319: {  	[tilespmem:s0+$0xFFFFFFA0] =	vst v6;
	v6 =	vmul.f32 v7, v10;
	v7 =	vnsel vm3, $0x3F800000, v1;
	vm3 =	vmand vm12, vm5  }
0x31a: {  	vm2 =	vmand vm1, vm2;
	[tilespmem:s0+$0xFFFFFFB0] =	vst v9;
	v9 =	vmul.f32 v12, v7;
	v7 =	vnsel vm3, $0x3F800000, v1  }
0x31b: {  	vm1 =	vge.u32 v8, v2;
	[tilespmem:s0+$0xFFFFFFC0] =	vst v6;
	v7 =	vmul.f32 v11, v7;
	v6 =	vnsel vm2, $0x3F800000, v1  }
0x31c: {  	s1 =	sadd.s32 $0x80, s1;
	vm2 =	vle.u32 v8, v3;
	v8 =	vnsel vm0, $0x3F800000, v1;
	[tilespmem:s0+$0xFFFFFFD0] =	vst v9;
	v6 =	vmul.f32 v13, v6  }
0x31d: {  	s1 =	sor.u32 $0xF, s21;
	s2 =	ssub.s32 $0x7F0, s21;
	vm0 =	vmand vm1, vm2;
	s10 =	simm.s32 $0x70  }
0x31e: {  	v4 =	vmul.f32 v4, v8;
	[tilespmem:s0+$0xFFFFFFE0] =	vst v7;
	s11 =	simm.s32 $0x60;
	s21 =	simm.s32 $0x40;
	s28 =	simm.s32 $0xA0;
	v7 =	vnsel vm0, $0x3F800000, v1  }
0x31f: {  	s30 =	simm.s32 $0xC0;
	s31 =	simm.s32 $0xD0;
	s1 =	smin.u32 s1, s2;
	[tilespmem:s0+$0x0] =	vst v6;
	v6 =	vor.u32 s10, v0;
	v9 =	vor.u32 s21, v0;
	v60 =	vor.u32 s28, v0  }
0x320: {  	s13 =	simm.s32 $0x0;
	v61 =	vor.u32 s30, v0;
	v14 =	vor.u32 s31, v0;
	s2 =	scvt.s32.f32 s1;
	s9 =	sadd.s32 s20, s1;
	v5 =	vmul.f32 v5, v7  }
0x321: {  	s1 =	sxor.u32 $0x7FF, s1;
	v7 =	vor.u32 s11, v0;
	[tilespmem:s22+$0xFFFFFFF0] =	vst v4;
	v4 =	vor.u32 s13, v0;
	s20 =	simm.s32 $0x30;
	s22 =	simm.s32 $0x50;
	v1 =	vmov s9  }
0x322: {  	s14 =	simm.s32 $0x10;
	v3 =	vmov s1;
	v8 =	vor.u32 s20, v0;
	v10 =	vor.u32 s22, v0  }
0x323: {  	s3 =	simm.s32 $0x20;
	s2 =	smul.f32 $3.125000000e-02, s2;
	vm0 =	vge.u32 v6, v1;
	vm1 =	vle.u32 v6, v3;
	[tilespmem:s0+$0xFFFFFFF0] =	vst v5;
	v5 =	vor.u32 s14, v0  }
0x324: {  	v6 =	vor.u32 s3, v0;
	vm2 =	vge.u32 v4, v1;
	vm3 =	vle.u32 v4, v3  }
0x325: {  	vm8 =	vge.u32 v8, v1;
	vm9 =	vle.u32 v8, v3;
	vm10 =	vge.u32 v9, v1;
	s2 =	sadd.f32 s2, s15  }
0x326: {  	vm11 =	vge.u32 v10, v1;
	vm12 =	vle.u32 v10, v3;
	vm15 =	vle.u32 v14, v3;
	v11 =	vld [tilespmem:s19+$0xFFFFFF90]  }
0x327: {  	vm4 =	vge.u32 v5, v1;
	vm5 =	vle.u32 v5, v3;
	v4 =	vld [tilespmem:s19+$0xFFFFFFA0];
	vm6 =	vge.u32 v6, v1;
	s2 =	smax.f32 s2, $0.0e+00  }
0x328: {  	vm7 =	vle.u32 v6, v3;
	v5 =	vld [tilespmem:s19+$0xFFFFFFB0];
	vm2 =	vmand vm2, vm3;
	vm3 =	vle.u32 v9, v3;
	s2 =	smin.f32 s2, $1.000000000e+00  }
0x329: {  	vm0 =	vmand vm0, vm1;
	vm1 =	vge.u32 v7, v1;
	v2 =	vmov s2  }
0x32a: {  	v6 =	vld [tilespmem:s19+$0xFFFFFFC0];
	vm13 =	vmand vm6, vm7;
	v8 =	vnsel vm2, $0x3F800000, v2;
	vm2 =	vmand vm4, vm5  }
0x32b: {  	v9 =	vld [tilespmem:s19+$0xFFFFFFD0];
	v12 =	vnsel vm13, $0x3F800000, v2;
	v59 =	vnsel vm0, $0x3F800000, v2;
	vm0 =	vle.u32 v7, v3  }
0x32c: {  	v10 =	vld [tilespmem:s19+$0xFFFFFFE0];
	v8 =	vmul.f32 v11, v8;
	v11 =	vnsel vm2, $0x3F800000, v2;
	vm2 =	vmand vm8, vm9  }
0x32d: {  	v5 =	vmul.f32 v5, v12;
	vm0 =	vmand vm1, vm0;
	v4 =	vmul.f32 v4, v11  }
0x32e: {  	v57 =	vnsel vm2, $0x3F800000, v2;
	vm2 =	vmand vm10, vm3;
	vm3 =	vmand vm11, vm12;
	[tilespmem:s19+$0xFFFFFF90] =	vst v8  }
0x32f: {  	s23 =	simm.s32 $0xF0;
	s25 =	simm.s32 $0x80;
	v11 =	vld [tilespmem:s19+$0x0];
	v6 =	vmul.f32 v6, v57;
	v58 =	vnsel vm2, $0x3F800000, v2;
	v13 =	vnsel vm3, $0x3F800000, v2;
	[tilespmem:s19+$0xFFFFFFB0] =	vst v5  }
0x330: {  	v8 =	vor.u32 s23, v0;
	v5 =	vor.u32 s25, v0;
	v9 =	vmul.f32 v9, v58;
	[tilespmem:s19+$0xFFFFFFA0] =	vst v4  }
0x331: {  	s26 =	simm.s32 $0x90;
	s0 =	sadd.s32 $0x400, s19;
	v10 =	vmul.f32 v10, v13;
	vm1 =	vge.u32 v8, v1;
	vm2 =	vle.u32 v8, v3;
	[tilespmem:s19+$0xFFFFFFC0] =	vst v6  }
0x332: {  	v8 =	vor.u32 s26, v0;
	vm3 =	vge.u32 v5, v1;
	vm14 =	vle.u32 v5, v3;
	[tilespmem:s19+$0xFFFFFFD0] =	vst v9;
	v5 =	vld [tilespmem:s0+$0xFFFFFF90]  }
0x333: {  	s29 =	simm.s32 $0xB0;
	vm7 =	vge.u32 v60, v1;
	vm5 =	vge.u32 v8, v1;
	vm6 =	vle.u32 v8, v3;
	[tilespmem:s19+$0xFFFFFFE0] =	vst v10;
	v8 =	vld [tilespmem:s0+$0xFFFFFFA0]  }
0x334: {  	vm4 =	vle.u32 v61, v3;
	v6 =	vor.u32 s29, v0;
	v7 =	vmul.f32 v11, v59;
	v9 =	vld [tilespmem:s0+$0xFFFFFFB0]  }
0x335: {  	vm3 =	vmand vm3, vm14;
	vm9 =	vge.u32 v6, v1;
	vm10 =	vle.u32 v6, v3;
	v6 =	vld [tilespmem:s0+$0xFFFFFFC0]  }
0x336: {  	vm8 =	vle.u32 v60, v3;
	v4 =	vld [tilespmem:s19+$0xFFFFFFF0];
	[tilespmem:s19+$0x0] =	vst v7;
	v7 =	vnsel vm3, $0x3F800000, v2;
	vm3 =	vmand vm5, vm6  }
0x337: {  	v10 =	vld [tilespmem:s0+$0xFFFFFFD0];
	v5 =	vmul.f32 v5, v7;
	v7 =	vnsel vm3, $0x3F800000, v2;
	vm3 =	vmand vm7, vm8  }
0x338: {  	v62 =	vld [tilespmem:s0+$0xFFFFFFE0];
	v7 =	vmul.f32 v8, v7;
	v8 =	vnsel vm3, $0x3F800000, v2;
	vm3 =	vmand vm9, vm10  }
0x339: {  	vm11 =	vge.u32 v61, v1;
	vm12 =	vge.u32 v14, v1;
	v63 =	vld [tilespmem:s0+$0x0];
	[tilespmem:s0+$0xFFFFFF90] =	vst v5;
	v5 =	vnsel vm3, $0x3F800000, v2  }
0x33a: {  	v8 =	vmul.f32 v9, v8;
	vm3 =	vmand vm11, vm4;
	v6 =	vmul.f32 v6, v5;
	v5 =	vld [tilespmem:s0+$0xFFFFFFF0]  }
0x33b: {  	s24 =	simm.s32 $0xE0;
	vm2 =	vmand vm1, vm2;
	[tilespmem:s0+$0xFFFFFFA0] =	vst v7;
	v7 =	vnsel vm3, $0x3F800000, v2;
	vm3 =	vmand vm12, vm15  }
0x33c: {  	v11 =	vor.u32 s24, v0;
	[tilespmem:s0+$0xFFFFFFB0] =	vst v8;
	v8 =	vmul.f32 v10, v7;
	v7 =	vnsel vm3, $0x3F800000, v2  }
0x33d: {  	vm1 =	vge.u32 v11, v1;
	[tilespmem:s0+$0xFFFFFFC0] =	vst v6;
	v7 =	vmul.f32 v62, v7;
	v6 =	vnsel vm2, $0x3F800000, v2  }
0x33e: {  	s1 =	simm.s32 $0x170;
	s2 =	simm.s32 $0x8;
	vm2 =	vle.u32 v11, v3;
	[tilespmem:s0+$0xFFFFFFD0] =	vst v8;
	v6 =	vmul.f32 v63, v6;
	v8 =	vnsel vm0, $0x3F800000, v2  }
.LBB2_37:
0x33f: {  	s3 =	sadd.s32 $0xFFFFFFF0, s1;
	v9 =	vor.u32 s1, v0;
	[tilespmem:s0+$0xFFFFFFE0] =	vst v7;
	vm0 =	vmand vm1, vm2;
	v7 =	vmul.f32 v4, v8;
	v4 =	vmovc v5  }
0x340: {  	s5 =	sadd.s32 $0xFFFFFF90, s1;
	s7 =	sadd.s32 $0xFFFFFFA0, s1;
	s8 =	sadd.s32 $0xFFFFFFB0, s1;
	v8 =	vor.u32 s3, v0;
	vm1 =	vge.u32 v9, v1;
	vm2 =	vle.u32 v9, v3;
	[tilespmem:s0+$0x0] =	vst v6  }
0x341: {  	v5 =	vor.u32 s5, v0;
	v6 =	vor.u32 s7, v0;
	v9 =	vor.u32 s8, v0;
	s3 =	sadd.s32 $0xFFFFFFC0, s1;
	s5 =	sadd.s32 $0xFFFFFFD0, s1;
	s7 =	sadd.s32 $0xFFFFFFE0, s1;
	[tilespmem:s19+$0xFFFFFFF0] =	vst v7  }
0x342: {  	v7 =	vor.u32 s3, v0;
	v10 =	vor.u32 s5, v0;
	v11 =	vor.u32 s7, v0;
	s19 =	smov.u32 s0;
	s0 =	sadd.s32 $0x400, s0  }
0x343: {  	vm3 =	vge.u32 v5, v1;
	vm4 =	vle.u32 v5, v3;
	vm5 =	vge.u32 v6, v1;
	v5 =	vld [tilespmem:s0+$0xFFFFFF90]  }
0x344: {  	vm6 =	vle.u32 v6, v3;
	vm7 =	vge.u32 v9, v1;
	vm8 =	vle.u32 v9, v3;
	v6 =	vld [tilespmem:s0+$0xFFFFFFA0]  }
0x345: {  	vm9 =	vge.u32 v7, v1;
	vm10 =	vle.u32 v7, v3;
	vm11 =	vge.u32 v10, v1;
	v9 =	vld [tilespmem:s0+$0xFFFFFFB0]  }
0x346: {  	vm3 =	vmand vm3, vm4;
	vm4 =	vle.u32 v10, v3;
	vm12 =	vge.u32 v11, v1;
	v7 =	vld [tilespmem:s0+$0xFFFFFFC0]  }
0x347: {  	v10 =	vnsel vm3, $0x3F800000, v2;
	vm3 =	vmand vm5, vm6;
	vm5 =	vle.u32 v11, v3;
	v12 =	vld [tilespmem:s0+$0xFFFFFFD0]  }
0x348: {  	s2 =	sadd.s32 $0x8, s2;
	v5 =	vmul.f32 v5, v10;
	v10 =	vnsel vm3, $0x3F800000, v2;
	vm3 =	vmand vm7, vm8;
	v11 =	vld [tilespmem:s0+$0xFFFFFFE0]  }
0x349: {  	p1 =	slt.u32 s2, $0x78;
	v6 =	vmul.f32 v6, v10;
	v10 =	vnsel vm3, $0x3F800000, v2;
	vm3 =	vmand vm9, vm10;
	v13 =	vld [tilespmem:s0+$0x0]  }
.Ltmp17:
0x34a: {  	[tilespmem:s0+$0xFFFFFF90] =	vst v5;
	v9 =	vmul.f32 v9, v10;
	v10 =	vnsel vm3, $0x3F800000, v2;
	vm3 =	vmand vm11, vm4;
	v5 =	vld [tilespmem:s0+$0xFFFFFFF0];
	(pc) =	sbr.rel @p1 .LBB2_37-.Ltmp17, $4  }
0x34b: {  	[tilespmem:s0+$0xFFFFFFA0] =	vst v6;
	v6 =	vmul.f32 v7, v10;
	v7 =	vnsel vm3, $0x3F800000, v2;
	vm3 =	vmand vm12, vm5  }
0x34c: {  	vm2 =	vmand vm1, vm2;
	[tilespmem:s0+$0xFFFFFFB0] =	vst v9;
	v9 =	vmul.f32 v12, v7;
	v7 =	vnsel vm3, $0x3F800000, v2  }
0x34d: {  	vm1 =	vge.u32 v8, v1;
	[tilespmem:s0+$0xFFFFFFC0] =	vst v6;
	v7 =	vmul.f32 v11, v7;
	v6 =	vnsel vm2, $0x3F800000, v2  }
0x34e: {  	s1 =	sadd.s32 $0x80, s1;
	vm2 =	vle.u32 v8, v3;
	v8 =	vnsel vm0, $0x3F800000, v2;
	[tilespmem:s0+$0xFFFFFFD0] =	vst v9;
	v6 =	vmul.f32 v13, v6  }
0x34f: {  	vm0 =	vmand vm1, vm2  }
0x350: {  	[tilespmem:s0+$0xFFFFFFE0] =	vst v7;
	v1 =	vmul.f32 v4, v8;
	p1 =	sne.s32 s16, $0x30;
	v2 =	vnsel vm0, $0x3F800000, v2  }
.Ltmp18:
0x351: {  	[tilespmem:s0+$0x0] =	vst v6;
	v2 =	vmul.f32 v5, v2;
	(pc) =	sbr.rel @p1 .LBB2_2-.Ltmp18, $4  }
0x352: {  	s1 =	sshll.u32 s18, $0x8;
	s31 =	rddreg [dreg:$0x2];
	[tilespmem:s19+$0xFFFFFFF0] =	vst v1  }
0x353: {  	[tilespmem:s0+$0xFFFFFFF0] =	vst v2;
	s0 =	sadd.s32 s31, s1  }
0x354: {  	[hbm4b:s0+s4] =	stream.linear.scatter [tilespmem:s17], [sflag:$0x2], $0x8000, $0x38;
	[tilespmem:$0x10080] =	vst v63  }
0x355: {  	p0 =	por !p0, !p0;
	s0 =	smov.u32 s16  }
0x356: {  	s1 =	simm.s32 $0x2  }
0x357: {  	_ =	swait.ge [sflag:s1], $0x8000  }
0x358: {  	[sflag:s1] =	ssyncset.done $0x0  }
0x359: {  	[sflag:s1] =	ssyncadd.s32 $0xFFFF8000  }
0x35a: {  	_ =	swait.ge [sflag:s1], $0x8000  }
0x35b: {  	s2 =	rddreg [dreg:$0x8]  }
0x35c: {  	s0 =	rddreg [dreg:$0x7];
	s2 =	sadd.s32 $0x1, s2  }
0x35d: {  	p0 =	sne.s32 s2, s0  }
.Ltmp19:
0x35e: {  	_ = 	snop;
	(pc) =	sbr.rel @p0 .LBB2_1-.Ltmp19, $3  }
0x35f: {  	_ =	sdelay $0x1  }
0x360: {  	[sflag:s1] =	ssyncset.done $0x0  }
0x361: {  	[sflag:s1] =	ssyncadd.s32 $0xFFFF8000  }
0x362: {  	_ =	sfence.sel $0x180000  }
0x363: {  	[bflag:$0x0] =	sbarrier.arrive $0xFFFF  }
0x364: {  	_ =	strace $0x90000047  }
0x365: {  	s0 =	stileid.u32;
	[bflag:$0x2] =	sbarrier.arrive $0xFFFF  }
0x366: {  	p0 =	sne.s32 s0, $0x0;
	s0 =	rddreg [dreg:$0x3]  }
0x367: {  	s0 =	sadd.s32 @!p0 $0x100000, s0  }
0x368: {  	[sflag:s0] =	ssyncadd.tile.s32 @!p0 $0x1;
	_ =	shalt  }
.Lfunc_end2:
_tile_overlayer_lowered:
.L_overlay_start_2:
0x369: {  	(tag) =	ssettag $0x2  }
0x36a: {  	s0 =	rddreg [dreg:$0x0];
	s2 =	stileid.u32  }
0x36b: {  	s1 =	rddreg [dreg:$0x1];
	p0 =	sne.s32 s2, $0x0  }
0x36c: {  	s3 =	rddreg [dreg:$0x2];
	[bflag:$0x3] =	sbarrier.arrive $0xFFFF;
	s2 =	simm.s32 @!p0 $0x1C03  }
0x36d: {  	[timem:s3], [sflag:s2] =	dma.local @!p0 [hbm:s0], s1  }
0x36e: {  	s0 =	simm.s32 @!p0 $0x3  }
0x36f: {  	_ =	swait.ge @!p0 [sflag:s0], s1  }
0x370: {  	s1 =	ssub.s32 @!p0 $0x0, s1;
	[sflag:s0] =	ssyncset.done @!p0 $0x0  }
0x371: {  	[sflag:s0] =	ssyncadd.s32 @!p0 s1  }
0x372: {  	[bflag:$0x3] =	sbarrier.arrive $0xFFFF  }
0x373: {  	_ =	shalt  }

</sc_bundles>
